<compile_context>
chip_gen: v7x
topology: tpu7x:2x2x1
jax: 0.10.2.dev20260603
libtpu: 0.0.44.dev20260713+nightly
codegen_flags: <defaults>
</compile_context>

<pallas_src>
import functools

import jax
import jax.numpy as jnp
from jax import lax
from jax.experimental import pallas as pl
from jax.experimental.pallas import tpu as pltpu
from jax.experimental.pallas import tpu_sc as plsc

_VOCAB = 100000
_VPAD = 102400
_D = 64
_BATCH = 4096
_SEQ = 200

_NC = 2
_NS = 16
_NW = _NC * _NS

_GRID = 4
_VLANES = _VPAD // _GRID
_GPB = (_BATCH // 128) // _GRID



def _tc_body(xt_ref, w_ref, b_ref, idst_ref, proj_ref, ids_ref):
    wb = w_ref[...]
    scale = jnp.float32(1.0 / _SEQ)
    bias = b_ref[0, 0] * scale
    for t in range(_VLANES // 1024):
        rows = []
        for gg in range(8):
            g = t * 8 + gg
            blk = xt_ref[:, g * 128:(g + 1) * 128]
            rows.append(jnp.sum(blk * wb, axis=0, keepdims=True) * scale)
        proj_ref[pl.ds(t * 8, 8), :] = jnp.concatenate(rows, axis=0) + bias
    for gg in range(_GPB):
        ids_ref[gg, :, :] = idst_ref[:, gg * 128:(gg + 1) * 128]


def _tc_stage(embed_table, head_w, head_b, input_ids):
    return pl.pallas_call(
        _tc_body,
        grid=(_GRID,),
        in_specs=[
            pl.BlockSpec((_D, _VLANES), lambda i: (0, i)),
            pl.BlockSpec((_D, 1), lambda i: (0, 0)),
            pl.BlockSpec((1, 1), lambda i: (0, 0)),
            pl.BlockSpec((_SEQ, _GPB * 128), lambda i: (0, i)),
        ],
        out_specs=[
            pl.BlockSpec((_VLANES // 128, 128), lambda i: (i, 0)),
            pl.BlockSpec((_GPB, _SEQ, 128), lambda i: (i, 0, 0)),
        ],
        out_shape=[
            jax.ShapeDtypeStruct((_VPAD // 128, 128), jnp.float32),
            jax.ShapeDtypeStruct((_NW, _SEQ, 128), jnp.int32),
        ],
    )(embed_table.T, head_w, head_b.reshape(1, 1),
      input_ids.astype(jnp.int32).T)



_ROWS_PER_W = _BATCH // _NW
_UNROLL = 8


def _sc_body(proj_hbm, ids_hbm, out_hbm, proj_v, ids_v, out_v):
    wid = lax.axis_index("s") * _NC + lax.axis_index("c")
    pltpu.sync_copy(proj_hbm, proj_v)
    pltpu.sync_copy(ids_hbm.at[wid], ids_v)
    lane = lax.iota(jnp.int32, 16)
    for j in range(_ROWS_PER_W // 16):
        row = lane + (j * 16)

        def body(s0, acc, row=row):
            for u in range(_UNROLL):
                s = jnp.zeros((16,), jnp.int32) + (s0 * _UNROLL + u)
                idx = plsc.load_gather(ids_v, [s, row])
                acc = acc + plsc.load_gather(proj_v, [idx >> 7, idx & 127])
            return acc

        acc = lax.fori_loop(0, _SEQ // _UNROLL, body,
                            jnp.zeros((16,), jnp.float32))
        out_v[pl.ds(j * 16, 16)] = acc
    pltpu.sync_copy(out_v, out_hbm.at[pl.ds(wid * _ROWS_PER_W, _ROWS_PER_W)])


def _gather_sum(proj2d, ids_packed):
    mesh = plsc.VectorSubcoreMesh(core_axis_name="c", subcore_axis_name="s")
    run = functools.partial(
        pl.kernel,
        mesh=mesh,
        compiler_params=pltpu.CompilerParams(needs_layout_passes=False),
        out_type=jax.ShapeDtypeStruct((_BATCH,), jnp.float32),
        scratch_types=[
            pltpu.VMEM((_VPAD // 128, 128), jnp.float32),
            pltpu.VMEM((_SEQ, 128), jnp.int32),
            pltpu.VMEM((_ROWS_PER_W,), jnp.float32),
        ],
    )(_sc_body)
    return run(proj2d, ids_packed)


def kernel(input_ids, embed_table, head_w, head_b):
    proj2d, ids_packed = _tc_stage(embed_table, head_w, head_b, input_ids)
    return _gather_sum(proj2d, ids_packed)

# --- scband reference (transcript-rebuilt; emitter-appended) ---
"""Pipeline reference for scband-tiny-reward-net-65687229825350 (READ-ONLY COPY).

The authoritative reference and input builder live on the scoring server;
editing this copy changes nothing except your own understanding.
"""

import jax, jax.numpy as jnp
import numpy as np

VOCAB = 100000
D_MODEL = 64
BATCH = 4096
SEQ = 200

def setup_inputs(seed: int = 0) -> dict:
    key = jax.random.key(seed)
    k_ids, k_emb, k_w, k_b = jax.random.split(key, 4)
    input_ids = jax.random.randint(k_ids, (BATCH, SEQ), 0, VOCAB, dtype=jnp.int64 if jax.config.jax_enable_x64 else jnp.int32)
    embed_table = jax.random.normal(k_emb, (VOCAB, D_MODEL), dtype=jnp.float32)
    head_w = jax.random.normal(k_w, (D_MODEL, 1), dtype=jnp.float32) * (1.0 / np.sqrt(D_MODEL))
    head_b = jax.random.normal(k_b, (1,), dtype=jnp.float32) * 0.01
    return {"input_ids": input_ids, "embed_table": embed_table, "head_w": head_w, "head_b": head_b}

def reference(input_ids, embed_table, head_w, head_b):
    # Embedding lookup: gather rows from the table
    x = jnp.take(embed_table, input_ids, axis=0)  # [B, S, D]
    # Mean-pool over sequence dim
    x = x.mean(axis=1)  # [B, D]
    # Linear head to scalar logit
    logits = x @ head_w + head_b  # [B, 1]
    return jnp.squeeze(logits, axis=-1)  # [B]

if __name__ == "__main__":
    import jax
    _d = setup_inputs()
    print(jax.jit(kernel)(*tuple(_d.values())))

</pallas_src>

<mosaic_0001>
#map = affine_map<(d0, d1) -> (0, 0)>
#map1 = affine_map<(d0, d1) -> (0, 0, 0)>
#map2 = affine_map<(d0, d1) -> (0)>
module attributes {stable_mosaic.version = 14 : i64} {
  func.func @_sc_body(%arg0: i32, %arg1: i32, %arg2: memref<800x128xf32, #tpu.memory_space<hbm>>, %arg3: memref<32x200x128xi32, #tpu.memory_space<hbm>>, %arg4: memref<4096xf32, #tpu.memory_space<hbm>>, %arg5: memref<800x128xf32, #tpu.memory_space<vmem>>, %arg6: memref<200x128xi32, #tpu.memory_space<vmem>>, %arg7: memref<128xf32, #tpu.memory_space<vmem>>) attributes {dimension_semantics = [#tpu.dimension_semantics<core_parallel>, #tpu.dimension_semantics<subcore_parallel>], iteration_bounds = array<i64: 2, 16>, scalar_prefetch = 0 : i64, scratch_operands = 3 : i64, tpu.core_type = #tpu.core_type<sc_vector_subcore>, window_params = [{transform_indices = #map}, {transform_indices = #map1}, {transform_indices = #map2}]} {
    %mul3A = arith.constant 2 : i32
    %mul3A_0 = arith.muli %arg1, %mul3A : i32
    %add3A = arith.addi %mul3A_0, %arg0 : i32
    "tpu.region"() ({
      %run_scoped3A = tpu.sem_alloc : memref<!tpu.dma_semaphore, #tpu.memory_space<semaphore_mem>>
      tpu.enqueue_dma source(%arg2 : memref<800x128xf32, #tpu.memory_space<hbm>>) target(%arg5 : memref<800x128xf32, #tpu.memory_space<vmem>>) target_semaphore(%run_scoped3A : memref<!tpu.dma_semaphore, #tpu.memory_space<semaphore_mem>>)
      tpu.wait_dma2 semaphore(%run_scoped3A : memref<!tpu.dma_semaphore, #tpu.memory_space<semaphore_mem>>) src(%arg2 : memref<800x128xf32, #tpu.memory_space<hbm>>) dst(%arg5 : memref<800x128xf32, #tpu.memory_space<vmem>>)
      tpu.yield
    }) : () -> ()
    "tpu.region"() ({
      %run_scoped3A = tpu.sem_alloc : memref<!tpu.dma_semaphore, #tpu.memory_space<semaphore_mem>>
      %dma_start3A = arith.constant 0 : i32
      %dma_start3A_104 = arith.constant 0 : i32
      %dma_start3A_105 = tpu.memref_slice %arg3[%add3A, %dma_start3A, %dma_start3A_104] : memref<32x200x128xi32, #tpu.memory_space<hbm>> -> memref<1x200x128xi32, #tpu.memory_space<hbm>>
      %dma_start3A_106 = tpu.memref_squeeze %dma_start3A_105 : memref<1x200x128xi32, #tpu.memory_space<hbm>> -> memref<200x128xi32, #tpu.memory_space<hbm>>
      %dma_start3A_107 = arith.constant 0 : i32
      %dma_start3A_108 = arith.constant 0 : i32
      %dma_start3A_109 = tpu.memref_slice %arg3[%add3A, %dma_start3A_107, %dma_start3A_108] : memref<32x200x128xi32, #tpu.memory_space<hbm>> -> memref<1x200x128xi32, #tpu.memory_space<hbm>>
      %dma_start3A_110 = tpu.memref_squeeze %dma_start3A_109 : memref<1x200x128xi32, #tpu.memory_space<hbm>> -> memref<200x128xi32, #tpu.memory_space<hbm>>
      tpu.enqueue_dma source(%dma_start3A_110 : memref<200x128xi32, #tpu.memory_space<hbm>>) target(%arg6 : memref<200x128xi32, #tpu.memory_space<vmem>>) target_semaphore(%run_scoped3A : memref<!tpu.dma_semaphore, #tpu.memory_space<semaphore_mem>>)
      %dma_wait3A = arith.constant 0 : i32
      %dma_wait3A_111 = arith.constant 0 : i32
      %dma_wait3A_112 = tpu.memref_slice %arg3[%add3A, %dma_wait3A, %dma_wait3A_111] : memref<32x200x128xi32, #tpu.memory_space<hbm>> -> memref<1x200x128xi32, #tpu.memory_space<hbm>>
      %dma_wait3A_113 = tpu.memref_squeeze %dma_wait3A_112 : memref<1x200x128xi32, #tpu.memory_space<hbm>> -> memref<200x128xi32, #tpu.memory_space<hbm>>
      %dma_wait3A_114 = arith.constant 0 : i32
      %dma_wait3A_115 = arith.constant 0 : i32
      %dma_wait3A_116 = tpu.memref_slice %arg3[%add3A, %dma_wait3A_114, %dma_wait3A_115] : memref<32x200x128xi32, #tpu.memory_space<hbm>> -> memref<1x200x128xi32, #tpu.memory_space<hbm>>
      %dma_wait3A_117 = tpu.memref_squeeze %dma_wait3A_116 : memref<1x200x128xi32, #tpu.memory_space<hbm>> -> memref<200x128xi32, #tpu.memory_space<hbm>>
      tpu.wait_dma2 semaphore(%run_scoped3A : memref<!tpu.dma_semaphore, #tpu.memory_space<semaphore_mem>>) src(%dma_wait3A_117 : memref<200x128xi32, #tpu.memory_space<hbm>>) dst(%arg6 : memref<200x128xi32, #tpu.memory_space<vmem>>)
      tpu.yield
    }) : () -> ()
    %iota3A = tpu.iota {dimensions = array<i32: 0>} : vector<16xi32>
    %add3A_1 = arith.constant 0 : i32
    %add3A_2 = vector.broadcast %add3A_1 : i32 to vector<16xi32>
    %add3A_3 = arith.addi %iota3A, %add3A_2 : vector<16xi32>
    %broadcast_in_dim3A = arith.constant 0.000000e+00 : f32
    %broadcast_in_dim3A_4 = vector.broadcast %broadcast_in_dim3A : f32 to vector<16xf32>
    %scan3A = arith.constant 0 : i32
    %scan3A_5 = arith.constant 25 : i32
    %scan3A_6 = arith.addi %scan3A, %scan3A_5 : i32
    %scan3A_7 = arith.constant 1 : i32
    %scan3A_8 = scf.for %scan3A_104 = %scan3A to %scan3A_6 step %scan3A_7 iter_args(%scan3A_105 = %broadcast_in_dim3A_4) -> (vector<16xf32>)  : i32 {
      %broadcast_in_dim3A_106 = arith.constant 0 : i32
      %broadcast_in_dim3A_107 = vector.broadcast %broadcast_in_dim3A_106 : i32 to vector<16xi32>
      %mul3A_108 = arith.constant 8 : i32
      %mul3A_109 = arith.muli %scan3A_104, %mul3A_108 : i32
      %add3A_110 = arith.constant 0 : i32
      %add3A_111 = arith.addi %mul3A_109, %add3A_110 : i32
      %add3A_112 = vector.broadcast %add3A_111 : i32 to vector<16xi32>
      %add3A_113 = arith.addi %broadcast_in_dim3A_107, %add3A_112 : vector<16xi32>
      %gather3A = tpu.vector_load_idx %arg6[%add3A_113, %add3A_3] : memref<200x128xi32, #tpu.memory_space<vmem>>[vector<16xi32>, vector<16xi32>], vector<16xi32>,
      %shift_right_arithmetic3A = arith.constant 7 : i32
      %shift_right_arithmetic3A_114 = vector.broadcast %shift_right_arithmetic3A : i32 to vector<16xi32>
      %shift_right_arithmetic3A_115 = arith.shrsi %gather3A, %shift_right_arithmetic3A_114 : vector<16xi32>
      %and3A = arith.constant 127 : i32
      %and3A_116 = vector.broadcast %and3A : i32 to vector<16xi32>
      %and3A_117 = arith.andi %gather3A, %and3A_116 : vector<16xi32>
      %gather3A_118 = tpu.vector_load_idx %arg5[%shift_right_arithmetic3A_115, %and3A_117] : memref<800x128xf32, #tpu.memory_space<vmem>>[vector<16xi32>, vector<16xi32>], vector<16xf32>,
      %add3A_119 = arith.addf %scan3A_105, %gather3A_118 : vector<16xf32>
      %broadcast_in_dim3A_120 = arith.constant 0 : i32
      %broadcast_in_dim3A_121 = vector.broadcast %broadcast_in_dim3A_120 : i32 to vector<16xi32>
      %mul3A_122 = arith.constant 8 : i32
      %mul3A_123 = arith.muli %scan3A_104, %mul3A_122 : i32
      %add3A_124 = arith.constant 1 : i32
      %add3A_125 = arith.addi %mul3A_123, %add3A_124 : i32
      %add3A_126 = vector.broadcast %add3A_125 : i32 to vector<16xi32>
      %add3A_127 = arith.addi %broadcast_in_dim3A_121, %add3A_126 : vector<16xi32>
      %gather3A_128 = tpu.vector_load_idx %arg6[%add3A_127, %add3A_3] : memref<200x128xi32, #tpu.memory_space<vmem>>[vector<16xi32>, vector<16xi32>], vector<16xi32>,
      %shift_right_arithmetic3A_129 = arith.constant 7 : i32
      %shift_right_arithmetic3A_130 = vector.broadcast %shift_right_arithmetic3A_129 : i32 to vector<16xi32>
      %shift_right_arithmetic3A_131 = arith.shrsi %gather3A_128, %shift_right_arithmetic3A_130 : vector<16xi32>
      %and3A_132 = arith.constant 127 : i32
      %and3A_133 = vector.broadcast %and3A_132 : i32 to vector<16xi32>
      %and3A_134 = arith.andi %gather3A_128, %and3A_133 : vector<16xi32>
      %gather3A_135 = tpu.vector_load_idx %arg5[%shift_right_arithmetic3A_131, %and3A_134] : memref<800x128xf32, #tpu.memory_space<vmem>>[vector<16xi32>, vector<16xi32>], vector<16xf32>,
      %add3A_136 = arith.addf %add3A_119, %gather3A_135 : vector<16xf32>
      %broadcast_in_dim3A_137 = arith.constant 0 : i32
      %broadcast_in_dim3A_138 = vector.broadcast %broadcast_in_dim3A_137 : i32 to vector<16xi32>
      %mul3A_139 = arith.constant 8 : i32
      %mul3A_140 = arith.muli %scan3A_104, %mul3A_139 : i32
      %add3A_141 = arith.constant 2 : i32
      %add3A_142 = arith.addi %mul3A_140, %add3A_141 : i32
      %add3A_143 = vector.broadcast %add3A_142 : i32 to vector<16xi32>
      %add3A_144 = arith.addi %broadcast_in_dim3A_138, %add3A_143 : vector<16xi32>
      %gather3A_145 = tpu.vector_load_idx %arg6[%add3A_144, %add3A_3] : memref<200x128xi32, #tpu.memory_space<vmem>>[vector<16xi32>, vector<16xi32>], vector<16xi32>,
      %shift_right_arithmetic3A_146 = arith.constant 7 : i32
      %shift_right_arithmetic3A_147 = vector.broadcast %shift_right_arithmetic3A_146 : i32 to vector<16xi32>
      %shift_right_arithmetic3A_148 = arith.shrsi %gather3A_145, %shift_right_arithmetic3A_147 : vector<16xi32>
      %and3A_149 = arith.constant 127 : i32
      %and3A_150 = vector.broadcast %and3A_149 : i32 to vector<16xi32>
      %and3A_151 = arith.andi %gather3A_145, %and3A_150 : vector<16xi32>
      %gather3A_152 = tpu.vector_load_idx %arg5[%shift_right_arithmetic3A_148, %and3A_151] : memref<800x128xf32, #tpu.memory_space<vmem>>[vector<16xi32>, vector<16xi32>], vector<16xf32>,
      %add3A_153 = arith.addf %add3A_136, %gather3A_152 : vector<16xf32>
      %broadcast_in_dim3A_154 = arith.constant 0 : i32
      %broadcast_in_dim3A_155 = vector.broadcast %broadcast_in_dim3A_154 : i32 to vector<16xi32>
      %mul3A_156 = arith.constant 8 : i32
      %mul3A_157 = arith.muli %scan3A_104, %mul3A_156 : i32
      %add3A_158 = arith.constant 3 : i32
      %add3A_159 = arith.addi %mul3A_157, %add3A_158 : i32
      %add3A_160 = vector.broadcast %add3A_159 : i32 to vector<16xi32>
      %add3A_161 = arith.addi %broadcast_in_dim3A_155, %add3A_160 : vector<16xi32>
      %gather3A_162 = tpu.vector_load_idx %arg6[%add3A_161, %add3A_3] : memref<200x128xi32, #tpu.memory_space<vmem>>[vector<16xi32>, vector<16xi32>], vector<16xi32>,
      %shift_right_arithmetic3A_163 = arith.constant 7 : i32
      %shift_right_arithmetic3A_164 = vector.broadcast %shift_right_arithmetic3A_163 : i32 to vector<16xi32>
      %shift_right_arithmetic3A_165 = arith.shrsi %gather3A_162, %shift_right_arithmetic3A_164 : vector<16xi32>
      %and3A_166 = arith.constant 127 : i32
      %and3A_167 = vector.broadcast %and3A_166 : i32 to vector<16xi32>
      %and3A_168 = arith.andi %gather3A_162, %and3A_167 : vector<16xi32>
      %gather3A_169 = tpu.vector_load_idx %arg5[%shift_right_arithmetic3A_165, %and3A_168] : memref<800x128xf32, #tpu.memory_space<vmem>>[vector<16xi32>, vector<16xi32>], vector<16xf32>,
      %add3A_170 = arith.addf %add3A_153, %gather3A_169 : vector<16xf32>
      %broadcast_in_dim3A_171 = arith.constant 0 : i32
      %broadcast_in_dim3A_172 = vector.broadcast %broadcast_in_dim3A_171 : i32 to vector<16xi32>
      %mul3A_173 = arith.constant 8 : i32
      %mul3A_174 = arith.muli %scan3A_104, %mul3A_173 : i32
      %add3A_175 = arith.constant 4 : i32
      %add3A_176 = arith.addi %mul3A_174, %add3A_175 : i32
      %add3A_177 = vector.broadcast %add3A_176 : i32 to vector<16xi32>
      %add3A_178 = arith.addi %broadcast_in_dim3A_172, %add3A_177 : vector<16xi32>
      %gather3A_179 = tpu.vector_load_idx %arg6[%add3A_178, %add3A_3] : memref<200x128xi32, #tpu.memory_space<vmem>>[vector<16xi32>, vector<16xi32>], vector<16xi32>,
      %shift_right_arithmetic3A_180 = arith.constant 7 : i32
      %shift_right_arithmetic3A_181 = vector.broadcast %shift_right_arithmetic3A_180 : i32 to vector<16xi32>
      %shift_right_arithmetic3A_182 = arith.shrsi %gather3A_179, %shift_right_arithmetic3A_181 : vector<16xi32>
      %and3A_183 = arith.constant 127 : i32
      %and3A_184 = vector.broadcast %and3A_183 : i32 to vector<16xi32>
      %and3A_185 = arith.andi %gather3A_179, %and3A_184 : vector<16xi32>
      %gather3A_186 = tpu.vector_load_idx %arg5[%shift_right_arithmetic3A_182, %and3A_185] : memref<800x128xf32, #tpu.memory_space<vmem>>[vector<16xi32>, vector<16xi32>], vector<16xf32>,
      %add3A_187 = arith.addf %add3A_170, %gather3A_186 : vector<16xf32>
      %broadcast_in_dim3A_188 = arith.constant 0 : i32
      %broadcast_in_dim3A_189 = vector.broadcast %broadcast_in_dim3A_188 : i32 to vector<16xi32>
      %mul3A_190 = arith.constant 8 : i32
      %mul3A_191 = arith.muli %scan3A_104, %mul3A_190 : i32
      %add3A_192 = arith.constant 5 : i32
      %add3A_193 = arith.addi %mul3A_191, %add3A_192 : i32
      %add3A_194 = vector.broadcast %add3A_193 : i32 to vector<16xi32>
      %add3A_195 = arith.addi %broadcast_in_dim3A_189, %add3A_194 : vector<16xi32>
      %gather3A_196 = tpu.vector_load_idx %arg6[%add3A_195, %add3A_3] : memref<200x128xi32, #tpu.memory_space<vmem>>[vector<16xi32>, vector<16xi32>], vector<16xi32>,
      %shift_right_arithmetic3A_197 = arith.constant 7 : i32
      %shift_right_arithmetic3A_198 = vector.broadcast %shift_right_arithmetic3A_197 : i32 to vector<16xi32>
      %shift_right_arithmetic3A_199 = arith.shrsi %gather3A_196, %shift_right_arithmetic3A_198 : vector<16xi32>
      %and3A_200 = arith.constant 127 : i32
      %and3A_201 = vector.broadcast %and3A_200 : i32 to vector<16xi32>
      %and3A_202 = arith.andi %gather3A_196, %and3A_201 : vector<16xi32>
      %gather3A_203 = tpu.vector_load_idx %arg5[%shift_right_arithmetic3A_199, %and3A_202] : memref<800x128xf32, #tpu.memory_space<vmem>>[vector<16xi32>, vector<16xi32>], vector<16xf32>,
      %add3A_204 = arith.addf %add3A_187, %gather3A_203 : vector<16xf32>
      %broadcast_in_dim3A_205 = arith.constant 0 : i32
      %broadcast_in_dim3A_206 = vector.broadcast %broadcast_in_dim3A_205 : i32 to vector<16xi32>
      %mul3A_207 = arith.constant 8 : i32
      %mul3A_208 = arith.muli %scan3A_104, %mul3A_207 : i32
      %add3A_209 = arith.constant 6 : i32
      %add3A_210 = arith.addi %mul3A_208, %add3A_209 : i32
      %add3A_211 = vector.broadcast %add3A_210 : i32 to vector<16xi32>
      %add3A_212 = arith.addi %broadcast_in_dim3A_206, %add3A_211 : vector<16xi32>
      %gather3A_213 = tpu.vector_load_idx %arg6[%add3A_212, %add3A_3] : memref<200x128xi32, #tpu.memory_space<vmem>>[vector<16xi32>, vector<16xi32>], vector<16xi32>,
      %shift_right_arithmetic3A_214 = arith.constant 7 : i32
      %shift_right_arithmetic3A_215 = vector.broadcast %shift_right_arithmetic3A_214 : i32 to vector<16xi32>
      %shift_right_arithmetic3A_216 = arith.shrsi %gather3A_213, %shift_right_arithmetic3A_215 : vector<16xi32>
      %and3A_217 = arith.constant 127 : i32
      %and3A_218 = vector.broadcast %and3A_217 : i32 to vector<16xi32>
      %and3A_219 = arith.andi %gather3A_213, %and3A_218 : vector<16xi32>
      %gather3A_220 = tpu.vector_load_idx %arg5[%shift_right_arithmetic3A_216, %and3A_219] : memref<800x128xf32, #tpu.memory_space<vmem>>[vector<16xi32>, vector<16xi32>], vector<16xf32>,
      %add3A_221 = arith.addf %add3A_204, %gather3A_220 : vector<16xf32>
      %broadcast_in_dim3A_222 = arith.constant 0 : i32
      %broadcast_in_dim3A_223 = vector.broadcast %broadcast_in_dim3A_222 : i32 to vector<16xi32>
      %mul3A_224 = arith.constant 8 : i32
      %mul3A_225 = arith.muli %scan3A_104, %mul3A_224 : i32
      %add3A_226 = arith.constant 7 : i32
      %add3A_227 = arith.addi %mul3A_225, %add3A_226 : i32
      %add3A_228 = vector.broadcast %add3A_227 : i32 to vector<16xi32>
      %add3A_229 = arith.addi %broadcast_in_dim3A_223, %add3A_228 : vector<16xi32>
      %gather3A_230 = tpu.vector_load_idx %arg6[%add3A_229, %add3A_3] : memref<200x128xi32, #tpu.memory_space<vmem>>[vector<16xi32>, vector<16xi32>], vector<16xi32>,
      %shift_right_arithmetic3A_231 = arith.constant 7 : i32
      %shift_right_arithmetic3A_232 = vector.broadcast %shift_right_arithmetic3A_231 : i32 to vector<16xi32>
      %shift_right_arithmetic3A_233 = arith.shrsi %gather3A_230, %shift_right_arithmetic3A_232 : vector<16xi32>
      %and3A_234 = arith.constant 127 : i32
      %and3A_235 = vector.broadcast %and3A_234 : i32 to vector<16xi32>
      %and3A_236 = arith.andi %gather3A_230, %and3A_235 : vector<16xi32>
      %gather3A_237 = tpu.vector_load_idx %arg5[%shift_right_arithmetic3A_233, %and3A_236] : memref<800x128xf32, #tpu.memory_space<vmem>>[vector<16xi32>, vector<16xi32>], vector<16xf32>,
      %add3A_238 = arith.addf %add3A_221, %gather3A_237 : vector<16xf32>
      scf.yield %add3A_238 : vector<16xf32>
    }
    %scan3A_9 = arith.constant 25 : i32
    %swap3A = arith.constant 0 : index
    %swap3A_10 = tpu.vector_load %arg7[%swap3A] {strides = array<i32>} : memref<128xf32, #tpu.memory_space<vmem>>, vector<16xf32>,
    tpu.vector_store %arg7[%swap3A], %scan3A_8 {strides = array<i32>} : memref<128xf32, #tpu.memory_space<vmem>>, vector<16xf32>,
    %add3A_11 = arith.constant 16 : i32
    %add3A_12 = vector.broadcast %add3A_11 : i32 to vector<16xi32>
    %add3A_13 = arith.addi %iota3A, %add3A_12 : vector<16xi32>
    %broadcast_in_dim3A_14 = arith.constant 0.000000e+00 : f32
    %broadcast_in_dim3A_15 = vector.broadcast %broadcast_in_dim3A_14 : f32 to vector<16xf32>
    %scan3A_16 = arith.constant 0 : i32
    %scan3A_17 = arith.constant 25 : i32
    %scan3A_18 = arith.addi %scan3A_16, %scan3A_17 : i32
    %scan3A_19 = arith.constant 1 : i32
    %scan3A_20 = scf.for %scan3A_104 = %scan3A_16 to %scan3A_18 step %scan3A_19 iter_args(%scan3A_105 = %broadcast_in_dim3A_15) -> (vector<16xf32>)  : i32 {
      %broadcast_in_dim3A_106 = arith.constant 0 : i32
      %broadcast_in_dim3A_107 = vector.broadcast %broadcast_in_dim3A_106 : i32 to vector<16xi32>
      %mul3A_108 = arith.constant 8 : i32
      %mul3A_109 = arith.muli %scan3A_104, %mul3A_108 : i32
      %add3A_110 = arith.constant 0 : i32
      %add3A_111 = arith.addi %mul3A_109, %add3A_110 : i32
      %add3A_112 = vector.broadcast %add3A_111 : i32 to vector<16xi32>
      %add3A_113 = arith.addi %broadcast_in_dim3A_107, %add3A_112 : vector<16xi32>
      %gather3A = tpu.vector_load_idx %arg6[%add3A_113, %add3A_13] : memref<200x128xi32, #tpu.memory_space<vmem>>[vector<16xi32>, vector<16xi32>], vector<16xi32>,
      %shift_right_arithmetic3A = arith.constant 7 : i32
      %shift_right_arithmetic3A_114 = vector.broadcast %shift_right_arithmetic3A : i32 to vector<16xi32>
      %shift_right_arithmetic3A_115 = arith.shrsi %gather3A, %shift_right_arithmetic3A_114 : vector<16xi32>
      %and3A = arith.constant 127 : i32
      %and3A_116 = vector.broadcast %and3A : i32 to vector<16xi32>
      %and3A_117 = arith.andi %gather3A, %and3A_116 : vector<16xi32>
      %gather3A_118 = tpu.vector_load_idx %arg5[%shift_right_arithmetic3A_115, %and3A_117] : memref<800x128xf32, #tpu.memory_space<vmem>>[vector<16xi32>, vector<16xi32>], vector<16xf32>,
      %add3A_119 = arith.addf %scan3A_105, %gather3A_118 : vector<16xf32>
      %broadcast_in_dim3A_120 = arith.constant 0 : i32
      %broadcast_in_dim3A_121 = vector.broadcast %broadcast_in_dim3A_120 : i32 to vector<16xi32>
      %mul3A_122 = arith.constant 8 : i32
      %mul3A_123 = arith.muli %scan3A_104, %mul3A_122 : i32
      %add3A_124 = arith.constant 1 : i32
      %add3A_125 = arith.addi %mul3A_123, %add3A_124 : i32
      %add3A_126 = vector.broadcast %add3A_125 : i32 to vector<16xi32>
      %add3A_127 = arith.addi %broadcast_in_dim3A_121, %add3A_126 : vector<16xi32>
      %gather3A_128 = tpu.vector_load_idx %arg6[%add3A_127, %add3A_13] : memref<200x128xi32, #tpu.memory_space<vmem>>[vector<16xi32>, vector<16xi32>], vector<16xi32>,
      %shift_right_arithmetic3A_129 = arith.constant 7 : i32
      %shift_right_arithmetic3A_130 = vector.broadcast %shift_right_arithmetic3A_129 : i32 to vector<16xi32>
      %shift_right_arithmetic3A_131 = arith.shrsi %gather3A_128, %shift_right_arithmetic3A_130 : vector<16xi32>
      %and3A_132 = arith.constant 127 : i32
      %and3A_133 = vector.broadcast %and3A_132 : i32 to vector<16xi32>
      %and3A_134 = arith.andi %gather3A_128, %and3A_133 : vector<16xi32>
      %gather3A_135 = tpu.vector_load_idx %arg5[%shift_right_arithmetic3A_131, %and3A_134] : memref<800x128xf32, #tpu.memory_space<vmem>>[vector<16xi32>, vector<16xi32>], vector<16xf32>,
      %add3A_136 = arith.addf %add3A_119, %gather3A_135 : vector<16xf32>
      %broadcast_in_dim3A_137 = arith.constant 0 : i32
      %broadcast_in_dim3A_138 = vector.broadcast %broadcast_in_dim3A_137 : i32 to vector<16xi32>
      %mul3A_139 = arith.constant 8 : i32
      %mul3A_140 = arith.muli %scan3A_104, %mul3A_139 : i32
      %add3A_141 = arith.constant 2 : i32
      %add3A_142 = arith.addi %mul3A_140, %add3A_141 : i32
      %add3A_143 = vector.broadcast %add3A_142 : i32 to vector<16xi32>
      %add3A_144 = arith.addi %broadcast_in_dim3A_138, %add3A_143 : vector<16xi32>
      %gather3A_145 = tpu.vector_load_idx %arg6[%add3A_144, %add3A_13] : memref<200x128xi32, #tpu.memory_space<vmem>>[vector<16xi32>, vector<16xi32>], vector<16xi32>,
      %shift_right_arithmetic3A_146 = arith.constant 7 : i32
      %shift_right_arithmetic3A_147 = vector.broadcast %shift_right_arithmetic3A_146 : i32 to vector<16xi32>
      %shift_right_arithmetic3A_148 = arith.shrsi %gather3A_145, %shift_right_arithmetic3A_147 : vector<16xi32>
      %and3A_149 = arith.constant 127 : i32
      %and3A_150 = vector.broadcast %and3A_149 : i32 to vector<16xi32>
      %and3A_151 = arith.andi %gather3A_145, %and3A_150 : vector<16xi32>
      %gather3A_152 = tpu.vector_load_idx %arg5[%shift_right_arithmetic3A_148, %and3A_151] : memref<800x128xf32, #tpu.memory_space<vmem>>[vector<16xi32>, vector<16xi32>], vector<16xf32>,
      %add3A_153 = arith.addf %add3A_136, %gather3A_152 : vector<16xf32>
      %broadcast_in_dim3A_154 = arith.constant 0 : i32
      %broadcast_in_dim3A_155 = vector.broadcast %broadcast_in_dim3A_154 : i32 to vector<16xi32>
      %mul3A_156 = arith.constant 8 : i32
      %mul3A_157 = arith.muli %scan3A_104, %mul3A_156 : i32
      %add3A_158 = arith.constant 3 : i32
      %add3A_159 = arith.addi %mul3A_157, %add3A_158 : i32
      %add3A_160 = vector.broadcast %add3A_159 : i32 to vector<16xi32>
      %add3A_161 = arith.addi %broadcast_in_dim3A_155, %add3A_160 : vector<16xi32>
      %gather3A_162 = tpu.vector_load_idx %arg6[%add3A_161, %add3A_13] : memref<200x128xi32, #tpu.memory_space<vmem>>[vector<16xi32>, vector<16xi32>], vector<16xi32>,
      %shift_right_arithmetic3A_163 = arith.constant 7 : i32
      %shift_right_arithmetic3A_164 = vector.broadcast %shift_right_arithmetic3A_163 : i32 to vector<16xi32>
      %shift_right_arithmetic3A_165 = arith.shrsi %gather3A_162, %shift_right_arithmetic3A_164 : vector<16xi32>
      %and3A_166 = arith.constant 127 : i32
      %and3A_167 = vector.broadcast %and3A_166 : i32 to vector<16xi32>
      %and3A_168 = arith.andi %gather3A_162, %and3A_167 : vector<16xi32>
      %gather3A_169 = tpu.vector_load_idx %arg5[%shift_right_arithmetic3A_165, %and3A_168] : memref<800x128xf32, #tpu.memory_space<vmem>>[vector<16xi32>, vector<16xi32>], vector<16xf32>,
      %add3A_170 = arith.addf %add3A_153, %gather3A_169 : vector<16xf32>
      %broadcast_in_dim3A_171 = arith.constant 0 : i32
      %broadcast_in_dim3A_172 = vector.broadcast %broadcast_in_dim3A_171 : i32 to vector<16xi32>
      %mul3A_173 = arith.constant 8 : i32
      %mul3A_174 = arith.muli %scan3A_104, %mul3A_173 : i32
      %add3A_175 = arith.constant 4 : i32
      %add3A_176 = arith.addi %mul3A_174, %add3A_175 : i32
      %add3A_177 = vector.broadcast %add3A_176 : i32 to vector<16xi32>
      %add3A_178 = arith.addi %broadcast_in_dim3A_172, %add3A_177 : vector<16xi32>
      %gather3A_179 = tpu.vector_load_idx %arg6[%add3A_178, %add3A_13] : memref<200x128xi32, #tpu.memory_space<vmem>>[vector<16xi32>, vector<16xi32>], vector<16xi32>,
      %shift_right_arithmetic3A_180 = arith.constant 7 : i32
      %shift_right_arithmetic3A_181 = vector.broadcast %shift_right_arithmetic3A_180 : i32 to vector<16xi32>
      %shift_right_arithmetic3A_182 = arith.shrsi %gather3A_179, %shift_right_arithmetic3A_181 : vector<16xi32>
      %and3A_183 = arith.constant 127 : i32
      %and3A_184 = vector.broadcast %and3A_183 : i32 to vector<16xi32>
      %and3A_185 = arith.andi %gather3A_179, %and3A_184 : vector<16xi32>
      %gather3A_186 = tpu.vector_load_idx %arg5[%shift_right_arithmetic3A_182, %and3A_185] : memref<800x128xf32, #tpu.memory_space<vmem>>[vector<16xi32>, vector<16xi32>], vector<16xf32>,
      %add3A_187 = arith.addf %add3A_170, %gather3A_186 : vector<16xf32>
      %broadcast_in_dim3A_188 = arith.constant 0 : i32
      %broadcast_in_dim3A_189 = vector.broadcast %broadcast_in_dim3A_188 : i32 to vector<16xi32>
      %mul3A_190 = arith.constant 8 : i32
      %mul3A_191 = arith.muli %scan3A_104, %mul3A_190 : i32
      %add3A_192 = arith.constant 5 : i32
      %add3A_193 = arith.addi %mul3A_191, %add3A_192 : i32
      %add3A_194 = vector.broadcast %add3A_193 : i32 to vector<16xi32>
      %add3A_195 = arith.addi %broadcast_in_dim3A_189, %add3A_194 : vector<16xi32>
      %gather3A_196 = tpu.vector_load_idx %arg6[%add3A_195, %add3A_13] : memref<200x128xi32, #tpu.memory_space<vmem>>[vector<16xi32>, vector<16xi32>], vector<16xi32>,
      %shift_right_arithmetic3A_197 = arith.constant 7 : i32
      %shift_right_arithmetic3A_198 = vector.broadcast %shift_right_arithmetic3A_197 : i32 to vector<16xi32>
      %shift_right_arithmetic3A_199 = arith.shrsi %gather3A_196, %shift_right_arithmetic3A_198 : vector<16xi32>
      %and3A_200 = arith.constant 127 : i32
      %and3A_201 = vector.broadcast %and3A_200 : i32 to vector<16xi32>
      %and3A_202 = arith.andi %gather3A_196, %and3A_201 : vector<16xi32>
      %gather3A_203 = tpu.vector_load_idx %arg5[%shift_right_arithmetic3A_199, %and3A_202] : memref<800x128xf32, #tpu.memory_space<vmem>>[vector<16xi32>, vector<16xi32>], vector<16xf32>,
      %add3A_204 = arith.addf %add3A_187, %gather3A_203 : vector<16xf32>
      %broadcast_in_dim3A_205 = arith.constant 0 : i32
      %broadcast_in_dim3A_206 = vector.broadcast %broadcast_in_dim3A_205 : i32 to vector<16xi32>
      %mul3A_207 = arith.constant 8 : i32
      %mul3A_208 = arith.muli %scan3A_104, %mul3A_207 : i32
      %add3A_209 = arith.constant 6 : i32
      %add3A_210 = arith.addi %mul3A_208, %add3A_209 : i32
      %add3A_211 = vector.broadcast %add3A_210 : i32 to vector<16xi32>
      %add3A_212 = arith.addi %broadcast_in_dim3A_206, %add3A_211 : vector<16xi32>
      %gather3A_213 = tpu.vector_load_idx %arg6[%add3A_212, %add3A_13] : memref<200x128xi32, #tpu.memory_space<vmem>>[vector<16xi32>, vector<16xi32>], vector<16xi32>,
      %shift_right_arithmetic3A_214 = arith.constant 7 : i32
      %shift_right_arithmetic3A_215 = vector.broadcast %shift_right_arithmetic3A_214 : i32 to vector<16xi32>
      %shift_right_arithmetic3A_216 = arith.shrsi %gather3A_213, %shift_right_arithmetic3A_215 : vector<16xi32>
      %and3A_217 = arith.constant 127 : i32
      %and3A_218 = vector.broadcast %and3A_217 : i32 to vector<16xi32>
      %and3A_219 = arith.andi %gather3A_213, %and3A_218 : vector<16xi32>
      %gather3A_220 = tpu.vector_load_idx %arg5[%shift_right_arithmetic3A_216, %and3A_219] : memref<800x128xf32, #tpu.memory_space<vmem>>[vector<16xi32>, vector<16xi32>], vector<16xf32>,
      %add3A_221 = arith.addf %add3A_204, %gather3A_220 : vector<16xf32>
      %broadcast_in_dim3A_222 = arith.constant 0 : i32
      %broadcast_in_dim3A_223 = vector.broadcast %broadcast_in_dim3A_222 : i32 to vector<16xi32>
      %mul3A_224 = arith.constant 8 : i32
      %mul3A_225 = arith.muli %scan3A_104, %mul3A_224 : i32
      %add3A_226 = arith.constant 7 : i32
      %add3A_227 = arith.addi %mul3A_225, %add3A_226 : i32
      %add3A_228 = vector.broadcast %add3A_227 : i32 to vector<16xi32>
      %add3A_229 = arith.addi %broadcast_in_dim3A_223, %add3A_228 : vector<16xi32>
      %gather3A_230 = tpu.vector_load_idx %arg6[%add3A_229, %add3A_13] : memref<200x128xi32, #tpu.memory_space<vmem>>[vector<16xi32>, vector<16xi32>], vector<16xi32>,
      %shift_right_arithmetic3A_231 = arith.constant 7 : i32
      %shift_right_arithmetic3A_232 = vector.broadcast %shift_right_arithmetic3A_231 : i32 to vector<16xi32>
      %shift_right_arithmetic3A_233 = arith.shrsi %gather3A_230, %shift_right_arithmetic3A_232 : vector<16xi32>
      %and3A_234 = arith.constant 127 : i32
      %and3A_235 = vector.broadcast %and3A_234 : i32 to vector<16xi32>
      %and3A_236 = arith.andi %gather3A_230, %and3A_235 : vector<16xi32>
      %gather3A_237 = tpu.vector_load_idx %arg5[%shift_right_arithmetic3A_233, %and3A_236] : memref<800x128xf32, #tpu.memory_space<vmem>>[vector<16xi32>, vector<16xi32>], vector<16xf32>,
      %add3A_238 = arith.addf %add3A_221, %gather3A_237 : vector<16xf32>
      scf.yield %add3A_238 : vector<16xf32>
    }
    %scan3A_21 = arith.constant 25 : i32
    %swap3A_22 = arith.constant 16 : index
    %swap3A_23 = tpu.vector_load %arg7[%swap3A_22] {strides = array<i32>} : memref<128xf32, #tpu.memory_space<vmem>>, vector<16xf32>,
    tpu.vector_store %arg7[%swap3A_22], %scan3A_20 {strides = array<i32>} : memref<128xf32, #tpu.memory_space<vmem>>, vector<16xf32>,
    %add3A_24 = arith.constant 32 : i32
    %add3A_25 = vector.broadcast %add3A_24 : i32 to vector<16xi32>
    %add3A_26 = arith.addi %iota3A, %add3A_25 : vector<16xi32>
    %broadcast_in_dim3A_27 = arith.constant 0.000000e+00 : f32
    %broadcast_in_dim3A_28 = vector.broadcast %broadcast_in_dim3A_27 : f32 to vector<16xf32>
    %scan3A_29 = arith.constant 0 : i32
    %scan3A_30 = arith.constant 25 : i32
    %scan3A_31 = arith.addi %scan3A_29, %scan3A_30 : i32
    %scan3A_32 = arith.constant 1 : i32
    %scan3A_33 = scf.for %scan3A_104 = %scan3A_29 to %scan3A_31 step %scan3A_32 iter_args(%scan3A_105 = %broadcast_in_dim3A_28) -> (vector<16xf32>)  : i32 {
      %broadcast_in_dim3A_106 = arith.constant 0 : i32
      %broadcast_in_dim3A_107 = vector.broadcast %broadcast_in_dim3A_106 : i32 to vector<16xi32>
      %mul3A_108 = arith.constant 8 : i32
      %mul3A_109 = arith.muli %scan3A_104, %mul3A_108 : i32
      %add3A_110 = arith.constant 0 : i32
      %add3A_111 = arith.addi %mul3A_109, %add3A_110 : i32
      %add3A_112 = vector.broadcast %add3A_111 : i32 to vector<16xi32>
      %add3A_113 = arith.addi %broadcast_in_dim3A_107, %add3A_112 : vector<16xi32>
      %gather3A = tpu.vector_load_idx %arg6[%add3A_113, %add3A_26] : memref<200x128xi32, #tpu.memory_space<vmem>>[vector<16xi32>, vector<16xi32>], vector<16xi32>,
      %shift_right_arithmetic3A = arith.constant 7 : i32
      %shift_right_arithmetic3A_114 = vector.broadcast %shift_right_arithmetic3A : i32 to vector<16xi32>
      %shift_right_arithmetic3A_115 = arith.shrsi %gather3A, %shift_right_arithmetic3A_114 : vector<16xi32>
      %and3A = arith.constant 127 : i32
      %and3A_116 = vector.broadcast %and3A : i32 to vector<16xi32>
      %and3A_117 = arith.andi %gather3A, %and3A_116 : vector<16xi32>
      %gather3A_118 = tpu.vector_load_idx %arg5[%shift_right_arithmetic3A_115, %and3A_117] : memref<800x128xf32, #tpu.memory_space<vmem>>[vector<16xi32>, vector<16xi32>], vector<16xf32>,
      %add3A_119 = arith.addf %scan3A_105, %gather3A_118 : vector<16xf32>
      %broadcast_in_dim3A_120 = arith.constant 0 : i32
      %broadcast_in_dim3A_121 = vector.broadcast %broadcast_in_dim3A_120 : i32 to vector<16xi32>
      %mul3A_122 = arith.constant 8 : i32
      %mul3A_123 = arith.muli %scan3A_104, %mul3A_122 : i32
      %add3A_124 = arith.constant 1 : i32
      %add3A_125 = arith.addi %mul3A_123, %add3A_124 : i32
      %add3A_126 = vector.broadcast %add3A_125 : i32 to vector<16xi32>
      %add3A_127 = arith.addi %broadcast_in_dim3A_121, %add3A_126 : vector<16xi32>
      %gather3A_128 = tpu.vector_load_idx %arg6[%add3A_127, %add3A_26] : memref<200x128xi32, #tpu.memory_space<vmem>>[vector<16xi32>, vector<16xi32>], vector<16xi32>,
      %shift_right_arithmetic3A_129 = arith.constant 7 : i32
      %shift_right_arithmetic3A_130 = vector.broadcast %shift_right_arithmetic3A_129 : i32 to vector<16xi32>
      %shift_right_arithmetic3A_131 = arith.shrsi %gather3A_128, %shift_right_arithmetic3A_130 : vector<16xi32>
      %and3A_132 = arith.constant 127 : i32
      %and3A_133 = vector.broadcast %and3A_132 : i32 to vector<16xi32>
      %and3A_134 = arith.andi %gather3A_128, %and3A_133 : vector<16xi32>
      %gather3A_135 = tpu.vector_load_idx %arg5[%shift_right_arithmetic3A_131, %and3A_134] : memref<800x128xf32, #tpu.memory_space<vmem>>[vector<16xi32>, vector<16xi32>], vector<16xf32>,
      %add3A_136 = arith.addf %add3A_119, %gather3A_135 : vector<16xf32>
      %broadcast_in_dim3A_137 = arith.constant 0 : i32
      %broadcast_in_dim3A_138 = vector.broadcast %broadcast_in_dim3A_137 : i32 to vector<16xi32>
      %mul3A_139 = arith.constant 8 : i32
      %mul3A_140 = arith.muli %scan3A_104, %mul3A_139 : i32
      %add3A_141 = arith.constant 2 : i32
      %add3A_142 = arith.addi %mul3A_140, %add3A_141 : i32
      %add3A_143 = vector.broadcast %add3A_142 : i32 to vector<16xi32>
      %add3A_144 = arith.addi %broadcast_in_dim3A_138, %add3A_143 : vector<16xi32>
      %gather3A_145 = tpu.vector_load_idx %arg6[%add3A_144, %add3A_26] : memref<200x128xi32, #tpu.memory_space<vmem>>[vector<16xi32>, vector<16xi32>], vector<16xi32>,
      %shift_right_arithmetic3A_146 = arith.constant 7 : i32
      %shift_right_arithmetic3A_147 = vector.broadcast %shift_right_arithmetic3A_146 : i32 to vector<16xi32>
      %shift_right_arithmetic3A_148 = arith.shrsi %gather3A_145, %shift_right_arithmetic3A_147 : vector<16xi32>
      %and3A_149 = arith.constant 127 : i32
      %and3A_150 = vector.broadcast %and3A_149 : i32 to vector<16xi32>
      %and3A_151 = arith.andi %gather3A_145, %and3A_150 : vector<16xi32>
      %gather3A_152 = tpu.vector_load_idx %arg5[%shift_right_arithmetic3A_148, %and3A_151] : memref<800x128xf32, #tpu.memory_space<vmem>>[vector<16xi32>, vector<16xi32>], vector<16xf32>,
      %add3A_153 = arith.addf %add3A_136, %gather3A_152 : vector<16xf32>
      %broadcast_in_dim3A_154 = arith.constant 0 : i32
      %broadcast_in_dim3A_155 = vector.broadcast %broadcast_in_dim3A_154 : i32 to vector<16xi32>
      %mul3A_156 = arith.constant 8 : i32
      %mul3A_157 = arith.muli %scan3A_104, %mul3A_156 : i32
      %add3A_158 = arith.constant 3 : i32
      %add3A_159 = arith.addi %mul3A_157, %add3A_158 : i32
      %add3A_160 = vector.broadcast %add3A_159 : i32 to vector<16xi32>
      %add3A_161 = arith.addi %broadcast_in_dim3A_155, %add3A_160 : vector<16xi32>
      %gather3A_162 = tpu.vector_load_idx %arg6[%add3A_161, %add3A_26] : memref<200x128xi32, #tpu.memory_space<vmem>>[vector<16xi32>, vector<16xi32>], vector<16xi32>,
      %shift_right_arithmetic3A_163 = arith.constant 7 : i32
      %shift_right_arithmetic3A_164 = vector.broadcast %shift_right_arithmetic3A_163 : i32 to vector<16xi32>
      %shift_right_arithmetic3A_165 = arith.shrsi %gather3A_162, %shift_right_arithmetic3A_164 : vector<16xi32>
      %and3A_166 = arith.constant 127 : i32
      %and3A_167 = vector.broadcast %and3A_166 : i32 to vector<16xi32>
      %and3A_168 = arith.andi %gather3A_162, %and3A_167 : vector<16xi32>
      %gather3A_169 = tpu.vector_load_idx %arg5[%shift_right_arithmetic3A_165, %and3A_168] : memref<800x128xf32, #tpu.memory_space<vmem>>[vector<16xi32>, vector<16xi32>], vector<16xf32>,
      %add3A_170 = arith.addf %add3A_153, %gather3A_169 : vector<16xf32>
      %broadcast_in_dim3A_171 = arith.constant 0 : i32
      %broadcast_in_dim3A_172 = vector.broadcast %broadcast_in_dim3A_171 : i32 to vector<16xi32>
      %mul3A_173 = arith.constant 8 : i32
      %mul3A_174 = arith.muli %scan3A_104, %mul3A_173 : i32
      %add3A_175 = arith.constant 4 : i32
      %add3A_176 = arith.addi %mul3A_174, %add3A_175 : i32
      %add3A_177 = vector.broadcast %add3A_176 : i32 to vector<16xi32>
      %add3A_178 = arith.addi %broadcast_in_dim3A_172, %add3A_177 : vector<16xi32>
      %gather3A_179 = tpu.vector_load_idx %arg6[%add3A_178, %add3A_26] : memref<200x128xi32, #tpu.memory_space<vmem>>[vector<16xi32>, vector<16xi32>], vector<16xi32>,
      %shift_right_arithmetic3A_180 = arith.constant 7 : i32
      %shift_right_arithmetic3A_181 = vector.broadcast %shift_right_arithmetic3A_180 : i32 to vector<16xi32>
      %shift_right_arithmetic3A_182 = arith.shrsi %gather3A_179, %shift_right_arithmetic3A_181 : vector<16xi32>
      %and3A_183 = arith.constant 127 : i32
      %and3A_184 = vector.broadcast %and3A_183 : i32 to vector<16xi32>
      %and3A_185 = arith.andi %gather3A_179, %and3A_184 : vector<16xi32>
      %gather3A_186 = tpu.vector_load_idx %arg5[%shift_right_arithmetic3A_182, %and3A_185] : memref<800x128xf32, #tpu.memory_space<vmem>>[vector<16xi32>, vector<16xi32>], vector<16xf32>,
      %add3A_187 = arith.addf %add3A_170, %gather3A_186 : vector<16xf32>
      %broadcast_in_dim3A_188 = arith.constant 0 : i32
      %broadcast_in_dim3A_189 = vector.broadcast %broadcast_in_dim3A_188 : i32 to vector<16xi32>
      %mul3A_190 = arith.constant 8 : i32
      %mul3A_191 = arith.muli %scan3A_104, %mul3A_190 : i32
      %add3A_192 = arith.constant 5 : i32
      %add3A_193 = arith.addi %mul3A_191, %add3A_192 : i32
      %add3A_194 = vector.broadcast %add3A_193 : i32 to vector<16xi32>
      %add3A_195 = arith.addi %broadcast_in_dim3A_189, %add3A_194 : vector<16xi32>
      %gather3A_196 = tpu.vector_load_idx %arg6[%add3A_195, %add3A_26] : memref<200x128xi32, #tpu.memory_space<vmem>>[vector<16xi32>, vector<16xi32>], vector<16xi32>,
      %shift_right_arithmetic3A_197 = arith.constant 7 : i32
      %shift_right_arithmetic3A_198 = vector.broadcast %shift_right_arithmetic3A_197 : i32 to vector<16xi32>
      %shift_right_arithmetic3A_199 = arith.shrsi %gather3A_196, %shift_right_arithmetic3A_198 : vector<16xi32>
      %and3A_200 = arith.constant 127 : i32
      %and3A_201 = vector.broadcast %and3A_200 : i32 to vector<16xi32>
      %and3A_202 = arith.andi %gather3A_196, %and3A_201 : vector<16xi32>
      %gather3A_203 = tpu.vector_load_idx %arg5[%shift_right_arithmetic3A_199, %and3A_202] : memref<800x128xf32, #tpu.memory_space<vmem>>[vector<16xi32>, vector<16xi32>], vector<16xf32>,
      %add3A_204 = arith.addf %add3A_187, %gather3A_203 : vector<16xf32>
      %broadcast_in_dim3A_205 = arith.constant 0 : i32
      %broadcast_in_dim3A_206 = vector.broadcast %broadcast_in_dim3A_205 : i32 to vector<16xi32>
      %mul3A_207 = arith.constant 8 : i32
      %mul3A_208 = arith.muli %scan3A_104, %mul3A_207 : i32
      %add3A_209 = arith.constant 6 : i32
      %add3A_210 = arith.addi %mul3A_208, %add3A_209 : i32
      %add3A_211 = vector.broadcast %add3A_210 : i32 to vector<16xi32>
      %add3A_212 = arith.addi %broadcast_in_dim3A_206, %add3A_211 : vector<16xi32>
      %gather3A_213 = tpu.vector_load_idx %arg6[%add3A_212, %add3A_26] : memref<200x128xi32, #tpu.memory_space<vmem>>[vector<16xi32>, vector<16xi32>], vector<16xi32>,
      %shift_right_arithmetic3A_214 = arith.constant 7 : i32
      %shift_right_arithmetic3A_215 = vector.broadcast %shift_right_arithmetic3A_214 : i32 to vector<16xi32>
      %shift_right_arithmetic3A_216 = arith.shrsi %gather3A_213, %shift_right_arithmetic3A_215 : vector<16xi32>
      %and3A_217 = arith.constant 127 : i32
      %and3A_218 = vector.broadcast %and3A_217 : i32 to vector<16xi32>
      %and3A_219 = arith.andi %gather3A_213, %and3A_218 : vector<16xi32>
      %gather3A_220 = tpu.vector_load_idx %arg5[%shift_right_arithmetic3A_216, %and3A_219] : memref<800x128xf32, #tpu.memory_space<vmem>>[vector<16xi32>, vector<16xi32>], vector<16xf32>,
      %add3A_221 = arith.addf %add3A_204, %gather3A_220 : vector<16xf32>
      %broadcast_in_dim3A_222 = arith.constant 0 : i32
      %broadcast_in_dim3A_223 = vector.broadcast %broadcast_in_dim3A_222 : i32 to vector<16xi32>
      %mul3A_224 = arith.constant 8 : i32
      %mul3A_225 = arith.muli %scan3A_104, %mul3A_224 : i32
      %add3A_226 = arith.constant 7 : i32
      %add3A_227 = arith.addi %mul3A_225, %add3A_226 : i32
      %add3A_228 = vector.broadcast %add3A_227 : i32 to vector<16xi32>
      %add3A_229 = arith.addi %broadcast_in_dim3A_223, %add3A_228 : vector<16xi32>
      %gather3A_230 = tpu.vector_load_idx %arg6[%add3A_229, %add3A_26] : memref<200x128xi32, #tpu.memory_space<vmem>>[vector<16xi32>, vector<16xi32>], vector<16xi32>,
      %shift_right_arithmetic3A_231 = arith.constant 7 : i32
      %shift_right_arithmetic3A_232 = vector.broadcast %shift_right_arithmetic3A_231 : i32 to vector<16xi32>
      %shift_right_arithmetic3A_233 = arith.shrsi %gather3A_230, %shift_right_arithmetic3A_232 : vector<16xi32>
      %and3A_234 = arith.constant 127 : i32
      %and3A_235 = vector.broadcast %and3A_234 : i32 to vector<16xi32>
      %and3A_236 = arith.andi %gather3A_230, %and3A_235 : vector<16xi32>
      %gather3A_237 = tpu.vector_load_idx %arg5[%shift_right_arithmetic3A_233, %and3A_236] : memref<800x128xf32, #tpu.memory_space<vmem>>[vector<16xi32>, vector<16xi32>], vector<16xf32>,
      %add3A_238 = arith.addf %add3A_221, %gather3A_237 : vector<16xf32>
      scf.yield %add3A_238 : vector<16xf32>
    }
    %scan3A_34 = arith.constant 25 : i32
    %swap3A_35 = arith.constant 32 : index
    %swap3A_36 = tpu.vector_load %arg7[%swap3A_35] {strides = array<i32>} : memref<128xf32, #tpu.memory_space<vmem>>, vector<16xf32>,
    tpu.vector_store %arg7[%swap3A_35], %scan3A_33 {strides = array<i32>} : memref<128xf32, #tpu.memory_space<vmem>>, vector<16xf32>,
    %add3A_37 = arith.constant 48 : i32
    %add3A_38 = vector.broadcast %add3A_37 : i32 to vector<16xi32>
    %add3A_39 = arith.addi %iota3A, %add3A_38 : vector<16xi32>
    %broadcast_in_dim3A_40 = arith.constant 0.000000e+00 : f32
    %broadcast_in_dim3A_41 = vector.broadcast %broadcast_in_dim3A_40 : f32 to vector<16xf32>
    %scan3A_42 = arith.constant 0 : i32
    %scan3A_43 = arith.constant 25 : i32
    %scan3A_44 = arith.addi %scan3A_42, %scan3A_43 : i32
    %scan3A_45 = arith.constant 1 : i32
    %scan3A_46 = scf.for %scan3A_104 = %scan3A_42 to %scan3A_44 step %scan3A_45 iter_args(%scan3A_105 = %broadcast_in_dim3A_41) -> (vector<16xf32>)  : i32 {
      %broadcast_in_dim3A_106 = arith.constant 0 : i32
      %broadcast_in_dim3A_107 = vector.broadcast %broadcast_in_dim3A_106 : i32 to vector<16xi32>
      %mul3A_108 = arith.constant 8 : i32
      %mul3A_109 = arith.muli %scan3A_104, %mul3A_108 : i32
      %add3A_110 = arith.constant 0 : i32
      %add3A_111 = arith.addi %mul3A_109, %add3A_110 : i32
      %add3A_112 = vector.broadcast %add3A_111 : i32 to vector<16xi32>
      %add3A_113 = arith.addi %broadcast_in_dim3A_107, %add3A_112 : vector<16xi32>
      %gather3A = tpu.vector_load_idx %arg6[%add3A_113, %add3A_39] : memref<200x128xi32, #tpu.memory_space<vmem>>[vector<16xi32>, vector<16xi32>], vector<16xi32>,
      %shift_right_arithmetic3A = arith.constant 7 : i32
      %shift_right_arithmetic3A_114 = vector.broadcast %shift_right_arithmetic3A : i32 to vector<16xi32>
      %shift_right_arithmetic3A_115 = arith.shrsi %gather3A, %shift_right_arithmetic3A_114 : vector<16xi32>
      %and3A = arith.constant 127 : i32
      %and3A_116 = vector.broadcast %and3A : i32 to vector<16xi32>
      %and3A_117 = arith.andi %gather3A, %and3A_116 : vector<16xi32>
      %gather3A_118 = tpu.vector_load_idx %arg5[%shift_right_arithmetic3A_115, %and3A_117] : memref<800x128xf32, #tpu.memory_space<vmem>>[vector<16xi32>, vector<16xi32>], vector<16xf32>,
      %add3A_119 = arith.addf %scan3A_105, %gather3A_118 : vector<16xf32>
      %broadcast_in_dim3A_120 = arith.constant 0 : i32
      %broadcast_in_dim3A_121 = vector.broadcast %broadcast_in_dim3A_120 : i32 to vector<16xi32>
      %mul3A_122 = arith.constant 8 : i32
      %mul3A_123 = arith.muli %scan3A_104, %mul3A_122 : i32
      %add3A_124 = arith.constant 1 : i32
      %add3A_125 = arith.addi %mul3A_123, %add3A_124 : i32
      %add3A_126 = vector.broadcast %add3A_125 : i32 to vector<16xi32>
      %add3A_127 = arith.addi %broadcast_in_dim3A_121, %add3A_126 : vector<16xi32>
      %gather3A_128 = tpu.vector_load_idx %arg6[%add3A_127, %add3A_39] : memref<200x128xi32, #tpu.memory_space<vmem>>[vector<16xi32>, vector<16xi32>], vector<16xi32>,
      %shift_right_arithmetic3A_129 = arith.constant 7 : i32
      %shift_right_arithmetic3A_130 = vector.broadcast %shift_right_arithmetic3A_129 : i32 to vector<16xi32>
      %shift_right_arithmetic3A_131 = arith.shrsi %gather3A_128, %shift_right_arithmetic3A_130 : vector<16xi32>
      %and3A_132 = arith.constant 127 : i32
      %and3A_133 = vector.broadcast %and3A_132 : i32 to vector<16xi32>
      %and3A_134 = arith.andi %gather3A_128, %and3A_133 : vector<16xi32>
      %gather3A_135 = tpu.vector_load_idx %arg5[%shift_right_arithmetic3A_131, %and3A_134] : memref<800x128xf32, #tpu.memory_space<vmem>>[vector<16xi32>, vector<16xi32>], vector<16xf32>,
      %add3A_136 = arith.addf %add3A_119, %gather3A_135 : vector<16xf32>
      %broadcast_in_dim3A_137 = arith.constant 0 : i32
      %broadcast_in_dim3A_138 = vector.broadcast %broadcast_in_dim3A_137 : i32 to vector<16xi32>
      %mul3A_139 = arith.constant 8 : i32
      %mul3A_140 = arith.muli %scan3A_104, %mul3A_139 : i32
      %add3A_141 = arith.constant 2 : i32
      %add3A_142 = arith.addi %mul3A_140, %add3A_141 : i32
      %add3A_143 = vector.broadcast %add3A_142 : i32 to vector<16xi32>
      %add3A_144 = arith.addi %broadcast_in_dim3A_138, %add3A_143 : vector<16xi32>
      %gather3A_145 = tpu.vector_load_idx %arg6[%add3A_144, %add3A_39] : memref<200x128xi32, #tpu.memory_space<vmem>>[vector<16xi32>, vector<16xi32>], vector<16xi32>,
      %shift_right_arithmetic3A_146 = arith.constant 7 : i32
      %shift_right_arithmetic3A_147 = vector.broadcast %shift_right_arithmetic3A_146 : i32 to vector<16xi32>
      %shift_right_arithmetic3A_148 = arith.shrsi %gather3A_145, %shift_right_arithmetic3A_147 : vector<16xi32>
      %and3A_149 = arith.constant 127 : i32
      %and3A_150 = vector.broadcast %and3A_149 : i32 to vector<16xi32>
      %and3A_151 = arith.andi %gather3A_145, %and3A_150 : vector<16xi32>
      %gather3A_152 = tpu.vector_load_idx %arg5[%shift_right_arithmetic3A_148, %and3A_151] : memref<800x128xf32, #tpu.memory_space<vmem>>[vector<16xi32>, vector<16xi32>], vector<16xf32>,
      %add3A_153 = arith.addf %add3A_136, %gather3A_152 : vector<16xf32>
      %broadcast_in_dim3A_154 = arith.constant 0 : i32
      %broadcast_in_dim3A_155 = vector.broadcast %broadcast_in_dim3A_154 : i32 to vector<16xi32>
      %mul3A_156 = arith.constant 8 : i32
      %mul3A_157 = arith.muli %scan3A_104, %mul3A_156 : i32
      %add3A_158 = arith.constant 3 : i32
      %add3A_159 = arith.addi %mul3A_157, %add3A_158 : i32
      %add3A_160 = vector.broadcast %add3A_159 : i32 to vector<16xi32>
      %add3A_161 = arith.addi %broadcast_in_dim3A_155, %add3A_160 : vector<16xi32>
      %gather3A_162 = tpu.vector_load_idx %arg6[%add3A_161, %add3A_39] : memref<200x128xi32, #tpu.memory_space<vmem>>[vector<16xi32>, vector<16xi32>], vector<16xi32>,
      %shift_right_arithmetic3A_163 = arith.constant 7 : i32
      %shift_right_arithmetic3A_164 = vector.broadcast %shift_right_arithmetic3A_163 : i32 to vector<16xi32>
      %shift_right_arithmetic3A_165 = arith.shrsi %gather3A_162, %shift_right_arithmetic3A_164 : vector<16xi32>
      %and3A_166 = arith.constant 127 : i32
      %and3A_167 = vector.broadcast %and3A_166 : i32 to vector<16xi32>
      %and3A_168 = arith.andi %gather3A_162, %and3A_167 : vector<16xi32>
      %gather3A_169 = tpu.vector_load_idx %arg5[%shift_right_arithmetic3A_165, %and3A_168] : memref<800x128xf32, #tpu.memory_space<vmem>>[vector<16xi32>, vector<16xi32>], vector<16xf32>,
      %add3A_170 = arith.addf %add3A_153, %gather3A_169 : vector<16xf32>
      %broadcast_in_dim3A_171 = arith.constant 0 : i32
      %broadcast_in_dim3A_172 = vector.broadcast %broadcast_in_dim3A_171 : i32 to vector<16xi32>
      %mul3A_173 = arith.constant 8 : i32
      %mul3A_174 = arith.muli %scan3A_104, %mul3A_173 : i32
      %add3A_175 = arith.constant 4 : i32
      %add3A_176 = arith.addi %mul3A_174, %add3A_175 : i32
      %add3A_177 = vector.broadcast %add3A_176 : i32 to vector<16xi32>
      %add3A_178 = arith.addi %broadcast_in_dim3A_172, %add3A_177 : vector<16xi32>
      %gather3A_179 = tpu.vector_load_idx %arg6[%add3A_178, %add3A_39] : memref<200x128xi32, #tpu.memory_space<vmem>>[vector<16xi32>, vector<16xi32>], vector<16xi32>,
      %shift_right_arithmetic3A_180 = arith.constant 7 : i32
      %shift_right_arithmetic3A_181 = vector.broadcast %shift_right_arithmetic3A_180 : i32 to vector<16xi32>
      %shift_right_arithmetic3A_182 = arith.shrsi %gather3A_179, %shift_right_arithmetic3A_181 : vector<16xi32>
      %and3A_183 = arith.constant 127 : i32
      %and3A_184 = vector.broadcast %and3A_183 : i32 to vector<16xi32>
      %and3A_185 = arith.andi %gather3A_179, %and3A_184 : vector<16xi32>
      %gather3A_186 = tpu.vector_load_idx %arg5[%shift_right_arithmetic3A_182, %and3A_185] : memref<800x128xf32, #tpu.memory_space<vmem>>[vector<16xi32>, vector<16xi32>], vector<16xf32>,
      %add3A_187 = arith.addf %add3A_170, %gather3A_186 : vector<16xf32>
      %broadcast_in_dim3A_188 = arith.constant 0 : i32
      %broadcast_in_dim3A_189 = vector.broadcast %broadcast_in_dim3A_188 : i32 to vector<16xi32>
      %mul3A_190 = arith.constant 8 : i32
      %mul3A_191 = arith.muli %scan3A_104, %mul3A_190 : i32
      %add3A_192 = arith.constant 5 : i32
      %add3A_193 = arith.addi %mul3A_191, %add3A_192 : i32
      %add3A_194 = vector.broadcast %add3A_193 : i32 to vector<16xi32>
      %add3A_195 = arith.addi %broadcast_in_dim3A_189, %add3A_194 : vector<16xi32>
      %gather3A_196 = tpu.vector_load_idx %arg6[%add3A_195, %add3A_39] : memref<200x128xi32, #tpu.memory_space<vmem>>[vector<16xi32>, vector<16xi32>], vector<16xi32>,
      %shift_right_arithmetic3A_197 = arith.constant 7 : i32
      %shift_right_arithmetic3A_198 = vector.broadcast %shift_right_arithmetic3A_197 : i32 to vector<16xi32>
      %shift_right_arithmetic3A_199 = arith.shrsi %gather3A_196, %shift_right_arithmetic3A_198 : vector<16xi32>
      %and3A_200 = arith.constant 127 : i32
      %and3A_201 = vector.broadcast %and3A_200 : i32 to vector<16xi32>
      %and3A_202 = arith.andi %gather3A_196, %and3A_201 : vector<16xi32>
      %gather3A_203 = tpu.vector_load_idx %arg5[%shift_right_arithmetic3A_199, %and3A_202] : memref<800x128xf32, #tpu.memory_space<vmem>>[vector<16xi32>, vector<16xi32>], vector<16xf32>,
      %add3A_204 = arith.addf %add3A_187, %gather3A_203 : vector<16xf32>
      %broadcast_in_dim3A_205 = arith.constant 0 : i32
      %broadcast_in_dim3A_206 = vector.broadcast %broadcast_in_dim3A_205 : i32 to vector<16xi32>
      %mul3A_207 = arith.constant 8 : i32
      %mul3A_208 = arith.muli %scan3A_104, %mul3A_207 : i32
      %add3A_209 = arith.constant 6 : i32
      %add3A_210 = arith.addi %mul3A_208, %add3A_209 : i32
      %add3A_211 = vector.broadcast %add3A_210 : i32 to vector<16xi32>
      %add3A_212 = arith.addi %broadcast_in_dim3A_206, %add3A_211 : vector<16xi32>
      %gather3A_213 = tpu.vector_load_idx %arg6[%add3A_212, %add3A_39] : memref<200x128xi32, #tpu.memory_space<vmem>>[vector<16xi32>, vector<16xi32>], vector<16xi32>,
      %shift_right_arithmetic3A_214 = arith.constant 7 : i32
      %shift_right_arithmetic3A_215 = vector.broadcast %shift_right_arithmetic3A_214 : i32 to vector<16xi32>
      %shift_right_arithmetic3A_216 = arith.shrsi %gather3A_213, %shift_right_arithmetic3A_215 : vector<16xi32>
      %and3A_217 = arith.constant 127 : i32
      %and3A_218 = vector.broadcast %and3A_217 : i32 to vector<16xi32>
      %and3A_219 = arith.andi %gather3A_213, %and3A_218 : vector<16xi32>
      %gather3A_220 = tpu.vector_load_idx %arg5[%shift_right_arithmetic3A_216, %and3A_219] : memref<800x128xf32, #tpu.memory_space<vmem>>[vector<16xi32>, vector<16xi32>], vector<16xf32>,
      %add3A_221 = arith.addf %add3A_204, %gather3A_220 : vector<16xf32>
      %broadcast_in_dim3A_222 = arith.constant 0 : i32
      %broadcast_in_dim3A_223 = vector.broadcast %broadcast_in_dim3A_222 : i32 to vector<16xi32>
      %mul3A_224 = arith.constant 8 : i32
      %mul3A_225 = arith.muli %scan3A_104, %mul3A_224 : i32
      %add3A_226 = arith.constant 7 : i32
      %add3A_227 = arith.addi %mul3A_225, %add3A_226 : i32
      %add3A_228 = vector.broadcast %add3A_227 : i32 to vector<16xi32>
      %add3A_229 = arith.addi %broadcast_in_dim3A_223, %add3A_228 : vector<16xi32>
      %gather3A_230 = tpu.vector_load_idx %arg6[%add3A_229, %add3A_39] : memref<200x128xi32, #tpu.memory_space<vmem>>[vector<16xi32>, vector<16xi32>], vector<16xi32>,
      %shift_right_arithmetic3A_231 = arith.constant 7 : i32
      %shift_right_arithmetic3A_232 = vector.broadcast %shift_right_arithmetic3A_231 : i32 to vector<16xi32>
      %shift_right_arithmetic3A_233 = arith.shrsi %gather3A_230, %shift_right_arithmetic3A_232 : vector<16xi32>
      %and3A_234 = arith.constant 127 : i32
      %and3A_235 = vector.broadcast %and3A_234 : i32 to vector<16xi32>
      %and3A_236 = arith.andi %gather3A_230, %and3A_235 : vector<16xi32>
      %gather3A_237 = tpu.vector_load_idx %arg5[%shift_right_arithmetic3A_233, %and3A_236] : memref<800x128xf32, #tpu.memory_space<vmem>>[vector<16xi32>, vector<16xi32>], vector<16xf32>,
      %add3A_238 = arith.addf %add3A_221, %gather3A_237 : vector<16xf32>
      scf.yield %add3A_238 : vector<16xf32>
    }
    %scan3A_47 = arith.constant 25 : i32
    %swap3A_48 = arith.constant 48 : index
    %swap3A_49 = tpu.vector_load %arg7[%swap3A_48] {strides = array<i32>} : memref<128xf32, #tpu.memory_space<vmem>>, vector<16xf32>,
    tpu.vector_store %arg7[%swap3A_48], %scan3A_46 {strides = array<i32>} : memref<128xf32, #tpu.memory_space<vmem>>, vector<16xf32>,
    %add3A_50 = arith.constant 64 : i32
    %add3A_51 = vector.broadcast %add3A_50 : i32 to vector<16xi32>
    %add3A_52 = arith.addi %iota3A, %add3A_51 : vector<16xi32>
    %broadcast_in_dim3A_53 = arith.constant 0.000000e+00 : f32
    %broadcast_in_dim3A_54 = vector.broadcast %broadcast_in_dim3A_53 : f32 to vector<16xf32>
    %scan3A_55 = arith.constant 0 : i32
    %scan3A_56 = arith.constant 25 : i32
    %scan3A_57 = arith.addi %scan3A_55, %scan3A_56 : i32
    %scan3A_58 = arith.constant 1 : i32
    %scan3A_59 = scf.for %scan3A_104 = %scan3A_55 to %scan3A_57 step %scan3A_58 iter_args(%scan3A_105 = %broadcast_in_dim3A_54) -> (vector<16xf32>)  : i32 {
      %broadcast_in_dim3A_106 = arith.constant 0 : i32
      %broadcast_in_dim3A_107 = vector.broadcast %broadcast_in_dim3A_106 : i32 to vector<16xi32>
      %mul3A_108 = arith.constant 8 : i32
      %mul3A_109 = arith.muli %scan3A_104, %mul3A_108 : i32
      %add3A_110 = arith.constant 0 : i32
      %add3A_111 = arith.addi %mul3A_109, %add3A_110 : i32
      %add3A_112 = vector.broadcast %add3A_111 : i32 to vector<16xi32>
      %add3A_113 = arith.addi %broadcast_in_dim3A_107, %add3A_112 : vector<16xi32>
      %gather3A = tpu.vector_load_idx %arg6[%add3A_113, %add3A_52] : memref<200x128xi32, #tpu.memory_space<vmem>>[vector<16xi32>, vector<16xi32>], vector<16xi32>,
      %shift_right_arithmetic3A = arith.constant 7 : i32
      %shift_right_arithmetic3A_114 = vector.broadcast %shift_right_arithmetic3A : i32 to vector<16xi32>
      %shift_right_arithmetic3A_115 = arith.shrsi %gather3A, %shift_right_arithmetic3A_114 : vector<16xi32>
      %and3A = arith.constant 127 : i32
      %and3A_116 = vector.broadcast %and3A : i32 to vector<16xi32>
      %and3A_117 = arith.andi %gather3A, %and3A_116 : vector<16xi32>
      %gather3A_118 = tpu.vector_load_idx %arg5[%shift_right_arithmetic3A_115, %and3A_117] : memref<800x128xf32, #tpu.memory_space<vmem>>[vector<16xi32>, vector<16xi32>], vector<16xf32>,
      %add3A_119 = arith.addf %scan3A_105, %gather3A_118 : vector<16xf32>
      %broadcast_in_dim3A_120 = arith.constant 0 : i32
      %broadcast_in_dim3A_121 = vector.broadcast %broadcast_in_dim3A_120 : i32 to vector<16xi32>
      %mul3A_122 = arith.constant 8 : i32
      %mul3A_123 = arith.muli %scan3A_104, %mul3A_122 : i32
      %add3A_124 = arith.constant 1 : i32
      %add3A_125 = arith.addi %mul3A_123, %add3A_124 : i32
      %add3A_126 = vector.broadcast %add3A_125 : i32 to vector<16xi32>
      %add3A_127 = arith.addi %broadcast_in_dim3A_121, %add3A_126 : vector<16xi32>
      %gather3A_128 = tpu.vector_load_idx %arg6[%add3A_127, %add3A_52] : memref<200x128xi32, #tpu.memory_space<vmem>>[vector<16xi32>, vector<16xi32>], vector<16xi32>,
      %shift_right_arithmetic3A_129 = arith.constant 7 : i32
      %shift_right_arithmetic3A_130 = vector.broadcast %shift_right_arithmetic3A_129 : i32 to vector<16xi32>
      %shift_right_arithmetic3A_131 = arith.shrsi %gather3A_128, %shift_right_arithmetic3A_130 : vector<16xi32>
      %and3A_132 = arith.constant 127 : i32
      %and3A_133 = vector.broadcast %and3A_132 : i32 to vector<16xi32>
      %and3A_134 = arith.andi %gather3A_128, %and3A_133 : vector<16xi32>
      %gather3A_135 = tpu.vector_load_idx %arg5[%shift_right_arithmetic3A_131, %and3A_134] : memref<800x128xf32, #tpu.memory_space<vmem>>[vector<16xi32>, vector<16xi32>], vector<16xf32>,
      %add3A_136 = arith.addf %add3A_119, %gather3A_135 : vector<16xf32>
      %broadcast_in_dim3A_137 = arith.constant 0 : i32
      %broadcast_in_dim3A_138 = vector.broadcast %broadcast_in_dim3A_137 : i32 to vector<16xi32>
      %mul3A_139 = arith.constant 8 : i32
      %mul3A_140 = arith.muli %scan3A_104, %mul3A_139 : i32
      %add3A_141 = arith.constant 2 : i32
      %add3A_142 = arith.addi %mul3A_140, %add3A_141 : i32
      %add3A_143 = vector.broadcast %add3A_142 : i32 to vector<16xi32>
      %add3A_144 = arith.addi %broadcast_in_dim3A_138, %add3A_143 : vector<16xi32>
      %gather3A_145 = tpu.vector_load_idx %arg6[%add3A_144, %add3A_52] : memref<200x128xi32, #tpu.memory_space<vmem>>[vector<16xi32>, vector<16xi32>], vector<16xi32>,
      %shift_right_arithmetic3A_146 = arith.constant 7 : i32
      %shift_right_arithmetic3A_147 = vector.broadcast %shift_right_arithmetic3A_146 : i32 to vector<16xi32>
      %shift_right_arithmetic3A_148 = arith.shrsi %gather3A_145, %shift_right_arithmetic3A_147 : vector<16xi32>
      %and3A_149 = arith.constant 127 : i32
      %and3A_150 = vector.broadcast %and3A_149 : i32 to vector<16xi32>
      %and3A_151 = arith.andi %gather3A_145, %and3A_150 : vector<16xi32>
      %gather3A_152 = tpu.vector_load_idx %arg5[%shift_right_arithmetic3A_148, %and3A_151] : memref<800x128xf32, #tpu.memory_space<vmem>>[vector<16xi32>, vector<16xi32>], vector<16xf32>,
      %add3A_153 = arith.addf %add3A_136, %gather3A_152 : vector<16xf32>
      %broadcast_in_dim3A_154 = arith.constant 0 : i32
      %broadcast_in_dim3A_155 = vector.broadcast %broadcast_in_dim3A_154 : i32 to vector<16xi32>
      %mul3A_156 = arith.constant 8 : i32
      %mul3A_157 = arith.muli %scan3A_104, %mul3A_156 : i32
      %add3A_158 = arith.constant 3 : i32
      %add3A_159 = arith.addi %mul3A_157, %add3A_158 : i32
      %add3A_160 = vector.broadcast %add3A_159 : i32 to vector<16xi32>
      %add3A_161 = arith.addi %broadcast_in_dim3A_155, %add3A_160 : vector<16xi32>
      %gather3A_162 = tpu.vector_load_idx %arg6[%add3A_161, %add3A_52] : memref<200x128xi32, #tpu.memory_space<vmem>>[vector<16xi32>, vector<16xi32>], vector<16xi32>,
      %shift_right_arithmetic3A_163 = arith.constant 7 : i32
      %shift_right_arithmetic3A_164 = vector.broadcast %shift_right_arithmetic3A_163 : i32 to vector<16xi32>
      %shift_right_arithmetic3A_165 = arith.shrsi %gather3A_162, %shift_right_arithmetic3A_164 : vector<16xi32>
      %and3A_166 = arith.constant 127 : i32
      %and3A_167 = vector.broadcast %and3A_166 : i32 to vector<16xi32>
      %and3A_168 = arith.andi %gather3A_162, %and3A_167 : vector<16xi32>
      %gather3A_169 = tpu.vector_load_idx %arg5[%shift_right_arithmetic3A_165, %and3A_168] : memref<800x128xf32, #tpu.memory_space<vmem>>[vector<16xi32>, vector<16xi32>], vector<16xf32>,
      %add3A_170 = arith.addf %add3A_153, %gather3A_169 : vector<16xf32>
      %broadcast_in_dim3A_171 = arith.constant 0 : i32
      %broadcast_in_dim3A_172 = vector.broadcast %broadcast_in_dim3A_171 : i32 to vector<16xi32>
      %mul3A_173 = arith.constant 8 : i32
      %mul3A_174 = arith.muli %scan3A_104, %mul3A_173 : i32
      %add3A_175 = arith.constant 4 : i32
      %add3A_176 = arith.addi %mul3A_174, %add3A_175 : i32
      %add3A_177 = vector.broadcast %add3A_176 : i32 to vector<16xi32>
      %add3A_178 = arith.addi %broadcast_in_dim3A_172, %add3A_177 : vector<16xi32>
      %gather3A_179 = tpu.vector_load_idx %arg6[%add3A_178, %add3A_52] : memref<200x128xi32, #tpu.memory_space<vmem>>[vector<16xi32>, vector<16xi32>], vector<16xi32>,
      %shift_right_arithmetic3A_180 = arith.constant 7 : i32
      %shift_right_arithmetic3A_181 = vector.broadcast %shift_right_arithmetic3A_180 : i32 to vector<16xi32>
      %shift_right_arithmetic3A_182 = arith.shrsi %gather3A_179, %shift_right_arithmetic3A_181 : vector<16xi32>
      %and3A_183 = arith.constant 127 : i32
      %and3A_184 = vector.broadcast %and3A_183 : i32 to vector<16xi32>
      %and3A_185 = arith.andi %gather3A_179, %and3A_184 : vector<16xi32>
      %gather3A_186 = tpu.vector_load_idx %arg5[%shift_right_arithmetic3A_182, %and3A_185] : memref<800x128xf32, #tpu.memory_space<vmem>>[vector<16xi32>, vector<16xi32>], vector<16xf32>,
      %add3A_187 = arith.addf %add3A_170, %gather3A_186 : vector<16xf32>
      %broadcast_in_dim3A_188 = arith.constant 0 : i32
      %broadcast_in_dim3A_189 = vector.broadcast %broadcast_in_dim3A_188 : i32 to vector<16xi32>
      %mul3A_190 = arith.constant 8 : i32
      %mul3A_191 = arith.muli %scan3A_104, %mul3A_190 : i32
      %add3A_192 = arith.constant 5 : i32
      %add3A_193 = arith.addi %mul3A_191, %add3A_192 : i32
      %add3A_194 = vector.broadcast %add3A_193 : i32 to vector<16xi32>
      %add3A_195 = arith.addi %broadcast_in_dim3A_189, %add3A_194 : vector<16xi32>
      %gather3A_196 = tpu.vector_load_idx %arg6[%add3A_195, %add3A_52] : memref<200x128xi32, #tpu.memory_space<vmem>>[vector<16xi32>, vector<16xi32>], vector<16xi32>,
      %shift_right_arithmetic3A_197 = arith.constant 7 : i32
      %shift_right_arithmetic3A_198 = vector.broadcast %shift_right_arithmetic3A_197 : i32 to vector<16xi32>
      %shift_right_arithmetic3A_199 = arith.shrsi %gather3A_196, %shift_right_arithmetic3A_198 : vector<16xi32>
      %and3A_200 = arith.constant 127 : i32
      %and3A_201 = vector.broadcast %and3A_200 : i32 to vector<16xi32>
      %and3A_202 = arith.andi %gather3A_196, %and3A_201 : vector<16xi32>
      %gather3A_203 = tpu.vector_load_idx %arg5[%shift_right_arithmetic3A_199, %and3A_202] : memref<800x128xf32, #tpu.memory_space<vmem>>[vector<16xi32>, vector<16xi32>], vector<16xf32>,
      %add3A_204 = arith.addf %add3A_187, %gather3A_203 : vector<16xf32>
      %broadcast_in_dim3A_205 = arith.constant 0 : i32
      %broadcast_in_dim3A_206 = vector.broadcast %broadcast_in_dim3A_205 : i32 to vector<16xi32>
      %mul3A_207 = arith.constant 8 : i32
      %mul3A_208 = arith.muli %scan3A_104, %mul3A_207 : i32
      %add3A_209 = arith.constant 6 : i32
      %add3A_210 = arith.addi %mul3A_208, %add3A_209 : i32
      %add3A_211 = vector.broadcast %add3A_210 : i32 to vector<16xi32>
      %add3A_212 = arith.addi %broadcast_in_dim3A_206, %add3A_211 : vector<16xi32>
      %gather3A_213 = tpu.vector_load_idx %arg6[%add3A_212, %add3A_52] : memref<200x128xi32, #tpu.memory_space<vmem>>[vector<16xi32>, vector<16xi32>], vector<16xi32>,
      %shift_right_arithmetic3A_214 = arith.constant 7 : i32
      %shift_right_arithmetic3A_215 = vector.broadcast %shift_right_arithmetic3A_214 : i32 to vector<16xi32>
      %shift_right_arithmetic3A_216 = arith.shrsi %gather3A_213, %shift_right_arithmetic3A_215 : vector<16xi32>
      %and3A_217 = arith.constant 127 : i32
      %and3A_218 = vector.broadcast %and3A_217 : i32 to vector<16xi32>
      %and3A_219 = arith.andi %gather3A_213, %and3A_218 : vector<16xi32>
      %gather3A_220 = tpu.vector_load_idx %arg5[%shift_right_arithmetic3A_216, %and3A_219] : memref<800x128xf32, #tpu.memory_space<vmem>>[vector<16xi32>, vector<16xi32>], vector<16xf32>,
      %add3A_221 = arith.addf %add3A_204, %gather3A_220 : vector<16xf32>
      %broadcast_in_dim3A_222 = arith.constant 0 : i32
      %broadcast_in_dim3A_223 = vector.broadcast %broadcast_in_dim3A_222 : i32 to vector<16xi32>
      %mul3A_224 = arith.constant 8 : i32
      %mul3A_225 = arith.muli %scan3A_104, %mul3A_224 : i32
      %add3A_226 = arith.constant 7 : i32
      %add3A_227 = arith.addi %mul3A_225, %add3A_226 : i32
      %add3A_228 = vector.broadcast %add3A_227 : i32 to vector<16xi32>
      %add3A_229 = arith.addi %broadcast_in_dim3A_223, %add3A_228 : vector<16xi32>
      %gather3A_230 = tpu.vector_load_idx %arg6[%add3A_229, %add3A_52] : memref<200x128xi32, #tpu.memory_space<vmem>>[vector<16xi32>, vector<16xi32>], vector<16xi32>,
      %shift_right_arithmetic3A_231 = arith.constant 7 : i32
      %shift_right_arithmetic3A_232 = vector.broadcast %shift_right_arithmetic3A_231 : i32 to vector<16xi32>
      %shift_right_arithmetic3A_233 = arith.shrsi %gather3A_230, %shift_right_arithmetic3A_232 : vector<16xi32>
      %and3A_234 = arith.constant 127 : i32
      %and3A_235 = vector.broadcast %and3A_234 : i32 to vector<16xi32>
      %and3A_236 = arith.andi %gather3A_230, %and3A_235 : vector<16xi32>
      %gather3A_237 = tpu.vector_load_idx %arg5[%shift_right_arithmetic3A_233, %and3A_236] : memref<800x128xf32, #tpu.memory_space<vmem>>[vector<16xi32>, vector<16xi32>], vector<16xf32>,
      %add3A_238 = arith.addf %add3A_221, %gather3A_237 : vector<16xf32>
      scf.yield %add3A_238 : vector<16xf32>
    }
    %scan3A_60 = arith.constant 25 : i32
    %swap3A_61 = arith.constant 64 : index
    %swap3A_62 = tpu.vector_load %arg7[%swap3A_61] {strides = array<i32>} : memref<128xf32, #tpu.memory_space<vmem>>, vector<16xf32>,
    tpu.vector_store %arg7[%swap3A_61], %scan3A_59 {strides = array<i32>} : memref<128xf32, #tpu.memory_space<vmem>>, vector<16xf32>,
    %add3A_63 = arith.constant 80 : i32
    %add3A_64 = vector.broadcast %add3A_63 : i32 to vector<16xi32>
    %add3A_65 = arith.addi %iota3A, %add3A_64 : vector<16xi32>
    %broadcast_in_dim3A_66 = arith.constant 0.000000e+00 : f32
    %broadcast_in_dim3A_67 = vector.broadcast %broadcast_in_dim3A_66 : f32 to vector<16xf32>
    %scan3A_68 = arith.constant 0 : i32
    %scan3A_69 = arith.constant 25 : i32
    %scan3A_70 = arith.addi %scan3A_68, %scan3A_69 : i32
    %scan3A_71 = arith.constant 1 : i32
    %scan3A_72 = scf.for %scan3A_104 = %scan3A_68 to %scan3A_70 step %scan3A_71 iter_args(%scan3A_105 = %broadcast_in_dim3A_67) -> (vector<16xf32>)  : i32 {
      %broadcast_in_dim3A_106 = arith.constant 0 : i32
      %broadcast_in_dim3A_107 = vector.broadcast %broadcast_in_dim3A_106 : i32 to vector<16xi32>
      %mul3A_108 = arith.constant 8 : i32
      %mul3A_109 = arith.muli %scan3A_104, %mul3A_108 : i32
      %add3A_110 = arith.constant 0 : i32
      %add3A_111 = arith.addi %mul3A_109, %add3A_110 : i32
      %add3A_112 = vector.broadcast %add3A_111 : i32 to vector<16xi32>
      %add3A_113 = arith.addi %broadcast_in_dim3A_107, %add3A_112 : vector<16xi32>
      %gather3A = tpu.vector_load_idx %arg6[%add3A_113, %add3A_65] : memref<200x128xi32, #tpu.memory_space<vmem>>[vector<16xi32>, vector<16xi32>], vector<16xi32>,
      %shift_right_arithmetic3A = arith.constant 7 : i32
      %shift_right_arithmetic3A_114 = vector.broadcast %shift_right_arithmetic3A : i32 to vector<16xi32>
      %shift_right_arithmetic3A_115 = arith.shrsi %gather3A, %shift_right_arithmetic3A_114 : vector<16xi32>
      %and3A = arith.constant 127 : i32
      %and3A_116 = vector.broadcast %and3A : i32 to vector<16xi32>
      %and3A_117 = arith.andi %gather3A, %and3A_116 : vector<16xi32>
      %gather3A_118 = tpu.vector_load_idx %arg5[%shift_right_arithmetic3A_115, %and3A_117] : memref<800x128xf32, #tpu.memory_space<vmem>>[vector<16xi32>, vector<16xi32>], vector<16xf32>,
      %add3A_119 = arith.addf %scan3A_105, %gather3A_118 : vector<16xf32>
      %broadcast_in_dim3A_120 = arith.constant 0 : i32
      %broadcast_in_dim3A_121 = vector.broadcast %broadcast_in_dim3A_120 : i32 to vector<16xi32>
      %mul3A_122 = arith.constant 8 : i32
      %mul3A_123 = arith.muli %scan3A_104, %mul3A_122 : i32
      %add3A_124 = arith.constant 1 : i32
      %add3A_125 = arith.addi %mul3A_123, %add3A_124 : i32
      %add3A_126 = vector.broadcast %add3A_125 : i32 to vector<16xi32>
      %add3A_127 = arith.addi %broadcast_in_dim3A_121, %add3A_126 : vector<16xi32>
      %gather3A_128 = tpu.vector_load_idx %arg6[%add3A_127, %add3A_65] : memref<200x128xi32, #tpu.memory_space<vmem>>[vector<16xi32>, vector<16xi32>], vector<16xi32>,
      %shift_right_arithmetic3A_129 = arith.constant 7 : i32
      %shift_right_arithmetic3A_130 = vector.broadcast %shift_right_arithmetic3A_129 : i32 to vector<16xi32>
      %shift_right_arithmetic3A_131 = arith.shrsi %gather3A_128, %shift_right_arithmetic3A_130 : vector<16xi32>
      %and3A_132 = arith.constant 127 : i32
      %and3A_133 = vector.broadcast %and3A_132 : i32 to vector<16xi32>
      %and3A_134 = arith.andi %gather3A_128, %and3A_133 : vector<16xi32>
      %gather3A_135 = tpu.vector_load_idx %arg5[%shift_right_arithmetic3A_131, %and3A_134] : memref<800x128xf32, #tpu.memory_space<vmem>>[vector<16xi32>, vector<16xi32>], vector<16xf32>,
      %add3A_136 = arith.addf %add3A_119, %gather3A_135 : vector<16xf32>
      %broadcast_in_dim3A_137 = arith.constant 0 : i32
      %broadcast_in_dim3A_138 = vector.broadcast %broadcast_in_dim3A_137 : i32 to vector<16xi32>
      %mul3A_139 = arith.constant 8 : i32
      %mul3A_140 = arith.muli %scan3A_104, %mul3A_139 : i32
      %add3A_141 = arith.constant 2 : i32
      %add3A_142 = arith.addi %mul3A_140, %add3A_141 : i32
      %add3A_143 = vector.broadcast %add3A_142 : i32 to vector<16xi32>
      %add3A_144 = arith.addi %broadcast_in_dim3A_138, %add3A_143 : vector<16xi32>
      %gather3A_145 = tpu.vector_load_idx %arg6[%add3A_144, %add3A_65] : memref<200x128xi32, #tpu.memory_space<vmem>>[vector<16xi32>, vector<16xi32>], vector<16xi32>,
      %shift_right_arithmetic3A_146 = arith.constant 7 : i32
      %shift_right_arithmetic3A_147 = vector.broadcast %shift_right_arithmetic3A_146 : i32 to vector<16xi32>
      %shift_right_arithmetic3A_148 = arith.shrsi %gather3A_145, %shift_right_arithmetic3A_147 : vector<16xi32>
      %and3A_149 = arith.constant 127 : i32
      %and3A_150 = vector.broadcast %and3A_149 : i32 to vector<16xi32>
      %and3A_151 = arith.andi %gather3A_145, %and3A_150 : vector<16xi32>
      %gather3A_152 = tpu.vector_load_idx %arg5[%shift_right_arithmetic3A_148, %and3A_151] : memref<800x128xf32, #tpu.memory_space<vmem>>[vector<16xi32>, vector<16xi32>], vector<16xf32>,
      %add3A_153 = arith.addf %add3A_136, %gather3A_152 : vector<16xf32>
      %broadcast_in_dim3A_154 = arith.constant 0 : i32
      %broadcast_in_dim3A_155 = vector.broadcast %broadcast_in_dim3A_154 : i32 to vector<16xi32>
      %mul3A_156 = arith.constant 8 : i32
      %mul3A_157 = arith.muli %scan3A_104, %mul3A_156 : i32
      %add3A_158 = arith.constant 3 : i32
      %add3A_159 = arith.addi %mul3A_157, %add3A_158 : i32
      %add3A_160 = vector.broadcast %add3A_159 : i32 to vector<16xi32>
      %add3A_161 = arith.addi %broadcast_in_dim3A_155, %add3A_160 : vector<16xi32>
      %gather3A_162 = tpu.vector_load_idx %arg6[%add3A_161, %add3A_65] : memref<200x128xi32, #tpu.memory_space<vmem>>[vector<16xi32>, vector<16xi32>], vector<16xi32>,
      %shift_right_arithmetic3A_163 = arith.constant 7 : i32
      %shift_right_arithmetic3A_164 = vector.broadcast %shift_right_arithmetic3A_163 : i32 to vector<16xi32>
      %shift_right_arithmetic3A_165 = arith.shrsi %gather3A_162, %shift_right_arithmetic3A_164 : vector<16xi32>
      %and3A_166 = arith.constant 127 : i32
      %and3A_167 = vector.broadcast %and3A_166 : i32 to vector<16xi32>
      %and3A_168 = arith.andi %gather3A_162, %and3A_167 : vector<16xi32>
      %gather3A_169 = tpu.vector_load_idx %arg5[%shift_right_arithmetic3A_165, %and3A_168] : memref<800x128xf32, #tpu.memory_space<vmem>>[vector<16xi32>, vector<16xi32>], vector<16xf32>,
      %add3A_170 = arith.addf %add3A_153, %gather3A_169 : vector<16xf32>
      %broadcast_in_dim3A_171 = arith.constant 0 : i32
      %broadcast_in_dim3A_172 = vector.broadcast %broadcast_in_dim3A_171 : i32 to vector<16xi32>
      %mul3A_173 = arith.constant 8 : i32
      %mul3A_174 = arith.muli %scan3A_104, %mul3A_173 : i32
      %add3A_175 = arith.constant 4 : i32
      %add3A_176 = arith.addi %mul3A_174, %add3A_175 : i32
      %add3A_177 = vector.broadcast %add3A_176 : i32 to vector<16xi32>
      %add3A_178 = arith.addi %broadcast_in_dim3A_172, %add3A_177 : vector<16xi32>
      %gather3A_179 = tpu.vector_load_idx %arg6[%add3A_178, %add3A_65] : memref<200x128xi32, #tpu.memory_space<vmem>>[vector<16xi32>, vector<16xi32>], vector<16xi32>,
      %shift_right_arithmetic3A_180 = arith.constant 7 : i32
      %shift_right_arithmetic3A_181 = vector.broadcast %shift_right_arithmetic3A_180 : i32 to vector<16xi32>
      %shift_right_arithmetic3A_182 = arith.shrsi %gather3A_179, %shift_right_arithmetic3A_181 : vector<16xi32>
      %and3A_183 = arith.constant 127 : i32
      %and3A_184 = vector.broadcast %and3A_183 : i32 to vector<16xi32>
      %and3A_185 = arith.andi %gather3A_179, %and3A_184 : vector<16xi32>
      %gather3A_186 = tpu.vector_load_idx %arg5[%shift_right_arithmetic3A_182, %and3A_185] : memref<800x128xf32, #tpu.memory_space<vmem>>[vector<16xi32>, vector<16xi32>], vector<16xf32>,
      %add3A_187 = arith.addf %add3A_170, %gather3A_186 : vector<16xf32>
      %broadcast_in_dim3A_188 = arith.constant 0 : i32
      %broadcast_in_dim3A_189 = vector.broadcast %broadcast_in_dim3A_188 : i32 to vector<16xi32>
      %mul3A_190 = arith.constant 8 : i32
      %mul3A_191 = arith.muli %scan3A_104, %mul3A_190 : i32
      %add3A_192 = arith.constant 5 : i32
      %add3A_193 = arith.addi %mul3A_191, %add3A_192 : i32
      %add3A_194 = vector.broadcast %add3A_193 : i32 to vector<16xi32>
      %add3A_195 = arith.addi %broadcast_in_dim3A_189, %add3A_194 : vector<16xi32>
      %gather3A_196 = tpu.vector_load_idx %arg6[%add3A_195, %add3A_65] : memref<200x128xi32, #tpu.memory_space<vmem>>[vector<16xi32>, vector<16xi32>], vector<16xi32>,
      %shift_right_arithmetic3A_197 = arith.constant 7 : i32
      %shift_right_arithmetic3A_198 = vector.broadcast %shift_right_arithmetic3A_197 : i32 to vector<16xi32>
      %shift_right_arithmetic3A_199 = arith.shrsi %gather3A_196, %shift_right_arithmetic3A_198 : vector<16xi32>
      %and3A_200 = arith.constant 127 : i32
      %and3A_201 = vector.broadcast %and3A_200 : i32 to vector<16xi32>
      %and3A_202 = arith.andi %gather3A_196, %and3A_201 : vector<16xi32>
      %gather3A_203 = tpu.vector_load_idx %arg5[%shift_right_arithmetic3A_199, %and3A_202] : memref<800x128xf32, #tpu.memory_space<vmem>>[vector<16xi32>, vector<16xi32>], vector<16xf32>,
      %add3A_204 = arith.addf %add3A_187, %gather3A_203 : vector<16xf32>
      %broadcast_in_dim3A_205 = arith.constant 0 : i32
      %broadcast_in_dim3A_206 = vector.broadcast %broadcast_in_dim3A_205 : i32 to vector<16xi32>
      %mul3A_207 = arith.constant 8 : i32
      %mul3A_208 = arith.muli %scan3A_104, %mul3A_207 : i32
      %add3A_209 = arith.constant 6 : i32
      %add3A_210 = arith.addi %mul3A_208, %add3A_209 : i32
      %add3A_211 = vector.broadcast %add3A_210 : i32 to vector<16xi32>
      %add3A_212 = arith.addi %broadcast_in_dim3A_206, %add3A_211 : vector<16xi32>
      %gather3A_213 = tpu.vector_load_idx %arg6[%add3A_212, %add3A_65] : memref<200x128xi32, #tpu.memory_space<vmem>>[vector<16xi32>, vector<16xi32>], vector<16xi32>,
      %shift_right_arithmetic3A_214 = arith.constant 7 : i32
      %shift_right_arithmetic3A_215 = vector.broadcast %shift_right_arithmetic3A_214 : i32 to vector<16xi32>
      %shift_right_arithmetic3A_216 = arith.shrsi %gather3A_213, %shift_right_arithmetic3A_215 : vector<16xi32>
      %and3A_217 = arith.constant 127 : i32
      %and3A_218 = vector.broadcast %and3A_217 : i32 to vector<16xi32>
      %and3A_219 = arith.andi %gather3A_213, %and3A_218 : vector<16xi32>
      %gather3A_220 = tpu.vector_load_idx %arg5[%shift_right_arithmetic3A_216, %and3A_219] : memref<800x128xf32, #tpu.memory_space<vmem>>[vector<16xi32>, vector<16xi32>], vector<16xf32>,
      %add3A_221 = arith.addf %add3A_204, %gather3A_220 : vector<16xf32>
      %broadcast_in_dim3A_222 = arith.constant 0 : i32
      %broadcast_in_dim3A_223 = vector.broadcast %broadcast_in_dim3A_222 : i32 to vector<16xi32>
      %mul3A_224 = arith.constant 8 : i32
      %mul3A_225 = arith.muli %scan3A_104, %mul3A_224 : i32
      %add3A_226 = arith.constant 7 : i32
      %add3A_227 = arith.addi %mul3A_225, %add3A_226 : i32
      %add3A_228 = vector.broadcast %add3A_227 : i32 to vector<16xi32>
      %add3A_229 = arith.addi %broadcast_in_dim3A_223, %add3A_228 : vector<16xi32>
      %gather3A_230 = tpu.vector_load_idx %arg6[%add3A_229, %add3A_65] : memref<200x128xi32, #tpu.memory_space<vmem>>[vector<16xi32>, vector<16xi32>], vector<16xi32>,
      %shift_right_arithmetic3A_231 = arith.constant 7 : i32
      %shift_right_arithmetic3A_232 = vector.broadcast %shift_right_arithmetic3A_231 : i32 to vector<16xi32>
      %shift_right_arithmetic3A_233 = arith.shrsi %gather3A_230, %shift_right_arithmetic3A_232 : vector<16xi32>
      %and3A_234 = arith.constant 127 : i32
      %and3A_235 = vector.broadcast %and3A_234 : i32 to vector<16xi32>
      %and3A_236 = arith.andi %gather3A_230, %and3A_235 : vector<16xi32>
      %gather3A_237 = tpu.vector_load_idx %arg5[%shift_right_arithmetic3A_233, %and3A_236] : memref<800x128xf32, #tpu.memory_space<vmem>>[vector<16xi32>, vector<16xi32>], vector<16xf32>,
      %add3A_238 = arith.addf %add3A_221, %gather3A_237 : vector<16xf32>
      scf.yield %add3A_238 : vector<16xf32>
    }
    %scan3A_73 = arith.constant 25 : i32
    %swap3A_74 = arith.constant 80 : index
    %swap3A_75 = tpu.vector_load %arg7[%swap3A_74] {strides = array<i32>} : memref<128xf32, #tpu.memory_space<vmem>>, vector<16xf32>,
    tpu.vector_store %arg7[%swap3A_74], %scan3A_72 {strides = array<i32>} : memref<128xf32, #tpu.memory_space<vmem>>, vector<16xf32>,
    %add3A_76 = arith.constant 96 : i32
    %add3A_77 = vector.broadcast %add3A_76 : i32 to vector<16xi32>
    %add3A_78 = arith.addi %iota3A, %add3A_77 : vector<16xi32>
    %broadcast_in_dim3A_79 = arith.constant 0.000000e+00 : f32
    %broadcast_in_dim3A_80 = vector.broadcast %broadcast_in_dim3A_79 : f32 to vector<16xf32>
    %scan3A_81 = arith.constant 0 : i32
    %scan3A_82 = arith.constant 25 : i32
    %scan3A_83 = arith.addi %scan3A_81, %scan3A_82 : i32
    %scan3A_84 = arith.constant 1 : i32
    %scan3A_85 = scf.for %scan3A_104 = %scan3A_81 to %scan3A_83 step %scan3A_84 iter_args(%scan3A_105 = %broadcast_in_dim3A_80) -> (vector<16xf32>)  : i32 {
      %broadcast_in_dim3A_106 = arith.constant 0 : i32
      %broadcast_in_dim3A_107 = vector.broadcast %broadcast_in_dim3A_106 : i32 to vector<16xi32>
      %mul3A_108 = arith.constant 8 : i32
      %mul3A_109 = arith.muli %scan3A_104, %mul3A_108 : i32
      %add3A_110 = arith.constant 0 : i32
      %add3A_111 = arith.addi %mul3A_109, %add3A_110 : i32
      %add3A_112 = vector.broadcast %add3A_111 : i32 to vector<16xi32>
      %add3A_113 = arith.addi %broadcast_in_dim3A_107, %add3A_112 : vector<16xi32>
      %gather3A = tpu.vector_load_idx %arg6[%add3A_113, %add3A_78] : memref<200x128xi32, #tpu.memory_space<vmem>>[vector<16xi32>, vector<16xi32>], vector<16xi32>,
      %shift_right_arithmetic3A = arith.constant 7 : i32
      %shift_right_arithmetic3A_114 = vector.broadcast %shift_right_arithmetic3A : i32 to vector<16xi32>
      %shift_right_arithmetic3A_115 = arith.shrsi %gather3A, %shift_right_arithmetic3A_114 : vector<16xi32>
      %and3A = arith.constant 127 : i32
      %and3A_116 = vector.broadcast %and3A : i32 to vector<16xi32>
      %and3A_117 = arith.andi %gather3A, %and3A_116 : vector<16xi32>
      %gather3A_118 = tpu.vector_load_idx %arg5[%shift_right_arithmetic3A_115, %and3A_117] : memref<800x128xf32, #tpu.memory_space<vmem>>[vector<16xi32>, vector<16xi32>], vector<16xf32>,
      %add3A_119 = arith.addf %scan3A_105, %gather3A_118 : vector<16xf32>
      %broadcast_in_dim3A_120 = arith.constant 0 : i32
      %broadcast_in_dim3A_121 = vector.broadcast %broadcast_in_dim3A_120 : i32 to vector<16xi32>
      %mul3A_122 = arith.constant 8 : i32
      %mul3A_123 = arith.muli %scan3A_104, %mul3A_122 : i32
      %add3A_124 = arith.constant 1 : i32
      %add3A_125 = arith.addi %mul3A_123, %add3A_124 : i32
      %add3A_126 = vector.broadcast %add3A_125 : i32 to vector<16xi32>
      %add3A_127 = arith.addi %broadcast_in_dim3A_121, %add3A_126 : vector<16xi32>
      %gather3A_128 = tpu.vector_load_idx %arg6[%add3A_127, %add3A_78] : memref<200x128xi32, #tpu.memory_space<vmem>>[vector<16xi32>, vector<16xi32>], vector<16xi32>,
      %shift_right_arithmetic3A_129 = arith.constant 7 : i32
      %shift_right_arithmetic3A_130 = vector.broadcast %shift_right_arithmetic3A_129 : i32 to vector<16xi32>
      %shift_right_arithmetic3A_131 = arith.shrsi %gather3A_128, %shift_right_arithmetic3A_130 : vector<16xi32>
      %and3A_132 = arith.constant 127 : i32
      %and3A_133 = vector.broadcast %and3A_132 : i32 to vector<16xi32>
      %and3A_134 = arith.andi %gather3A_128, %and3A_133 : vector<16xi32>
      %gather3A_135 = tpu.vector_load_idx %arg5[%shift_right_arithmetic3A_131, %and3A_134] : memref<800x128xf32, #tpu.memory_space<vmem>>[vector<16xi32>, vector<16xi32>], vector<16xf32>,
      %add3A_136 = arith.addf %add3A_119, %gather3A_135 : vector<16xf32>
      %broadcast_in_dim3A_137 = arith.constant 0 : i32
      %broadcast_in_dim3A_138 = vector.broadcast %broadcast_in_dim3A_137 : i32 to vector<16xi32>
      %mul3A_139 = arith.constant 8 : i32
      %mul3A_140 = arith.muli %scan3A_104, %mul3A_139 : i32
      %add3A_141 = arith.constant 2 : i32
      %add3A_142 = arith.addi %mul3A_140, %add3A_141 : i32
      %add3A_143 = vector.broadcast %add3A_142 : i32 to vector<16xi32>
      %add3A_144 = arith.addi %broadcast_in_dim3A_138, %add3A_143 : vector<16xi32>
      %gather3A_145 = tpu.vector_load_idx %arg6[%add3A_144, %add3A_78] : memref<200x128xi32, #tpu.memory_space<vmem>>[vector<16xi32>, vector<16xi32>], vector<16xi32>,
      %shift_right_arithmetic3A_146 = arith.constant 7 : i32
      %shift_right_arithmetic3A_147 = vector.broadcast %shift_right_arithmetic3A_146 : i32 to vector<16xi32>
      %shift_right_arithmetic3A_148 = arith.shrsi %gather3A_145, %shift_right_arithmetic3A_147 : vector<16xi32>
      %and3A_149 = arith.constant 127 : i32
      %and3A_150 = vector.broadcast %and3A_149 : i32 to vector<16xi32>
      %and3A_151 = arith.andi %gather3A_145, %and3A_150 : vector<16xi32>
      %gather3A_152 = tpu.vector_load_idx %arg5[%shift_right_arithmetic3A_148, %and3A_151] : memref<800x128xf32, #tpu.memory_space<vmem>>[vector<16xi32>, vector<16xi32>], vector<16xf32>,
      %add3A_153 = arith.addf %add3A_136, %gather3A_152 : vector<16xf32>
      %broadcast_in_dim3A_154 = arith.constant 0 : i32
      %broadcast_in_dim3A_155 = vector.broadcast %broadcast_in_dim3A_154 : i32 to vector<16xi32>
      %mul3A_156 = arith.constant 8 : i32
      %mul3A_157 = arith.muli %scan3A_104, %mul3A_156 : i32
      %add3A_158 = arith.constant 3 : i32
      %add3A_159 = arith.addi %mul3A_157, %add3A_158 : i32
      %add3A_160 = vector.broadcast %add3A_159 : i32 to vector<16xi32>
      %add3A_161 = arith.addi %broadcast_in_dim3A_155, %add3A_160 : vector<16xi32>
      %gather3A_162 = tpu.vector_load_idx %arg6[%add3A_161, %add3A_78] : memref<200x128xi32, #tpu.memory_space<vmem>>[vector<16xi32>, vector<16xi32>], vector<16xi32>,
      %shift_right_arithmetic3A_163 = arith.constant 7 : i32
      %shift_right_arithmetic3A_164 = vector.broadcast %shift_right_arithmetic3A_163 : i32 to vector<16xi32>
      %shift_right_arithmetic3A_165 = arith.shrsi %gather3A_162, %shift_right_arithmetic3A_164 : vector<16xi32>
      %and3A_166 = arith.constant 127 : i32
      %and3A_167 = vector.broadcast %and3A_166 : i32 to vector<16xi32>
      %and3A_168 = arith.andi %gather3A_162, %and3A_167 : vector<16xi32>
      %gather3A_169 = tpu.vector_load_idx %arg5[%shift_right_arithmetic3A_165, %and3A_168] : memref<800x128xf32, #tpu.memory_space<vmem>>[vector<16xi32>, vector<16xi32>], vector<16xf32>,
      %add3A_170 = arith.addf %add3A_153, %gather3A_169 : vector<16xf32>
      %broadcast_in_dim3A_171 = arith.constant 0 : i32
      %broadcast_in_dim3A_172 = vector.broadcast %broadcast_in_dim3A_171 : i32 to vector<16xi32>
      %mul3A_173 = arith.constant 8 : i32
      %mul3A_174 = arith.muli %scan3A_104, %mul3A_173 : i32
      %add3A_175 = arith.constant 4 : i32
      %add3A_176 = arith.addi %mul3A_174, %add3A_175 : i32
      %add3A_177 = vector.broadcast %add3A_176 : i32 to vector<16xi32>
      %add3A_178 = arith.addi %broadcast_in_dim3A_172, %add3A_177 : vector<16xi32>
      %gather3A_179 = tpu.vector_load_idx %arg6[%add3A_178, %add3A_78] : memref<200x128xi32, #tpu.memory_space<vmem>>[vector<16xi32>, vector<16xi32>], vector<16xi32>,
      %shift_right_arithmetic3A_180 = arith.constant 7 : i32
      %shift_right_arithmetic3A_181 = vector.broadcast %shift_right_arithmetic3A_180 : i32 to vector<16xi32>
      %shift_right_arithmetic3A_182 = arith.shrsi %gather3A_179, %shift_right_arithmetic3A_181 : vector<16xi32>
      %and3A_183 = arith.constant 127 : i32
      %and3A_184 = vector.broadcast %and3A_183 : i32 to vector<16xi32>
      %and3A_185 = arith.andi %gather3A_179, %and3A_184 : vector<16xi32>
      %gather3A_186 = tpu.vector_load_idx %arg5[%shift_right_arithmetic3A_182, %and3A_185] : memref<800x128xf32, #tpu.memory_space<vmem>>[vector<16xi32>, vector<16xi32>], vector<16xf32>,
      %add3A_187 = arith.addf %add3A_170, %gather3A_186 : vector<16xf32>
      %broadcast_in_dim3A_188 = arith.constant 0 : i32
      %broadcast_in_dim3A_189 = vector.broadcast %broadcast_in_dim3A_188 : i32 to vector<16xi32>
      %mul3A_190 = arith.constant 8 : i32
      %mul3A_191 = arith.muli %scan3A_104, %mul3A_190 : i32
      %add3A_192 = arith.constant 5 : i32
      %add3A_193 = arith.addi %mul3A_191, %add3A_192 : i32
      %add3A_194 = vector.broadcast %add3A_193 : i32 to vector<16xi32>
      %add3A_195 = arith.addi %broadcast_in_dim3A_189, %add3A_194 : vector<16xi32>
      %gather3A_196 = tpu.vector_load_idx %arg6[%add3A_195, %add3A_78] : memref<200x128xi32, #tpu.memory_space<vmem>>[vector<16xi32>, vector<16xi32>], vector<16xi32>,
      %shift_right_arithmetic3A_197 = arith.constant 7 : i32
      %shift_right_arithmetic3A_198 = vector.broadcast %shift_right_arithmetic3A_197 : i32 to vector<16xi32>
      %shift_right_arithmetic3A_199 = arith.shrsi %gather3A_196, %shift_right_arithmetic3A_198 : vector<16xi32>
      %and3A_200 = arith.constant 127 : i32
      %and3A_201 = vector.broadcast %and3A_200 : i32 to vector<16xi32>
      %and3A_202 = arith.andi %gather3A_196, %and3A_201 : vector<16xi32>
      %gather3A_203 = tpu.vector_load_idx %arg5[%shift_right_arithmetic3A_199, %and3A_202] : memref<800x128xf32, #tpu.memory_space<vmem>>[vector<16xi32>, vector<16xi32>], vector<16xf32>,
      %add3A_204 = arith.addf %add3A_187, %gather3A_203 : vector<16xf32>
      %broadcast_in_dim3A_205 = arith.constant 0 : i32
      %broadcast_in_dim3A_206 = vector.broadcast %broadcast_in_dim3A_205 : i32 to vector<16xi32>
      %mul3A_207 = arith.constant 8 : i32
      %mul3A_208 = arith.muli %scan3A_104, %mul3A_207 : i32
      %add3A_209 = arith.constant 6 : i32
      %add3A_210 = arith.addi %mul3A_208, %add3A_209 : i32
      %add3A_211 = vector.broadcast %add3A_210 : i32 to vector<16xi32>
      %add3A_212 = arith.addi %broadcast_in_dim3A_206, %add3A_211 : vector<16xi32>
      %gather3A_213 = tpu.vector_load_idx %arg6[%add3A_212, %add3A_78] : memref<200x128xi32, #tpu.memory_space<vmem>>[vector<16xi32>, vector<16xi32>], vector<16xi32>,
      %shift_right_arithmetic3A_214 = arith.constant 7 : i32
      %shift_right_arithmetic3A_215 = vector.broadcast %shift_right_arithmetic3A_214 : i32 to vector<16xi32>
      %shift_right_arithmetic3A_216 = arith.shrsi %gather3A_213, %shift_right_arithmetic3A_215 : vector<16xi32>
      %and3A_217 = arith.constant 127 : i32
      %and3A_218 = vector.broadcast %and3A_217 : i32 to vector<16xi32>
      %and3A_219 = arith.andi %gather3A_213, %and3A_218 : vector<16xi32>
      %gather3A_220 = tpu.vector_load_idx %arg5[%shift_right_arithmetic3A_216, %and3A_219] : memref<800x128xf32, #tpu.memory_space<vmem>>[vector<16xi32>, vector<16xi32>], vector<16xf32>,
      %add3A_221 = arith.addf %add3A_204, %gather3A_220 : vector<16xf32>
      %broadcast_in_dim3A_222 = arith.constant 0 : i32
      %broadcast_in_dim3A_223 = vector.broadcast %broadcast_in_dim3A_222 : i32 to vector<16xi32>
      %mul3A_224 = arith.constant 8 : i32
      %mul3A_225 = arith.muli %scan3A_104, %mul3A_224 : i32
      %add3A_226 = arith.constant 7 : i32
      %add3A_227 = arith.addi %mul3A_225, %add3A_226 : i32
      %add3A_228 = vector.broadcast %add3A_227 : i32 to vector<16xi32>
      %add3A_229 = arith.addi %broadcast_in_dim3A_223, %add3A_228 : vector<16xi32>
      %gather3A_230 = tpu.vector_load_idx %arg6[%add3A_229, %add3A_78] : memref<200x128xi32, #tpu.memory_space<vmem>>[vector<16xi32>, vector<16xi32>], vector<16xi32>,
      %shift_right_arithmetic3A_231 = arith.constant 7 : i32
      %shift_right_arithmetic3A_232 = vector.broadcast %shift_right_arithmetic3A_231 : i32 to vector<16xi32>
      %shift_right_arithmetic3A_233 = arith.shrsi %gather3A_230, %shift_right_arithmetic3A_232 : vector<16xi32>
      %and3A_234 = arith.constant 127 : i32
      %and3A_235 = vector.broadcast %and3A_234 : i32 to vector<16xi32>
      %and3A_236 = arith.andi %gather3A_230, %and3A_235 : vector<16xi32>
      %gather3A_237 = tpu.vector_load_idx %arg5[%shift_right_arithmetic3A_233, %and3A_236] : memref<800x128xf32, #tpu.memory_space<vmem>>[vector<16xi32>, vector<16xi32>], vector<16xf32>,
      %add3A_238 = arith.addf %add3A_221, %gather3A_237 : vector<16xf32>
      scf.yield %add3A_238 : vector<16xf32>
    }
    %scan3A_86 = arith.constant 25 : i32
    %swap3A_87 = arith.constant 96 : index
    %swap3A_88 = tpu.vector_load %arg7[%swap3A_87] {strides = array<i32>} : memref<128xf32, #tpu.memory_space<vmem>>, vector<16xf32>,
    tpu.vector_store %arg7[%swap3A_87], %scan3A_85 {strides = array<i32>} : memref<128xf32, #tpu.memory_space<vmem>>, vector<16xf32>,
    %add3A_89 = arith.constant 112 : i32
    %add3A_90 = vector.broadcast %add3A_89 : i32 to vector<16xi32>
    %add3A_91 = arith.addi %iota3A, %add3A_90 : vector<16xi32>
    %broadcast_in_dim3A_92 = arith.constant 0.000000e+00 : f32
    %broadcast_in_dim3A_93 = vector.broadcast %broadcast_in_dim3A_92 : f32 to vector<16xf32>
    %scan3A_94 = arith.constant 0 : i32
    %scan3A_95 = arith.constant 25 : i32
    %scan3A_96 = arith.addi %scan3A_94, %scan3A_95 : i32
    %scan3A_97 = arith.constant 1 : i32
    %scan3A_98 = scf.for %scan3A_104 = %scan3A_94 to %scan3A_96 step %scan3A_97 iter_args(%scan3A_105 = %broadcast_in_dim3A_93) -> (vector<16xf32>)  : i32 {
      %broadcast_in_dim3A_106 = arith.constant 0 : i32
      %broadcast_in_dim3A_107 = vector.broadcast %broadcast_in_dim3A_106 : i32 to vector<16xi32>
      %mul3A_108 = arith.constant 8 : i32
      %mul3A_109 = arith.muli %scan3A_104, %mul3A_108 : i32
      %add3A_110 = arith.constant 0 : i32
      %add3A_111 = arith.addi %mul3A_109, %add3A_110 : i32
      %add3A_112 = vector.broadcast %add3A_111 : i32 to vector<16xi32>
      %add3A_113 = arith.addi %broadcast_in_dim3A_107, %add3A_112 : vector<16xi32>
      %gather3A = tpu.vector_load_idx %arg6[%add3A_113, %add3A_91] : memref<200x128xi32, #tpu.memory_space<vmem>>[vector<16xi32>, vector<16xi32>], vector<16xi32>,
      %shift_right_arithmetic3A = arith.constant 7 : i32
      %shift_right_arithmetic3A_114 = vector.broadcast %shift_right_arithmetic3A : i32 to vector<16xi32>
      %shift_right_arithmetic3A_115 = arith.shrsi %gather3A, %shift_right_arithmetic3A_114 : vector<16xi32>
      %and3A = arith.constant 127 : i32
      %and3A_116 = vector.broadcast %and3A : i32 to vector<16xi32>
      %and3A_117 = arith.andi %gather3A, %and3A_116 : vector<16xi32>
      %gather3A_118 = tpu.vector_load_idx %arg5[%shift_right_arithmetic3A_115, %and3A_117] : memref<800x128xf32, #tpu.memory_space<vmem>>[vector<16xi32>, vector<16xi32>], vector<16xf32>,
      %add3A_119 = arith.addf %scan3A_105, %gather3A_118 : vector<16xf32>
      %broadcast_in_dim3A_120 = arith.constant 0 : i32
      %broadcast_in_dim3A_121 = vector.broadcast %broadcast_in_dim3A_120 : i32 to vector<16xi32>
      %mul3A_122 = arith.constant 8 : i32
      %mul3A_123 = arith.muli %scan3A_104, %mul3A_122 : i32
      %add3A_124 = arith.constant 1 : i32
      %add3A_125 = arith.addi %mul3A_123, %add3A_124 : i32
      %add3A_126 = vector.broadcast %add3A_125 : i32 to vector<16xi32>
      %add3A_127 = arith.addi %broadcast_in_dim3A_121, %add3A_126 : vector<16xi32>
      %gather3A_128 = tpu.vector_load_idx %arg6[%add3A_127, %add3A_91] : memref<200x128xi32, #tpu.memory_space<vmem>>[vector<16xi32>, vector<16xi32>], vector<16xi32>,
      %shift_right_arithmetic3A_129 = arith.constant 7 : i32
      %shift_right_arithmetic3A_130 = vector.broadcast %shift_right_arithmetic3A_129 : i32 to vector<16xi32>
      %shift_right_arithmetic3A_131 = arith.shrsi %gather3A_128, %shift_right_arithmetic3A_130 : vector<16xi32>
      %and3A_132 = arith.constant 127 : i32
      %and3A_133 = vector.broadcast %and3A_132 : i32 to vector<16xi32>
      %and3A_134 = arith.andi %gather3A_128, %and3A_133 : vector<16xi32>
      %gather3A_135 = tpu.vector_load_idx %arg5[%shift_right_arithmetic3A_131, %and3A_134] : memref<800x128xf32, #tpu.memory_space<vmem>>[vector<16xi32>, vector<16xi32>], vector<16xf32>,
      %add3A_136 = arith.addf %add3A_119, %gather3A_135 : vector<16xf32>
      %broadcast_in_dim3A_137 = arith.constant 0 : i32
      %broadcast_in_dim3A_138 = vector.broadcast %broadcast_in_dim3A_137 : i32 to vector<16xi32>
      %mul3A_139 = arith.constant 8 : i32
      %mul3A_140 = arith.muli %scan3A_104, %mul3A_139 : i32
      %add3A_141 = arith.constant 2 : i32
      %add3A_142 = arith.addi %mul3A_140, %add3A_141 : i32
      %add3A_143 = vector.broadcast %add3A_142 : i32 to vector<16xi32>
      %add3A_144 = arith.addi %broadcast_in_dim3A_138, %add3A_143 : vector<16xi32>
      %gather3A_145 = tpu.vector_load_idx %arg6[%add3A_144, %add3A_91] : memref<200x128xi32, #tpu.memory_space<vmem>>[vector<16xi32>, vector<16xi32>], vector<16xi32>,
      %shift_right_arithmetic3A_146 = arith.constant 7 : i32
      %shift_right_arithmetic3A_147 = vector.broadcast %shift_right_arithmetic3A_146 : i32 to vector<16xi32>
      %shift_right_arithmetic3A_148 = arith.shrsi %gather3A_145, %shift_right_arithmetic3A_147 : vector<16xi32>
      %and3A_149 = arith.constant 127 : i32
      %and3A_150 = vector.broadcast %and3A_149 : i32 to vector<16xi32>
      %and3A_151 = arith.andi %gather3A_145, %and3A_150 : vector<16xi32>
      %gather3A_152 = tpu.vector_load_idx %arg5[%shift_right_arithmetic3A_148, %and3A_151] : memref<800x128xf32, #tpu.memory_space<vmem>>[vector<16xi32>, vector<16xi32>], vector<16xf32>,
      %add3A_153 = arith.addf %add3A_136, %gather3A_152 : vector<16xf32>
      %broadcast_in_dim3A_154 = arith.constant 0 : i32
      %broadcast_in_dim3A_155 = vector.broadcast %broadcast_in_dim3A_154 : i32 to vector<16xi32>
      %mul3A_156 = arith.constant 8 : i32
      %mul3A_157 = arith.muli %scan3A_104, %mul3A_156 : i32
      %add3A_158 = arith.constant 3 : i32
      %add3A_159 = arith.addi %mul3A_157, %add3A_158 : i32
      %add3A_160 = vector.broadcast %add3A_159 : i32 to vector<16xi32>
      %add3A_161 = arith.addi %broadcast_in_dim3A_155, %add3A_160 : vector<16xi32>
      %gather3A_162 = tpu.vector_load_idx %arg6[%add3A_161, %add3A_91] : memref<200x128xi32, #tpu.memory_space<vmem>>[vector<16xi32>, vector<16xi32>], vector<16xi32>,
      %shift_right_arithmetic3A_163 = arith.constant 7 : i32
      %shift_right_arithmetic3A_164 = vector.broadcast %shift_right_arithmetic3A_163 : i32 to vector<16xi32>
      %shift_right_arithmetic3A_165 = arith.shrsi %gather3A_162, %shift_right_arithmetic3A_164 : vector<16xi32>
      %and3A_166 = arith.constant 127 : i32
      %and3A_167 = vector.broadcast %and3A_166 : i32 to vector<16xi32>
      %and3A_168 = arith.andi %gather3A_162, %and3A_167 : vector<16xi32>
      %gather3A_169 = tpu.vector_load_idx %arg5[%shift_right_arithmetic3A_165, %and3A_168] : memref<800x128xf32, #tpu.memory_space<vmem>>[vector<16xi32>, vector<16xi32>], vector<16xf32>,
      %add3A_170 = arith.addf %add3A_153, %gather3A_169 : vector<16xf32>
      %broadcast_in_dim3A_171 = arith.constant 0 : i32
      %broadcast_in_dim3A_172 = vector.broadcast %broadcast_in_dim3A_171 : i32 to vector<16xi32>
      %mul3A_173 = arith.constant 8 : i32
      %mul3A_174 = arith.muli %scan3A_104, %mul3A_173 : i32
      %add3A_175 = arith.constant 4 : i32
      %add3A_176 = arith.addi %mul3A_174, %add3A_175 : i32
      %add3A_177 = vector.broadcast %add3A_176 : i32 to vector<16xi32>
      %add3A_178 = arith.addi %broadcast_in_dim3A_172, %add3A_177 : vector<16xi32>
      %gather3A_179 = tpu.vector_load_idx %arg6[%add3A_178, %add3A_91] : memref<200x128xi32, #tpu.memory_space<vmem>>[vector<16xi32>, vector<16xi32>], vector<16xi32>,
      %shift_right_arithmetic3A_180 = arith.constant 7 : i32
      %shift_right_arithmetic3A_181 = vector.broadcast %shift_right_arithmetic3A_180 : i32 to vector<16xi32>
      %shift_right_arithmetic3A_182 = arith.shrsi %gather3A_179, %shift_right_arithmetic3A_181 : vector<16xi32>
      %and3A_183 = arith.constant 127 : i32
      %and3A_184 = vector.broadcast %and3A_183 : i32 to vector<16xi32>
      %and3A_185 = arith.andi %gather3A_179, %and3A_184 : vector<16xi32>
      %gather3A_186 = tpu.vector_load_idx %arg5[%shift_right_arithmetic3A_182, %and3A_185] : memref<800x128xf32, #tpu.memory_space<vmem>>[vector<16xi32>, vector<16xi32>], vector<16xf32>,
      %add3A_187 = arith.addf %add3A_170, %gather3A_186 : vector<16xf32>
      %broadcast_in_dim3A_188 = arith.constant 0 : i32
      %broadcast_in_dim3A_189 = vector.broadcast %broadcast_in_dim3A_188 : i32 to vector<16xi32>
      %mul3A_190 = arith.constant 8 : i32
      %mul3A_191 = arith.muli %scan3A_104, %mul3A_190 : i32
      %add3A_192 = arith.constant 5 : i32
      %add3A_193 = arith.addi %mul3A_191, %add3A_192 : i32
      %add3A_194 = vector.broadcast %add3A_193 : i32 to vector<16xi32>
      %add3A_195 = arith.addi %broadcast_in_dim3A_189, %add3A_194 : vector<16xi32>
      %gather3A_196 = tpu.vector_load_idx %arg6[%add3A_195, %add3A_91] : memref<200x128xi32, #tpu.memory_space<vmem>>[vector<16xi32>, vector<16xi32>], vector<16xi32>,
      %shift_right_arithmetic3A_197 = arith.constant 7 : i32
      %shift_right_arithmetic3A_198 = vector.broadcast %shift_right_arithmetic3A_197 : i32 to vector<16xi32>
      %shift_right_arithmetic3A_199 = arith.shrsi %gather3A_196, %shift_right_arithmetic3A_198 : vector<16xi32>
      %and3A_200 = arith.constant 127 : i32
      %and3A_201 = vector.broadcast %and3A_200 : i32 to vector<16xi32>
      %and3A_202 = arith.andi %gather3A_196, %and3A_201 : vector<16xi32>
      %gather3A_203 = tpu.vector_load_idx %arg5[%shift_right_arithmetic3A_199, %and3A_202] : memref<800x128xf32, #tpu.memory_space<vmem>>[vector<16xi32>, vector<16xi32>], vector<16xf32>,
      %add3A_204 = arith.addf %add3A_187, %gather3A_203 : vector<16xf32>
      %broadcast_in_dim3A_205 = arith.constant 0 : i32
      %broadcast_in_dim3A_206 = vector.broadcast %broadcast_in_dim3A_205 : i32 to vector<16xi32>
      %mul3A_207 = arith.constant 8 : i32
      %mul3A_208 = arith.muli %scan3A_104, %mul3A_207 : i32
      %add3A_209 = arith.constant 6 : i32
      %add3A_210 = arith.addi %mul3A_208, %add3A_209 : i32
      %add3A_211 = vector.broadcast %add3A_210 : i32 to vector<16xi32>
      %add3A_212 = arith.addi %broadcast_in_dim3A_206, %add3A_211 : vector<16xi32>
      %gather3A_213 = tpu.vector_load_idx %arg6[%add3A_212, %add3A_91] : memref<200x128xi32, #tpu.memory_space<vmem>>[vector<16xi32>, vector<16xi32>], vector<16xi32>,
      %shift_right_arithmetic3A_214 = arith.constant 7 : i32
      %shift_right_arithmetic3A_215 = vector.broadcast %shift_right_arithmetic3A_214 : i32 to vector<16xi32>
      %shift_right_arithmetic3A_216 = arith.shrsi %gather3A_213, %shift_right_arithmetic3A_215 : vector<16xi32>
      %and3A_217 = arith.constant 127 : i32
      %and3A_218 = vector.broadcast %and3A_217 : i32 to vector<16xi32>
      %and3A_219 = arith.andi %gather3A_213, %and3A_218 : vector<16xi32>
      %gather3A_220 = tpu.vector_load_idx %arg5[%shift_right_arithmetic3A_216, %and3A_219] : memref<800x128xf32, #tpu.memory_space<vmem>>[vector<16xi32>, vector<16xi32>], vector<16xf32>,
      %add3A_221 = arith.addf %add3A_204, %gather3A_220 : vector<16xf32>
      %broadcast_in_dim3A_222 = arith.constant 0 : i32
      %broadcast_in_dim3A_223 = vector.broadcast %broadcast_in_dim3A_222 : i32 to vector<16xi32>
      %mul3A_224 = arith.constant 8 : i32
      %mul3A_225 = arith.muli %scan3A_104, %mul3A_224 : i32
      %add3A_226 = arith.constant 7 : i32
      %add3A_227 = arith.addi %mul3A_225, %add3A_226 : i32
      %add3A_228 = vector.broadcast %add3A_227 : i32 to vector<16xi32>
      %add3A_229 = arith.addi %broadcast_in_dim3A_223, %add3A_228 : vector<16xi32>
      %gather3A_230 = tpu.vector_load_idx %arg6[%add3A_229, %add3A_91] : memref<200x128xi32, #tpu.memory_space<vmem>>[vector<16xi32>, vector<16xi32>], vector<16xi32>,
      %shift_right_arithmetic3A_231 = arith.constant 7 : i32
      %shift_right_arithmetic3A_232 = vector.broadcast %shift_right_arithmetic3A_231 : i32 to vector<16xi32>
      %shift_right_arithmetic3A_233 = arith.shrsi %gather3A_230, %shift_right_arithmetic3A_232 : vector<16xi32>
      %and3A_234 = arith.constant 127 : i32
      %and3A_235 = vector.broadcast %and3A_234 : i32 to vector<16xi32>
      %and3A_236 = arith.andi %gather3A_230, %and3A_235 : vector<16xi32>
      %gather3A_237 = tpu.vector_load_idx %arg5[%shift_right_arithmetic3A_233, %and3A_236] : memref<800x128xf32, #tpu.memory_space<vmem>>[vector<16xi32>, vector<16xi32>], vector<16xf32>,
      %add3A_238 = arith.addf %add3A_221, %gather3A_237 : vector<16xf32>
      scf.yield %add3A_238 : vector<16xf32>
    }
    %scan3A_99 = arith.constant 25 : i32
    %swap3A_100 = arith.constant 112 : index
    %swap3A_101 = tpu.vector_load %arg7[%swap3A_100] {strides = array<i32>} : memref<128xf32, #tpu.memory_space<vmem>>, vector<16xf32>,
    tpu.vector_store %arg7[%swap3A_100], %scan3A_98 {strides = array<i32>} : memref<128xf32, #tpu.memory_space<vmem>>, vector<16xf32>,
    %mul3A_102 = arith.constant 128 : i32
    %mul3A_103 = arith.muli %add3A, %mul3A_102 : i32
    "tpu.region"() ({
      %run_scoped3A = tpu.sem_alloc : memref<!tpu.dma_semaphore, #tpu.memory_space<semaphore_mem>>
      %dma_start3A = tpu.memref_slice %arg4[%mul3A_103] : memref<4096xf32, #tpu.memory_space<hbm>> -> memref<128xf32, #tpu.memory_space<hbm>>
      %dma_start3A_104 = tpu.memref_slice %arg4[%mul3A_103] : memref<4096xf32, #tpu.memory_space<hbm>> -> memref<128xf32, #tpu.memory_space<hbm>>
      tpu.enqueue_dma source(%arg7 : memref<128xf32, #tpu.memory_space<vmem>>) target(%dma_start3A_104 : memref<128xf32, #tpu.memory_space<hbm>>) target_semaphore(%run_scoped3A : memref<!tpu.dma_semaphore, #tpu.memory_space<semaphore_mem>>)
      %dma_wait3A = tpu.memref_slice %arg4[%mul3A_103] : memref<4096xf32, #tpu.memory_space<hbm>> -> memref<128xf32, #tpu.memory_space<hbm>>
      %dma_wait3A_105 = tpu.memref_slice %arg4[%mul3A_103] : memref<4096xf32, #tpu.memory_space<hbm>> -> memref<128xf32, #tpu.memory_space<hbm>>
      tpu.wait_dma2 semaphore(%run_scoped3A : memref<!tpu.dma_semaphore, #tpu.memory_space<semaphore_mem>>) src(%arg7 : memref<128xf32, #tpu.memory_space<vmem>>) dst(%dma_wait3A_105 : memref<128xf32, #tpu.memory_space<hbm>>)
      tpu.yield
    }) : () -> ()
    return
  }
}

module attributes {stable_mosaic.version = 14 : i64} {
  func.func @_tc_body(%arg0: i32, %arg1: memref<64x25600xf32, #tpu.memory_space<vmem>>, %arg2: memref<64x1xf32, #tpu.memory_space<vmem>>, %arg3: memref<1x1xf32, #tpu.memory_space<vmem>>, %arg4: memref<200x1024xi32, #tpu.memory_space<vmem>>, %arg5: memref<200x128xf32, #tpu.memory_space<vmem>>, %arg6: memref<8x200x128xi32, #tpu.memory_space<vmem>>) attributes {dimension_semantics = [#tpu.dimension_semantics<arbitrary>], iteration_bounds = array<i64: 4>, scalar_prefetch = 0 : i64, scratch_operands = 0 : i64, tpu.core_type = #tpu.core_type<tc>, window_params = [{transform_indices = @transform_0, window_bounds = array<i64: 64, 25600>}, {pipeline_mode = #tpu.pipeline_mode<synchronous>, transform_indices = @transform_1, window_bounds = array<i64: 64, 1>}, {pipeline_mode = #tpu.pipeline_mode<synchronous>, transform_indices = @transform_2, window_bounds = array<i64: 1, 1>}, {transform_indices = @transform_3, window_bounds = array<i64: 200, 1024>}, {transform_indices = @transform_4, window_bounds = array<i64: 200, 128>}, {transform_indices = @transform_5, window_bounds = array<i64: 8, 200, 128>}]} {
    %get3A = arith.constant 0 : index
    %get3A_0 = arith.constant 0 : index
    %get3A_1 = vector.load %arg2[%get3A, %get3A_0] : memref<64x1xf32, #tpu.memory_space<vmem>>, vector<64x1xf32>
    %get3A_2 = arith.constant 0 : index
    %get3A_3 = arith.constant 0 : index
    %get3A_4 = vector.load %arg3[%get3A_2, %get3A_3] : memref<1x1xf32, #tpu.memory_space<vmem>>, vector<1x1xf32>
    %get3A_5 = vector.extract %get3A_4[0, 0] : f32 from vector<1x1xf32>
    %mul3A = arith.constant 5.000000e-03 : f32
    %mul3A_6 = arith.mulf %get3A_5, %mul3A : f32
    %get3A_7 = arith.constant 0 : index
    %get3A_8 = arith.constant 0 : index
    %get3A_9 = vector.load %arg1[%get3A_7, %get3A_8] : memref<64x25600xf32, #tpu.memory_space<vmem>>, vector<64x128xf32>
    %mul3A_10 = vector.broadcast %get3A_1 : vector<64x1xf32> to vector<64x128xf32>
    %mul3A_11 = arith.mulf %get3A_9, %mul3A_10 : vector<64x128xf32>
    %reduce_sum3A = arith.constant dense<0.000000e+00> : vector<128xf32>
    %reduce_sum3A_12 = vector.multi_reduction <add>, %mul3A_11, %reduce_sum3A [0] : vector<64x128xf32> to vector<128xf32>
    %broadcast_in_dim3A = vector.shape_cast %reduce_sum3A_12 : vector<128xf32> to vector<1x128xf32>
    %mul3A_13 = arith.constant 5.000000e-03 : f32
    %mul3A_14 = vector.broadcast %mul3A_13 : f32 to vector<1x128xf32>
    %mul3A_15 = arith.mulf %broadcast_in_dim3A, %mul3A_14 : vector<1x128xf32>
    %get3A_16 = arith.constant 0 : index
    %get3A_17 = arith.constant 128 : index
    %get3A_18 = vector.load %arg1[%get3A_16, %get3A_17] : memref<64x25600xf32, #tpu.memory_space<vmem>>, vector<64x128xf32>
    %mul3A_19 = vector.broadcast %get3A_1 : vector<64x1xf32> to vector<64x128xf32>
    %mul3A_20 = arith.mulf %get3A_18, %mul3A_19 : vector<64x128xf32>
    %reduce_sum3A_21 = arith.constant dense<0.000000e+00> : vector<128xf32>
    %reduce_sum3A_22 = vector.multi_reduction <add>, %mul3A_20, %reduce_sum3A_21 [0] : vector<64x128xf32> to vector<128xf32>
    %broadcast_in_dim3A_23 = vector.shape_cast %reduce_sum3A_22 : vector<128xf32> to vector<1x128xf32>
    %mul3A_24 = arith.constant 5.000000e-03 : f32
    %mul3A_25 = vector.broadcast %mul3A_24 : f32 to vector<1x128xf32>
    %mul3A_26 = arith.mulf %broadcast_in_dim3A_23, %mul3A_25 : vector<1x128xf32>
    %get3A_27 = arith.constant 0 : index
    %get3A_28 = arith.constant 256 : index
    %get3A_29 = vector.load %arg1[%get3A_27, %get3A_28] : memref<64x25600xf32, #tpu.memory_space<vmem>>, vector<64x128xf32>
    %mul3A_30 = vector.broadcast %get3A_1 : vector<64x1xf32> to vector<64x128xf32>
    %mul3A_31 = arith.mulf %get3A_29, %mul3A_30 : vector<64x128xf32>
    %reduce_sum3A_32 = arith.constant dense<0.000000e+00> : vector<128xf32>
    %reduce_sum3A_33 = vector.multi_reduction <add>, %mul3A_31, %reduce_sum3A_32 [0] : vector<64x128xf32> to vector<128xf32>
    %broadcast_in_dim3A_34 = vector.shape_cast %reduce_sum3A_33 : vector<128xf32> to vector<1x128xf32>
    %mul3A_35 = arith.constant 5.000000e-03 : f32
    %mul3A_36 = vector.broadcast %mul3A_35 : f32 to vector<1x128xf32>
    %mul3A_37 = arith.mulf %broadcast_in_dim3A_34, %mul3A_36 : vector<1x128xf32>
    %get3A_38 = arith.constant 0 : index
    %get3A_39 = arith.constant 384 : index
    %get3A_40 = vector.load %arg1[%get3A_38, %get3A_39] : memref<64x25600xf32, #tpu.memory_space<vmem>>, vector<64x128xf32>
    %mul3A_41 = vector.broadcast %get3A_1 : vector<64x1xf32> to vector<64x128xf32>
    %mul3A_42 = arith.mulf %get3A_40, %mul3A_41 : vector<64x128xf32>
    %reduce_sum3A_43 = arith.constant dense<0.000000e+00> : vector<128xf32>
    %reduce_sum3A_44 = vector.multi_reduction <add>, %mul3A_42, %reduce_sum3A_43 [0] : vector<64x128xf32> to vector<128xf32>
    %broadcast_in_dim3A_45 = vector.shape_cast %reduce_sum3A_44 : vector<128xf32> to vector<1x128xf32>
    %mul3A_46 = arith.constant 5.000000e-03 : f32
    %mul3A_47 = vector.broadcast %mul3A_46 : f32 to vector<1x128xf32>
    %mul3A_48 = arith.mulf %broadcast_in_dim3A_45, %mul3A_47 : vector<1x128xf32>
    %get3A_49 = arith.constant 0 : index
    %get3A_50 = arith.constant 512 : index
    %get3A_51 = vector.load %arg1[%get3A_49, %get3A_50] : memref<64x25600xf32, #tpu.memory_space<vmem>>, vector<64x128xf32>
    %mul3A_52 = vector.broadcast %get3A_1 : vector<64x1xf32> to vector<64x128xf32>
    %mul3A_53 = arith.mulf %get3A_51, %mul3A_52 : vector<64x128xf32>
    %reduce_sum3A_54 = arith.constant dense<0.000000e+00> : vector<128xf32>
    %reduce_sum3A_55 = vector.multi_reduction <add>, %mul3A_53, %reduce_sum3A_54 [0] : vector<64x128xf32> to vector<128xf32>
    %broadcast_in_dim3A_56 = vector.shape_cast %reduce_sum3A_55 : vector<128xf32> to vector<1x128xf32>
    %mul3A_57 = arith.constant 5.000000e-03 : f32
    %mul3A_58 = vector.broadcast %mul3A_57 : f32 to vector<1x128xf32>
    %mul3A_59 = arith.mulf %broadcast_in_dim3A_56, %mul3A_58 : vector<1x128xf32>
    %get3A_60 = arith.constant 0 : index
    %get3A_61 = arith.constant 640 : index
    %get3A_62 = vector.load %arg1[%get3A_60, %get3A_61] : memref<64x25600xf32, #tpu.memory_space<vmem>>, vector<64x128xf32>
    %mul3A_63 = vector.broadcast %get3A_1 : vector<64x1xf32> to vector<64x128xf32>
    %mul3A_64 = arith.mulf %get3A_62, %mul3A_63 : vector<64x128xf32>
    %reduce_sum3A_65 = arith.constant dense<0.000000e+00> : vector<128xf32>
    %reduce_sum3A_66 = vector.multi_reduction <add>, %mul3A_64, %reduce_sum3A_65 [0] : vector<64x128xf32> to vector<128xf32>
    %broadcast_in_dim3A_67 = vector.shape_cast %reduce_sum3A_66 : vector<128xf32> to vector<1x128xf32>
    %mul3A_68 = arith.constant 5.000000e-03 : f32
    %mul3A_69 = vector.broadcast %mul3A_68 : f32 to vector<1x128xf32>
    %mul3A_70 = arith.mulf %broadcast_in_dim3A_67, %mul3A_69 : vector<1x128xf32>
    %get3A_71 = arith.constant 0 : index
    %get3A_72 = arith.constant 768 : index
    %get3A_73 = vector.load %arg1[%get3A_71, %get3A_72] : memref<64x25600xf32, #tpu.memory_space<vmem>>, vector<64x128xf32>
    %mul3A_74 = vector.broadcast %get3A_1 : vector<64x1xf32> to vector<64x128xf32>
    %mul3A_75 = arith.mulf %get3A_73, %mul3A_74 : vector<64x128xf32>
    %reduce_sum3A_76 = arith.constant dense<0.000000e+00> : vector<128xf32>
    %reduce_sum3A_77 = vector.multi_reduction <add>, %mul3A_75, %reduce_sum3A_76 [0] : vector<64x128xf32> to vector<128xf32>
    %broadcast_in_dim3A_78 = vector.shape_cast %reduce_sum3A_77 : vector<128xf32> to vector<1x128xf32>
    %mul3A_79 = arith.constant 5.000000e-03 : f32
    %mul3A_80 = vector.broadcast %mul3A_79 : f32 to vector<1x128xf32>
    %mul3A_81 = arith.mulf %broadcast_in_dim3A_78, %mul3A_80 : vector<1x128xf32>
    %get3A_82 = arith.constant 0 : index
    %get3A_83 = arith.constant 896 : index
    %get3A_84 = vector.load %arg1[%get3A_82, %get3A_83] : memref<64x25600xf32, #tpu.memory_space<vmem>>, vector<64x128xf32>
    %mul3A_85 = vector.broadcast %get3A_1 : vector<64x1xf32> to vector<64x128xf32>
    %mul3A_86 = arith.mulf %get3A_84, %mul3A_85 : vector<64x128xf32>
    %reduce_sum3A_87 = arith.constant dense<0.000000e+00> : vector<128xf32>
    %reduce_sum3A_88 = vector.multi_reduction <add>, %mul3A_86, %reduce_sum3A_87 [0] : vector<64x128xf32> to vector<128xf32>
    %broadcast_in_dim3A_89 = vector.shape_cast %reduce_sum3A_88 : vector<128xf32> to vector<1x128xf32>
    %mul3A_90 = arith.constant 5.000000e-03 : f32
    %mul3A_91 = vector.broadcast %mul3A_90 : f32 to vector<1x128xf32>
    %mul3A_92 = arith.mulf %broadcast_in_dim3A_89, %mul3A_91 : vector<1x128xf32>
    %concatenate3A = tpu.concatenate %mul3A_15, %mul3A_26, %mul3A_37, %mul3A_48, %mul3A_59, %mul3A_70, %mul3A_81, %mul3A_92 in 0 : vector<1x128xf32>, vector<1x128xf32>, vector<1x128xf32>, vector<1x128xf32>, vector<1x128xf32>, vector<1x128xf32>, vector<1x128xf32>, vector<1x128xf32> -> vector<8x128xf32>
    %add3A = vector.broadcast %mul3A_6 : f32 to vector<8x128xf32>
    %add3A_93 = arith.addf %concatenate3A, %add3A : vector<8x128xf32>
    %swap3A = arith.constant 0 : index
    %swap3A_94 = arith.constant 0 : index
    %swap3A_95 = vector.load %arg5[%swap3A, %swap3A_94] : memref<200x128xf32, #tpu.memory_space<vmem>>, vector<8x128xf32>
    tpu.vector_store %arg5[%swap3A, %swap3A_94], %add3A_93 {strides = array<i32>} : memref<200x128xf32, #tpu.memory_space<vmem>>, vector<8x128xf32>,
    %get3A_96 = arith.constant 0 : index
    %get3A_97 = arith.constant 1024 : index
    %get3A_98 = vector.load %arg1[%get3A_96, %get3A_97] : memref<64x25600xf32, #tpu.memory_space<vmem>>, vector<64x128xf32>
    %mul3A_99 = vector.broadcast %get3A_1 : vector<64x1xf32> to vector<64x128xf32>
    %mul3A_100 = arith.mulf %get3A_98, %mul3A_99 : vector<64x128xf32>
    %reduce_sum3A_101 = arith.constant dense<0.000000e+00> : vector<128xf32>
    %reduce_sum3A_102 = vector.multi_reduction <add>, %mul3A_100, %reduce_sum3A_101 [0] : vector<64x128xf32> to vector<128xf32>
    %broadcast_in_dim3A_103 = vector.shape_cast %reduce_sum3A_102 : vector<128xf32> to vector<1x128xf32>
    %mul3A_104 = arith.constant 5.000000e-03 : f32
    %mul3A_105 = vector.broadcast %mul3A_104 : f32 to vector<1x128xf32>
    %mul3A_106 = arith.mulf %broadcast_in_dim3A_103, %mul3A_105 : vector<1x128xf32>
    %get3A_107 = arith.constant 0 : index
    %get3A_108 = arith.constant 1152 : index
    %get3A_109 = vector.load %arg1[%get3A_107, %get3A_108] : memref<64x25600xf32, #tpu.memory_space<vmem>>, vector<64x128xf32>
    %mul3A_110 = vector.broadcast %get3A_1 : vector<64x1xf32> to vector<64x128xf32>
    %mul3A_111 = arith.mulf %get3A_109, %mul3A_110 : vector<64x128xf32>
    %reduce_sum3A_112 = arith.constant dense<0.000000e+00> : vector<128xf32>
    %reduce_sum3A_113 = vector.multi_reduction <add>, %mul3A_111, %reduce_sum3A_112 [0] : vector<64x128xf32> to vector<128xf32>
    %broadcast_in_dim3A_114 = vector.shape_cast %reduce_sum3A_113 : vector<128xf32> to vector<1x128xf32>
    %mul3A_115 = arith.constant 5.000000e-03 : f32
    %mul3A_116 = vector.broadcast %mul3A_115 : f32 to vector<1x128xf32>
    %mul3A_117 = arith.mulf %broadcast_in_dim3A_114, %mul3A_116 : vector<1x128xf32>
    %get3A_118 = arith.constant 0 : index
    %get3A_119 = arith.constant 1280 : index
    %get3A_120 = vector.load %arg1[%get3A_118, %get3A_119] : memref<64x25600xf32, #tpu.memory_space<vmem>>, vector<64x128xf32>
    %mul3A_121 = vector.broadcast %get3A_1 : vector<64x1xf32> to vector<64x128xf32>
    %mul3A_122 = arith.mulf %get3A_120, %mul3A_121 : vector<64x128xf32>
    %reduce_sum3A_123 = arith.constant dense<0.000000e+00> : vector<128xf32>
    %reduce_sum3A_124 = vector.multi_reduction <add>, %mul3A_122, %reduce_sum3A_123 [0] : vector<64x128xf32> to vector<128xf32>
    %broadcast_in_dim3A_125 = vector.shape_cast %reduce_sum3A_124 : vector<128xf32> to vector<1x128xf32>
    %mul3A_126 = arith.constant 5.000000e-03 : f32
    %mul3A_127 = vector.broadcast %mul3A_126 : f32 to vector<1x128xf32>
    %mul3A_128 = arith.mulf %broadcast_in_dim3A_125, %mul3A_127 : vector<1x128xf32>
    %get3A_129 = arith.constant 0 : index
    %get3A_130 = arith.constant 1408 : index
    %get3A_131 = vector.load %arg1[%get3A_129, %get3A_130] : memref<64x25600xf32, #tpu.memory_space<vmem>>, vector<64x128xf32>
    %mul3A_132 = vector.broadcast %get3A_1 : vector<64x1xf32> to vector<64x128xf32>
    %mul3A_133 = arith.mulf %get3A_131, %mul3A_132 : vector<64x128xf32>
    %reduce_sum3A_134 = arith.constant dense<0.000000e+00> : vector<128xf32>
    %reduce_sum3A_135 = vector.multi_reduction <add>, %mul3A_133, %reduce_sum3A_134 [0] : vector<64x128xf32> to vector<128xf32>
    %broadcast_in_dim3A_136 = vector.shape_cast %reduce_sum3A_135 : vector<128xf32> to vector<1x128xf32>
    %mul3A_137 = arith.constant 5.000000e-03 : f32
    %mul3A_138 = vector.broadcast %mul3A_137 : f32 to vector<1x128xf32>
    %mul3A_139 = arith.mulf %broadcast_in_dim3A_136, %mul3A_138 : vector<1x128xf32>
    %get3A_140 = arith.constant 0 : index
    %get3A_141 = arith.constant 1536 : index
    %get3A_142 = vector.load %arg1[%get3A_140, %get3A_141] : memref<64x25600xf32, #tpu.memory_space<vmem>>, vector<64x128xf32>
    %mul3A_143 = vector.broadcast %get3A_1 : vector<64x1xf32> to vector<64x128xf32>
    %mul3A_144 = arith.mulf %get3A_142, %mul3A_143 : vector<64x128xf32>
    %reduce_sum3A_145 = arith.constant dense<0.000000e+00> : vector<128xf32>
    %reduce_sum3A_146 = vector.multi_reduction <add>, %mul3A_144, %reduce_sum3A_145 [0] : vector<64x128xf32> to vector<128xf32>
    %broadcast_in_dim3A_147 = vector.shape_cast %reduce_sum3A_146 : vector<128xf32> to vector<1x128xf32>
    %mul3A_148 = arith.constant 5.000000e-03 : f32
    %mul3A_149 = vector.broadcast %mul3A_148 : f32 to vector<1x128xf32>
    %mul3A_150 = arith.mulf %broadcast_in_dim3A_147, %mul3A_149 : vector<1x128xf32>
    %get3A_151 = arith.constant 0 : index
    %get3A_152 = arith.constant 1664 : index
    %get3A_153 = vector.load %arg1[%get3A_151, %get3A_152] : memref<64x25600xf32, #tpu.memory_space<vmem>>, vector<64x128xf32>
    %mul3A_154 = vector.broadcast %get3A_1 : vector<64x1xf32> to vector<64x128xf32>
    %mul3A_155 = arith.mulf %get3A_153, %mul3A_154 : vector<64x128xf32>
    %reduce_sum3A_156 = arith.constant dense<0.000000e+00> : vector<128xf32>
    %reduce_sum3A_157 = vector.multi_reduction <add>, %mul3A_155, %reduce_sum3A_156 [0] : vector<64x128xf32> to vector<128xf32>
    %broadcast_in_dim3A_158 = vector.shape_cast %reduce_sum3A_157 : vector<128xf32> to vector<1x128xf32>
    %mul3A_159 = arith.constant 5.000000e-03 : f32
    %mul3A_160 = vector.broadcast %mul3A_159 : f32 to vector<1x128xf32>
    %mul3A_161 = arith.mulf %broadcast_in_dim3A_158, %mul3A_160 : vector<1x128xf32>
    %get3A_162 = arith.constant 0 : index
    %get3A_163 = arith.constant 1792 : index
    %get3A_164 = vector.load %arg1[%get3A_162, %get3A_163] : memref<64x25600xf32, #tpu.memory_space<vmem>>, vector<64x128xf32>
    %mul3A_165 = vector.broadcast %get3A_1 : vector<64x1xf32> to vector<64x128xf32>
    %mul3A_166 = arith.mulf %get3A_164, %mul3A_165 : vector<64x128xf32>
    %reduce_sum3A_167 = arith.constant dense<0.000000e+00> : vector<128xf32>
    %reduce_sum3A_168 = vector.multi_reduction <add>, %mul3A_166, %reduce_sum3A_167 [0] : vector<64x128xf32> to vector<128xf32>
    %broadcast_in_dim3A_169 = vector.shape_cast %reduce_sum3A_168 : vector<128xf32> to vector<1x128xf32>
    %mul3A_170 = arith.constant 5.000000e-03 : f32
    %mul3A_171 = vector.broadcast %mul3A_170 : f32 to vector<1x128xf32>
    %mul3A_172 = arith.mulf %broadcast_in_dim3A_169, %mul3A_171 : vector<1x128xf32>
    %get3A_173 = arith.constant 0 : index
    %get3A_174 = arith.constant 1920 : index
    %get3A_175 = vector.load %arg1[%get3A_173, %get3A_174] : memref<64x25600xf32, #tpu.memory_space<vmem>>, vector<64x128xf32>
    %mul3A_176 = vector.broadcast %get3A_1 : vector<64x1xf32> to vector<64x128xf32>
    %mul3A_177 = arith.mulf %get3A_175, %mul3A_176 : vector<64x128xf32>
    %reduce_sum3A_178 = arith.constant dense<0.000000e+00> : vector<128xf32>
    %reduce_sum3A_179 = vector.multi_reduction <add>, %mul3A_177, %reduce_sum3A_178 [0] : vector<64x128xf32> to vector<128xf32>
    %broadcast_in_dim3A_180 = vector.shape_cast %reduce_sum3A_179 : vector<128xf32> to vector<1x128xf32>
    %mul3A_181 = arith.constant 5.000000e-03 : f32
    %mul3A_182 = vector.broadcast %mul3A_181 : f32 to vector<1x128xf32>
    %mul3A_183 = arith.mulf %broadcast_in_dim3A_180, %mul3A_182 : vector<1x128xf32>
    %concatenate3A_184 = tpu.concatenate %mul3A_106, %mul3A_117, %mul3A_128, %mul3A_139, %mul3A_150, %mul3A_161, %mul3A_172, %mul3A_183 in 0 : vector<1x128xf32>, vector<1x128xf32>, vector<1x128xf32>, vector<1x128xf32>, vector<1x128xf32>, vector<1x128xf32>, vector<1x128xf32>, vector<1x128xf32> -> vector<8x128xf32>
    %add3A_185 = vector.broadcast %mul3A_6 : f32 to vector<8x128xf32>
    %add3A_186 = arith.addf %concatenate3A_184, %add3A_185 : vector<8x128xf32>
    %swap3A_187 = arith.constant 8 : index
    %swap3A_188 = arith.constant 0 : index
    %swap3A_189 = vector.load %arg5[%swap3A_187, %swap3A_188] : memref<200x128xf32, #tpu.memory_space<vmem>>, vector<8x128xf32>
    tpu.vector_store %arg5[%swap3A_187, %swap3A_188], %add3A_186 {strides = array<i32>} : memref<200x128xf32, #tpu.memory_space<vmem>>, vector<8x128xf32>,
    %get3A_190 = arith.constant 0 : index
    %get3A_191 = arith.constant 2048 : index
    %get3A_192 = vector.load %arg1[%get3A_190, %get3A_191] : memref<64x25600xf32, #tpu.memory_space<vmem>>, vector<64x128xf32>
    %mul3A_193 = vector.broadcast %get3A_1 : vector<64x1xf32> to vector<64x128xf32>
    %mul3A_194 = arith.mulf %get3A_192, %mul3A_193 : vector<64x128xf32>
    %reduce_sum3A_195 = arith.constant dense<0.000000e+00> : vector<128xf32>
    %reduce_sum3A_196 = vector.multi_reduction <add>, %mul3A_194, %reduce_sum3A_195 [0] : vector<64x128xf32> to vector<128xf32>
    %broadcast_in_dim3A_197 = vector.shape_cast %reduce_sum3A_196 : vector<128xf32> to vector<1x128xf32>
    %mul3A_198 = arith.constant 5.000000e-03 : f32
    %mul3A_199 = vector.broadcast %mul3A_198 : f32 to vector<1x128xf32>
    %mul3A_200 = arith.mulf %broadcast_in_dim3A_197, %mul3A_199 : vector<1x128xf32>
    %get3A_201 = arith.constant 0 : index
    %get3A_202 = arith.constant 2176 : index
    %get3A_203 = vector.load %arg1[%get3A_201, %get3A_202] : memref<64x25600xf32, #tpu.memory_space<vmem>>, vector<64x128xf32>
    %mul3A_204 = vector.broadcast %get3A_1 : vector<64x1xf32> to vector<64x128xf32>
    %mul3A_205 = arith.mulf %get3A_203, %mul3A_204 : vector<64x128xf32>
    %reduce_sum3A_206 = arith.constant dense<0.000000e+00> : vector<128xf32>
    %reduce_sum3A_207 = vector.multi_reduction <add>, %mul3A_205, %reduce_sum3A_206 [0] : vector<64x128xf32> to vector<128xf32>
    %broadcast_in_dim3A_208 = vector.shape_cast %reduce_sum3A_207 : vector<128xf32> to vector<1x128xf32>
    %mul3A_209 = arith.constant 5.000000e-03 : f32
    %mul3A_210 = vector.broadcast %mul3A_209 : f32 to vector<1x128xf32>
    %mul3A_211 = arith.mulf %broadcast_in_dim3A_208, %mul3A_210 : vector<1x128xf32>
    %get3A_212 = arith.constant 0 : index
    %get3A_213 = arith.constant 2304 : index
    %get3A_214 = vector.load %arg1[%get3A_212, %get3A_213] : memref<64x25600xf32, #tpu.memory_space<vmem>>, vector<64x128xf32>
    %mul3A_215 = vector.broadcast %get3A_1 : vector<64x1xf32> to vector<64x128xf32>
    %mul3A_216 = arith.mulf %get3A_214, %mul3A_215 : vector<64x128xf32>
    %reduce_sum3A_217 = arith.constant dense<0.000000e+00> : vector<128xf32>
    %reduce_sum3A_218 = vector.multi_reduction <add>, %mul3A_216, %reduce_sum3A_217 [0] : vector<64x128xf32> to vector<128xf32>
    %broadcast_in_dim3A_219 = vector.shape_cast %reduce_sum3A_218 : vector<128xf32> to vector<1x128xf32>
    %mul3A_220 = arith.constant 5.000000e-03 : f32
    %mul3A_221 = vector.broadcast %mul3A_220 : f32 to vector<1x128xf32>
    %mul3A_222 = arith.mulf %broadcast_in_dim3A_219, %mul3A_221 : vector<1x128xf32>
    %get3A_223 = arith.constant 0 : index
    %get3A_224 = arith.constant 2432 : index
    %get3A_225 = vector.load %arg1[%get3A_223, %get3A_224] : memref<64x25600xf32, #tpu.memory_space<vmem>>, vector<64x128xf32>
    %mul3A_226 = vector.broadcast %get3A_1 : vector<64x1xf32> to vector<64x128xf32>
    %mul3A_227 = arith.mulf %get3A_225, %mul3A_226 : vector<64x128xf32>
    %reduce_sum3A_228 = arith.constant dense<0.000000e+00> : vector<128xf32>
    %reduce_sum3A_229 = vector.multi_reduction <add>, %mul3A_227, %reduce_sum3A_228 [0] : vector<64x128xf32> to vector<128xf32>
    %broadcast_in_dim3A_230 = vector.shape_cast %reduce_sum3A_229 : vector<128xf32> to vector<1x128xf32>
    %mul3A_231 = arith.constant 5.000000e-03 : f32
    %mul3A_232 = vector.broadcast %mul3A_231 : f32 to vector<1x128xf32>
    %mul3A_233 = arith.mulf %broadcast_in_dim3A_230, %mul3A_232 : vector<1x128xf32>
    %get3A_234 = arith.constant 0 : index
    %get3A_235 = arith.constant 2560 : index
    %get3A_236 = vector.load %arg1[%get3A_234, %get3A_235] : memref<64x25600xf32, #tpu.memory_space<vmem>>, vector<64x128xf32>
    %mul3A_237 = vector.broadcast %get3A_1 : vector<64x1xf32> to vector<64x128xf32>
    %mul3A_238 = arith.mulf %get3A_236, %mul3A_237 : vector<64x128xf32>
    %reduce_sum3A_239 = arith.constant dense<0.000000e+00> : vector<128xf32>
    %reduce_sum3A_240 = vector.multi_reduction <add>, %mul3A_238, %reduce_sum3A_239 [0] : vector<64x128xf32> to vector<128xf32>
    %broadcast_in_dim3A_241 = vector.shape_cast %reduce_sum3A_240 : vector<128xf32> to vector<1x128xf32>
    %mul3A_242 = arith.constant 5.000000e-03 : f32
    %mul3A_243 = vector.broadcast %mul3A_242 : f32 to vector<1x128xf32>
    %mul3A_244 = arith.mulf %broadcast_in_dim3A_241, %mul3A_243 : vector<1x128xf32>
    %get3A_245 = arith.constant 0 : index
    %get3A_246 = arith.constant 2688 : index
    %get3A_247 = vector.load %arg1[%get3A_245, %get3A_246] : memref<64x25600xf32, #tpu.memory_space<vmem>>, vector<64x128xf32>
    %mul3A_248 = vector.broadcast %get3A_1 : vector<64x1xf32> to vector<64x128xf32>
    %mul3A_249 = arith.mulf %get3A_247, %mul3A_248 : vector<64x128xf32>
    %reduce_sum3A_250 = arith.constant dense<0.000000e+00> : vector<128xf32>
    %reduce_sum3A_251 = vector.multi_reduction <add>, %mul3A_249, %reduce_sum3A_250 [0] : vector<64x128xf32> to vector<128xf32>
    %broadcast_in_dim3A_252 = vector.shape_cast %reduce_sum3A_251 : vector<128xf32> to vector<1x128xf32>
    %mul3A_253 = arith.constant 5.000000e-03 : f32
    %mul3A_254 = vector.broadcast %mul3A_253 : f32 to vector<1x128xf32>
    %mul3A_255 = arith.mulf %broadcast_in_dim3A_252, %mul3A_254 : vector<1x128xf32>
    %get3A_256 = arith.constant 0 : index
    %get3A_257 = arith.constant 2816 : index
    %get3A_258 = vector.load %arg1[%get3A_256, %get3A_257] : memref<64x25600xf32, #tpu.memory_space<vmem>>, vector<64x128xf32>
    %mul3A_259 = vector.broadcast %get3A_1 : vector<64x1xf32> to vector<64x128xf32>
    %mul3A_260 = arith.mulf %get3A_258, %mul3A_259 : vector<64x128xf32>
    %reduce_sum3A_261 = arith.constant dense<0.000000e+00> : vector<128xf32>
    %reduce_sum3A_262 = vector.multi_reduction <add>, %mul3A_260, %reduce_sum3A_261 [0] : vector<64x128xf32> to vector<128xf32>
    %broadcast_in_dim3A_263 = vector.shape_cast %reduce_sum3A_262 : vector<128xf32> to vector<1x128xf32>
    %mul3A_264 = arith.constant 5.000000e-03 : f32
    %mul3A_265 = vector.broadcast %mul3A_264 : f32 to vector<1x128xf32>
    %mul3A_266 = arith.mulf %broadcast_in_dim3A_263, %mul3A_265 : vector<1x128xf32>
    %get3A_267 = arith.constant 0 : index
    %get3A_268 = arith.constant 2944 : index
    %get3A_269 = vector.load %arg1[%get3A_267, %get3A_268] : memref<64x25600xf32, #tpu.memory_space<vmem>>, vector<64x128xf32>
    %mul3A_270 = vector.broadcast %get3A_1 : vector<64x1xf32> to vector<64x128xf32>
    %mul3A_271 = arith.mulf %get3A_269, %mul3A_270 : vector<64x128xf32>
    %reduce_sum3A_272 = arith.constant dense<0.000000e+00> : vector<128xf32>
    %reduce_sum3A_273 = vector.multi_reduction <add>, %mul3A_271, %reduce_sum3A_272 [0] : vector<64x128xf32> to vector<128xf32>
    %broadcast_in_dim3A_274 = vector.shape_cast %reduce_sum3A_273 : vector<128xf32> to vector<1x128xf32>
    %mul3A_275 = arith.constant 5.000000e-03 : f32
    %mul3A_276 = vector.broadcast %mul3A_275 : f32 to vector<1x128xf32>
    %mul3A_277 = arith.mulf %broadcast_in_dim3A_274, %mul3A_276 : vector<1x128xf32>
    %concatenate3A_278 = tpu.concatenate %mul3A_200, %mul3A_211, %mul3A_222, %mul3A_233, %mul3A_244, %mul3A_255, %mul3A_266, %mul3A_277 in 0 : vector<1x128xf32>, vector<1x128xf32>, vector<1x128xf32>, vector<1x128xf32>, vector<1x128xf32>, vector<1x128xf32>, vector<1x128xf32>, vector<1x128xf32> -> vector<8x128xf32>
    %add3A_279 = vector.broadcast %mul3A_6 : f32 to vector<8x128xf32>
    %add3A_280 = arith.addf %concatenate3A_278, %add3A_279 : vector<8x128xf32>
    %swap3A_281 = arith.constant 16 : index
    %swap3A_282 = arith.constant 0 : index
    %swap3A_283 = vector.load %arg5[%swap3A_281, %swap3A_282] : memref<200x128xf32, #tpu.memory_space<vmem>>, vector<8x128xf32>
    tpu.vector_store %arg5[%swap3A_281, %swap3A_282], %add3A_280 {strides = array<i32>} : memref<200x128xf32, #tpu.memory_space<vmem>>, vector<8x128xf32>,
    %get3A_284 = arith.constant 0 : index
    %get3A_285 = arith.constant 3072 : index
    %get3A_286 = vector.load %arg1[%get3A_284, %get3A_285] : memref<64x25600xf32, #tpu.memory_space<vmem>>, vector<64x128xf32>
    %mul3A_287 = vector.broadcast %get3A_1 : vector<64x1xf32> to vector<64x128xf32>
    %mul3A_288 = arith.mulf %get3A_286, %mul3A_287 : vector<64x128xf32>
    %reduce_sum3A_289 = arith.constant dense<0.000000e+00> : vector<128xf32>
    %reduce_sum3A_290 = vector.multi_reduction <add>, %mul3A_288, %reduce_sum3A_289 [0] : vector<64x128xf32> to vector<128xf32>
    %broadcast_in_dim3A_291 = vector.shape_cast %reduce_sum3A_290 : vector<128xf32> to vector<1x128xf32>
    %mul3A_292 = arith.constant 5.000000e-03 : f32
    %mul3A_293 = vector.broadcast %mul3A_292 : f32 to vector<1x128xf32>
    %mul3A_294 = arith.mulf %broadcast_in_dim3A_291, %mul3A_293 : vector<1x128xf32>
    %get3A_295 = arith.constant 0 : index
    %get3A_296 = arith.constant 3200 : index
    %get3A_297 = vector.load %arg1[%get3A_295, %get3A_296] : memref<64x25600xf32, #tpu.memory_space<vmem>>, vector<64x128xf32>
    %mul3A_298 = vector.broadcast %get3A_1 : vector<64x1xf32> to vector<64x128xf32>
    %mul3A_299 = arith.mulf %get3A_297, %mul3A_298 : vector<64x128xf32>
    %reduce_sum3A_300 = arith.constant dense<0.000000e+00> : vector<128xf32>
    %reduce_sum3A_301 = vector.multi_reduction <add>, %mul3A_299, %reduce_sum3A_300 [0] : vector<64x128xf32> to vector<128xf32>
    %broadcast_in_dim3A_302 = vector.shape_cast %reduce_sum3A_301 : vector<128xf32> to vector<1x128xf32>
    %mul3A_303 = arith.constant 5.000000e-03 : f32
    %mul3A_304 = vector.broadcast %mul3A_303 : f32 to vector<1x128xf32>
    %mul3A_305 = arith.mulf %broadcast_in_dim3A_302, %mul3A_304 : vector<1x128xf32>
    %get3A_306 = arith.constant 0 : index
    %get3A_307 = arith.constant 3328 : index
    %get3A_308 = vector.load %arg1[%get3A_306, %get3A_307] : memref<64x25600xf32, #tpu.memory_space<vmem>>, vector<64x128xf32>
    %mul3A_309 = vector.broadcast %get3A_1 : vector<64x1xf32> to vector<64x128xf32>
    %mul3A_310 = arith.mulf %get3A_308, %mul3A_309 : vector<64x128xf32>
    %reduce_sum3A_311 = arith.constant dense<0.000000e+00> : vector<128xf32>
    %reduce_sum3A_312 = vector.multi_reduction <add>, %mul3A_310, %reduce_sum3A_311 [0] : vector<64x128xf32> to vector<128xf32>
    %broadcast_in_dim3A_313 = vector.shape_cast %reduce_sum3A_312 : vector<128xf32> to vector<1x128xf32>
    %mul3A_314 = arith.constant 5.000000e-03 : f32
    %mul3A_315 = vector.broadcast %mul3A_314 : f32 to vector<1x128xf32>
    %mul3A_316 = arith.mulf %broadcast_in_dim3A_313, %mul3A_315 : vector<1x128xf32>
    %get3A_317 = arith.constant 0 : index
    %get3A_318 = arith.constant 3456 : index
    %get3A_319 = vector.load %arg1[%get3A_317, %get3A_318] : memref<64x25600xf32, #tpu.memory_space<vmem>>, vector<64x128xf32>
    %mul3A_320 = vector.broadcast %get3A_1 : vector<64x1xf32> to vector<64x128xf32>
    %mul3A_321 = arith.mulf %get3A_319, %mul3A_320 : vector<64x128xf32>
    %reduce_sum3A_322 = arith.constant dense<0.000000e+00> : vector<128xf32>
    %reduce_sum3A_323 = vector.multi_reduction <add>, %mul3A_321, %reduce_sum3A_322 [0] : vector<64x128xf32> to vector<128xf32>
    %broadcast_in_dim3A_324 = vector.shape_cast %reduce_sum3A_323 : vector<128xf32> to vector<1x128xf32>
    %mul3A_325 = arith.constant 5.000000e-03 : f32
    %mul3A_326 = vector.broadcast %mul3A_325 : f32 to vector<1x128xf32>
    %mul3A_327 = arith.mulf %broadcast_in_dim3A_324, %mul3A_326 : vector<1x128xf32>
    %get3A_328 = arith.constant 0 : index
    %get3A_329 = arith.constant 3584 : index
    %get3A_330 = vector.load %arg1[%get3A_328, %get3A_329] : memref<64x25600xf32, #tpu.memory_space<vmem>>, vector<64x128xf32>
    %mul3A_331 = vector.broadcast %get3A_1 : vector<64x1xf32> to vector<64x128xf32>
    %mul3A_332 = arith.mulf %get3A_330, %mul3A_331 : vector<64x128xf32>
    %reduce_sum3A_333 = arith.constant dense<0.000000e+00> : vector<128xf32>
    %reduce_sum3A_334 = vector.multi_reduction <add>, %mul3A_332, %reduce_sum3A_333 [0] : vector<64x128xf32> to vector<128xf32>
    %broadcast_in_dim3A_335 = vector.shape_cast %reduce_sum3A_334 : vector<128xf32> to vector<1x128xf32>
    %mul3A_336 = arith.constant 5.000000e-03 : f32
    %mul3A_337 = vector.broadcast %mul3A_336 : f32 to vector<1x128xf32>
    %mul3A_338 = arith.mulf %broadcast_in_dim3A_335, %mul3A_337 : vector<1x128xf32>
    %get3A_339 = arith.constant 0 : index
    %get3A_340 = arith.constant 3712 : index
    %get3A_341 = vector.load %arg1[%get3A_339, %get3A_340] : memref<64x25600xf32, #tpu.memory_space<vmem>>, vector<64x128xf32>
    %mul3A_342 = vector.broadcast %get3A_1 : vector<64x1xf32> to vector<64x128xf32>
    %mul3A_343 = arith.mulf %get3A_341, %mul3A_342 : vector<64x128xf32>
    %reduce_sum3A_344 = arith.constant dense<0.000000e+00> : vector<128xf32>
    %reduce_sum3A_345 = vector.multi_reduction <add>, %mul3A_343, %reduce_sum3A_344 [0] : vector<64x128xf32> to vector<128xf32>
    %broadcast_in_dim3A_346 = vector.shape_cast %reduce_sum3A_345 : vector<128xf32> to vector<1x128xf32>
    %mul3A_347 = arith.constant 5.000000e-03 : f32
    %mul3A_348 = vector.broadcast %mul3A_347 : f32 to vector<1x128xf32>
    %mul3A_349 = arith.mulf %broadcast_in_dim3A_346, %mul3A_348 : vector<1x128xf32>
    %get3A_350 = arith.constant 0 : index
    %get3A_351 = arith.constant 3840 : index
    %get3A_352 = vector.load %arg1[%get3A_350, %get3A_351] : memref<64x25600xf32, #tpu.memory_space<vmem>>, vector<64x128xf32>
    %mul3A_353 = vector.broadcast %get3A_1 : vector<64x1xf32> to vector<64x128xf32>
    %mul3A_354 = arith.mulf %get3A_352, %mul3A_353 : vector<64x128xf32>
    %reduce_sum3A_355 = arith.constant dense<0.000000e+00> : vector<128xf32>
    %reduce_sum3A_356 = vector.multi_reduction <add>, %mul3A_354, %reduce_sum3A_355 [0] : vector<64x128xf32> to vector<128xf32>
    %broadcast_in_dim3A_357 = vector.shape_cast %reduce_sum3A_356 : vector<128xf32> to vector<1x128xf32>
    %mul3A_358 = arith.constant 5.000000e-03 : f32
    %mul3A_359 = vector.broadcast %mul3A_358 : f32 to vector<1x128xf32>
    %mul3A_360 = arith.mulf %broadcast_in_dim3A_357, %mul3A_359 : vector<1x128xf32>
    %get3A_361 = arith.constant 0 : index
    %get3A_362 = arith.constant 3968 : index
    %get3A_363 = vector.load %arg1[%get3A_361, %get3A_362] : memref<64x25600xf32, #tpu.memory_space<vmem>>, vector<64x128xf32>
    %mul3A_364 = vector.broadcast %get3A_1 : vector<64x1xf32> to vector<64x128xf32>
    %mul3A_365 = arith.mulf %get3A_363, %mul3A_364 : vector<64x128xf32>
    %reduce_sum3A_366 = arith.constant dense<0.000000e+00> : vector<128xf32>
    %reduce_sum3A_367 = vector.multi_reduction <add>, %mul3A_365, %reduce_sum3A_366 [0] : vector<64x128xf32> to vector<128xf32>
    %broadcast_in_dim3A_368 = vector.shape_cast %reduce_sum3A_367 : vector<128xf32> to vector<1x128xf32>
    %mul3A_369 = arith.constant 5.000000e-03 : f32
    %mul3A_370 = vector.broadcast %mul3A_369 : f32 to vector<1x128xf32>
    %mul3A_371 = arith.mulf %broadcast_in_dim3A_368, %mul3A_370 : vector<1x128xf32>
    %concatenate3A_372 = tpu.concatenate %mul3A_294, %mul3A_305, %mul3A_316, %mul3A_327, %mul3A_338, %mul3A_349, %mul3A_360, %mul3A_371 in 0 : vector<1x128xf32>, vector<1x128xf32>, vector<1x128xf32>, vector<1x128xf32>, vector<1x128xf32>, vector<1x128xf32>, vector<1x128xf32>, vector<1x128xf32> -> vector<8x128xf32>
    %add3A_373 = vector.broadcast %mul3A_6 : f32 to vector<8x128xf32>
    %add3A_374 = arith.addf %concatenate3A_372, %add3A_373 : vector<8x128xf32>
    %swap3A_375 = arith.constant 24 : index
    %swap3A_376 = arith.constant 0 : index
    %swap3A_377 = vector.load %arg5[%swap3A_375, %swap3A_376] : memref<200x128xf32, #tpu.memory_space<vmem>>, vector<8x128xf32>
    tpu.vector_store %arg5[%swap3A_375, %swap3A_376], %add3A_374 {strides = array<i32>} : memref<200x128xf32, #tpu.memory_space<vmem>>, vector<8x128xf32>,
    %get3A_378 = arith.constant 0 : index
    %get3A_379 = arith.constant 4096 : index
    %get3A_380 = vector.load %arg1[%get3A_378, %get3A_379] : memref<64x25600xf32, #tpu.memory_space<vmem>>, vector<64x128xf32>
    %mul3A_381 = vector.broadcast %get3A_1 : vector<64x1xf32> to vector<64x128xf32>
    %mul3A_382 = arith.mulf %get3A_380, %mul3A_381 : vector<64x128xf32>
    %reduce_sum3A_383 = arith.constant dense<0.000000e+00> : vector<128xf32>
    %reduce_sum3A_384 = vector.multi_reduction <add>, %mul3A_382, %reduce_sum3A_383 [0] : vector<64x128xf32> to vector<128xf32>
    %broadcast_in_dim3A_385 = vector.shape_cast %reduce_sum3A_384 : vector<128xf32> to vector<1x128xf32>
    %mul3A_386 = arith.constant 5.000000e-03 : f32
    %mul3A_387 = vector.broadcast %mul3A_386 : f32 to vector<1x128xf32>
    %mul3A_388 = arith.mulf %broadcast_in_dim3A_385, %mul3A_387 : vector<1x128xf32>
    %get3A_389 = arith.constant 0 : index
    %get3A_390 = arith.constant 4224 : index
    %get3A_391 = vector.load %arg1[%get3A_389, %get3A_390] : memref<64x25600xf32, #tpu.memory_space<vmem>>, vector<64x128xf32>
    %mul3A_392 = vector.broadcast %get3A_1 : vector<64x1xf32> to vector<64x128xf32>
    %mul3A_393 = arith.mulf %get3A_391, %mul3A_392 : vector<64x128xf32>
    %reduce_sum3A_394 = arith.constant dense<0.000000e+00> : vector<128xf32>
    %reduce_sum3A_395 = vector.multi_reduction <add>, %mul3A_393, %reduce_sum3A_394 [0] : vector<64x128xf32> to vector<128xf32>
    %broadcast_in_dim3A_396 = vector.shape_cast %reduce_sum3A_395 : vector<128xf32> to vector<1x128xf32>
    %mul3A_397 = arith.constant 5.000000e-03 : f32
    %mul3A_398 = vector.broadcast %mul3A_397 : f32 to vector<1x128xf32>
    %mul3A_399 = arith.mulf %broadcast_in_dim3A_396, %mul3A_398 : vector<1x128xf32>
    %get3A_400 = arith.constant 0 : index
    %get3A_401 = arith.constant 4352 : index
    %get3A_402 = vector.load %arg1[%get3A_400, %get3A_401] : memref<64x25600xf32, #tpu.memory_space<vmem>>, vector<64x128xf32>
    %mul3A_403 = vector.broadcast %get3A_1 : vector<64x1xf32> to vector<64x128xf32>
    %mul3A_404 = arith.mulf %get3A_402, %mul3A_403 : vector<64x128xf32>
    %reduce_sum3A_405 = arith.constant dense<0.000000e+00> : vector<128xf32>
    %reduce_sum3A_406 = vector.multi_reduction <add>, %mul3A_404, %reduce_sum3A_405 [0] : vector<64x128xf32> to vector<128xf32>
    %broadcast_in_dim3A_407 = vector.shape_cast %reduce_sum3A_406 : vector<128xf32> to vector<1x128xf32>
    %mul3A_408 = arith.constant 5.000000e-03 : f32
    %mul3A_409 = vector.broadcast %mul3A_408 : f32 to vector<1x128xf32>
    %mul3A_410 = arith.mulf %broadcast_in_dim3A_407, %mul3A_409 : vector<1x128xf32>
    %get3A_411 = arith.constant 0 : index
    %get3A_412 = arith.constant 4480 : index
    %get3A_413 = vector.load %arg1[%get3A_411, %get3A_412] : memref<64x25600xf32, #tpu.memory_space<vmem>>, vector<64x128xf32>
    %mul3A_414 = vector.broadcast %get3A_1 : vector<64x1xf32> to vector<64x128xf32>
    %mul3A_415 = arith.mulf %get3A_413, %mul3A_414 : vector<64x128xf32>
    %reduce_sum3A_416 = arith.constant dense<0.000000e+00> : vector<128xf32>
    %reduce_sum3A_417 = vector.multi_reduction <add>, %mul3A_415, %reduce_sum3A_416 [0] : vector<64x128xf32> to vector<128xf32>
    %broadcast_in_dim3A_418 = vector.shape_cast %reduce_sum3A_417 : vector<128xf32> to vector<1x128xf32>
    %mul3A_419 = arith.constant 5.000000e-03 : f32
    %mul3A_420 = vector.broadcast %mul3A_419 : f32 to vector<1x128xf32>
    %mul3A_421 = arith.mulf %broadcast_in_dim3A_418, %mul3A_420 : vector<1x128xf32>
    %get3A_422 = arith.constant 0 : index
    %get3A_423 = arith.constant 4608 : index
    %get3A_424 = vector.load %arg1[%get3A_422, %get3A_423] : memref<64x25600xf32, #tpu.memory_space<vmem>>, vector<64x128xf32>
    %mul3A_425 = vector.broadcast %get3A_1 : vector<64x1xf32> to vector<64x128xf32>
    %mul3A_426 = arith.mulf %get3A_424, %mul3A_425 : vector<64x128xf32>
    %reduce_sum3A_427 = arith.constant dense<0.000000e+00> : vector<128xf32>
    %reduce_sum3A_428 = vector.multi_reduction <add>, %mul3A_426, %reduce_sum3A_427 [0] : vector<64x128xf32> to vector<128xf32>
    %broadcast_in_dim3A_429 = vector.shape_cast %reduce_sum3A_428 : vector<128xf32> to vector<1x128xf32>
    %mul3A_430 = arith.constant 5.000000e-03 : f32
    %mul3A_431 = vector.broadcast %mul3A_430 : f32 to vector<1x128xf32>
    %mul3A_432 = arith.mulf %broadcast_in_dim3A_429, %mul3A_431 : vector<1x128xf32>
    %get3A_433 = arith.constant 0 : index
    %get3A_434 = arith.constant 4736 : index
    %get3A_435 = vector.load %arg1[%get3A_433, %get3A_434] : memref<64x25600xf32, #tpu.memory_space<vmem>>, vector<64x128xf32>
    %mul3A_436 = vector.broadcast %get3A_1 : vector<64x1xf32> to vector<64x128xf32>
    %mul3A_437 = arith.mulf %get3A_435, %mul3A_436 : vector<64x128xf32>
    %reduce_sum3A_438 = arith.constant dense<0.000000e+00> : vector<128xf32>
    %reduce_sum3A_439 = vector.multi_reduction <add>, %mul3A_437, %reduce_sum3A_438 [0] : vector<64x128xf32> to vector<128xf32>
    %broadcast_in_dim3A_440 = vector.shape_cast %reduce_sum3A_439 : vector<128xf32> to vector<1x128xf32>
    %mul3A_441 = arith.constant 5.000000e-03 : f32
    %mul3A_442 = vector.broadcast %mul3A_441 : f32 to vector<1x128xf32>
    %mul3A_443 = arith.mulf %broadcast_in_dim3A_440, %mul3A_442 : vector<1x128xf32>
    %get3A_444 = arith.constant 0 : index
    %get3A_445 = arith.constant 4864 : index
    %get3A_446 = vector.load %arg1[%get3A_444, %get3A_445] : memref<64x25600xf32, #tpu.memory_space<vmem>>, vector<64x128xf32>
    %mul3A_447 = vector.broadcast %get3A_1 : vector<64x1xf32> to vector<64x128xf32>
    %mul3A_448 = arith.mulf %get3A_446, %mul3A_447 : vector<64x128xf32>
    %reduce_sum3A_449 = arith.constant dense<0.000000e+00> : vector<128xf32>
    %reduce_sum3A_450 = vector.multi_reduction <add>, %mul3A_448, %reduce_sum3A_449 [0] : vector<64x128xf32> to vector<128xf32>
    %broadcast_in_dim3A_451 = vector.shape_cast %reduce_sum3A_450 : vector<128xf32> to vector<1x128xf32>
    %mul3A_452 = arith.constant 5.000000e-03 : f32
    %mul3A_453 = vector.broadcast %mul3A_452 : f32 to vector<1x128xf32>
    %mul3A_454 = arith.mulf %broadcast_in_dim3A_451, %mul3A_453 : vector<1x128xf32>
    %get3A_455 = arith.constant 0 : index
    %get3A_456 = arith.constant 4992 : index
    %get3A_457 = vector.load %arg1[%get3A_455, %get3A_456] : memref<64x25600xf32, #tpu.memory_space<vmem>>, vector<64x128xf32>
    %mul3A_458 = vector.broadcast %get3A_1 : vector<64x1xf32> to vector<64x128xf32>
    %mul3A_459 = arith.mulf %get3A_457, %mul3A_458 : vector<64x128xf32>
    %reduce_sum3A_460 = arith.constant dense<0.000000e+00> : vector<128xf32>
    %reduce_sum3A_461 = vector.multi_reduction <add>, %mul3A_459, %reduce_sum3A_460 [0] : vector<64x128xf32> to vector<128xf32>
    %broadcast_in_dim3A_462 = vector.shape_cast %reduce_sum3A_461 : vector<128xf32> to vector<1x128xf32>
    %mul3A_463 = arith.constant 5.000000e-03 : f32
    %mul3A_464 = vector.broadcast %mul3A_463 : f32 to vector<1x128xf32>
    %mul3A_465 = arith.mulf %broadcast_in_dim3A_462, %mul3A_464 : vector<1x128xf32>
    %concatenate3A_466 = tpu.concatenate %mul3A_388, %mul3A_399, %mul3A_410, %mul3A_421, %mul3A_432, %mul3A_443, %mul3A_454, %mul3A_465 in 0 : vector<1x128xf32>, vector<1x128xf32>, vector<1x128xf32>, vector<1x128xf32>, vector<1x128xf32>, vector<1x128xf32>, vector<1x128xf32>, vector<1x128xf32> -> vector<8x128xf32>
    %add3A_467 = vector.broadcast %mul3A_6 : f32 to vector<8x128xf32>
    %add3A_468 = arith.addf %concatenate3A_466, %add3A_467 : vector<8x128xf32>
    %swap3A_469 = arith.constant 32 : index
    %swap3A_470 = arith.constant 0 : index
    %swap3A_471 = vector.load %arg5[%swap3A_469, %swap3A_470] : memref<200x128xf32, #tpu.memory_space<vmem>>, vector<8x128xf32>
    tpu.vector_store %arg5[%swap3A_469, %swap3A_470], %add3A_468 {strides = array<i32>} : memref<200x128xf32, #tpu.memory_space<vmem>>, vector<8x128xf32>,
    %get3A_472 = arith.constant 0 : index
    %get3A_473 = arith.constant 5120 : index
    %get3A_474 = vector.load %arg1[%get3A_472, %get3A_473] : memref<64x25600xf32, #tpu.memory_space<vmem>>, vector<64x128xf32>
    %mul3A_475 = vector.broadcast %get3A_1 : vector<64x1xf32> to vector<64x128xf32>
    %mul3A_476 = arith.mulf %get3A_474, %mul3A_475 : vector<64x128xf32>
    %reduce_sum3A_477 = arith.constant dense<0.000000e+00> : vector<128xf32>
    %reduce_sum3A_478 = vector.multi_reduction <add>, %mul3A_476, %reduce_sum3A_477 [0] : vector<64x128xf32> to vector<128xf32>
    %broadcast_in_dim3A_479 = vector.shape_cast %reduce_sum3A_478 : vector<128xf32> to vector<1x128xf32>
    %mul3A_480 = arith.constant 5.000000e-03 : f32
    %mul3A_481 = vector.broadcast %mul3A_480 : f32 to vector<1x128xf32>
    %mul3A_482 = arith.mulf %broadcast_in_dim3A_479, %mul3A_481 : vector<1x128xf32>
    %get3A_483 = arith.constant 0 : index
    %get3A_484 = arith.constant 5248 : index
    %get3A_485 = vector.load %arg1[%get3A_483, %get3A_484] : memref<64x25600xf32, #tpu.memory_space<vmem>>, vector<64x128xf32>
    %mul3A_486 = vector.broadcast %get3A_1 : vector<64x1xf32> to vector<64x128xf32>
    %mul3A_487 = arith.mulf %get3A_485, %mul3A_486 : vector<64x128xf32>
    %reduce_sum3A_488 = arith.constant dense<0.000000e+00> : vector<128xf32>
    %reduce_sum3A_489 = vector.multi_reduction <add>, %mul3A_487, %reduce_sum3A_488 [0] : vector<64x128xf32> to vector<128xf32>
    %broadcast_in_dim3A_490 = vector.shape_cast %reduce_sum3A_489 : vector<128xf32> to vector<1x128xf32>
    %mul3A_491 = arith.constant 5.000000e-03 : f32
    %mul3A_492 = vector.broadcast %mul3A_491 : f32 to vector<1x128xf32>
    %mul3A_493 = arith.mulf %broadcast_in_dim3A_490, %mul3A_492 : vector<1x128xf32>
    %get3A_494 = arith.constant 0 : index
    %get3A_495 = arith.constant 5376 : index
    %get3A_496 = vector.load %arg1[%get3A_494, %get3A_495] : memref<64x25600xf32, #tpu.memory_space<vmem>>, vector<64x128xf32>
    %mul3A_497 = vector.broadcast %get3A_1 : vector<64x1xf32> to vector<64x128xf32>
    %mul3A_498 = arith.mulf %get3A_496, %mul3A_497 : vector<64x128xf32>
    %reduce_sum3A_499 = arith.constant dense<0.000000e+00> : vector<128xf32>
    %reduce_sum3A_500 = vector.multi_reduction <add>, %mul3A_498, %reduce_sum3A_499 [0] : vector<64x128xf32> to vector<128xf32>
    %broadcast_in_dim3A_501 = vector.shape_cast %reduce_sum3A_500 : vector<128xf32> to vector<1x128xf32>
    %mul3A_502 = arith.constant 5.000000e-03 : f32
    %mul3A_503 = vector.broadcast %mul3A_502 : f32 to vector<1x128xf32>
    %mul3A_504 = arith.mulf %broadcast_in_dim3A_501, %mul3A_503 : vector<1x128xf32>
    %get3A_505 = arith.constant 0 : index
    %get3A_506 = arith.constant 5504 : index
    %get3A_507 = vector.load %arg1[%get3A_505, %get3A_506] : memref<64x25600xf32, #tpu.memory_space<vmem>>, vector<64x128xf32>
    %mul3A_508 = vector.broadcast %get3A_1 : vector<64x1xf32> to vector<64x128xf32>
    %mul3A_509 = arith.mulf %get3A_507, %mul3A_508 : vector<64x128xf32>
    %reduce_sum3A_510 = arith.constant dense<0.000000e+00> : vector<128xf32>
    %reduce_sum3A_511 = vector.multi_reduction <add>, %mul3A_509, %reduce_sum3A_510 [0] : vector<64x128xf32> to vector<128xf32>
    %broadcast_in_dim3A_512 = vector.shape_cast %reduce_sum3A_511 : vector<128xf32> to vector<1x128xf32>
    %mul3A_513 = arith.constant 5.000000e-03 : f32
    %mul3A_514 = vector.broadcast %mul3A_513 : f32 to vector<1x128xf32>
    %mul3A_515 = arith.mulf %broadcast_in_dim3A_512, %mul3A_514 : vector<1x128xf32>
    %get3A_516 = arith.constant 0 : index
    %get3A_517 = arith.constant 5632 : index
    %get3A_518 = vector.load %arg1[%get3A_516, %get3A_517] : memref<64x25600xf32, #tpu.memory_space<vmem>>, vector<64x128xf32>
    %mul3A_519 = vector.broadcast %get3A_1 : vector<64x1xf32> to vector<64x128xf32>
    %mul3A_520 = arith.mulf %get3A_518, %mul3A_519 : vector<64x128xf32>
    %reduce_sum3A_521 = arith.constant dense<0.000000e+00> : vector<128xf32>
    %reduce_sum3A_522 = vector.multi_reduction <add>, %mul3A_520, %reduce_sum3A_521 [0] : vector<64x128xf32> to vector<128xf32>
    %broadcast_in_dim3A_523 = vector.shape_cast %reduce_sum3A_522 : vector<128xf32> to vector<1x128xf32>
    %mul3A_524 = arith.constant 5.000000e-03 : f32
    %mul3A_525 = vector.broadcast %mul3A_524 : f32 to vector<1x128xf32>
    %mul3A_526 = arith.mulf %broadcast_in_dim3A_523, %mul3A_525 : vector<1x128xf32>
    %get3A_527 = arith.constant 0 : index
    %get3A_528 = arith.constant 5760 : index
    %get3A_529 = vector.load %arg1[%get3A_527, %get3A_528] : memref<64x25600xf32, #tpu.memory_space<vmem>>, vector<64x128xf32>
    %mul3A_530 = vector.broadcast %get3A_1 : vector<64x1xf32> to vector<64x128xf32>
    %mul3A_531 = arith.mulf %get3A_529, %mul3A_530 : vector<64x128xf32>
    %reduce_sum3A_532 = arith.constant dense<0.000000e+00> : vector<128xf32>
    %reduce_sum3A_533 = vector.multi_reduction <add>, %mul3A_531, %reduce_sum3A_532 [0] : vector<64x128xf32> to vector<128xf32>
    %broadcast_in_dim3A_534 = vector.shape_cast %reduce_sum3A_533 : vector<128xf32> to vector<1x128xf32>
    %mul3A_535 = arith.constant 5.000000e-03 : f32
    %mul3A_536 = vector.broadcast %mul3A_535 : f32 to vector<1x128xf32>
    %mul3A_537 = arith.mulf %broadcast_in_dim3A_534, %mul3A_536 : vector<1x128xf32>
    %get3A_538 = arith.constant 0 : index
    %get3A_539 = arith.constant 5888 : index
    %get3A_540 = vector.load %arg1[%get3A_538, %get3A_539] : memref<64x25600xf32, #tpu.memory_space<vmem>>, vector<64x128xf32>
    %mul3A_541 = vector.broadcast %get3A_1 : vector<64x1xf32> to vector<64x128xf32>
    %mul3A_542 = arith.mulf %get3A_540, %mul3A_541 : vector<64x128xf32>
    %reduce_sum3A_543 = arith.constant dense<0.000000e+00> : vector<128xf32>
    %reduce_sum3A_544 = vector.multi_reduction <add>, %mul3A_542, %reduce_sum3A_543 [0] : vector<64x128xf32> to vector<128xf32>
    %broadcast_in_dim3A_545 = vector.shape_cast %reduce_sum3A_544 : vector<128xf32> to vector<1x128xf32>
    %mul3A_546 = arith.constant 5.000000e-03 : f32
    %mul3A_547 = vector.broadcast %mul3A_546 : f32 to vector<1x128xf32>
    %mul3A_548 = arith.mulf %broadcast_in_dim3A_545, %mul3A_547 : vector<1x128xf32>
    %get3A_549 = arith.constant 0 : index
    %get3A_550 = arith.constant 6016 : index
    %get3A_551 = vector.load %arg1[%get3A_549, %get3A_550] : memref<64x25600xf32, #tpu.memory_space<vmem>>, vector<64x128xf32>
    %mul3A_552 = vector.broadcast %get3A_1 : vector<64x1xf32> to vector<64x128xf32>
    %mul3A_553 = arith.mulf %get3A_551, %mul3A_552 : vector<64x128xf32>
    %reduce_sum3A_554 = arith.constant dense<0.000000e+00> : vector<128xf32>
    %reduce_sum3A_555 = vector.multi_reduction <add>, %mul3A_553, %reduce_sum3A_554 [0] : vector<64x128xf32> to vector<128xf32>
    %broadcast_in_dim3A_556 = vector.shape_cast %reduce_sum3A_555 : vector<128xf32> to vector<1x128xf32>
    %mul3A_557 = arith.constant 5.000000e-03 : f32
    %mul3A_558 = vector.broadcast %mul3A_557 : f32 to vector<1x128xf32>
    %mul3A_559 = arith.mulf %broadcast_in_dim3A_556, %mul3A_558 : vector<1x128xf32>
    %concatenate3A_560 = tpu.concatenate %mul3A_482, %mul3A_493, %mul3A_504, %mul3A_515, %mul3A_526, %mul3A_537, %mul3A_548, %mul3A_559 in 0 : vector<1x128xf32>, vector<1x128xf32>, vector<1x128xf32>, vector<1x128xf32>, vector<1x128xf32>, vector<1x128xf32>, vector<1x128xf32>, vector<1x128xf32> -> vector<8x128xf32>
    %add3A_561 = vector.broadcast %mul3A_6 : f32 to vector<8x128xf32>
    %add3A_562 = arith.addf %concatenate3A_560, %add3A_561 : vector<8x128xf32>
    %swap3A_563 = arith.constant 40 : index
    %swap3A_564 = arith.constant 0 : index
    %swap3A_565 = vector.load %arg5[%swap3A_563, %swap3A_564] : memref<200x128xf32, #tpu.memory_space<vmem>>, vector<8x128xf32>
    tpu.vector_store %arg5[%swap3A_563, %swap3A_564], %add3A_562 {strides = array<i32>} : memref<200x128xf32, #tpu.memory_space<vmem>>, vector<8x128xf32>,
    %get3A_566 = arith.constant 0 : index
    %get3A_567 = arith.constant 6144 : index
    %get3A_568 = vector.load %arg1[%get3A_566, %get3A_567] : memref<64x25600xf32, #tpu.memory_space<vmem>>, vector<64x128xf32>
    %mul3A_569 = vector.broadcast %get3A_1 : vector<64x1xf32> to vector<64x128xf32>
    %mul3A_570 = arith.mulf %get3A_568, %mul3A_569 : vector<64x128xf32>
    %reduce_sum3A_571 = arith.constant dense<0.000000e+00> : vector<128xf32>
    %reduce_sum3A_572 = vector.multi_reduction <add>, %mul3A_570, %reduce_sum3A_571 [0] : vector<64x128xf32> to vector<128xf32>
    %broadcast_in_dim3A_573 = vector.shape_cast %reduce_sum3A_572 : vector<128xf32> to vector<1x128xf32>
    %mul3A_574 = arith.constant 5.000000e-03 : f32
    %mul3A_575 = vector.broadcast %mul3A_574 : f32 to vector<1x128xf32>
    %mul3A_576 = arith.mulf %broadcast_in_dim3A_573, %mul3A_575 : vector<1x128xf32>
    %get3A_577 = arith.constant 0 : index
    %get3A_578 = arith.constant 6272 : index
    %get3A_579 = vector.load %arg1[%get3A_577, %get3A_578] : memref<64x25600xf32, #tpu.memory_space<vmem>>, vector<64x128xf32>
    %mul3A_580 = vector.broadcast %get3A_1 : vector<64x1xf32> to vector<64x128xf32>
    %mul3A_581 = arith.mulf %get3A_579, %mul3A_580 : vector<64x128xf32>
    %reduce_sum3A_582 = arith.constant dense<0.000000e+00> : vector<128xf32>
    %reduce_sum3A_583 = vector.multi_reduction <add>, %mul3A_581, %reduce_sum3A_582 [0] : vector<64x128xf32> to vector<128xf32>
    %broadcast_in_dim3A_584 = vector.shape_cast %reduce_sum3A_583 : vector<128xf32> to vector<1x128xf32>
    %mul3A_585 = arith.constant 5.000000e-03 : f32
    %mul3A_586 = vector.broadcast %mul3A_585 : f32 to vector<1x128xf32>
    %mul3A_587 = arith.mulf %broadcast_in_dim3A_584, %mul3A_586 : vector<1x128xf32>
    %get3A_588 = arith.constant 0 : index
    %get3A_589 = arith.constant 6400 : index
    %get3A_590 = vector.load %arg1[%get3A_588, %get3A_589] : memref<64x25600xf32, #tpu.memory_space<vmem>>, vector<64x128xf32>
    %mul3A_591 = vector.broadcast %get3A_1 : vector<64x1xf32> to vector<64x128xf32>
    %mul3A_592 = arith.mulf %get3A_590, %mul3A_591 : vector<64x128xf32>
    %reduce_sum3A_593 = arith.constant dense<0.000000e+00> : vector<128xf32>
    %reduce_sum3A_594 = vector.multi_reduction <add>, %mul3A_592, %reduce_sum3A_593 [0] : vector<64x128xf32> to vector<128xf32>
    %broadcast_in_dim3A_595 = vector.shape_cast %reduce_sum3A_594 : vector<128xf32> to vector<1x128xf32>
    %mul3A_596 = arith.constant 5.000000e-03 : f32
    %mul3A_597 = vector.broadcast %mul3A_596 : f32 to vector<1x128xf32>
    %mul3A_598 = arith.mulf %broadcast_in_dim3A_595, %mul3A_597 : vector<1x128xf32>
    %get3A_599 = arith.constant 0 : index
    %get3A_600 = arith.constant 6528 : index
    %get3A_601 = vector.load %arg1[%get3A_599, %get3A_600] : memref<64x25600xf32, #tpu.memory_space<vmem>>, vector<64x128xf32>
    %mul3A_602 = vector.broadcast %get3A_1 : vector<64x1xf32> to vector<64x128xf32>
    %mul3A_603 = arith.mulf %get3A_601, %mul3A_602 : vector<64x128xf32>
    %reduce_sum3A_604 = arith.constant dense<0.000000e+00> : vector<128xf32>
    %reduce_sum3A_605 = vector.multi_reduction <add>, %mul3A_603, %reduce_sum3A_604 [0] : vector<64x128xf32> to vector<128xf32>
    %broadcast_in_dim3A_606 = vector.shape_cast %reduce_sum3A_605 : vector<128xf32> to vector<1x128xf32>
    %mul3A_607 = arith.constant 5.000000e-03 : f32
    %mul3A_608 = vector.broadcast %mul3A_607 : f32 to vector<1x128xf32>
    %mul3A_609 = arith.mulf %broadcast_in_dim3A_606, %mul3A_608 : vector<1x128xf32>
    %get3A_610 = arith.constant 0 : index
    %get3A_611 = arith.constant 6656 : index
    %get3A_612 = vector.load %arg1[%get3A_610, %get3A_611] : memref<64x25600xf32, #tpu.memory_space<vmem>>, vector<64x128xf32>
    %mul3A_613 = vector.broadcast %get3A_1 : vector<64x1xf32> to vector<64x128xf32>
    %mul3A_614 = arith.mulf %get3A_612, %mul3A_613 : vector<64x128xf32>
    %reduce_sum3A_615 = arith.constant dense<0.000000e+00> : vector<128xf32>
    %reduce_sum3A_616 = vector.multi_reduction <add>, %mul3A_614, %reduce_sum3A_615 [0] : vector<64x128xf32> to vector<128xf32>
    %broadcast_in_dim3A_617 = vector.shape_cast %reduce_sum3A_616 : vector<128xf32> to vector<1x128xf32>
    %mul3A_618 = arith.constant 5.000000e-03 : f32
    %mul3A_619 = vector.broadcast %mul3A_618 : f32 to vector<1x128xf32>
    %mul3A_620 = arith.mulf %broadcast_in_dim3A_617, %mul3A_619 : vector<1x128xf32>
    %get3A_621 = arith.constant 0 : index
    %get3A_622 = arith.constant 6784 : index
    %get3A_623 = vector.load %arg1[%get3A_621, %get3A_622] : memref<64x25600xf32, #tpu.memory_space<vmem>>, vector<64x128xf32>
    %mul3A_624 = vector.broadcast %get3A_1 : vector<64x1xf32> to vector<64x128xf32>
    %mul3A_625 = arith.mulf %get3A_623, %mul3A_624 : vector<64x128xf32>
    %reduce_sum3A_626 = arith.constant dense<0.000000e+00> : vector<128xf32>
    %reduce_sum3A_627 = vector.multi_reduction <add>, %mul3A_625, %reduce_sum3A_626 [0] : vector<64x128xf32> to vector<128xf32>
    %broadcast_in_dim3A_628 = vector.shape_cast %reduce_sum3A_627 : vector<128xf32> to vector<1x128xf32>
    %mul3A_629 = arith.constant 5.000000e-03 : f32
    %mul3A_630 = vector.broadcast %mul3A_629 : f32 to vector<1x128xf32>
    %mul3A_631 = arith.mulf %broadcast_in_dim3A_628, %mul3A_630 : vector<1x128xf32>
    %get3A_632 = arith.constant 0 : index
    %get3A_633 = arith.constant 6912 : index
    %get3A_634 = vector.load %arg1[%get3A_632, %get3A_633] : memref<64x25600xf32, #tpu.memory_space<vmem>>, vector<64x128xf32>
    %mul3A_635 = vector.broadcast %get3A_1 : vector<64x1xf32> to vector<64x128xf32>
    %mul3A_636 = arith.mulf %get3A_634, %mul3A_635 : vector<64x128xf32>
    %reduce_sum3A_637 = arith.constant dense<0.000000e+00> : vector<128xf32>
    %reduce_sum3A_638 = vector.multi_reduction <add>, %mul3A_636, %reduce_sum3A_637 [0] : vector<64x128xf32> to vector<128xf32>
    %broadcast_in_dim3A_639 = vector.shape_cast %reduce_sum3A_638 : vector<128xf32> to vector<1x128xf32>
    %mul3A_640 = arith.constant 5.000000e-03 : f32
    %mul3A_641 = vector.broadcast %mul3A_640 : f32 to vector<1x128xf32>
    %mul3A_642 = arith.mulf %broadcast_in_dim3A_639, %mul3A_641 : vector<1x128xf32>
    %get3A_643 = arith.constant 0 : index
    %get3A_644 = arith.constant 7040 : index
    %get3A_645 = vector.load %arg1[%get3A_643, %get3A_644] : memref<64x25600xf32, #tpu.memory_space<vmem>>, vector<64x128xf32>
    %mul3A_646 = vector.broadcast %get3A_1 : vector<64x1xf32> to vector<64x128xf32>
    %mul3A_647 = arith.mulf %get3A_645, %mul3A_646 : vector<64x128xf32>
    %reduce_sum3A_648 = arith.constant dense<0.000000e+00> : vector<128xf32>
    %reduce_sum3A_649 = vector.multi_reduction <add>, %mul3A_647, %reduce_sum3A_648 [0] : vector<64x128xf32> to vector<128xf32>
    %broadcast_in_dim3A_650 = vector.shape_cast %reduce_sum3A_649 : vector<128xf32> to vector<1x128xf32>
    %mul3A_651 = arith.constant 5.000000e-03 : f32
    %mul3A_652 = vector.broadcast %mul3A_651 : f32 to vector<1x128xf32>
    %mul3A_653 = arith.mulf %broadcast_in_dim3A_650, %mul3A_652 : vector<1x128xf32>
    %concatenate3A_654 = tpu.concatenate %mul3A_576, %mul3A_587, %mul3A_598, %mul3A_609, %mul3A_620, %mul3A_631, %mul3A_642, %mul3A_653 in 0 : vector<1x128xf32>, vector<1x128xf32>, vector<1x128xf32>, vector<1x128xf32>, vector<1x128xf32>, vector<1x128xf32>, vector<1x128xf32>, vector<1x128xf32> -> vector<8x128xf32>
    %add3A_655 = vector.broadcast %mul3A_6 : f32 to vector<8x128xf32>
    %add3A_656 = arith.addf %concatenate3A_654, %add3A_655 : vector<8x128xf32>
    %swap3A_657 = arith.constant 48 : index
    %swap3A_658 = arith.constant 0 : index
    %swap3A_659 = vector.load %arg5[%swap3A_657, %swap3A_658] : memref<200x128xf32, #tpu.memory_space<vmem>>, vector<8x128xf32>
    tpu.vector_store %arg5[%swap3A_657, %swap3A_658], %add3A_656 {strides = array<i32>} : memref<200x128xf32, #tpu.memory_space<vmem>>, vector<8x128xf32>,
    %get3A_660 = arith.constant 0 : index
    %get3A_661 = arith.constant 7168 : index
    %get3A_662 = vector.load %arg1[%get3A_660, %get3A_661] : memref<64x25600xf32, #tpu.memory_space<vmem>>, vector<64x128xf32>
    %mul3A_663 = vector.broadcast %get3A_1 : vector<64x1xf32> to vector<64x128xf32>
    %mul3A_664 = arith.mulf %get3A_662, %mul3A_663 : vector<64x128xf32>
    %reduce_sum3A_665 = arith.constant dense<0.000000e+00> : vector<128xf32>
    %reduce_sum3A_666 = vector.multi_reduction <add>, %mul3A_664, %reduce_sum3A_665 [0] : vector<64x128xf32> to vector<128xf32>
    %broadcast_in_dim3A_667 = vector.shape_cast %reduce_sum3A_666 : vector<128xf32> to vector<1x128xf32>
    %mul3A_668 = arith.constant 5.000000e-03 : f32
    %mul3A_669 = vector.broadcast %mul3A_668 : f32 to vector<1x128xf32>
    %mul3A_670 = arith.mulf %broadcast_in_dim3A_667, %mul3A_669 : vector<1x128xf32>
    %get3A_671 = arith.constant 0 : index
    %get3A_672 = arith.constant 7296 : index
    %get3A_673 = vector.load %arg1[%get3A_671, %get3A_672] : memref<64x25600xf32, #tpu.memory_space<vmem>>, vector<64x128xf32>
    %mul3A_674 = vector.broadcast %get3A_1 : vector<64x1xf32> to vector<64x128xf32>
    %mul3A_675 = arith.mulf %get3A_673, %mul3A_674 : vector<64x128xf32>
    %reduce_sum3A_676 = arith.constant dense<0.000000e+00> : vector<128xf32>
    %reduce_sum3A_677 = vector.multi_reduction <add>, %mul3A_675, %reduce_sum3A_676 [0] : vector<64x128xf32> to vector<128xf32>
    %broadcast_in_dim3A_678 = vector.shape_cast %reduce_sum3A_677 : vector<128xf32> to vector<1x128xf32>
    %mul3A_679 = arith.constant 5.000000e-03 : f32
    %mul3A_680 = vector.broadcast %mul3A_679 : f32 to vector<1x128xf32>
    %mul3A_681 = arith.mulf %broadcast_in_dim3A_678, %mul3A_680 : vector<1x128xf32>
    %get3A_682 = arith.constant 0 : index
    %get3A_683 = arith.constant 7424 : index
    %get3A_684 = vector.load %arg1[%get3A_682, %get3A_683] : memref<64x25600xf32, #tpu.memory_space<vmem>>, vector<64x128xf32>
    %mul3A_685 = vector.broadcast %get3A_1 : vector<64x1xf32> to vector<64x128xf32>
    %mul3A_686 = arith.mulf %get3A_684, %mul3A_685 : vector<64x128xf32>
    %reduce_sum3A_687 = arith.constant dense<0.000000e+00> : vector<128xf32>
    %reduce_sum3A_688 = vector.multi_reduction <add>, %mul3A_686, %reduce_sum3A_687 [0] : vector<64x128xf32> to vector<128xf32>
    %broadcast_in_dim3A_689 = vector.shape_cast %reduce_sum3A_688 : vector<128xf32> to vector<1x128xf32>
    %mul3A_690 = arith.constant 5.000000e-03 : f32
    %mul3A_691 = vector.broadcast %mul3A_690 : f32 to vector<1x128xf32>
    %mul3A_692 = arith.mulf %broadcast_in_dim3A_689, %mul3A_691 : vector<1x128xf32>
    %get3A_693 = arith.constant 0 : index
    %get3A_694 = arith.constant 7552 : index
    %get3A_695 = vector.load %arg1[%get3A_693, %get3A_694] : memref<64x25600xf32, #tpu.memory_space<vmem>>, vector<64x128xf32>
    %mul3A_696 = vector.broadcast %get3A_1 : vector<64x1xf32> to vector<64x128xf32>
    %mul3A_697 = arith.mulf %get3A_695, %mul3A_696 : vector<64x128xf32>
    %reduce_sum3A_698 = arith.constant dense<0.000000e+00> : vector<128xf32>
    %reduce_sum3A_699 = vector.multi_reduction <add>, %mul3A_697, %reduce_sum3A_698 [0] : vector<64x128xf32> to vector<128xf32>
    %broadcast_in_dim3A_700 = vector.shape_cast %reduce_sum3A_699 : vector<128xf32> to vector<1x128xf32>
    %mul3A_701 = arith.constant 5.000000e-03 : f32
    %mul3A_702 = vector.broadcast %mul3A_701 : f32 to vector<1x128xf32>
    %mul3A_703 = arith.mulf %broadcast_in_dim3A_700, %mul3A_702 : vector<1x128xf32>
    %get3A_704 = arith.constant 0 : index
    %get3A_705 = arith.constant 7680 : index
    %get3A_706 = vector.load %arg1[%get3A_704, %get3A_705] : memref<64x25600xf32, #tpu.memory_space<vmem>>, vector<64x128xf32>
    %mul3A_707 = vector.broadcast %get3A_1 : vector<64x1xf32> to vector<64x128xf32>
    %mul3A_708 = arith.mulf %get3A_706, %mul3A_707 : vector<64x128xf32>
    %reduce_sum3A_709 = arith.constant dense<0.000000e+00> : vector<128xf32>
    %reduce_sum3A_710 = vector.multi_reduction <add>, %mul3A_708, %reduce_sum3A_709 [0] : vector<64x128xf32> to vector<128xf32>
    %broadcast_in_dim3A_711 = vector.shape_cast %reduce_sum3A_710 : vector<128xf32> to vector<1x128xf32>
    %mul3A_712 = arith.constant 5.000000e-03 : f32
    %mul3A_713 = vector.broadcast %mul3A_712 : f32 to vector<1x128xf32>
    %mul3A_714 = arith.mulf %broadcast_in_dim3A_711, %mul3A_713 : vector<1x128xf32>
    %get3A_715 = arith.constant 0 : index
    %get3A_716 = arith.constant 7808 : index
    %get3A_717 = vector.load %arg1[%get3A_715, %get3A_716] : memref<64x25600xf32, #tpu.memory_space<vmem>>, vector<64x128xf32>
    %mul3A_718 = vector.broadcast %get3A_1 : vector<64x1xf32> to vector<64x128xf32>
    %mul3A_719 = arith.mulf %get3A_717, %mul3A_718 : vector<64x128xf32>
    %reduce_sum3A_720 = arith.constant dense<0.000000e+00> : vector<128xf32>
    %reduce_sum3A_721 = vector.multi_reduction <add>, %mul3A_719, %reduce_sum3A_720 [0] : vector<64x128xf32> to vector<128xf32>
    %broadcast_in_dim3A_722 = vector.shape_cast %reduce_sum3A_721 : vector<128xf32> to vector<1x128xf32>
    %mul3A_723 = arith.constant 5.000000e-03 : f32
    %mul3A_724 = vector.broadcast %mul3A_723 : f32 to vector<1x128xf32>
    %mul3A_725 = arith.mulf %broadcast_in_dim3A_722, %mul3A_724 : vector<1x128xf32>
    %get3A_726 = arith.constant 0 : index
    %get3A_727 = arith.constant 7936 : index
    %get3A_728 = vector.load %arg1[%get3A_726, %get3A_727] : memref<64x25600xf32, #tpu.memory_space<vmem>>, vector<64x128xf32>
    %mul3A_729 = vector.broadcast %get3A_1 : vector<64x1xf32> to vector<64x128xf32>
    %mul3A_730 = arith.mulf %get3A_728, %mul3A_729 : vector<64x128xf32>
    %reduce_sum3A_731 = arith.constant dense<0.000000e+00> : vector<128xf32>
    %reduce_sum3A_732 = vector.multi_reduction <add>, %mul3A_730, %reduce_sum3A_731 [0] : vector<64x128xf32> to vector<128xf32>
    %broadcast_in_dim3A_733 = vector.shape_cast %reduce_sum3A_732 : vector<128xf32> to vector<1x128xf32>
    %mul3A_734 = arith.constant 5.000000e-03 : f32
    %mul3A_735 = vector.broadcast %mul3A_734 : f32 to vector<1x128xf32>
    %mul3A_736 = arith.mulf %broadcast_in_dim3A_733, %mul3A_735 : vector<1x128xf32>
    %get3A_737 = arith.constant 0 : index
    %get3A_738 = arith.constant 8064 : index
    %get3A_739 = vector.load %arg1[%get3A_737, %get3A_738] : memref<64x25600xf32, #tpu.memory_space<vmem>>, vector<64x128xf32>
    %mul3A_740 = vector.broadcast %get3A_1 : vector<64x1xf32> to vector<64x128xf32>
    %mul3A_741 = arith.mulf %get3A_739, %mul3A_740 : vector<64x128xf32>
    %reduce_sum3A_742 = arith.constant dense<0.000000e+00> : vector<128xf32>
    %reduce_sum3A_743 = vector.multi_reduction <add>, %mul3A_741, %reduce_sum3A_742 [0] : vector<64x128xf32> to vector<128xf32>
    %broadcast_in_dim3A_744 = vector.shape_cast %reduce_sum3A_743 : vector<128xf32> to vector<1x128xf32>
    %mul3A_745 = arith.constant 5.000000e-03 : f32
    %mul3A_746 = vector.broadcast %mul3A_745 : f32 to vector<1x128xf32>
    %mul3A_747 = arith.mulf %broadcast_in_dim3A_744, %mul3A_746 : vector<1x128xf32>
    %concatenate3A_748 = tpu.concatenate %mul3A_670, %mul3A_681, %mul3A_692, %mul3A_703, %mul3A_714, %mul3A_725, %mul3A_736, %mul3A_747 in 0 : vector<1x128xf32>, vector<1x128xf32>, vector<1x128xf32>, vector<1x128xf32>, vector<1x128xf32>, vector<1x128xf32>, vector<1x128xf32>, vector<1x128xf32> -> vector<8x128xf32>
    %add3A_749 = vector.broadcast %mul3A_6 : f32 to vector<8x128xf32>
    %add3A_750 = arith.addf %concatenate3A_748, %add3A_749 : vector<8x128xf32>
    %swap3A_751 = arith.constant 56 : index
    %swap3A_752 = arith.constant 0 : index
    %swap3A_753 = vector.load %arg5[%swap3A_751, %swap3A_752] : memref<200x128xf32, #tpu.memory_space<vmem>>, vector<8x128xf32>
    tpu.vector_store %arg5[%swap3A_751, %swap3A_752], %add3A_750 {strides = array<i32>} : memref<200x128xf32, #tpu.memory_space<vmem>>, vector<8x128xf32>,
    %get3A_754 = arith.constant 0 : index
    %get3A_755 = arith.constant 8192 : index
    %get3A_756 = vector.load %arg1[%get3A_754, %get3A_755] : memref<64x25600xf32, #tpu.memory_space<vmem>>, vector<64x128xf32>
    %mul3A_757 = vector.broadcast %get3A_1 : vector<64x1xf32> to vector<64x128xf32>
    %mul3A_758 = arith.mulf %get3A_756, %mul3A_757 : vector<64x128xf32>
    %reduce_sum3A_759 = arith.constant dense<0.000000e+00> : vector<128xf32>
    %reduce_sum3A_760 = vector.multi_reduction <add>, %mul3A_758, %reduce_sum3A_759 [0] : vector<64x128xf32> to vector<128xf32>
    %broadcast_in_dim3A_761 = vector.shape_cast %reduce_sum3A_760 : vector<128xf32> to vector<1x128xf32>
    %mul3A_762 = arith.constant 5.000000e-03 : f32
    %mul3A_763 = vector.broadcast %mul3A_762 : f32 to vector<1x128xf32>
    %mul3A_764 = arith.mulf %broadcast_in_dim3A_761, %mul3A_763 : vector<1x128xf32>
    %get3A_765 = arith.constant 0 : index
    %get3A_766 = arith.constant 8320 : index
    %get3A_767 = vector.load %arg1[%get3A_765, %get3A_766] : memref<64x25600xf32, #tpu.memory_space<vmem>>, vector<64x128xf32>
    %mul3A_768 = vector.broadcast %get3A_1 : vector<64x1xf32> to vector<64x128xf32>
    %mul3A_769 = arith.mulf %get3A_767, %mul3A_768 : vector<64x128xf32>
    %reduce_sum3A_770 = arith.constant dense<0.000000e+00> : vector<128xf32>
    %reduce_sum3A_771 = vector.multi_reduction <add>, %mul3A_769, %reduce_sum3A_770 [0] : vector<64x128xf32> to vector<128xf32>
    %broadcast_in_dim3A_772 = vector.shape_cast %reduce_sum3A_771 : vector<128xf32> to vector<1x128xf32>
    %mul3A_773 = arith.constant 5.000000e-03 : f32
    %mul3A_774 = vector.broadcast %mul3A_773 : f32 to vector<1x128xf32>
    %mul3A_775 = arith.mulf %broadcast_in_dim3A_772, %mul3A_774 : vector<1x128xf32>
    %get3A_776 = arith.constant 0 : index
    %get3A_777 = arith.constant 8448 : index
    %get3A_778 = vector.load %arg1[%get3A_776, %get3A_777] : memref<64x25600xf32, #tpu.memory_space<vmem>>, vector<64x128xf32>
    %mul3A_779 = vector.broadcast %get3A_1 : vector<64x1xf32> to vector<64x128xf32>
    %mul3A_780 = arith.mulf %get3A_778, %mul3A_779 : vector<64x128xf32>
    %reduce_sum3A_781 = arith.constant dense<0.000000e+00> : vector<128xf32>
    %reduce_sum3A_782 = vector.multi_reduction <add>, %mul3A_780, %reduce_sum3A_781 [0] : vector<64x128xf32> to vector<128xf32>
    %broadcast_in_dim3A_783 = vector.shape_cast %reduce_sum3A_782 : vector<128xf32> to vector<1x128xf32>
    %mul3A_784 = arith.constant 5.000000e-03 : f32
    %mul3A_785 = vector.broadcast %mul3A_784 : f32 to vector<1x128xf32>
    %mul3A_786 = arith.mulf %broadcast_in_dim3A_783, %mul3A_785 : vector<1x128xf32>
    %get3A_787 = arith.constant 0 : index
    %get3A_788 = arith.constant 8576 : index
    %get3A_789 = vector.load %arg1[%get3A_787, %get3A_788] : memref<64x25600xf32, #tpu.memory_space<vmem>>, vector<64x128xf32>
    %mul3A_790 = vector.broadcast %get3A_1 : vector<64x1xf32> to vector<64x128xf32>
    %mul3A_791 = arith.mulf %get3A_789, %mul3A_790 : vector<64x128xf32>
    %reduce_sum3A_792 = arith.constant dense<0.000000e+00> : vector<128xf32>
    %reduce_sum3A_793 = vector.multi_reduction <add>, %mul3A_791, %reduce_sum3A_792 [0] : vector<64x128xf32> to vector<128xf32>
    %broadcast_in_dim3A_794 = vector.shape_cast %reduce_sum3A_793 : vector<128xf32> to vector<1x128xf32>
    %mul3A_795 = arith.constant 5.000000e-03 : f32
    %mul3A_796 = vector.broadcast %mul3A_795 : f32 to vector<1x128xf32>
    %mul3A_797 = arith.mulf %broadcast_in_dim3A_794, %mul3A_796 : vector<1x128xf32>
    %get3A_798 = arith.constant 0 : index
    %get3A_799 = arith.constant 8704 : index
    %get3A_800 = vector.load %arg1[%get3A_798, %get3A_799] : memref<64x25600xf32, #tpu.memory_space<vmem>>, vector<64x128xf32>
    %mul3A_801 = vector.broadcast %get3A_1 : vector<64x1xf32> to vector<64x128xf32>
    %mul3A_802 = arith.mulf %get3A_800, %mul3A_801 : vector<64x128xf32>
    %reduce_sum3A_803 = arith.constant dense<0.000000e+00> : vector<128xf32>
    %reduce_sum3A_804 = vector.multi_reduction <add>, %mul3A_802, %reduce_sum3A_803 [0] : vector<64x128xf32> to vector<128xf32>
    %broadcast_in_dim3A_805 = vector.shape_cast %reduce_sum3A_804 : vector<128xf32> to vector<1x128xf32>
    %mul3A_806 = arith.constant 5.000000e-03 : f32
    %mul3A_807 = vector.broadcast %mul3A_806 : f32 to vector<1x128xf32>
    %mul3A_808 = arith.mulf %broadcast_in_dim3A_805, %mul3A_807 : vector<1x128xf32>
    %get3A_809 = arith.constant 0 : index
    %get3A_810 = arith.constant 8832 : index
    %get3A_811 = vector.load %arg1[%get3A_809, %get3A_810] : memref<64x25600xf32, #tpu.memory_space<vmem>>, vector<64x128xf32>
    %mul3A_812 = vector.broadcast %get3A_1 : vector<64x1xf32> to vector<64x128xf32>
    %mul3A_813 = arith.mulf %get3A_811, %mul3A_812 : vector<64x128xf32>
    %reduce_sum3A_814 = arith.constant dense<0.000000e+00> : vector<128xf32>
    %reduce_sum3A_815 = vector.multi_reduction <add>, %mul3A_813, %reduce_sum3A_814 [0] : vector<64x128xf32> to vector<128xf32>
    %broadcast_in_dim3A_816 = vector.shape_cast %reduce_sum3A_815 : vector<128xf32> to vector<1x128xf32>
    %mul3A_817 = arith.constant 5.000000e-03 : f32
    %mul3A_818 = vector.broadcast %mul3A_817 : f32 to vector<1x128xf32>
    %mul3A_819 = arith.mulf %broadcast_in_dim3A_816, %mul3A_818 : vector<1x128xf32>
    %get3A_820 = arith.constant 0 : index
    %get3A_821 = arith.constant 8960 : index
    %get3A_822 = vector.load %arg1[%get3A_820, %get3A_821] : memref<64x25600xf32, #tpu.memory_space<vmem>>, vector<64x128xf32>
    %mul3A_823 = vector.broadcast %get3A_1 : vector<64x1xf32> to vector<64x128xf32>
    %mul3A_824 = arith.mulf %get3A_822, %mul3A_823 : vector<64x128xf32>
    %reduce_sum3A_825 = arith.constant dense<0.000000e+00> : vector<128xf32>
    %reduce_sum3A_826 = vector.multi_reduction <add>, %mul3A_824, %reduce_sum3A_825 [0] : vector<64x128xf32> to vector<128xf32>
    %broadcast_in_dim3A_827 = vector.shape_cast %reduce_sum3A_826 : vector<128xf32> to vector<1x128xf32>
    %mul3A_828 = arith.constant 5.000000e-03 : f32
    %mul3A_829 = vector.broadcast %mul3A_828 : f32 to vector<1x128xf32>
    %mul3A_830 = arith.mulf %broadcast_in_dim3A_827, %mul3A_829 : vector<1x128xf32>
    %get3A_831 = arith.constant 0 : index
    %get3A_832 = arith.constant 9088 : index
    %get3A_833 = vector.load %arg1[%get3A_831, %get3A_832] : memref<64x25600xf32, #tpu.memory_space<vmem>>, vector<64x128xf32>
    %mul3A_834 = vector.broadcast %get3A_1 : vector<64x1xf32> to vector<64x128xf32>
    %mul3A_835 = arith.mulf %get3A_833, %mul3A_834 : vector<64x128xf32>
    %reduce_sum3A_836 = arith.constant dense<0.000000e+00> : vector<128xf32>
    %reduce_sum3A_837 = vector.multi_reduction <add>, %mul3A_835, %reduce_sum3A_836 [0] : vector<64x128xf32> to vector<128xf32>
    %broadcast_in_dim3A_838 = vector.shape_cast %reduce_sum3A_837 : vector<128xf32> to vector<1x128xf32>
    %mul3A_839 = arith.constant 5.000000e-03 : f32
    %mul3A_840 = vector.broadcast %mul3A_839 : f32 to vector<1x128xf32>
    %mul3A_841 = arith.mulf %broadcast_in_dim3A_838, %mul3A_840 : vector<1x128xf32>
    %concatenate3A_842 = tpu.concatenate %mul3A_764, %mul3A_775, %mul3A_786, %mul3A_797, %mul3A_808, %mul3A_819, %mul3A_830, %mul3A_841 in 0 : vector<1x128xf32>, vector<1x128xf32>, vector<1x128xf32>, vector<1x128xf32>, vector<1x128xf32>, vector<1x128xf32>, vector<1x128xf32>, vector<1x128xf32> -> vector<8x128xf32>
    %add3A_843 = vector.broadcast %mul3A_6 : f32 to vector<8x128xf32>
    %add3A_844 = arith.addf %concatenate3A_842, %add3A_843 : vector<8x128xf32>
    %swap3A_845 = arith.constant 64 : index
    %swap3A_846 = arith.constant 0 : index
    %swap3A_847 = vector.load %arg5[%swap3A_845, %swap3A_846] : memref<200x128xf32, #tpu.memory_space<vmem>>, vector<8x128xf32>
    tpu.vector_store %arg5[%swap3A_845, %swap3A_846], %add3A_844 {strides = array<i32>} : memref<200x128xf32, #tpu.memory_space<vmem>>, vector<8x128xf32>,
    %get3A_848 = arith.constant 0 : index
    %get3A_849 = arith.constant 9216 : index
    %get3A_850 = vector.load %arg1[%get3A_848, %get3A_849] : memref<64x25600xf32, #tpu.memory_space<vmem>>, vector<64x128xf32>
    %mul3A_851 = vector.broadcast %get3A_1 : vector<64x1xf32> to vector<64x128xf32>
    %mul3A_852 = arith.mulf %get3A_850, %mul3A_851 : vector<64x128xf32>
    %reduce_sum3A_853 = arith.constant dense<0.000000e+00> : vector<128xf32>
    %reduce_sum3A_854 = vector.multi_reduction <add>, %mul3A_852, %reduce_sum3A_853 [0] : vector<64x128xf32> to vector<128xf32>
    %broadcast_in_dim3A_855 = vector.shape_cast %reduce_sum3A_854 : vector<128xf32> to vector<1x128xf32>
    %mul3A_856 = arith.constant 5.000000e-03 : f32
    %mul3A_857 = vector.broadcast %mul3A_856 : f32 to vector<1x128xf32>
    %mul3A_858 = arith.mulf %broadcast_in_dim3A_855, %mul3A_857 : vector<1x128xf32>
    %get3A_859 = arith.constant 0 : index
    %get3A_860 = arith.constant 9344 : index
    %get3A_861 = vector.load %arg1[%get3A_859, %get3A_860] : memref<64x25600xf32, #tpu.memory_space<vmem>>, vector<64x128xf32>
    %mul3A_862 = vector.broadcast %get3A_1 : vector<64x1xf32> to vector<64x128xf32>
    %mul3A_863 = arith.mulf %get3A_861, %mul3A_862 : vector<64x128xf32>
    %reduce_sum3A_864 = arith.constant dense<0.000000e+00> : vector<128xf32>
    %reduce_sum3A_865 = vector.multi_reduction <add>, %mul3A_863, %reduce_sum3A_864 [0] : vector<64x128xf32> to vector<128xf32>
    %broadcast_in_dim3A_866 = vector.shape_cast %reduce_sum3A_865 : vector<128xf32> to vector<1x128xf32>
    %mul3A_867 = arith.constant 5.000000e-03 : f32
    %mul3A_868 = vector.broadcast %mul3A_867 : f32 to vector<1x128xf32>
    %mul3A_869 = arith.mulf %broadcast_in_dim3A_866, %mul3A_868 : vector<1x128xf32>
    %get3A_870 = arith.constant 0 : index
    %get3A_871 = arith.constant 9472 : index
    %get3A_872 = vector.load %arg1[%get3A_870, %get3A_871] : memref<64x25600xf32, #tpu.memory_space<vmem>>, vector<64x128xf32>
    %mul3A_873 = vector.broadcast %get3A_1 : vector<64x1xf32> to vector<64x128xf32>
    %mul3A_874 = arith.mulf %get3A_872, %mul3A_873 : vector<64x128xf32>
    %reduce_sum3A_875 = arith.constant dense<0.000000e+00> : vector<128xf32>
    %reduce_sum3A_876 = vector.multi_reduction <add>, %mul3A_874, %reduce_sum3A_875 [0] : vector<64x128xf32> to vector<128xf32>
    %broadcast_in_dim3A_877 = vector.shape_cast %reduce_sum3A_876 : vector<128xf32> to vector<1x128xf32>
    %mul3A_878 = arith.constant 5.000000e-03 : f32
    %mul3A_879 = vector.broadcast %mul3A_878 : f32 to vector<1x128xf32>
    %mul3A_880 = arith.mulf %broadcast_in_dim3A_877, %mul3A_879 : vector<1x128xf32>
    %get3A_881 = arith.constant 0 : index
    %get3A_882 = arith.constant 9600 : index
    %get3A_883 = vector.load %arg1[%get3A_881, %get3A_882] : memref<64x25600xf32, #tpu.memory_space<vmem>>, vector<64x128xf32>
    %mul3A_884 = vector.broadcast %get3A_1 : vector<64x1xf32> to vector<64x128xf32>
    %mul3A_885 = arith.mulf %get3A_883, %mul3A_884 : vector<64x128xf32>
    %reduce_sum3A_886 = arith.constant dense<0.000000e+00> : vector<128xf32>
    %reduce_sum3A_887 = vector.multi_reduction <add>, %mul3A_885, %reduce_sum3A_886 [0] : vector<64x128xf32> to vector<128xf32>
    %broadcast_in_dim3A_888 = vector.shape_cast %reduce_sum3A_887 : vector<128xf32> to vector<1x128xf32>
    %mul3A_889 = arith.constant 5.000000e-03 : f32
    %mul3A_890 = vector.broadcast %mul3A_889 : f32 to vector<1x128xf32>
    %mul3A_891 = arith.mulf %broadcast_in_dim3A_888, %mul3A_890 : vector<1x128xf32>
    %get3A_892 = arith.constant 0 : index
    %get3A_893 = arith.constant 9728 : index
    %get3A_894 = vector.load %arg1[%get3A_892, %get3A_893] : memref<64x25600xf32, #tpu.memory_space<vmem>>, vector<64x128xf32>
    %mul3A_895 = vector.broadcast %get3A_1 : vector<64x1xf32> to vector<64x128xf32>
    %mul3A_896 = arith.mulf %get3A_894, %mul3A_895 : vector<64x128xf32>
    %reduce_sum3A_897 = arith.constant dense<0.000000e+00> : vector<128xf32>
    %reduce_sum3A_898 = vector.multi_reduction <add>, %mul3A_896, %reduce_sum3A_897 [0] : vector<64x128xf32> to vector<128xf32>
    %broadcast_in_dim3A_899 = vector.shape_cast %reduce_sum3A_898 : vector<128xf32> to vector<1x128xf32>
    %mul3A_900 = arith.constant 5.000000e-03 : f32
    %mul3A_901 = vector.broadcast %mul3A_900 : f32 to vector<1x128xf32>
    %mul3A_902 = arith.mulf %broadcast_in_dim3A_899, %mul3A_901 : vector<1x128xf32>
    %get3A_903 = arith.constant 0 : index
    %get3A_904 = arith.constant 9856 : index
    %get3A_905 = vector.load %arg1[%get3A_903, %get3A_904] : memref<64x25600xf32, #tpu.memory_space<vmem>>, vector<64x128xf32>
    %mul3A_906 = vector.broadcast %get3A_1 : vector<64x1xf32> to vector<64x128xf32>
    %mul3A_907 = arith.mulf %get3A_905, %mul3A_906 : vector<64x128xf32>
    %reduce_sum3A_908 = arith.constant dense<0.000000e+00> : vector<128xf32>
    %reduce_sum3A_909 = vector.multi_reduction <add>, %mul3A_907, %reduce_sum3A_908 [0] : vector<64x128xf32> to vector<128xf32>
    %broadcast_in_dim3A_910 = vector.shape_cast %reduce_sum3A_909 : vector<128xf32> to vector<1x128xf32>
    %mul3A_911 = arith.constant 5.000000e-03 : f32
    %mul3A_912 = vector.broadcast %mul3A_911 : f32 to vector<1x128xf32>
    %mul3A_913 = arith.mulf %broadcast_in_dim3A_910, %mul3A_912 : vector<1x128xf32>
    %get3A_914 = arith.constant 0 : index
    %get3A_915 = arith.constant 9984 : index
    %get3A_916 = vector.load %arg1[%get3A_914, %get3A_915] : memref<64x25600xf32, #tpu.memory_space<vmem>>, vector<64x128xf32>
    %mul3A_917 = vector.broadcast %get3A_1 : vector<64x1xf32> to vector<64x128xf32>
    %mul3A_918 = arith.mulf %get3A_916, %mul3A_917 : vector<64x128xf32>
    %reduce_sum3A_919 = arith.constant dense<0.000000e+00> : vector<128xf32>
    %reduce_sum3A_920 = vector.multi_reduction <add>, %mul3A_918, %reduce_sum3A_919 [0] : vector<64x128xf32> to vector<128xf32>
    %broadcast_in_dim3A_921 = vector.shape_cast %reduce_sum3A_920 : vector<128xf32> to vector<1x128xf32>
    %mul3A_922 = arith.constant 5.000000e-03 : f32
    %mul3A_923 = vector.broadcast %mul3A_922 : f32 to vector<1x128xf32>
    %mul3A_924 = arith.mulf %broadcast_in_dim3A_921, %mul3A_923 : vector<1x128xf32>
    %get3A_925 = arith.constant 0 : index
    %get3A_926 = arith.constant 10112 : index
    %get3A_927 = vector.load %arg1[%get3A_925, %get3A_926] : memref<64x25600xf32, #tpu.memory_space<vmem>>, vector<64x128xf32>
    %mul3A_928 = vector.broadcast %get3A_1 : vector<64x1xf32> to vector<64x128xf32>
    %mul3A_929 = arith.mulf %get3A_927, %mul3A_928 : vector<64x128xf32>
    %reduce_sum3A_930 = arith.constant dense<0.000000e+00> : vector<128xf32>
    %reduce_sum3A_931 = vector.multi_reduction <add>, %mul3A_929, %reduce_sum3A_930 [0] : vector<64x128xf32> to vector<128xf32>
    %broadcast_in_dim3A_932 = vector.shape_cast %reduce_sum3A_931 : vector<128xf32> to vector<1x128xf32>
    %mul3A_933 = arith.constant 5.000000e-03 : f32
    %mul3A_934 = vector.broadcast %mul3A_933 : f32 to vector<1x128xf32>
    %mul3A_935 = arith.mulf %broadcast_in_dim3A_932, %mul3A_934 : vector<1x128xf32>
    %concatenate3A_936 = tpu.concatenate %mul3A_858, %mul3A_869, %mul3A_880, %mul3A_891, %mul3A_902, %mul3A_913, %mul3A_924, %mul3A_935 in 0 : vector<1x128xf32>, vector<1x128xf32>, vector<1x128xf32>, vector<1x128xf32>, vector<1x128xf32>, vector<1x128xf32>, vector<1x128xf32>, vector<1x128xf32> -> vector<8x128xf32>
    %add3A_937 = vector.broadcast %mul3A_6 : f32 to vector<8x128xf32>
    %add3A_938 = arith.addf %concatenate3A_936, %add3A_937 : vector<8x128xf32>
    %swap3A_939 = arith.constant 72 : index
    %swap3A_940 = arith.constant 0 : index
    %swap3A_941 = vector.load %arg5[%swap3A_939, %swap3A_940] : memref<200x128xf32, #tpu.memory_space<vmem>>, vector<8x128xf32>
    tpu.vector_store %arg5[%swap3A_939, %swap3A_940], %add3A_938 {strides = array<i32>} : memref<200x128xf32, #tpu.memory_space<vmem>>, vector<8x128xf32>,
    %get3A_942 = arith.constant 0 : index
    %get3A_943 = arith.constant 10240 : index
    %get3A_944 = vector.load %arg1[%get3A_942, %get3A_943] : memref<64x25600xf32, #tpu.memory_space<vmem>>, vector<64x128xf32>
    %mul3A_945 = vector.broadcast %get3A_1 : vector<64x1xf32> to vector<64x128xf32>
    %mul3A_946 = arith.mulf %get3A_944, %mul3A_945 : vector<64x128xf32>
    %reduce_sum3A_947 = arith.constant dense<0.000000e+00> : vector<128xf32>
    %reduce_sum3A_948 = vector.multi_reduction <add>, %mul3A_946, %reduce_sum3A_947 [0] : vector<64x128xf32> to vector<128xf32>
    %broadcast_in_dim3A_949 = vector.shape_cast %reduce_sum3A_948 : vector<128xf32> to vector<1x128xf32>
    %mul3A_950 = arith.constant 5.000000e-03 : f32
    %mul3A_951 = vector.broadcast %mul3A_950 : f32 to vector<1x128xf32>
    %mul3A_952 = arith.mulf %broadcast_in_dim3A_949, %mul3A_951 : vector<1x128xf32>
    %get3A_953 = arith.constant 0 : index
    %get3A_954 = arith.constant 10368 : index
    %get3A_955 = vector.load %arg1[%get3A_953, %get3A_954] : memref<64x25600xf32, #tpu.memory_space<vmem>>, vector<64x128xf32>
    %mul3A_956 = vector.broadcast %get3A_1 : vector<64x1xf32> to vector<64x128xf32>
    %mul3A_957 = arith.mulf %get3A_955, %mul3A_956 : vector<64x128xf32>
    %reduce_sum3A_958 = arith.constant dense<0.000000e+00> : vector<128xf32>
    %reduce_sum3A_959 = vector.multi_reduction <add>, %mul3A_957, %reduce_sum3A_958 [0] : vector<64x128xf32> to vector<128xf32>
    %broadcast_in_dim3A_960 = vector.shape_cast %reduce_sum3A_959 : vector<128xf32> to vector<1x128xf32>
    %mul3A_961 = arith.constant 5.000000e-03 : f32
    %mul3A_962 = vector.broadcast %mul3A_961 : f32 to vector<1x128xf32>
    %mul3A_963 = arith.mulf %broadcast_in_dim3A_960, %mul3A_962 : vector<1x128xf32>
    %get3A_964 = arith.constant 0 : index
    %get3A_965 = arith.constant 10496 : index
    %get3A_966 = vector.load %arg1[%get3A_964, %get3A_965] : memref<64x25600xf32, #tpu.memory_space<vmem>>, vector<64x128xf32>
    %mul3A_967 = vector.broadcast %get3A_1 : vector<64x1xf32> to vector<64x128xf32>
    %mul3A_968 = arith.mulf %get3A_966, %mul3A_967 : vector<64x128xf32>
    %reduce_sum3A_969 = arith.constant dense<0.000000e+00> : vector<128xf32>
    %reduce_sum3A_970 = vector.multi_reduction <add>, %mul3A_968, %reduce_sum3A_969 [0] : vector<64x128xf32> to vector<128xf32>
    %broadcast_in_dim3A_971 = vector.shape_cast %reduce_sum3A_970 : vector<128xf32> to vector<1x128xf32>
    %mul3A_972 = arith.constant 5.000000e-03 : f32
    %mul3A_973 = vector.broadcast %mul3A_972 : f32 to vector<1x128xf32>
    %mul3A_974 = arith.mulf %broadcast_in_dim3A_971, %mul3A_973 : vector<1x128xf32>
    %get3A_975 = arith.constant 0 : index
    %get3A_976 = arith.constant 10624 : index
    %get3A_977 = vector.load %arg1[%get3A_975, %get3A_976] : memref<64x25600xf32, #tpu.memory_space<vmem>>, vector<64x128xf32>
    %mul3A_978 = vector.broadcast %get3A_1 : vector<64x1xf32> to vector<64x128xf32>
    %mul3A_979 = arith.mulf %get3A_977, %mul3A_978 : vector<64x128xf32>
    %reduce_sum3A_980 = arith.constant dense<0.000000e+00> : vector<128xf32>
    %reduce_sum3A_981 = vector.multi_reduction <add>, %mul3A_979, %reduce_sum3A_980 [0] : vector<64x128xf32> to vector<128xf32>
    %broadcast_in_dim3A_982 = vector.shape_cast %reduce_sum3A_981 : vector<128xf32> to vector<1x128xf32>
    %mul3A_983 = arith.constant 5.000000e-03 : f32
    %mul3A_984 = vector.broadcast %mul3A_983 : f32 to vector<1x128xf32>
    %mul3A_985 = arith.mulf %broadcast_in_dim3A_982, %mul3A_984 : vector<1x128xf32>
    %get3A_986 = arith.constant 0 : index
    %get3A_987 = arith.constant 10752 : index
    %get3A_988 = vector.load %arg1[%get3A_986, %get3A_987] : memref<64x25600xf32, #tpu.memory_space<vmem>>, vector<64x128xf32>
    %mul3A_989 = vector.broadcast %get3A_1 : vector<64x1xf32> to vector<64x128xf32>
    %mul3A_990 = arith.mulf %get3A_988, %mul3A_989 : vector<64x128xf32>
    %reduce_sum3A_991 = arith.constant dense<0.000000e+00> : vector<128xf32>
    %reduce_sum3A_992 = vector.multi_reduction <add>, %mul3A_990, %reduce_sum3A_991 [0] : vector<64x128xf32> to vector<128xf32>
    %broadcast_in_dim3A_993 = vector.shape_cast %reduce_sum3A_992 : vector<128xf32> to vector<1x128xf32>
    %mul3A_994 = arith.constant 5.000000e-03 : f32
    %mul3A_995 = vector.broadcast %mul3A_994 : f32 to vector<1x128xf32>
    %mul3A_996 = arith.mulf %broadcast_in_dim3A_993, %mul3A_995 : vector<1x128xf32>
    %get3A_997 = arith.constant 0 : index
    %get3A_998 = arith.constant 10880 : index
    %get3A_999 = vector.load %arg1[%get3A_997, %get3A_998] : memref<64x25600xf32, #tpu.memory_space<vmem>>, vector<64x128xf32>
    %mul3A_1000 = vector.broadcast %get3A_1 : vector<64x1xf32> to vector<64x128xf32>
    %mul3A_1001 = arith.mulf %get3A_999, %mul3A_1000 : vector<64x128xf32>
    %reduce_sum3A_1002 = arith.constant dense<0.000000e+00> : vector<128xf32>
    %reduce_sum3A_1003 = vector.multi_reduction <add>, %mul3A_1001, %reduce_sum3A_1002 [0] : vector<64x128xf32> to vector<128xf32>
    %broadcast_in_dim3A_1004 = vector.shape_cast %reduce_sum3A_1003 : vector<128xf32> to vector<1x128xf32>
    %mul3A_1005 = arith.constant 5.000000e-03 : f32
    %mul3A_1006 = vector.broadcast %mul3A_1005 : f32 to vector<1x128xf32>
    %mul3A_1007 = arith.mulf %broadcast_in_dim3A_1004, %mul3A_1006 : vector<1x128xf32>
    %get3A_1008 = arith.constant 0 : index
    %get3A_1009 = arith.constant 11008 : index
    %get3A_1010 = vector.load %arg1[%get3A_1008, %get3A_1009] : memref<64x25600xf32, #tpu.memory_space<vmem>>, vector<64x128xf32>
    %mul3A_1011 = vector.broadcast %get3A_1 : vector<64x1xf32> to vector<64x128xf32>
    %mul3A_1012 = arith.mulf %get3A_1010, %mul3A_1011 : vector<64x128xf32>
    %reduce_sum3A_1013 = arith.constant dense<0.000000e+00> : vector<128xf32>
    %reduce_sum3A_1014 = vector.multi_reduction <add>, %mul3A_1012, %reduce_sum3A_1013 [0] : vector<64x128xf32> to vector<128xf32>
    %broadcast_in_dim3A_1015 = vector.shape_cast %reduce_sum3A_1014 : vector<128xf32> to vector<1x128xf32>
    %mul3A_1016 = arith.constant 5.000000e-03 : f32
    %mul3A_1017 = vector.broadcast %mul3A_1016 : f32 to vector<1x128xf32>
    %mul3A_1018 = arith.mulf %broadcast_in_dim3A_1015, %mul3A_1017 : vector<1x128xf32>
    %get3A_1019 = arith.constant 0 : index
    %get3A_1020 = arith.constant 11136 : index
    %get3A_1021 = vector.load %arg1[%get3A_1019, %get3A_1020] : memref<64x25600xf32, #tpu.memory_space<vmem>>, vector<64x128xf32>
    %mul3A_1022 = vector.broadcast %get3A_1 : vector<64x1xf32> to vector<64x128xf32>
    %mul3A_1023 = arith.mulf %get3A_1021, %mul3A_1022 : vector<64x128xf32>
    %reduce_sum3A_1024 = arith.constant dense<0.000000e+00> : vector<128xf32>
    %reduce_sum3A_1025 = vector.multi_reduction <add>, %mul3A_1023, %reduce_sum3A_1024 [0] : vector<64x128xf32> to vector<128xf32>
    %broadcast_in_dim3A_1026 = vector.shape_cast %reduce_sum3A_1025 : vector<128xf32> to vector<1x128xf32>
    %mul3A_1027 = arith.constant 5.000000e-03 : f32
    %mul3A_1028 = vector.broadcast %mul3A_1027 : f32 to vector<1x128xf32>
    %mul3A_1029 = arith.mulf %broadcast_in_dim3A_1026, %mul3A_1028 : vector<1x128xf32>
    %concatenate3A_1030 = tpu.concatenate %mul3A_952, %mul3A_963, %mul3A_974, %mul3A_985, %mul3A_996, %mul3A_1007, %mul3A_1018, %mul3A_1029 in 0 : vector<1x128xf32>, vector<1x128xf32>, vector<1x128xf32>, vector<1x128xf32>, vector<1x128xf32>, vector<1x128xf32>, vector<1x128xf32>, vector<1x128xf32> -> vector<8x128xf32>
    %add3A_1031 = vector.broadcast %mul3A_6 : f32 to vector<8x128xf32>
    %add3A_1032 = arith.addf %concatenate3A_1030, %add3A_1031 : vector<8x128xf32>
    %swap3A_1033 = arith.constant 80 : index
    %swap3A_1034 = arith.constant 0 : index
    %swap3A_1035 = vector.load %arg5[%swap3A_1033, %swap3A_1034] : memref<200x128xf32, #tpu.memory_space<vmem>>, vector<8x128xf32>
    tpu.vector_store %arg5[%swap3A_1033, %swap3A_1034], %add3A_1032 {strides = array<i32>} : memref<200x128xf32, #tpu.memory_space<vmem>>, vector<8x128xf32>,
    %get3A_1036 = arith.constant 0 : index
    %get3A_1037 = arith.constant 11264 : index
    %get3A_1038 = vector.load %arg1[%get3A_1036, %get3A_1037] : memref<64x25600xf32, #tpu.memory_space<vmem>>, vector<64x128xf32>
    %mul3A_1039 = vector.broadcast %get3A_1 : vector<64x1xf32> to vector<64x128xf32>
    %mul3A_1040 = arith.mulf %get3A_1038, %mul3A_1039 : vector<64x128xf32>
    %reduce_sum3A_1041 = arith.constant dense<0.000000e+00> : vector<128xf32>
    %reduce_sum3A_1042 = vector.multi_reduction <add>, %mul3A_1040, %reduce_sum3A_1041 [0] : vector<64x128xf32> to vector<128xf32>
    %broadcast_in_dim3A_1043 = vector.shape_cast %reduce_sum3A_1042 : vector<128xf32> to vector<1x128xf32>
    %mul3A_1044 = arith.constant 5.000000e-03 : f32
    %mul3A_1045 = vector.broadcast %mul3A_1044 : f32 to vector<1x128xf32>
    %mul3A_1046 = arith.mulf %broadcast_in_dim3A_1043, %mul3A_1045 : vector<1x128xf32>
    %get3A_1047 = arith.constant 0 : index
    %get3A_1048 = arith.constant 11392 : index
    %get3A_1049 = vector.load %arg1[%get3A_1047, %get3A_1048] : memref<64x25600xf32, #tpu.memory_space<vmem>>, vector<64x128xf32>
    %mul3A_1050 = vector.broadcast %get3A_1 : vector<64x1xf32> to vector<64x128xf32>
    %mul3A_1051 = arith.mulf %get3A_1049, %mul3A_1050 : vector<64x128xf32>
    %reduce_sum3A_1052 = arith.constant dense<0.000000e+00> : vector<128xf32>
    %reduce_sum3A_1053 = vector.multi_reduction <add>, %mul3A_1051, %reduce_sum3A_1052 [0] : vector<64x128xf32> to vector<128xf32>
    %broadcast_in_dim3A_1054 = vector.shape_cast %reduce_sum3A_1053 : vector<128xf32> to vector<1x128xf32>
    %mul3A_1055 = arith.constant 5.000000e-03 : f32
    %mul3A_1056 = vector.broadcast %mul3A_1055 : f32 to vector<1x128xf32>
    %mul3A_1057 = arith.mulf %broadcast_in_dim3A_1054, %mul3A_1056 : vector<1x128xf32>
    %get3A_1058 = arith.constant 0 : index
    %get3A_1059 = arith.constant 11520 : index
    %get3A_1060 = vector.load %arg1[%get3A_1058, %get3A_1059] : memref<64x25600xf32, #tpu.memory_space<vmem>>, vector<64x128xf32>
    %mul3A_1061 = vector.broadcast %get3A_1 : vector<64x1xf32> to vector<64x128xf32>
    %mul3A_1062 = arith.mulf %get3A_1060, %mul3A_1061 : vector<64x128xf32>
    %reduce_sum3A_1063 = arith.constant dense<0.000000e+00> : vector<128xf32>
    %reduce_sum3A_1064 = vector.multi_reduction <add>, %mul3A_1062, %reduce_sum3A_1063 [0] : vector<64x128xf32> to vector<128xf32>
    %broadcast_in_dim3A_1065 = vector.shape_cast %reduce_sum3A_1064 : vector<128xf32> to vector<1x128xf32>
    %mul3A_1066 = arith.constant 5.000000e-03 : f32
    %mul3A_1067 = vector.broadcast %mul3A_1066 : f32 to vector<1x128xf32>
    %mul3A_1068 = arith.mulf %broadcast_in_dim3A_1065, %mul3A_1067 : vector<1x128xf32>
    %get3A_1069 = arith.constant 0 : index
    %get3A_1070 = arith.constant 11648 : index
    %get3A_1071 = vector.load %arg1[%get3A_1069, %get3A_1070] : memref<64x25600xf32, #tpu.memory_space<vmem>>, vector<64x128xf32>
    %mul3A_1072 = vector.broadcast %get3A_1 : vector<64x1xf32> to vector<64x128xf32>
    %mul3A_1073 = arith.mulf %get3A_1071, %mul3A_1072 : vector<64x128xf32>
    %reduce_sum3A_1074 = arith.constant dense<0.000000e+00> : vector<128xf32>
    %reduce_sum3A_1075 = vector.multi_reduction <add>, %mul3A_1073, %reduce_sum3A_1074 [0] : vector<64x128xf32> to vector<128xf32>
    %broadcast_in_dim3A_1076 = vector.shape_cast %reduce_sum3A_1075 : vector<128xf32> to vector<1x128xf32>
    %mul3A_1077 = arith.constant 5.000000e-03 : f32
    %mul3A_1078 = vector.broadcast %mul3A_1077 : f32 to vector<1x128xf32>
    %mul3A_1079 = arith.mulf %broadcast_in_dim3A_1076, %mul3A_1078 : vector<1x128xf32>
    %get3A_1080 = arith.constant 0 : index
    %get3A_1081 = arith.constant 11776 : index
    %get3A_1082 = vector.load %arg1[%get3A_1080, %get3A_1081] : memref<64x25600xf32, #tpu.memory_space<vmem>>, vector<64x128xf32>
    %mul3A_1083 = vector.broadcast %get3A_1 : vector<64x1xf32> to vector<64x128xf32>
    %mul3A_1084 = arith.mulf %get3A_1082, %mul3A_1083 : vector<64x128xf32>
    %reduce_sum3A_1085 = arith.constant dense<0.000000e+00> : vector<128xf32>
    %reduce_sum3A_1086 = vector.multi_reduction <add>, %mul3A_1084, %reduce_sum3A_1085 [0] : vector<64x128xf32> to vector<128xf32>
    %broadcast_in_dim3A_1087 = vector.shape_cast %reduce_sum3A_1086 : vector<128xf32> to vector<1x128xf32>
    %mul3A_1088 = arith.constant 5.000000e-03 : f32
    %mul3A_1089 = vector.broadcast %mul3A_1088 : f32 to vector<1x128xf32>
    %mul3A_1090 = arith.mulf %broadcast_in_dim3A_1087, %mul3A_1089 : vector<1x128xf32>
    %get3A_1091 = arith.constant 0 : index
    %get3A_1092 = arith.constant 11904 : index
    %get3A_1093 = vector.load %arg1[%get3A_1091, %get3A_1092] : memref<64x25600xf32, #tpu.memory_space<vmem>>, vector<64x128xf32>
    %mul3A_1094 = vector.broadcast %get3A_1 : vector<64x1xf32> to vector<64x128xf32>
    %mul3A_1095 = arith.mulf %get3A_1093, %mul3A_1094 : vector<64x128xf32>
    %reduce_sum3A_1096 = arith.constant dense<0.000000e+00> : vector<128xf32>
    %reduce_sum3A_1097 = vector.multi_reduction <add>, %mul3A_1095, %reduce_sum3A_1096 [0] : vector<64x128xf32> to vector<128xf32>
    %broadcast_in_dim3A_1098 = vector.shape_cast %reduce_sum3A_1097 : vector<128xf32> to vector<1x128xf32>
    %mul3A_1099 = arith.constant 5.000000e-03 : f32
    %mul3A_1100 = vector.broadcast %mul3A_1099 : f32 to vector<1x128xf32>
    %mul3A_1101 = arith.mulf %broadcast_in_dim3A_1098, %mul3A_1100 : vector<1x128xf32>
    %get3A_1102 = arith.constant 0 : index
    %get3A_1103 = arith.constant 12032 : index
    %get3A_1104 = vector.load %arg1[%get3A_1102, %get3A_1103] : memref<64x25600xf32, #tpu.memory_space<vmem>>, vector<64x128xf32>
    %mul3A_1105 = vector.broadcast %get3A_1 : vector<64x1xf32> to vector<64x128xf32>
    %mul3A_1106 = arith.mulf %get3A_1104, %mul3A_1105 : vector<64x128xf32>
    %reduce_sum3A_1107 = arith.constant dense<0.000000e+00> : vector<128xf32>
    %reduce_sum3A_1108 = vector.multi_reduction <add>, %mul3A_1106, %reduce_sum3A_1107 [0] : vector<64x128xf32> to vector<128xf32>
    %broadcast_in_dim3A_1109 = vector.shape_cast %reduce_sum3A_1108 : vector<128xf32> to vector<1x128xf32>
    %mul3A_1110 = arith.constant 5.000000e-03 : f32
    %mul3A_1111 = vector.broadcast %mul3A_1110 : f32 to vector<1x128xf32>
    %mul3A_1112 = arith.mulf %broadcast_in_dim3A_1109, %mul3A_1111 : vector<1x128xf32>
    %get3A_1113 = arith.constant 0 : index
    %get3A_1114 = arith.constant 12160 : index
    %get3A_1115 = vector.load %arg1[%get3A_1113, %get3A_1114] : memref<64x25600xf32, #tpu.memory_space<vmem>>, vector<64x128xf32>
    %mul3A_1116 = vector.broadcast %get3A_1 : vector<64x1xf32> to vector<64x128xf32>
    %mul3A_1117 = arith.mulf %get3A_1115, %mul3A_1116 : vector<64x128xf32>
    %reduce_sum3A_1118 = arith.constant dense<0.000000e+00> : vector<128xf32>
    %reduce_sum3A_1119 = vector.multi_reduction <add>, %mul3A_1117, %reduce_sum3A_1118 [0] : vector<64x128xf32> to vector<128xf32>
    %broadcast_in_dim3A_1120 = vector.shape_cast %reduce_sum3A_1119 : vector<128xf32> to vector<1x128xf32>
    %mul3A_1121 = arith.constant 5.000000e-03 : f32
    %mul3A_1122 = vector.broadcast %mul3A_1121 : f32 to vector<1x128xf32>
    %mul3A_1123 = arith.mulf %broadcast_in_dim3A_1120, %mul3A_1122 : vector<1x128xf32>
    %concatenate3A_1124 = tpu.concatenate %mul3A_1046, %mul3A_1057, %mul3A_1068, %mul3A_1079, %mul3A_1090, %mul3A_1101, %mul3A_1112, %mul3A_1123 in 0 : vector<1x128xf32>, vector<1x128xf32>, vector<1x128xf32>, vector<1x128xf32>, vector<1x128xf32>, vector<1x128xf32>, vector<1x128xf32>, vector<1x128xf32> -> vector<8x128xf32>
    %add3A_1125 = vector.broadcast %mul3A_6 : f32 to vector<8x128xf32>
    %add3A_1126 = arith.addf %concatenate3A_1124, %add3A_1125 : vector<8x128xf32>
    %swap3A_1127 = arith.constant 88 : index
    %swap3A_1128 = arith.constant 0 : index
    %swap3A_1129 = vector.load %arg5[%swap3A_1127, %swap3A_1128] : memref<200x128xf32, #tpu.memory_space<vmem>>, vector<8x128xf32>
    tpu.vector_store %arg5[%swap3A_1127, %swap3A_1128], %add3A_1126 {strides = array<i32>} : memref<200x128xf32, #tpu.memory_space<vmem>>, vector<8x128xf32>,
    %get3A_1130 = arith.constant 0 : index
    %get3A_1131 = arith.constant 12288 : index
    %get3A_1132 = vector.load %arg1[%get3A_1130, %get3A_1131] : memref<64x25600xf32, #tpu.memory_space<vmem>>, vector<64x128xf32>
    %mul3A_1133 = vector.broadcast %get3A_1 : vector<64x1xf32> to vector<64x128xf32>
    %mul3A_1134 = arith.mulf %get3A_1132, %mul3A_1133 : vector<64x128xf32>
    %reduce_sum3A_1135 = arith.constant dense<0.000000e+00> : vector<128xf32>
    %reduce_sum3A_1136 = vector.multi_reduction <add>, %mul3A_1134, %reduce_sum3A_1135 [0] : vector<64x128xf32> to vector<128xf32>
    %broadcast_in_dim3A_1137 = vector.shape_cast %reduce_sum3A_1136 : vector<128xf32> to vector<1x128xf32>
    %mul3A_1138 = arith.constant 5.000000e-03 : f32
    %mul3A_1139 = vector.broadcast %mul3A_1138 : f32 to vector<1x128xf32>
    %mul3A_1140 = arith.mulf %broadcast_in_dim3A_1137, %mul3A_1139 : vector<1x128xf32>
    %get3A_1141 = arith.constant 0 : index
    %get3A_1142 = arith.constant 12416 : index
    %get3A_1143 = vector.load %arg1[%get3A_1141, %get3A_1142] : memref<64x25600xf32, #tpu.memory_space<vmem>>, vector<64x128xf32>
    %mul3A_1144 = vector.broadcast %get3A_1 : vector<64x1xf32> to vector<64x128xf32>
    %mul3A_1145 = arith.mulf %get3A_1143, %mul3A_1144 : vector<64x128xf32>
    %reduce_sum3A_1146 = arith.constant dense<0.000000e+00> : vector<128xf32>
    %reduce_sum3A_1147 = vector.multi_reduction <add>, %mul3A_1145, %reduce_sum3A_1146 [0] : vector<64x128xf32> to vector<128xf32>
    %broadcast_in_dim3A_1148 = vector.shape_cast %reduce_sum3A_1147 : vector<128xf32> to vector<1x128xf32>
    %mul3A_1149 = arith.constant 5.000000e-03 : f32
    %mul3A_1150 = vector.broadcast %mul3A_1149 : f32 to vector<1x128xf32>
    %mul3A_1151 = arith.mulf %broadcast_in_dim3A_1148, %mul3A_1150 : vector<1x128xf32>
    %get3A_1152 = arith.constant 0 : index
    %get3A_1153 = arith.constant 12544 : index
    %get3A_1154 = vector.load %arg1[%get3A_1152, %get3A_1153] : memref<64x25600xf32, #tpu.memory_space<vmem>>, vector<64x128xf32>
    %mul3A_1155 = vector.broadcast %get3A_1 : vector<64x1xf32> to vector<64x128xf32>
    %mul3A_1156 = arith.mulf %get3A_1154, %mul3A_1155 : vector<64x128xf32>
    %reduce_sum3A_1157 = arith.constant dense<0.000000e+00> : vector<128xf32>
    %reduce_sum3A_1158 = vector.multi_reduction <add>, %mul3A_1156, %reduce_sum3A_1157 [0] : vector<64x128xf32> to vector<128xf32>
    %broadcast_in_dim3A_1159 = vector.shape_cast %reduce_sum3A_1158 : vector<128xf32> to vector<1x128xf32>
    %mul3A_1160 = arith.constant 5.000000e-03 : f32
    %mul3A_1161 = vector.broadcast %mul3A_1160 : f32 to vector<1x128xf32>
    %mul3A_1162 = arith.mulf %broadcast_in_dim3A_1159, %mul3A_1161 : vector<1x128xf32>
    %get3A_1163 = arith.constant 0 : index
    %get3A_1164 = arith.constant 12672 : index
    %get3A_1165 = vector.load %arg1[%get3A_1163, %get3A_1164] : memref<64x25600xf32, #tpu.memory_space<vmem>>, vector<64x128xf32>
    %mul3A_1166 = vector.broadcast %get3A_1 : vector<64x1xf32> to vector<64x128xf32>
    %mul3A_1167 = arith.mulf %get3A_1165, %mul3A_1166 : vector<64x128xf32>
    %reduce_sum3A_1168 = arith.constant dense<0.000000e+00> : vector<128xf32>
    %reduce_sum3A_1169 = vector.multi_reduction <add>, %mul3A_1167, %reduce_sum3A_1168 [0] : vector<64x128xf32> to vector<128xf32>
    %broadcast_in_dim3A_1170 = vector.shape_cast %reduce_sum3A_1169 : vector<128xf32> to vector<1x128xf32>
    %mul3A_1171 = arith.constant 5.000000e-03 : f32
    %mul3A_1172 = vector.broadcast %mul3A_1171 : f32 to vector<1x128xf32>
    %mul3A_1173 = arith.mulf %broadcast_in_dim3A_1170, %mul3A_1172 : vector<1x128xf32>
    %get3A_1174 = arith.constant 0 : index
    %get3A_1175 = arith.constant 12800 : index
    %get3A_1176 = vector.load %arg1[%get3A_1174, %get3A_1175] : memref<64x25600xf32, #tpu.memory_space<vmem>>, vector<64x128xf32>
    %mul3A_1177 = vector.broadcast %get3A_1 : vector<64x1xf32> to vector<64x128xf32>
    %mul3A_1178 = arith.mulf %get3A_1176, %mul3A_1177 : vector<64x128xf32>
    %reduce_sum3A_1179 = arith.constant dense<0.000000e+00> : vector<128xf32>
    %reduce_sum3A_1180 = vector.multi_reduction <add>, %mul3A_1178, %reduce_sum3A_1179 [0] : vector<64x128xf32> to vector<128xf32>
    %broadcast_in_dim3A_1181 = vector.shape_cast %reduce_sum3A_1180 : vector<128xf32> to vector<1x128xf32>
    %mul3A_1182 = arith.constant 5.000000e-03 : f32
    %mul3A_1183 = vector.broadcast %mul3A_1182 : f32 to vector<1x128xf32>
    %mul3A_1184 = arith.mulf %broadcast_in_dim3A_1181, %mul3A_1183 : vector<1x128xf32>
    %get3A_1185 = arith.constant 0 : index
    %get3A_1186 = arith.constant 12928 : index
    %get3A_1187 = vector.load %arg1[%get3A_1185, %get3A_1186] : memref<64x25600xf32, #tpu.memory_space<vmem>>, vector<64x128xf32>
    %mul3A_1188 = vector.broadcast %get3A_1 : vector<64x1xf32> to vector<64x128xf32>
    %mul3A_1189 = arith.mulf %get3A_1187, %mul3A_1188 : vector<64x128xf32>
    %reduce_sum3A_1190 = arith.constant dense<0.000000e+00> : vector<128xf32>
    %reduce_sum3A_1191 = vector.multi_reduction <add>, %mul3A_1189, %reduce_sum3A_1190 [0] : vector<64x128xf32> to vector<128xf32>
    %broadcast_in_dim3A_1192 = vector.shape_cast %reduce_sum3A_1191 : vector<128xf32> to vector<1x128xf32>
    %mul3A_1193 = arith.constant 5.000000e-03 : f32
    %mul3A_1194 = vector.broadcast %mul3A_1193 : f32 to vector<1x128xf32>
    %mul3A_1195 = arith.mulf %broadcast_in_dim3A_1192, %mul3A_1194 : vector<1x128xf32>
    %get3A_1196 = arith.constant 0 : index
    %get3A_1197 = arith.constant 13056 : index
    %get3A_1198 = vector.load %arg1[%get3A_1196, %get3A_1197] : memref<64x25600xf32, #tpu.memory_space<vmem>>, vector<64x128xf32>
    %mul3A_1199 = vector.broadcast %get3A_1 : vector<64x1xf32> to vector<64x128xf32>
    %mul3A_1200 = arith.mulf %get3A_1198, %mul3A_1199 : vector<64x128xf32>
    %reduce_sum3A_1201 = arith.constant dense<0.000000e+00> : vector<128xf32>
    %reduce_sum3A_1202 = vector.multi_reduction <add>, %mul3A_1200, %reduce_sum3A_1201 [0] : vector<64x128xf32> to vector<128xf32>
    %broadcast_in_dim3A_1203 = vector.shape_cast %reduce_sum3A_1202 : vector<128xf32> to vector<1x128xf32>
    %mul3A_1204 = arith.constant 5.000000e-03 : f32
    %mul3A_1205 = vector.broadcast %mul3A_1204 : f32 to vector<1x128xf32>
    %mul3A_1206 = arith.mulf %broadcast_in_dim3A_1203, %mul3A_1205 : vector<1x128xf32>
    %get3A_1207 = arith.constant 0 : index
    %get3A_1208 = arith.constant 13184 : index
    %get3A_1209 = vector.load %arg1[%get3A_1207, %get3A_1208] : memref<64x25600xf32, #tpu.memory_space<vmem>>, vector<64x128xf32>
    %mul3A_1210 = vector.broadcast %get3A_1 : vector<64x1xf32> to vector<64x128xf32>
    %mul3A_1211 = arith.mulf %get3A_1209, %mul3A_1210 : vector<64x128xf32>
    %reduce_sum3A_1212 = arith.constant dense<0.000000e+00> : vector<128xf32>
    %reduce_sum3A_1213 = vector.multi_reduction <add>, %mul3A_1211, %reduce_sum3A_1212 [0] : vector<64x128xf32> to vector<128xf32>
    %broadcast_in_dim3A_1214 = vector.shape_cast %reduce_sum3A_1213 : vector<128xf32> to vector<1x128xf32>
    %mul3A_1215 = arith.constant 5.000000e-03 : f32
    %mul3A_1216 = vector.broadcast %mul3A_1215 : f32 to vector<1x128xf32>
    %mul3A_1217 = arith.mulf %broadcast_in_dim3A_1214, %mul3A_1216 : vector<1x128xf32>
    %concatenate3A_1218 = tpu.concatenate %mul3A_1140, %mul3A_1151, %mul3A_1162, %mul3A_1173, %mul3A_1184, %mul3A_1195, %mul3A_1206, %mul3A_1217 in 0 : vector<1x128xf32>, vector<1x128xf32>, vector<1x128xf32>, vector<1x128xf32>, vector<1x128xf32>, vector<1x128xf32>, vector<1x128xf32>, vector<1x128xf32> -> vector<8x128xf32>
    %add3A_1219 = vector.broadcast %mul3A_6 : f32 to vector<8x128xf32>
    %add3A_1220 = arith.addf %concatenate3A_1218, %add3A_1219 : vector<8x128xf32>
    %swap3A_1221 = arith.constant 96 : index
    %swap3A_1222 = arith.constant 0 : index
    %swap3A_1223 = vector.load %arg5[%swap3A_1221, %swap3A_1222] : memref<200x128xf32, #tpu.memory_space<vmem>>, vector<8x128xf32>
    tpu.vector_store %arg5[%swap3A_1221, %swap3A_1222], %add3A_1220 {strides = array<i32>} : memref<200x128xf32, #tpu.memory_space<vmem>>, vector<8x128xf32>,
    %get3A_1224 = arith.constant 0 : index
    %get3A_1225 = arith.constant 13312 : index
    %get3A_1226 = vector.load %arg1[%get3A_1224, %get3A_1225] : memref<64x25600xf32, #tpu.memory_space<vmem>>, vector<64x128xf32>
    %mul3A_1227 = vector.broadcast %get3A_1 : vector<64x1xf32> to vector<64x128xf32>
    %mul3A_1228 = arith.mulf %get3A_1226, %mul3A_1227 : vector<64x128xf32>
    %reduce_sum3A_1229 = arith.constant dense<0.000000e+00> : vector<128xf32>
    %reduce_sum3A_1230 = vector.multi_reduction <add>, %mul3A_1228, %reduce_sum3A_1229 [0] : vector<64x128xf32> to vector<128xf32>
    %broadcast_in_dim3A_1231 = vector.shape_cast %reduce_sum3A_1230 : vector<128xf32> to vector<1x128xf32>
    %mul3A_1232 = arith.constant 5.000000e-03 : f32
    %mul3A_1233 = vector.broadcast %mul3A_1232 : f32 to vector<1x128xf32>
    %mul3A_1234 = arith.mulf %broadcast_in_dim3A_1231, %mul3A_1233 : vector<1x128xf32>
    %get3A_1235 = arith.constant 0 : index
    %get3A_1236 = arith.constant 13440 : index
    %get3A_1237 = vector.load %arg1[%get3A_1235, %get3A_1236] : memref<64x25600xf32, #tpu.memory_space<vmem>>, vector<64x128xf32>
    %mul3A_1238 = vector.broadcast %get3A_1 : vector<64x1xf32> to vector<64x128xf32>
    %mul3A_1239 = arith.mulf %get3A_1237, %mul3A_1238 : vector<64x128xf32>
    %reduce_sum3A_1240 = arith.constant dense<0.000000e+00> : vector<128xf32>
    %reduce_sum3A_1241 = vector.multi_reduction <add>, %mul3A_1239, %reduce_sum3A_1240 [0] : vector<64x128xf32> to vector<128xf32>
    %broadcast_in_dim3A_1242 = vector.shape_cast %reduce_sum3A_1241 : vector<128xf32> to vector<1x128xf32>
    %mul3A_1243 = arith.constant 5.000000e-03 : f32
    %mul3A_1244 = vector.broadcast %mul3A_1243 : f32 to vector<1x128xf32>
    %mul3A_1245 = arith.mulf %broadcast_in_dim3A_1242, %mul3A_1244 : vector<1x128xf32>
    %get3A_1246 = arith.constant 0 : index
    %get3A_1247 = arith.constant 13568 : index
    %get3A_1248 = vector.load %arg1[%get3A_1246, %get3A_1247] : memref<64x25600xf32, #tpu.memory_space<vmem>>, vector<64x128xf32>
    %mul3A_1249 = vector.broadcast %get3A_1 : vector<64x1xf32> to vector<64x128xf32>
    %mul3A_1250 = arith.mulf %get3A_1248, %mul3A_1249 : vector<64x128xf32>
    %reduce_sum3A_1251 = arith.constant dense<0.000000e+00> : vector<128xf32>
    %reduce_sum3A_1252 = vector.multi_reduction <add>, %mul3A_1250, %reduce_sum3A_1251 [0] : vector<64x128xf32> to vector<128xf32>
    %broadcast_in_dim3A_1253 = vector.shape_cast %reduce_sum3A_1252 : vector<128xf32> to vector<1x128xf32>
    %mul3A_1254 = arith.constant 5.000000e-03 : f32
    %mul3A_1255 = vector.broadcast %mul3A_1254 : f32 to vector<1x128xf32>
    %mul3A_1256 = arith.mulf %broadcast_in_dim3A_1253, %mul3A_1255 : vector<1x128xf32>
    %get3A_1257 = arith.constant 0 : index
    %get3A_1258 = arith.constant 13696 : index
    %get3A_1259 = vector.load %arg1[%get3A_1257, %get3A_1258] : memref<64x25600xf32, #tpu.memory_space<vmem>>, vector<64x128xf32>
    %mul3A_1260 = vector.broadcast %get3A_1 : vector<64x1xf32> to vector<64x128xf32>
    %mul3A_1261 = arith.mulf %get3A_1259, %mul3A_1260 : vector<64x128xf32>
    %reduce_sum3A_1262 = arith.constant dense<0.000000e+00> : vector<128xf32>
    %reduce_sum3A_1263 = vector.multi_reduction <add>, %mul3A_1261, %reduce_sum3A_1262 [0] : vector<64x128xf32> to vector<128xf32>
    %broadcast_in_dim3A_1264 = vector.shape_cast %reduce_sum3A_1263 : vector<128xf32> to vector<1x128xf32>
    %mul3A_1265 = arith.constant 5.000000e-03 : f32
    %mul3A_1266 = vector.broadcast %mul3A_1265 : f32 to vector<1x128xf32>
    %mul3A_1267 = arith.mulf %broadcast_in_dim3A_1264, %mul3A_1266 : vector<1x128xf32>
    %get3A_1268 = arith.constant 0 : index
    %get3A_1269 = arith.constant 13824 : index
    %get3A_1270 = vector.load %arg1[%get3A_1268, %get3A_1269] : memref<64x25600xf32, #tpu.memory_space<vmem>>, vector<64x128xf32>
    %mul3A_1271 = vector.broadcast %get3A_1 : vector<64x1xf32> to vector<64x128xf32>
    %mul3A_1272 = arith.mulf %get3A_1270, %mul3A_1271 : vector<64x128xf32>
    %reduce_sum3A_1273 = arith.constant dense<0.000000e+00> : vector<128xf32>
    %reduce_sum3A_1274 = vector.multi_reduction <add>, %mul3A_1272, %reduce_sum3A_1273 [0] : vector<64x128xf32> to vector<128xf32>
    %broadcast_in_dim3A_1275 = vector.shape_cast %reduce_sum3A_1274 : vector<128xf32> to vector<1x128xf32>
    %mul3A_1276 = arith.constant 5.000000e-03 : f32
    %mul3A_1277 = vector.broadcast %mul3A_1276 : f32 to vector<1x128xf32>
    %mul3A_1278 = arith.mulf %broadcast_in_dim3A_1275, %mul3A_1277 : vector<1x128xf32>
    %get3A_1279 = arith.constant 0 : index
    %get3A_1280 = arith.constant 13952 : index
    %get3A_1281 = vector.load %arg1[%get3A_1279, %get3A_1280] : memref<64x25600xf32, #tpu.memory_space<vmem>>, vector<64x128xf32>
    %mul3A_1282 = vector.broadcast %get3A_1 : vector<64x1xf32> to vector<64x128xf32>
    %mul3A_1283 = arith.mulf %get3A_1281, %mul3A_1282 : vector<64x128xf32>
    %reduce_sum3A_1284 = arith.constant dense<0.000000e+00> : vector<128xf32>
    %reduce_sum3A_1285 = vector.multi_reduction <add>, %mul3A_1283, %reduce_sum3A_1284 [0] : vector<64x128xf32> to vector<128xf32>
    %broadcast_in_dim3A_1286 = vector.shape_cast %reduce_sum3A_1285 : vector<128xf32> to vector<1x128xf32>
    %mul3A_1287 = arith.constant 5.000000e-03 : f32
    %mul3A_1288 = vector.broadcast %mul3A_1287 : f32 to vector<1x128xf32>
    %mul3A_1289 = arith.mulf %broadcast_in_dim3A_1286, %mul3A_1288 : vector<1x128xf32>
    %get3A_1290 = arith.constant 0 : index
    %get3A_1291 = arith.constant 14080 : index
    %get3A_1292 = vector.load %arg1[%get3A_1290, %get3A_1291] : memref<64x25600xf32, #tpu.memory_space<vmem>>, vector<64x128xf32>
    %mul3A_1293 = vector.broadcast %get3A_1 : vector<64x1xf32> to vector<64x128xf32>
    %mul3A_1294 = arith.mulf %get3A_1292, %mul3A_1293 : vector<64x128xf32>
    %reduce_sum3A_1295 = arith.constant dense<0.000000e+00> : vector<128xf32>
    %reduce_sum3A_1296 = vector.multi_reduction <add>, %mul3A_1294, %reduce_sum3A_1295 [0] : vector<64x128xf32> to vector<128xf32>
    %broadcast_in_dim3A_1297 = vector.shape_cast %reduce_sum3A_1296 : vector<128xf32> to vector<1x128xf32>
    %mul3A_1298 = arith.constant 5.000000e-03 : f32
    %mul3A_1299 = vector.broadcast %mul3A_1298 : f32 to vector<1x128xf32>
    %mul3A_1300 = arith.mulf %broadcast_in_dim3A_1297, %mul3A_1299 : vector<1x128xf32>
    %get3A_1301 = arith.constant 0 : index
    %get3A_1302 = arith.constant 14208 : index
    %get3A_1303 = vector.load %arg1[%get3A_1301, %get3A_1302] : memref<64x25600xf32, #tpu.memory_space<vmem>>, vector<64x128xf32>
    %mul3A_1304 = vector.broadcast %get3A_1 : vector<64x1xf32> to vector<64x128xf32>
    %mul3A_1305 = arith.mulf %get3A_1303, %mul3A_1304 : vector<64x128xf32>
    %reduce_sum3A_1306 = arith.constant dense<0.000000e+00> : vector<128xf32>
    %reduce_sum3A_1307 = vector.multi_reduction <add>, %mul3A_1305, %reduce_sum3A_1306 [0] : vector<64x128xf32> to vector<128xf32>
    %broadcast_in_dim3A_1308 = vector.shape_cast %reduce_sum3A_1307 : vector<128xf32> to vector<1x128xf32>
    %mul3A_1309 = arith.constant 5.000000e-03 : f32
    %mul3A_1310 = vector.broadcast %mul3A_1309 : f32 to vector<1x128xf32>
    %mul3A_1311 = arith.mulf %broadcast_in_dim3A_1308, %mul3A_1310 : vector<1x128xf32>
    %concatenate3A_1312 = tpu.concatenate %mul3A_1234, %mul3A_1245, %mul3A_1256, %mul3A_1267, %mul3A_1278, %mul3A_1289, %mul3A_1300, %mul3A_1311 in 0 : vector<1x128xf32>, vector<1x128xf32>, vector<1x128xf32>, vector<1x128xf32>, vector<1x128xf32>, vector<1x128xf32>, vector<1x128xf32>, vector<1x128xf32> -> vector<8x128xf32>
    %add3A_1313 = vector.broadcast %mul3A_6 : f32 to vector<8x128xf32>
    %add3A_1314 = arith.addf %concatenate3A_1312, %add3A_1313 : vector<8x128xf32>
    %swap3A_1315 = arith.constant 104 : index
    %swap3A_1316 = arith.constant 0 : index
    %swap3A_1317 = vector.load %arg5[%swap3A_1315, %swap3A_1316] : memref<200x128xf32, #tpu.memory_space<vmem>>, vector<8x128xf32>
    tpu.vector_store %arg5[%swap3A_1315, %swap3A_1316], %add3A_1314 {strides = array<i32>} : memref<200x128xf32, #tpu.memory_space<vmem>>, vector<8x128xf32>,
    %get3A_1318 = arith.constant 0 : index
    %get3A_1319 = arith.constant 14336 : index
    %get3A_1320 = vector.load %arg1[%get3A_1318, %get3A_1319] : memref<64x25600xf32, #tpu.memory_space<vmem>>, vector<64x128xf32>
    %mul3A_1321 = vector.broadcast %get3A_1 : vector<64x1xf32> to vector<64x128xf32>
    %mul3A_1322 = arith.mulf %get3A_1320, %mul3A_1321 : vector<64x128xf32>
    %reduce_sum3A_1323 = arith.constant dense<0.000000e+00> : vector<128xf32>
    %reduce_sum3A_1324 = vector.multi_reduction <add>, %mul3A_1322, %reduce_sum3A_1323 [0] : vector<64x128xf32> to vector<128xf32>
    %broadcast_in_dim3A_1325 = vector.shape_cast %reduce_sum3A_1324 : vector<128xf32> to vector<1x128xf32>
    %mul3A_1326 = arith.constant 5.000000e-03 : f32
    %mul3A_1327 = vector.broadcast %mul3A_1326 : f32 to vector<1x128xf32>
    %mul3A_1328 = arith.mulf %broadcast_in_dim3A_1325, %mul3A_1327 : vector<1x128xf32>
    %get3A_1329 = arith.constant 0 : index
    %get3A_1330 = arith.constant 14464 : index
    %get3A_1331 = vector.load %arg1[%get3A_1329, %get3A_1330] : memref<64x25600xf32, #tpu.memory_space<vmem>>, vector<64x128xf32>
    %mul3A_1332 = vector.broadcast %get3A_1 : vector<64x1xf32> to vector<64x128xf32>
    %mul3A_1333 = arith.mulf %get3A_1331, %mul3A_1332 : vector<64x128xf32>
    %reduce_sum3A_1334 = arith.constant dense<0.000000e+00> : vector<128xf32>
    %reduce_sum3A_1335 = vector.multi_reduction <add>, %mul3A_1333, %reduce_sum3A_1334 [0] : vector<64x128xf32> to vector<128xf32>
    %broadcast_in_dim3A_1336 = vector.shape_cast %reduce_sum3A_1335 : vector<128xf32> to vector<1x128xf32>
    %mul3A_1337 = arith.constant 5.000000e-03 : f32
    %mul3A_1338 = vector.broadcast %mul3A_1337 : f32 to vector<1x128xf32>
    %mul3A_1339 = arith.mulf %broadcast_in_dim3A_1336, %mul3A_1338 : vector<1x128xf32>
    %get3A_1340 = arith.constant 0 : index
    %get3A_1341 = arith.constant 14592 : index
    %get3A_1342 = vector.load %arg1[%get3A_1340, %get3A_1341] : memref<64x25600xf32, #tpu.memory_space<vmem>>, vector<64x128xf32>
    %mul3A_1343 = vector.broadcast %get3A_1 : vector<64x1xf32> to vector<64x128xf32>
    %mul3A_1344 = arith.mulf %get3A_1342, %mul3A_1343 : vector<64x128xf32>
    %reduce_sum3A_1345 = arith.constant dense<0.000000e+00> : vector<128xf32>
    %reduce_sum3A_1346 = vector.multi_reduction <add>, %mul3A_1344, %reduce_sum3A_1345 [0] : vector<64x128xf32> to vector<128xf32>
    %broadcast_in_dim3A_1347 = vector.shape_cast %reduce_sum3A_1346 : vector<128xf32> to vector<1x128xf32>
    %mul3A_1348 = arith.constant 5.000000e-03 : f32
    %mul3A_1349 = vector.broadcast %mul3A_1348 : f32 to vector<1x128xf32>
    %mul3A_1350 = arith.mulf %broadcast_in_dim3A_1347, %mul3A_1349 : vector<1x128xf32>
    %get3A_1351 = arith.constant 0 : index
    %get3A_1352 = arith.constant 14720 : index
    %get3A_1353 = vector.load %arg1[%get3A_1351, %get3A_1352] : memref<64x25600xf32, #tpu.memory_space<vmem>>, vector<64x128xf32>
    %mul3A_1354 = vector.broadcast %get3A_1 : vector<64x1xf32> to vector<64x128xf32>
    %mul3A_1355 = arith.mulf %get3A_1353, %mul3A_1354 : vector<64x128xf32>
    %reduce_sum3A_1356 = arith.constant dense<0.000000e+00> : vector<128xf32>
    %reduce_sum3A_1357 = vector.multi_reduction <add>, %mul3A_1355, %reduce_sum3A_1356 [0] : vector<64x128xf32> to vector<128xf32>
    %broadcast_in_dim3A_1358 = vector.shape_cast %reduce_sum3A_1357 : vector<128xf32> to vector<1x128xf32>
    %mul3A_1359 = arith.constant 5.000000e-03 : f32
    %mul3A_1360 = vector.broadcast %mul3A_1359 : f32 to vector<1x128xf32>
    %mul3A_1361 = arith.mulf %broadcast_in_dim3A_1358, %mul3A_1360 : vector<1x128xf32>
    %get3A_1362 = arith.constant 0 : index
    %get3A_1363 = arith.constant 14848 : index
    %get3A_1364 = vector.load %arg1[%get3A_1362, %get3A_1363] : memref<64x25600xf32, #tpu.memory_space<vmem>>, vector<64x128xf32>
    %mul3A_1365 = vector.broadcast %get3A_1 : vector<64x1xf32> to vector<64x128xf32>
    %mul3A_1366 = arith.mulf %get3A_1364, %mul3A_1365 : vector<64x128xf32>
    %reduce_sum3A_1367 = arith.constant dense<0.000000e+00> : vector<128xf32>
    %reduce_sum3A_1368 = vector.multi_reduction <add>, %mul3A_1366, %reduce_sum3A_1367 [0] : vector<64x128xf32> to vector<128xf32>
    %broadcast_in_dim3A_1369 = vector.shape_cast %reduce_sum3A_1368 : vector<128xf32> to vector<1x128xf32>
    %mul3A_1370 = arith.constant 5.000000e-03 : f32
    %mul3A_1371 = vector.broadcast %mul3A_1370 : f32 to vector<1x128xf32>
    %mul3A_1372 = arith.mulf %broadcast_in_dim3A_1369, %mul3A_1371 : vector<1x128xf32>
    %get3A_1373 = arith.constant 0 : index
    %get3A_1374 = arith.constant 14976 : index
    %get3A_1375 = vector.load %arg1[%get3A_1373, %get3A_1374] : memref<64x25600xf32, #tpu.memory_space<vmem>>, vector<64x128xf32>
    %mul3A_1376 = vector.broadcast %get3A_1 : vector<64x1xf32> to vector<64x128xf32>
    %mul3A_1377 = arith.mulf %get3A_1375, %mul3A_1376 : vector<64x128xf32>
    %reduce_sum3A_1378 = arith.constant dense<0.000000e+00> : vector<128xf32>
    %reduce_sum3A_1379 = vector.multi_reduction <add>, %mul3A_1377, %reduce_sum3A_1378 [0] : vector<64x128xf32> to vector<128xf32>
    %broadcast_in_dim3A_1380 = vector.shape_cast %reduce_sum3A_1379 : vector<128xf32> to vector<1x128xf32>
    %mul3A_1381 = arith.constant 5.000000e-03 : f32
    %mul3A_1382 = vector.broadcast %mul3A_1381 : f32 to vector<1x128xf32>
    %mul3A_1383 = arith.mulf %broadcast_in_dim3A_1380, %mul3A_1382 : vector<1x128xf32>
    %get3A_1384 = arith.constant 0 : index
    %get3A_1385 = arith.constant 15104 : index
    %get3A_1386 = vector.load %arg1[%get3A_1384, %get3A_1385] : memref<64x25600xf32, #tpu.memory_space<vmem>>, vector<64x128xf32>
    %mul3A_1387 = vector.broadcast %get3A_1 : vector<64x1xf32> to vector<64x128xf32>
    %mul3A_1388 = arith.mulf %get3A_1386, %mul3A_1387 : vector<64x128xf32>
    %reduce_sum3A_1389 = arith.constant dense<0.000000e+00> : vector<128xf32>
    %reduce_sum3A_1390 = vector.multi_reduction <add>, %mul3A_1388, %reduce_sum3A_1389 [0] : vector<64x128xf32> to vector<128xf32>
    %broadcast_in_dim3A_1391 = vector.shape_cast %reduce_sum3A_1390 : vector<128xf32> to vector<1x128xf32>
    %mul3A_1392 = arith.constant 5.000000e-03 : f32
    %mul3A_1393 = vector.broadcast %mul3A_1392 : f32 to vector<1x128xf32>
    %mul3A_1394 = arith.mulf %broadcast_in_dim3A_1391, %mul3A_1393 : vector<1x128xf32>
    %get3A_1395 = arith.constant 0 : index
    %get3A_1396 = arith.constant 15232 : index
    %get3A_1397 = vector.load %arg1[%get3A_1395, %get3A_1396] : memref<64x25600xf32, #tpu.memory_space<vmem>>, vector<64x128xf32>
    %mul3A_1398 = vector.broadcast %get3A_1 : vector<64x1xf32> to vector<64x128xf32>
    %mul3A_1399 = arith.mulf %get3A_1397, %mul3A_1398 : vector<64x128xf32>
    %reduce_sum3A_1400 = arith.constant dense<0.000000e+00> : vector<128xf32>
    %reduce_sum3A_1401 = vector.multi_reduction <add>, %mul3A_1399, %reduce_sum3A_1400 [0] : vector<64x128xf32> to vector<128xf32>
    %broadcast_in_dim3A_1402 = vector.shape_cast %reduce_sum3A_1401 : vector<128xf32> to vector<1x128xf32>
    %mul3A_1403 = arith.constant 5.000000e-03 : f32
    %mul3A_1404 = vector.broadcast %mul3A_1403 : f32 to vector<1x128xf32>
    %mul3A_1405 = arith.mulf %broadcast_in_dim3A_1402, %mul3A_1404 : vector<1x128xf32>
    %concatenate3A_1406 = tpu.concatenate %mul3A_1328, %mul3A_1339, %mul3A_1350, %mul3A_1361, %mul3A_1372, %mul3A_1383, %mul3A_1394, %mul3A_1405 in 0 : vector<1x128xf32>, vector<1x128xf32>, vector<1x128xf32>, vector<1x128xf32>, vector<1x128xf32>, vector<1x128xf32>, vector<1x128xf32>, vector<1x128xf32> -> vector<8x128xf32>
    %add3A_1407 = vector.broadcast %mul3A_6 : f32 to vector<8x128xf32>
    %add3A_1408 = arith.addf %concatenate3A_1406, %add3A_1407 : vector<8x128xf32>
    %swap3A_1409 = arith.constant 112 : index
    %swap3A_1410 = arith.constant 0 : index
    %swap3A_1411 = vector.load %arg5[%swap3A_1409, %swap3A_1410] : memref<200x128xf32, #tpu.memory_space<vmem>>, vector<8x128xf32>
    tpu.vector_store %arg5[%swap3A_1409, %swap3A_1410], %add3A_1408 {strides = array<i32>} : memref<200x128xf32, #tpu.memory_space<vmem>>, vector<8x128xf32>,
    %get3A_1412 = arith.constant 0 : index
    %get3A_1413 = arith.constant 15360 : index
    %get3A_1414 = vector.load %arg1[%get3A_1412, %get3A_1413] : memref<64x25600xf32, #tpu.memory_space<vmem>>, vector<64x128xf32>
    %mul3A_1415 = vector.broadcast %get3A_1 : vector<64x1xf32> to vector<64x128xf32>
    %mul3A_1416 = arith.mulf %get3A_1414, %mul3A_1415 : vector<64x128xf32>
    %reduce_sum3A_1417 = arith.constant dense<0.000000e+00> : vector<128xf32>
    %reduce_sum3A_1418 = vector.multi_reduction <add>, %mul3A_1416, %reduce_sum3A_1417 [0] : vector<64x128xf32> to vector<128xf32>
    %broadcast_in_dim3A_1419 = vector.shape_cast %reduce_sum3A_1418 : vector<128xf32> to vector<1x128xf32>
    %mul3A_1420 = arith.constant 5.000000e-03 : f32
    %mul3A_1421 = vector.broadcast %mul3A_1420 : f32 to vector<1x128xf32>
    %mul3A_1422 = arith.mulf %broadcast_in_dim3A_1419, %mul3A_1421 : vector<1x128xf32>
    %get3A_1423 = arith.constant 0 : index
    %get3A_1424 = arith.constant 15488 : index
    %get3A_1425 = vector.load %arg1[%get3A_1423, %get3A_1424] : memref<64x25600xf32, #tpu.memory_space<vmem>>, vector<64x128xf32>
    %mul3A_1426 = vector.broadcast %get3A_1 : vector<64x1xf32> to vector<64x128xf32>
    %mul3A_1427 = arith.mulf %get3A_1425, %mul3A_1426 : vector<64x128xf32>
    %reduce_sum3A_1428 = arith.constant dense<0.000000e+00> : vector<128xf32>
    %reduce_sum3A_1429 = vector.multi_reduction <add>, %mul3A_1427, %reduce_sum3A_1428 [0] : vector<64x128xf32> to vector<128xf32>
    %broadcast_in_dim3A_1430 = vector.shape_cast %reduce_sum3A_1429 : vector<128xf32> to vector<1x128xf32>
    %mul3A_1431 = arith.constant 5.000000e-03 : f32
    %mul3A_1432 = vector.broadcast %mul3A_1431 : f32 to vector<1x128xf32>
    %mul3A_1433 = arith.mulf %broadcast_in_dim3A_1430, %mul3A_1432 : vector<1x128xf32>
    %get3A_1434 = arith.constant 0 : index
    %get3A_1435 = arith.constant 15616 : index
    %get3A_1436 = vector.load %arg1[%get3A_1434, %get3A_1435] : memref<64x25600xf32, #tpu.memory_space<vmem>>, vector<64x128xf32>
    %mul3A_1437 = vector.broadcast %get3A_1 : vector<64x1xf32> to vector<64x128xf32>
    %mul3A_1438 = arith.mulf %get3A_1436, %mul3A_1437 : vector<64x128xf32>
    %reduce_sum3A_1439 = arith.constant dense<0.000000e+00> : vector<128xf32>
    %reduce_sum3A_1440 = vector.multi_reduction <add>, %mul3A_1438, %reduce_sum3A_1439 [0] : vector<64x128xf32> to vector<128xf32>
    %broadcast_in_dim3A_1441 = vector.shape_cast %reduce_sum3A_1440 : vector<128xf32> to vector<1x128xf32>
    %mul3A_1442 = arith.constant 5.000000e-03 : f32
    %mul3A_1443 = vector.broadcast %mul3A_1442 : f32 to vector<1x128xf32>
    %mul3A_1444 = arith.mulf %broadcast_in_dim3A_1441, %mul3A_1443 : vector<1x128xf32>
    %get3A_1445 = arith.constant 0 : index
    %get3A_1446 = arith.constant 15744 : index
    %get3A_1447 = vector.load %arg1[%get3A_1445, %get3A_1446] : memref<64x25600xf32, #tpu.memory_space<vmem>>, vector<64x128xf32>
    %mul3A_1448 = vector.broadcast %get3A_1 : vector<64x1xf32> to vector<64x128xf32>
    %mul3A_1449 = arith.mulf %get3A_1447, %mul3A_1448 : vector<64x128xf32>
    %reduce_sum3A_1450 = arith.constant dense<0.000000e+00> : vector<128xf32>
    %reduce_sum3A_1451 = vector.multi_reduction <add>, %mul3A_1449, %reduce_sum3A_1450 [0] : vector<64x128xf32> to vector<128xf32>
    %broadcast_in_dim3A_1452 = vector.shape_cast %reduce_sum3A_1451 : vector<128xf32> to vector<1x128xf32>
    %mul3A_1453 = arith.constant 5.000000e-03 : f32
    %mul3A_1454 = vector.broadcast %mul3A_1453 : f32 to vector<1x128xf32>
    %mul3A_1455 = arith.mulf %broadcast_in_dim3A_1452, %mul3A_1454 : vector<1x128xf32>
    %get3A_1456 = arith.constant 0 : index
    %get3A_1457 = arith.constant 15872 : index
    %get3A_1458 = vector.load %arg1[%get3A_1456, %get3A_1457] : memref<64x25600xf32, #tpu.memory_space<vmem>>, vector<64x128xf32>
    %mul3A_1459 = vector.broadcast %get3A_1 : vector<64x1xf32> to vector<64x128xf32>
    %mul3A_1460 = arith.mulf %get3A_1458, %mul3A_1459 : vector<64x128xf32>
    %reduce_sum3A_1461 = arith.constant dense<0.000000e+00> : vector<128xf32>
    %reduce_sum3A_1462 = vector.multi_reduction <add>, %mul3A_1460, %reduce_sum3A_1461 [0] : vector<64x128xf32> to vector<128xf32>
    %broadcast_in_dim3A_1463 = vector.shape_cast %reduce_sum3A_1462 : vector<128xf32> to vector<1x128xf32>
    %mul3A_1464 = arith.constant 5.000000e-03 : f32
    %mul3A_1465 = vector.broadcast %mul3A_1464 : f32 to vector<1x128xf32>
    %mul3A_1466 = arith.mulf %broadcast_in_dim3A_1463, %mul3A_1465 : vector<1x128xf32>
    %get3A_1467 = arith.constant 0 : index
    %get3A_1468 = arith.constant 16000 : index
    %get3A_1469 = vector.load %arg1[%get3A_1467, %get3A_1468] : memref<64x25600xf32, #tpu.memory_space<vmem>>, vector<64x128xf32>
    %mul3A_1470 = vector.broadcast %get3A_1 : vector<64x1xf32> to vector<64x128xf32>
    %mul3A_1471 = arith.mulf %get3A_1469, %mul3A_1470 : vector<64x128xf32>
    %reduce_sum3A_1472 = arith.constant dense<0.000000e+00> : vector<128xf32>
    %reduce_sum3A_1473 = vector.multi_reduction <add>, %mul3A_1471, %reduce_sum3A_1472 [0] : vector<64x128xf32> to vector<128xf32>
    %broadcast_in_dim3A_1474 = vector.shape_cast %reduce_sum3A_1473 : vector<128xf32> to vector<1x128xf32>
    %mul3A_1475 = arith.constant 5.000000e-03 : f32
    %mul3A_1476 = vector.broadcast %mul3A_1475 : f32 to vector<1x128xf32>
    %mul3A_1477 = arith.mulf %broadcast_in_dim3A_1474, %mul3A_1476 : vector<1x128xf32>
    %get3A_1478 = arith.constant 0 : index
    %get3A_1479 = arith.constant 16128 : index
    %get3A_1480 = vector.load %arg1[%get3A_1478, %get3A_1479] : memref<64x25600xf32, #tpu.memory_space<vmem>>, vector<64x128xf32>
    %mul3A_1481 = vector.broadcast %get3A_1 : vector<64x1xf32> to vector<64x128xf32>
    %mul3A_1482 = arith.mulf %get3A_1480, %mul3A_1481 : vector<64x128xf32>
    %reduce_sum3A_1483 = arith.constant dense<0.000000e+00> : vector<128xf32>
    %reduce_sum3A_1484 = vector.multi_reduction <add>, %mul3A_1482, %reduce_sum3A_1483 [0] : vector<64x128xf32> to vector<128xf32>
    %broadcast_in_dim3A_1485 = vector.shape_cast %reduce_sum3A_1484 : vector<128xf32> to vector<1x128xf32>
    %mul3A_1486 = arith.constant 5.000000e-03 : f32
    %mul3A_1487 = vector.broadcast %mul3A_1486 : f32 to vector<1x128xf32>
    %mul3A_1488 = arith.mulf %broadcast_in_dim3A_1485, %mul3A_1487 : vector<1x128xf32>
    %get3A_1489 = arith.constant 0 : index
    %get3A_1490 = arith.constant 16256 : index
    %get3A_1491 = vector.load %arg1[%get3A_1489, %get3A_1490] : memref<64x25600xf32, #tpu.memory_space<vmem>>, vector<64x128xf32>
    %mul3A_1492 = vector.broadcast %get3A_1 : vector<64x1xf32> to vector<64x128xf32>
    %mul3A_1493 = arith.mulf %get3A_1491, %mul3A_1492 : vector<64x128xf32>
    %reduce_sum3A_1494 = arith.constant dense<0.000000e+00> : vector<128xf32>
    %reduce_sum3A_1495 = vector.multi_reduction <add>, %mul3A_1493, %reduce_sum3A_1494 [0] : vector<64x128xf32> to vector<128xf32>
    %broadcast_in_dim3A_1496 = vector.shape_cast %reduce_sum3A_1495 : vector<128xf32> to vector<1x128xf32>
    %mul3A_1497 = arith.constant 5.000000e-03 : f32
    %mul3A_1498 = vector.broadcast %mul3A_1497 : f32 to vector<1x128xf32>
    %mul3A_1499 = arith.mulf %broadcast_in_dim3A_1496, %mul3A_1498 : vector<1x128xf32>
    %concatenate3A_1500 = tpu.concatenate %mul3A_1422, %mul3A_1433, %mul3A_1444, %mul3A_1455, %mul3A_1466, %mul3A_1477, %mul3A_1488, %mul3A_1499 in 0 : vector<1x128xf32>, vector<1x128xf32>, vector<1x128xf32>, vector<1x128xf32>, vector<1x128xf32>, vector<1x128xf32>, vector<1x128xf32>, vector<1x128xf32> -> vector<8x128xf32>
    %add3A_1501 = vector.broadcast %mul3A_6 : f32 to vector<8x128xf32>
    %add3A_1502 = arith.addf %concatenate3A_1500, %add3A_1501 : vector<8x128xf32>
    %swap3A_1503 = arith.constant 120 : index
    %swap3A_1504 = arith.constant 0 : index
    %swap3A_1505 = vector.load %arg5[%swap3A_1503, %swap3A_1504] : memref<200x128xf32, #tpu.memory_space<vmem>>, vector<8x128xf32>
    tpu.vector_store %arg5[%swap3A_1503, %swap3A_1504], %add3A_1502 {strides = array<i32>} : memref<200x128xf32, #tpu.memory_space<vmem>>, vector<8x128xf32>,
    %get3A_1506 = arith.constant 0 : index
    %get3A_1507 = arith.constant 16384 : index
    %get3A_1508 = vector.load %arg1[%get3A_1506, %get3A_1507] : memref<64x25600xf32, #tpu.memory_space<vmem>>, vector<64x128xf32>
    %mul3A_1509 = vector.broadcast %get3A_1 : vector<64x1xf32> to vector<64x128xf32>
    %mul3A_1510 = arith.mulf %get3A_1508, %mul3A_1509 : vector<64x128xf32>
    %reduce_sum3A_1511 = arith.constant dense<0.000000e+00> : vector<128xf32>
    %reduce_sum3A_1512 = vector.multi_reduction <add>, %mul3A_1510, %reduce_sum3A_1511 [0] : vector<64x128xf32> to vector<128xf32>
    %broadcast_in_dim3A_1513 = vector.shape_cast %reduce_sum3A_1512 : vector<128xf32> to vector<1x128xf32>
    %mul3A_1514 = arith.constant 5.000000e-03 : f32
    %mul3A_1515 = vector.broadcast %mul3A_1514 : f32 to vector<1x128xf32>
    %mul3A_1516 = arith.mulf %broadcast_in_dim3A_1513, %mul3A_1515 : vector<1x128xf32>
    %get3A_1517 = arith.constant 0 : index
    %get3A_1518 = arith.constant 16512 : index
    %get3A_1519 = vector.load %arg1[%get3A_1517, %get3A_1518] : memref<64x25600xf32, #tpu.memory_space<vmem>>, vector<64x128xf32>
    %mul3A_1520 = vector.broadcast %get3A_1 : vector<64x1xf32> to vector<64x128xf32>
    %mul3A_1521 = arith.mulf %get3A_1519, %mul3A_1520 : vector<64x128xf32>
    %reduce_sum3A_1522 = arith.constant dense<0.000000e+00> : vector<128xf32>
    %reduce_sum3A_1523 = vector.multi_reduction <add>, %mul3A_1521, %reduce_sum3A_1522 [0] : vector<64x128xf32> to vector<128xf32>
    %broadcast_in_dim3A_1524 = vector.shape_cast %reduce_sum3A_1523 : vector<128xf32> to vector<1x128xf32>
    %mul3A_1525 = arith.constant 5.000000e-03 : f32
    %mul3A_1526 = vector.broadcast %mul3A_1525 : f32 to vector<1x128xf32>
    %mul3A_1527 = arith.mulf %broadcast_in_dim3A_1524, %mul3A_1526 : vector<1x128xf32>
    %get3A_1528 = arith.constant 0 : index
    %get3A_1529 = arith.constant 16640 : index
    %get3A_1530 = vector.load %arg1[%get3A_1528, %get3A_1529] : memref<64x25600xf32, #tpu.memory_space<vmem>>, vector<64x128xf32>
    %mul3A_1531 = vector.broadcast %get3A_1 : vector<64x1xf32> to vector<64x128xf32>
    %mul3A_1532 = arith.mulf %get3A_1530, %mul3A_1531 : vector<64x128xf32>
    %reduce_sum3A_1533 = arith.constant dense<0.000000e+00> : vector<128xf32>
    %reduce_sum3A_1534 = vector.multi_reduction <add>, %mul3A_1532, %reduce_sum3A_1533 [0] : vector<64x128xf32> to vector<128xf32>
    %broadcast_in_dim3A_1535 = vector.shape_cast %reduce_sum3A_1534 : vector<128xf32> to vector<1x128xf32>
    %mul3A_1536 = arith.constant 5.000000e-03 : f32
    %mul3A_1537 = vector.broadcast %mul3A_1536 : f32 to vector<1x128xf32>
    %mul3A_1538 = arith.mulf %broadcast_in_dim3A_1535, %mul3A_1537 : vector<1x128xf32>
    %get3A_1539 = arith.constant 0 : index
    %get3A_1540 = arith.constant 16768 : index
    %get3A_1541 = vector.load %arg1[%get3A_1539, %get3A_1540] : memref<64x25600xf32, #tpu.memory_space<vmem>>, vector<64x128xf32>
    %mul3A_1542 = vector.broadcast %get3A_1 : vector<64x1xf32> to vector<64x128xf32>
    %mul3A_1543 = arith.mulf %get3A_1541, %mul3A_1542 : vector<64x128xf32>
    %reduce_sum3A_1544 = arith.constant dense<0.000000e+00> : vector<128xf32>
    %reduce_sum3A_1545 = vector.multi_reduction <add>, %mul3A_1543, %reduce_sum3A_1544 [0] : vector<64x128xf32> to vector<128xf32>
    %broadcast_in_dim3A_1546 = vector.shape_cast %reduce_sum3A_1545 : vector<128xf32> to vector<1x128xf32>
    %mul3A_1547 = arith.constant 5.000000e-03 : f32
    %mul3A_1548 = vector.broadcast %mul3A_1547 : f32 to vector<1x128xf32>
    %mul3A_1549 = arith.mulf %broadcast_in_dim3A_1546, %mul3A_1548 : vector<1x128xf32>
    %get3A_1550 = arith.constant 0 : index
    %get3A_1551 = arith.constant 16896 : index
    %get3A_1552 = vector.load %arg1[%get3A_1550, %get3A_1551] : memref<64x25600xf32, #tpu.memory_space<vmem>>, vector<64x128xf32>
    %mul3A_1553 = vector.broadcast %get3A_1 : vector<64x1xf32> to vector<64x128xf32>
    %mul3A_1554 = arith.mulf %get3A_1552, %mul3A_1553 : vector<64x128xf32>
    %reduce_sum3A_1555 = arith.constant dense<0.000000e+00> : vector<128xf32>
    %reduce_sum3A_1556 = vector.multi_reduction <add>, %mul3A_1554, %reduce_sum3A_1555 [0] : vector<64x128xf32> to vector<128xf32>
    %broadcast_in_dim3A_1557 = vector.shape_cast %reduce_sum3A_1556 : vector<128xf32> to vector<1x128xf32>
    %mul3A_1558 = arith.constant 5.000000e-03 : f32
    %mul3A_1559 = vector.broadcast %mul3A_1558 : f32 to vector<1x128xf32>
    %mul3A_1560 = arith.mulf %broadcast_in_dim3A_1557, %mul3A_1559 : vector<1x128xf32>
    %get3A_1561 = arith.constant 0 : index
    %get3A_1562 = arith.constant 17024 : index
    %get3A_1563 = vector.load %arg1[%get3A_1561, %get3A_1562] : memref<64x25600xf32, #tpu.memory_space<vmem>>, vector<64x128xf32>
    %mul3A_1564 = vector.broadcast %get3A_1 : vector<64x1xf32> to vector<64x128xf32>
    %mul3A_1565 = arith.mulf %get3A_1563, %mul3A_1564 : vector<64x128xf32>
    %reduce_sum3A_1566 = arith.constant dense<0.000000e+00> : vector<128xf32>
    %reduce_sum3A_1567 = vector.multi_reduction <add>, %mul3A_1565, %reduce_sum3A_1566 [0] : vector<64x128xf32> to vector<128xf32>
    %broadcast_in_dim3A_1568 = vector.shape_cast %reduce_sum3A_1567 : vector<128xf32> to vector<1x128xf32>
    %mul3A_1569 = arith.constant 5.000000e-03 : f32
    %mul3A_1570 = vector.broadcast %mul3A_1569 : f32 to vector<1x128xf32>
    %mul3A_1571 = arith.mulf %broadcast_in_dim3A_1568, %mul3A_1570 : vector<1x128xf32>
    %get3A_1572 = arith.constant 0 : index
    %get3A_1573 = arith.constant 17152 : index
    %get3A_1574 = vector.load %arg1[%get3A_1572, %get3A_1573] : memref<64x25600xf32, #tpu.memory_space<vmem>>, vector<64x128xf32>
    %mul3A_1575 = vector.broadcast %get3A_1 : vector<64x1xf32> to vector<64x128xf32>
    %mul3A_1576 = arith.mulf %get3A_1574, %mul3A_1575 : vector<64x128xf32>
    %reduce_sum3A_1577 = arith.constant dense<0.000000e+00> : vector<128xf32>
    %reduce_sum3A_1578 = vector.multi_reduction <add>, %mul3A_1576, %reduce_sum3A_1577 [0] : vector<64x128xf32> to vector<128xf32>
    %broadcast_in_dim3A_1579 = vector.shape_cast %reduce_sum3A_1578 : vector<128xf32> to vector<1x128xf32>
    %mul3A_1580 = arith.constant 5.000000e-03 : f32
    %mul3A_1581 = vector.broadcast %mul3A_1580 : f32 to vector<1x128xf32>
    %mul3A_1582 = arith.mulf %broadcast_in_dim3A_1579, %mul3A_1581 : vector<1x128xf32>
    %get3A_1583 = arith.constant 0 : index
    %get3A_1584 = arith.constant 17280 : index
    %get3A_1585 = vector.load %arg1[%get3A_1583, %get3A_1584] : memref<64x25600xf32, #tpu.memory_space<vmem>>, vector<64x128xf32>
    %mul3A_1586 = vector.broadcast %get3A_1 : vector<64x1xf32> to vector<64x128xf32>
    %mul3A_1587 = arith.mulf %get3A_1585, %mul3A_1586 : vector<64x128xf32>
    %reduce_sum3A_1588 = arith.constant dense<0.000000e+00> : vector<128xf32>
    %reduce_sum3A_1589 = vector.multi_reduction <add>, %mul3A_1587, %reduce_sum3A_1588 [0] : vector<64x128xf32> to vector<128xf32>
    %broadcast_in_dim3A_1590 = vector.shape_cast %reduce_sum3A_1589 : vector<128xf32> to vector<1x128xf32>
    %mul3A_1591 = arith.constant 5.000000e-03 : f32
    %mul3A_1592 = vector.broadcast %mul3A_1591 : f32 to vector<1x128xf32>
    %mul3A_1593 = arith.mulf %broadcast_in_dim3A_1590, %mul3A_1592 : vector<1x128xf32>
    %concatenate3A_1594 = tpu.concatenate %mul3A_1516, %mul3A_1527, %mul3A_1538, %mul3A_1549, %mul3A_1560, %mul3A_1571, %mul3A_1582, %mul3A_1593 in 0 : vector<1x128xf32>, vector<1x128xf32>, vector<1x128xf32>, vector<1x128xf32>, vector<1x128xf32>, vector<1x128xf32>, vector<1x128xf32>, vector<1x128xf32> -> vector<8x128xf32>
    %add3A_1595 = vector.broadcast %mul3A_6 : f32 to vector<8x128xf32>
    %add3A_1596 = arith.addf %concatenate3A_1594, %add3A_1595 : vector<8x128xf32>
    %swap3A_1597 = arith.constant 128 : index
    %swap3A_1598 = arith.constant 0 : index
    %swap3A_1599 = vector.load %arg5[%swap3A_1597, %swap3A_1598] : memref<200x128xf32, #tpu.memory_space<vmem>>, vector<8x128xf32>
    tpu.vector_store %arg5[%swap3A_1597, %swap3A_1598], %add3A_1596 {strides = array<i32>} : memref<200x128xf32, #tpu.memory_space<vmem>>, vector<8x128xf32>,
    %get3A_1600 = arith.constant 0 : index
    %get3A_1601 = arith.constant 17408 : index
    %get3A_1602 = vector.load %arg1[%get3A_1600, %get3A_1601] : memref<64x25600xf32, #tpu.memory_space<vmem>>, vector<64x128xf32>
    %mul3A_1603 = vector.broadcast %get3A_1 : vector<64x1xf32> to vector<64x128xf32>
    %mul3A_1604 = arith.mulf %get3A_1602, %mul3A_1603 : vector<64x128xf32>
    %reduce_sum3A_1605 = arith.constant dense<0.000000e+00> : vector<128xf32>
    %reduce_sum3A_1606 = vector.multi_reduction <add>, %mul3A_1604, %reduce_sum3A_1605 [0] : vector<64x128xf32> to vector<128xf32>
    %broadcast_in_dim3A_1607 = vector.shape_cast %reduce_sum3A_1606 : vector<128xf32> to vector<1x128xf32>
    %mul3A_1608 = arith.constant 5.000000e-03 : f32
    %mul3A_1609 = vector.broadcast %mul3A_1608 : f32 to vector<1x128xf32>
    %mul3A_1610 = arith.mulf %broadcast_in_dim3A_1607, %mul3A_1609 : vector<1x128xf32>
    %get3A_1611 = arith.constant 0 : index
    %get3A_1612 = arith.constant 17536 : index
    %get3A_1613 = vector.load %arg1[%get3A_1611, %get3A_1612] : memref<64x25600xf32, #tpu.memory_space<vmem>>, vector<64x128xf32>
    %mul3A_1614 = vector.broadcast %get3A_1 : vector<64x1xf32> to vector<64x128xf32>
    %mul3A_1615 = arith.mulf %get3A_1613, %mul3A_1614 : vector<64x128xf32>
    %reduce_sum3A_1616 = arith.constant dense<0.000000e+00> : vector<128xf32>
    %reduce_sum3A_1617 = vector.multi_reduction <add>, %mul3A_1615, %reduce_sum3A_1616 [0] : vector<64x128xf32> to vector<128xf32>
    %broadcast_in_dim3A_1618 = vector.shape_cast %reduce_sum3A_1617 : vector<128xf32> to vector<1x128xf32>
    %mul3A_1619 = arith.constant 5.000000e-03 : f32
    %mul3A_1620 = vector.broadcast %mul3A_1619 : f32 to vector<1x128xf32>
    %mul3A_1621 = arith.mulf %broadcast_in_dim3A_1618, %mul3A_1620 : vector<1x128xf32>
    %get3A_1622 = arith.constant 0 : index
    %get3A_1623 = arith.constant 17664 : index
    %get3A_1624 = vector.load %arg1[%get3A_1622, %get3A_1623] : memref<64x25600xf32, #tpu.memory_space<vmem>>, vector<64x128xf32>
    %mul3A_1625 = vector.broadcast %get3A_1 : vector<64x1xf32> to vector<64x128xf32>
    %mul3A_1626 = arith.mulf %get3A_1624, %mul3A_1625 : vector<64x128xf32>
    %reduce_sum3A_1627 = arith.constant dense<0.000000e+00> : vector<128xf32>
    %reduce_sum3A_1628 = vector.multi_reduction <add>, %mul3A_1626, %reduce_sum3A_1627 [0] : vector<64x128xf32> to vector<128xf32>
    %broadcast_in_dim3A_1629 = vector.shape_cast %reduce_sum3A_1628 : vector<128xf32> to vector<1x128xf32>
    %mul3A_1630 = arith.constant 5.000000e-03 : f32
    %mul3A_1631 = vector.broadcast %mul3A_1630 : f32 to vector<1x128xf32>
    %mul3A_1632 = arith.mulf %broadcast_in_dim3A_1629, %mul3A_1631 : vector<1x128xf32>
    %get3A_1633 = arith.constant 0 : index
    %get3A_1634 = arith.constant 17792 : index
    %get3A_1635 = vector.load %arg1[%get3A_1633, %get3A_1634] : memref<64x25600xf32, #tpu.memory_space<vmem>>, vector<64x128xf32>
    %mul3A_1636 = vector.broadcast %get3A_1 : vector<64x1xf32> to vector<64x128xf32>
    %mul3A_1637 = arith.mulf %get3A_1635, %mul3A_1636 : vector<64x128xf32>
    %reduce_sum3A_1638 = arith.constant dense<0.000000e+00> : vector<128xf32>
    %reduce_sum3A_1639 = vector.multi_reduction <add>, %mul3A_1637, %reduce_sum3A_1638 [0] : vector<64x128xf32> to vector<128xf32>
    %broadcast_in_dim3A_1640 = vector.shape_cast %reduce_sum3A_1639 : vector<128xf32> to vector<1x128xf32>
    %mul3A_1641 = arith.constant 5.000000e-03 : f32
    %mul3A_1642 = vector.broadcast %mul3A_1641 : f32 to vector<1x128xf32>
    %mul3A_1643 = arith.mulf %broadcast_in_dim3A_1640, %mul3A_1642 : vector<1x128xf32>
    %get3A_1644 = arith.constant 0 : index
    %get3A_1645 = arith.constant 17920 : index
    %get3A_1646 = vector.load %arg1[%get3A_1644, %get3A_1645] : memref<64x25600xf32, #tpu.memory_space<vmem>>, vector<64x128xf32>
    %mul3A_1647 = vector.broadcast %get3A_1 : vector<64x1xf32> to vector<64x128xf32>
    %mul3A_1648 = arith.mulf %get3A_1646, %mul3A_1647 : vector<64x128xf32>
    %reduce_sum3A_1649 = arith.constant dense<0.000000e+00> : vector<128xf32>
    %reduce_sum3A_1650 = vector.multi_reduction <add>, %mul3A_1648, %reduce_sum3A_1649 [0] : vector<64x128xf32> to vector<128xf32>
    %broadcast_in_dim3A_1651 = vector.shape_cast %reduce_sum3A_1650 : vector<128xf32> to vector<1x128xf32>
    %mul3A_1652 = arith.constant 5.000000e-03 : f32
    %mul3A_1653 = vector.broadcast %mul3A_1652 : f32 to vector<1x128xf32>
    %mul3A_1654 = arith.mulf %broadcast_in_dim3A_1651, %mul3A_1653 : vector<1x128xf32>
    %get3A_1655 = arith.constant 0 : index
    %get3A_1656 = arith.constant 18048 : index
    %get3A_1657 = vector.load %arg1[%get3A_1655, %get3A_1656] : memref<64x25600xf32, #tpu.memory_space<vmem>>, vector<64x128xf32>
    %mul3A_1658 = vector.broadcast %get3A_1 : vector<64x1xf32> to vector<64x128xf32>
    %mul3A_1659 = arith.mulf %get3A_1657, %mul3A_1658 : vector<64x128xf32>
    %reduce_sum3A_1660 = arith.constant dense<0.000000e+00> : vector<128xf32>
    %reduce_sum3A_1661 = vector.multi_reduction <add>, %mul3A_1659, %reduce_sum3A_1660 [0] : vector<64x128xf32> to vector<128xf32>
    %broadcast_in_dim3A_1662 = vector.shape_cast %reduce_sum3A_1661 : vector<128xf32> to vector<1x128xf32>
    %mul3A_1663 = arith.constant 5.000000e-03 : f32
    %mul3A_1664 = vector.broadcast %mul3A_1663 : f32 to vector<1x128xf32>
    %mul3A_1665 = arith.mulf %broadcast_in_dim3A_1662, %mul3A_1664 : vector<1x128xf32>
    %get3A_1666 = arith.constant 0 : index
    %get3A_1667 = arith.constant 18176 : index
    %get3A_1668 = vector.load %arg1[%get3A_1666, %get3A_1667] : memref<64x25600xf32, #tpu.memory_space<vmem>>, vector<64x128xf32>
    %mul3A_1669 = vector.broadcast %get3A_1 : vector<64x1xf32> to vector<64x128xf32>
    %mul3A_1670 = arith.mulf %get3A_1668, %mul3A_1669 : vector<64x128xf32>
    %reduce_sum3A_1671 = arith.constant dense<0.000000e+00> : vector<128xf32>
    %reduce_sum3A_1672 = vector.multi_reduction <add>, %mul3A_1670, %reduce_sum3A_1671 [0] : vector<64x128xf32> to vector<128xf32>
    %broadcast_in_dim3A_1673 = vector.shape_cast %reduce_sum3A_1672 : vector<128xf32> to vector<1x128xf32>
    %mul3A_1674 = arith.constant 5.000000e-03 : f32
    %mul3A_1675 = vector.broadcast %mul3A_1674 : f32 to vector<1x128xf32>
    %mul3A_1676 = arith.mulf %broadcast_in_dim3A_1673, %mul3A_1675 : vector<1x128xf32>
    %get3A_1677 = arith.constant 0 : index
    %get3A_1678 = arith.constant 18304 : index
    %get3A_1679 = vector.load %arg1[%get3A_1677, %get3A_1678] : memref<64x25600xf32, #tpu.memory_space<vmem>>, vector<64x128xf32>
    %mul3A_1680 = vector.broadcast %get3A_1 : vector<64x1xf32> to vector<64x128xf32>
    %mul3A_1681 = arith.mulf %get3A_1679, %mul3A_1680 : vector<64x128xf32>
    %reduce_sum3A_1682 = arith.constant dense<0.000000e+00> : vector<128xf32>
    %reduce_sum3A_1683 = vector.multi_reduction <add>, %mul3A_1681, %reduce_sum3A_1682 [0] : vector<64x128xf32> to vector<128xf32>
    %broadcast_in_dim3A_1684 = vector.shape_cast %reduce_sum3A_1683 : vector<128xf32> to vector<1x128xf32>
    %mul3A_1685 = arith.constant 5.000000e-03 : f32
    %mul3A_1686 = vector.broadcast %mul3A_1685 : f32 to vector<1x128xf32>
    %mul3A_1687 = arith.mulf %broadcast_in_dim3A_1684, %mul3A_1686 : vector<1x128xf32>
    %concatenate3A_1688 = tpu.concatenate %mul3A_1610, %mul3A_1621, %mul3A_1632, %mul3A_1643, %mul3A_1654, %mul3A_1665, %mul3A_1676, %mul3A_1687 in 0 : vector<1x128xf32>, vector<1x128xf32>, vector<1x128xf32>, vector<1x128xf32>, vector<1x128xf32>, vector<1x128xf32>, vector<1x128xf32>, vector<1x128xf32> -> vector<8x128xf32>
    %add3A_1689 = vector.broadcast %mul3A_6 : f32 to vector<8x128xf32>
    %add3A_1690 = arith.addf %concatenate3A_1688, %add3A_1689 : vector<8x128xf32>
    %swap3A_1691 = arith.constant 136 : index
    %swap3A_1692 = arith.constant 0 : index
    %swap3A_1693 = vector.load %arg5[%swap3A_1691, %swap3A_1692] : memref<200x128xf32, #tpu.memory_space<vmem>>, vector<8x128xf32>
    tpu.vector_store %arg5[%swap3A_1691, %swap3A_1692], %add3A_1690 {strides = array<i32>} : memref<200x128xf32, #tpu.memory_space<vmem>>, vector<8x128xf32>,
    %get3A_1694 = arith.constant 0 : index
    %get3A_1695 = arith.constant 18432 : index
    %get3A_1696 = vector.load %arg1[%get3A_1694, %get3A_1695] : memref<64x25600xf32, #tpu.memory_space<vmem>>, vector<64x128xf32>
    %mul3A_1697 = vector.broadcast %get3A_1 : vector<64x1xf32> to vector<64x128xf32>
    %mul3A_1698 = arith.mulf %get3A_1696, %mul3A_1697 : vector<64x128xf32>
    %reduce_sum3A_1699 = arith.constant dense<0.000000e+00> : vector<128xf32>
    %reduce_sum3A_1700 = vector.multi_reduction <add>, %mul3A_1698, %reduce_sum3A_1699 [0] : vector<64x128xf32> to vector<128xf32>
    %broadcast_in_dim3A_1701 = vector.shape_cast %reduce_sum3A_1700 : vector<128xf32> to vector<1x128xf32>
    %mul3A_1702 = arith.constant 5.000000e-03 : f32
    %mul3A_1703 = vector.broadcast %mul3A_1702 : f32 to vector<1x128xf32>
    %mul3A_1704 = arith.mulf %broadcast_in_dim3A_1701, %mul3A_1703 : vector<1x128xf32>
    %get3A_1705 = arith.constant 0 : index
    %get3A_1706 = arith.constant 18560 : index
    %get3A_1707 = vector.load %arg1[%get3A_1705, %get3A_1706] : memref<64x25600xf32, #tpu.memory_space<vmem>>, vector<64x128xf32>
    %mul3A_1708 = vector.broadcast %get3A_1 : vector<64x1xf32> to vector<64x128xf32>
    %mul3A_1709 = arith.mulf %get3A_1707, %mul3A_1708 : vector<64x128xf32>
    %reduce_sum3A_1710 = arith.constant dense<0.000000e+00> : vector<128xf32>
    %reduce_sum3A_1711 = vector.multi_reduction <add>, %mul3A_1709, %reduce_sum3A_1710 [0] : vector<64x128xf32> to vector<128xf32>
    %broadcast_in_dim3A_1712 = vector.shape_cast %reduce_sum3A_1711 : vector<128xf32> to vector<1x128xf32>
    %mul3A_1713 = arith.constant 5.000000e-03 : f32
    %mul3A_1714 = vector.broadcast %mul3A_1713 : f32 to vector<1x128xf32>
    %mul3A_1715 = arith.mulf %broadcast_in_dim3A_1712, %mul3A_1714 : vector<1x128xf32>
    %get3A_1716 = arith.constant 0 : index
    %get3A_1717 = arith.constant 18688 : index
    %get3A_1718 = vector.load %arg1[%get3A_1716, %get3A_1717] : memref<64x25600xf32, #tpu.memory_space<vmem>>, vector<64x128xf32>
    %mul3A_1719 = vector.broadcast %get3A_1 : vector<64x1xf32> to vector<64x128xf32>
    %mul3A_1720 = arith.mulf %get3A_1718, %mul3A_1719 : vector<64x128xf32>
    %reduce_sum3A_1721 = arith.constant dense<0.000000e+00> : vector<128xf32>
    %reduce_sum3A_1722 = vector.multi_reduction <add>, %mul3A_1720, %reduce_sum3A_1721 [0] : vector<64x128xf32> to vector<128xf32>
    %broadcast_in_dim3A_1723 = vector.shape_cast %reduce_sum3A_1722 : vector<128xf32> to vector<1x128xf32>
    %mul3A_1724 = arith.constant 5.000000e-03 : f32
    %mul3A_1725 = vector.broadcast %mul3A_1724 : f32 to vector<1x128xf32>
    %mul3A_1726 = arith.mulf %broadcast_in_dim3A_1723, %mul3A_1725 : vector<1x128xf32>
    %get3A_1727 = arith.constant 0 : index
    %get3A_1728 = arith.constant 18816 : index
    %get3A_1729 = vector.load %arg1[%get3A_1727, %get3A_1728] : memref<64x25600xf32, #tpu.memory_space<vmem>>, vector<64x128xf32>
    %mul3A_1730 = vector.broadcast %get3A_1 : vector<64x1xf32> to vector<64x128xf32>
    %mul3A_1731 = arith.mulf %get3A_1729, %mul3A_1730 : vector<64x128xf32>
    %reduce_sum3A_1732 = arith.constant dense<0.000000e+00> : vector<128xf32>
    %reduce_sum3A_1733 = vector.multi_reduction <add>, %mul3A_1731, %reduce_sum3A_1732 [0] : vector<64x128xf32> to vector<128xf32>
    %broadcast_in_dim3A_1734 = vector.shape_cast %reduce_sum3A_1733 : vector<128xf32> to vector<1x128xf32>
    %mul3A_1735 = arith.constant 5.000000e-03 : f32
    %mul3A_1736 = vector.broadcast %mul3A_1735 : f32 to vector<1x128xf32>
    %mul3A_1737 = arith.mulf %broadcast_in_dim3A_1734, %mul3A_1736 : vector<1x128xf32>
    %get3A_1738 = arith.constant 0 : index
    %get3A_1739 = arith.constant 18944 : index
    %get3A_1740 = vector.load %arg1[%get3A_1738, %get3A_1739] : memref<64x25600xf32, #tpu.memory_space<vmem>>, vector<64x128xf32>
    %mul3A_1741 = vector.broadcast %get3A_1 : vector<64x1xf32> to vector<64x128xf32>
    %mul3A_1742 = arith.mulf %get3A_1740, %mul3A_1741 : vector<64x128xf32>
    %reduce_sum3A_1743 = arith.constant dense<0.000000e+00> : vector<128xf32>
    %reduce_sum3A_1744 = vector.multi_reduction <add>, %mul3A_1742, %reduce_sum3A_1743 [0] : vector<64x128xf32> to vector<128xf32>
    %broadcast_in_dim3A_1745 = vector.shape_cast %reduce_sum3A_1744 : vector<128xf32> to vector<1x128xf32>
    %mul3A_1746 = arith.constant 5.000000e-03 : f32
    %mul3A_1747 = vector.broadcast %mul3A_1746 : f32 to vector<1x128xf32>
    %mul3A_1748 = arith.mulf %broadcast_in_dim3A_1745, %mul3A_1747 : vector<1x128xf32>
    %get3A_1749 = arith.constant 0 : index
    %get3A_1750 = arith.constant 19072 : index
    %get3A_1751 = vector.load %arg1[%get3A_1749, %get3A_1750] : memref<64x25600xf32, #tpu.memory_space<vmem>>, vector<64x128xf32>
    %mul3A_1752 = vector.broadcast %get3A_1 : vector<64x1xf32> to vector<64x128xf32>
    %mul3A_1753 = arith.mulf %get3A_1751, %mul3A_1752 : vector<64x128xf32>
    %reduce_sum3A_1754 = arith.constant dense<0.000000e+00> : vector<128xf32>
    %reduce_sum3A_1755 = vector.multi_reduction <add>, %mul3A_1753, %reduce_sum3A_1754 [0] : vector<64x128xf32> to vector<128xf32>
    %broadcast_in_dim3A_1756 = vector.shape_cast %reduce_sum3A_1755 : vector<128xf32> to vector<1x128xf32>
    %mul3A_1757 = arith.constant 5.000000e-03 : f32
    %mul3A_1758 = vector.broadcast %mul3A_1757 : f32 to vector<1x128xf32>
    %mul3A_1759 = arith.mulf %broadcast_in_dim3A_1756, %mul3A_1758 : vector<1x128xf32>
    %get3A_1760 = arith.constant 0 : index
    %get3A_1761 = arith.constant 19200 : index
    %get3A_1762 = vector.load %arg1[%get3A_1760, %get3A_1761] : memref<64x25600xf32, #tpu.memory_space<vmem>>, vector<64x128xf32>
    %mul3A_1763 = vector.broadcast %get3A_1 : vector<64x1xf32> to vector<64x128xf32>
    %mul3A_1764 = arith.mulf %get3A_1762, %mul3A_1763 : vector<64x128xf32>
    %reduce_sum3A_1765 = arith.constant dense<0.000000e+00> : vector<128xf32>
    %reduce_sum3A_1766 = vector.multi_reduction <add>, %mul3A_1764, %reduce_sum3A_1765 [0] : vector<64x128xf32> to vector<128xf32>
    %broadcast_in_dim3A_1767 = vector.shape_cast %reduce_sum3A_1766 : vector<128xf32> to vector<1x128xf32>
    %mul3A_1768 = arith.constant 5.000000e-03 : f32
    %mul3A_1769 = vector.broadcast %mul3A_1768 : f32 to vector<1x128xf32>
    %mul3A_1770 = arith.mulf %broadcast_in_dim3A_1767, %mul3A_1769 : vector<1x128xf32>
    %get3A_1771 = arith.constant 0 : index
    %get3A_1772 = arith.constant 19328 : index
    %get3A_1773 = vector.load %arg1[%get3A_1771, %get3A_1772] : memref<64x25600xf32, #tpu.memory_space<vmem>>, vector<64x128xf32>
    %mul3A_1774 = vector.broadcast %get3A_1 : vector<64x1xf32> to vector<64x128xf32>
    %mul3A_1775 = arith.mulf %get3A_1773, %mul3A_1774 : vector<64x128xf32>
    %reduce_sum3A_1776 = arith.constant dense<0.000000e+00> : vector<128xf32>
    %reduce_sum3A_1777 = vector.multi_reduction <add>, %mul3A_1775, %reduce_sum3A_1776 [0] : vector<64x128xf32> to vector<128xf32>
    %broadcast_in_dim3A_1778 = vector.shape_cast %reduce_sum3A_1777 : vector<128xf32> to vector<1x128xf32>
    %mul3A_1779 = arith.constant 5.000000e-03 : f32
    %mul3A_1780 = vector.broadcast %mul3A_1779 : f32 to vector<1x128xf32>
    %mul3A_1781 = arith.mulf %broadcast_in_dim3A_1778, %mul3A_1780 : vector<1x128xf32>
    %concatenate3A_1782 = tpu.concatenate %mul3A_1704, %mul3A_1715, %mul3A_1726, %mul3A_1737, %mul3A_1748, %mul3A_1759, %mul3A_1770, %mul3A_1781 in 0 : vector<1x128xf32>, vector<1x128xf32>, vector<1x128xf32>, vector<1x128xf32>, vector<1x128xf32>, vector<1x128xf32>, vector<1x128xf32>, vector<1x128xf32> -> vector<8x128xf32>
    %add3A_1783 = vector.broadcast %mul3A_6 : f32 to vector<8x128xf32>
    %add3A_1784 = arith.addf %concatenate3A_1782, %add3A_1783 : vector<8x128xf32>
    %swap3A_1785 = arith.constant 144 : index
    %swap3A_1786 = arith.constant 0 : index
    %swap3A_1787 = vector.load %arg5[%swap3A_1785, %swap3A_1786] : memref<200x128xf32, #tpu.memory_space<vmem>>, vector<8x128xf32>
    tpu.vector_store %arg5[%swap3A_1785, %swap3A_1786], %add3A_1784 {strides = array<i32>} : memref<200x128xf32, #tpu.memory_space<vmem>>, vector<8x128xf32>,
    %get3A_1788 = arith.constant 0 : index
    %get3A_1789 = arith.constant 19456 : index
    %get3A_1790 = vector.load %arg1[%get3A_1788, %get3A_1789] : memref<64x25600xf32, #tpu.memory_space<vmem>>, vector<64x128xf32>
    %mul3A_1791 = vector.broadcast %get3A_1 : vector<64x1xf32> to vector<64x128xf32>
    %mul3A_1792 = arith.mulf %get3A_1790, %mul3A_1791 : vector<64x128xf32>
    %reduce_sum3A_1793 = arith.constant dense<0.000000e+00> : vector<128xf32>
    %reduce_sum3A_1794 = vector.multi_reduction <add>, %mul3A_1792, %reduce_sum3A_1793 [0] : vector<64x128xf32> to vector<128xf32>
    %broadcast_in_dim3A_1795 = vector.shape_cast %reduce_sum3A_1794 : vector<128xf32> to vector<1x128xf32>
    %mul3A_1796 = arith.constant 5.000000e-03 : f32
    %mul3A_1797 = vector.broadcast %mul3A_1796 : f32 to vector<1x128xf32>
    %mul3A_1798 = arith.mulf %broadcast_in_dim3A_1795, %mul3A_1797 : vector<1x128xf32>
    %get3A_1799 = arith.constant 0 : index
    %get3A_1800 = arith.constant 19584 : index
    %get3A_1801 = vector.load %arg1[%get3A_1799, %get3A_1800] : memref<64x25600xf32, #tpu.memory_space<vmem>>, vector<64x128xf32>
    %mul3A_1802 = vector.broadcast %get3A_1 : vector<64x1xf32> to vector<64x128xf32>
    %mul3A_1803 = arith.mulf %get3A_1801, %mul3A_1802 : vector<64x128xf32>
    %reduce_sum3A_1804 = arith.constant dense<0.000000e+00> : vector<128xf32>
    %reduce_sum3A_1805 = vector.multi_reduction <add>, %mul3A_1803, %reduce_sum3A_1804 [0] : vector<64x128xf32> to vector<128xf32>
    %broadcast_in_dim3A_1806 = vector.shape_cast %reduce_sum3A_1805 : vector<128xf32> to vector<1x128xf32>
    %mul3A_1807 = arith.constant 5.000000e-03 : f32
    %mul3A_1808 = vector.broadcast %mul3A_1807 : f32 to vector<1x128xf32>
    %mul3A_1809 = arith.mulf %broadcast_in_dim3A_1806, %mul3A_1808 : vector<1x128xf32>
    %get3A_1810 = arith.constant 0 : index
    %get3A_1811 = arith.constant 19712 : index
    %get3A_1812 = vector.load %arg1[%get3A_1810, %get3A_1811] : memref<64x25600xf32, #tpu.memory_space<vmem>>, vector<64x128xf32>
    %mul3A_1813 = vector.broadcast %get3A_1 : vector<64x1xf32> to vector<64x128xf32>
    %mul3A_1814 = arith.mulf %get3A_1812, %mul3A_1813 : vector<64x128xf32>
    %reduce_sum3A_1815 = arith.constant dense<0.000000e+00> : vector<128xf32>
    %reduce_sum3A_1816 = vector.multi_reduction <add>, %mul3A_1814, %reduce_sum3A_1815 [0] : vector<64x128xf32> to vector<128xf32>
    %broadcast_in_dim3A_1817 = vector.shape_cast %reduce_sum3A_1816 : vector<128xf32> to vector<1x128xf32>
    %mul3A_1818 = arith.constant 5.000000e-03 : f32
    %mul3A_1819 = vector.broadcast %mul3A_1818 : f32 to vector<1x128xf32>
    %mul3A_1820 = arith.mulf %broadcast_in_dim3A_1817, %mul3A_1819 : vector<1x128xf32>
    %get3A_1821 = arith.constant 0 : index
    %get3A_1822 = arith.constant 19840 : index
    %get3A_1823 = vector.load %arg1[%get3A_1821, %get3A_1822] : memref<64x25600xf32, #tpu.memory_space<vmem>>, vector<64x128xf32>
    %mul3A_1824 = vector.broadcast %get3A_1 : vector<64x1xf32> to vector<64x128xf32>
    %mul3A_1825 = arith.mulf %get3A_1823, %mul3A_1824 : vector<64x128xf32>
    %reduce_sum3A_1826 = arith.constant dense<0.000000e+00> : vector<128xf32>
    %reduce_sum3A_1827 = vector.multi_reduction <add>, %mul3A_1825, %reduce_sum3A_1826 [0] : vector<64x128xf32> to vector<128xf32>
    %broadcast_in_dim3A_1828 = vector.shape_cast %reduce_sum3A_1827 : vector<128xf32> to vector<1x128xf32>
    %mul3A_1829 = arith.constant 5.000000e-03 : f32
    %mul3A_1830 = vector.broadcast %mul3A_1829 : f32 to vector<1x128xf32>
    %mul3A_1831 = arith.mulf %broadcast_in_dim3A_1828, %mul3A_1830 : vector<1x128xf32>
    %get3A_1832 = arith.constant 0 : index
    %get3A_1833 = arith.constant 19968 : index
    %get3A_1834 = vector.load %arg1[%get3A_1832, %get3A_1833] : memref<64x25600xf32, #tpu.memory_space<vmem>>, vector<64x128xf32>
    %mul3A_1835 = vector.broadcast %get3A_1 : vector<64x1xf32> to vector<64x128xf32>
    %mul3A_1836 = arith.mulf %get3A_1834, %mul3A_1835 : vector<64x128xf32>
    %reduce_sum3A_1837 = arith.constant dense<0.000000e+00> : vector<128xf32>
    %reduce_sum3A_1838 = vector.multi_reduction <add>, %mul3A_1836, %reduce_sum3A_1837 [0] : vector<64x128xf32> to vector<128xf32>
    %broadcast_in_dim3A_1839 = vector.shape_cast %reduce_sum3A_1838 : vector<128xf32> to vector<1x128xf32>
    %mul3A_1840 = arith.constant 5.000000e-03 : f32
    %mul3A_1841 = vector.broadcast %mul3A_1840 : f32 to vector<1x128xf32>
    %mul3A_1842 = arith.mulf %broadcast_in_dim3A_1839, %mul3A_1841 : vector<1x128xf32>
    %get3A_1843 = arith.constant 0 : index
    %get3A_1844 = arith.constant 20096 : index
    %get3A_1845 = vector.load %arg1[%get3A_1843, %get3A_1844] : memref<64x25600xf32, #tpu.memory_space<vmem>>, vector<64x128xf32>
    %mul3A_1846 = vector.broadcast %get3A_1 : vector<64x1xf32> to vector<64x128xf32>
    %mul3A_1847 = arith.mulf %get3A_1845, %mul3A_1846 : vector<64x128xf32>
    %reduce_sum3A_1848 = arith.constant dense<0.000000e+00> : vector<128xf32>
    %reduce_sum3A_1849 = vector.multi_reduction <add>, %mul3A_1847, %reduce_sum3A_1848 [0] : vector<64x128xf32> to vector<128xf32>
    %broadcast_in_dim3A_1850 = vector.shape_cast %reduce_sum3A_1849 : vector<128xf32> to vector<1x128xf32>
    %mul3A_1851 = arith.constant 5.000000e-03 : f32
    %mul3A_1852 = vector.broadcast %mul3A_1851 : f32 to vector<1x128xf32>
    %mul3A_1853 = arith.mulf %broadcast_in_dim3A_1850, %mul3A_1852 : vector<1x128xf32>
    %get3A_1854 = arith.constant 0 : index
    %get3A_1855 = arith.constant 20224 : index
    %get3A_1856 = vector.load %arg1[%get3A_1854, %get3A_1855] : memref<64x25600xf32, #tpu.memory_space<vmem>>, vector<64x128xf32>
    %mul3A_1857 = vector.broadcast %get3A_1 : vector<64x1xf32> to vector<64x128xf32>
    %mul3A_1858 = arith.mulf %get3A_1856, %mul3A_1857 : vector<64x128xf32>
    %reduce_sum3A_1859 = arith.constant dense<0.000000e+00> : vector<128xf32>
    %reduce_sum3A_1860 = vector.multi_reduction <add>, %mul3A_1858, %reduce_sum3A_1859 [0] : vector<64x128xf32> to vector<128xf32>
    %broadcast_in_dim3A_1861 = vector.shape_cast %reduce_sum3A_1860 : vector<128xf32> to vector<1x128xf32>
    %mul3A_1862 = arith.constant 5.000000e-03 : f32
    %mul3A_1863 = vector.broadcast %mul3A_1862 : f32 to vector<1x128xf32>
    %mul3A_1864 = arith.mulf %broadcast_in_dim3A_1861, %mul3A_1863 : vector<1x128xf32>
    %get3A_1865 = arith.constant 0 : index
    %get3A_1866 = arith.constant 20352 : index
    %get3A_1867 = vector.load %arg1[%get3A_1865, %get3A_1866] : memref<64x25600xf32, #tpu.memory_space<vmem>>, vector<64x128xf32>
    %mul3A_1868 = vector.broadcast %get3A_1 : vector<64x1xf32> to vector<64x128xf32>
    %mul3A_1869 = arith.mulf %get3A_1867, %mul3A_1868 : vector<64x128xf32>
    %reduce_sum3A_1870 = arith.constant dense<0.000000e+00> : vector<128xf32>
    %reduce_sum3A_1871 = vector.multi_reduction <add>, %mul3A_1869, %reduce_sum3A_1870 [0] : vector<64x128xf32> to vector<128xf32>
    %broadcast_in_dim3A_1872 = vector.shape_cast %reduce_sum3A_1871 : vector<128xf32> to vector<1x128xf32>
    %mul3A_1873 = arith.constant 5.000000e-03 : f32
    %mul3A_1874 = vector.broadcast %mul3A_1873 : f32 to vector<1x128xf32>
    %mul3A_1875 = arith.mulf %broadcast_in_dim3A_1872, %mul3A_1874 : vector<1x128xf32>
    %concatenate3A_1876 = tpu.concatenate %mul3A_1798, %mul3A_1809, %mul3A_1820, %mul3A_1831, %mul3A_1842, %mul3A_1853, %mul3A_1864, %mul3A_1875 in 0 : vector<1x128xf32>, vector<1x128xf32>, vector<1x128xf32>, vector<1x128xf32>, vector<1x128xf32>, vector<1x128xf32>, vector<1x128xf32>, vector<1x128xf32> -> vector<8x128xf32>
    %add3A_1877 = vector.broadcast %mul3A_6 : f32 to vector<8x128xf32>
    %add3A_1878 = arith.addf %concatenate3A_1876, %add3A_1877 : vector<8x128xf32>
    %swap3A_1879 = arith.constant 152 : index
    %swap3A_1880 = arith.constant 0 : index
    %swap3A_1881 = vector.load %arg5[%swap3A_1879, %swap3A_1880] : memref<200x128xf32, #tpu.memory_space<vmem>>, vector<8x128xf32>
    tpu.vector_store %arg5[%swap3A_1879, %swap3A_1880], %add3A_1878 {strides = array<i32>} : memref<200x128xf32, #tpu.memory_space<vmem>>, vector<8x128xf32>,
    %get3A_1882 = arith.constant 0 : index
    %get3A_1883 = arith.constant 20480 : index
    %get3A_1884 = vector.load %arg1[%get3A_1882, %get3A_1883] : memref<64x25600xf32, #tpu.memory_space<vmem>>, vector<64x128xf32>
    %mul3A_1885 = vector.broadcast %get3A_1 : vector<64x1xf32> to vector<64x128xf32>
    %mul3A_1886 = arith.mulf %get3A_1884, %mul3A_1885 : vector<64x128xf32>
    %reduce_sum3A_1887 = arith.constant dense<0.000000e+00> : vector<128xf32>
    %reduce_sum3A_1888 = vector.multi_reduction <add>, %mul3A_1886, %reduce_sum3A_1887 [0] : vector<64x128xf32> to vector<128xf32>
    %broadcast_in_dim3A_1889 = vector.shape_cast %reduce_sum3A_1888 : vector<128xf32> to vector<1x128xf32>
    %mul3A_1890 = arith.constant 5.000000e-03 : f32
    %mul3A_1891 = vector.broadcast %mul3A_1890 : f32 to vector<1x128xf32>
    %mul3A_1892 = arith.mulf %broadcast_in_dim3A_1889, %mul3A_1891 : vector<1x128xf32>
    %get3A_1893 = arith.constant 0 : index
    %get3A_1894 = arith.constant 20608 : index
    %get3A_1895 = vector.load %arg1[%get3A_1893, %get3A_1894] : memref<64x25600xf32, #tpu.memory_space<vmem>>, vector<64x128xf32>
    %mul3A_1896 = vector.broadcast %get3A_1 : vector<64x1xf32> to vector<64x128xf32>
    %mul3A_1897 = arith.mulf %get3A_1895, %mul3A_1896 : vector<64x128xf32>
    %reduce_sum3A_1898 = arith.constant dense<0.000000e+00> : vector<128xf32>
    %reduce_sum3A_1899 = vector.multi_reduction <add>, %mul3A_1897, %reduce_sum3A_1898 [0] : vector<64x128xf32> to vector<128xf32>
    %broadcast_in_dim3A_1900 = vector.shape_cast %reduce_sum3A_1899 : vector<128xf32> to vector<1x128xf32>
    %mul3A_1901 = arith.constant 5.000000e-03 : f32
    %mul3A_1902 = vector.broadcast %mul3A_1901 : f32 to vector<1x128xf32>
    %mul3A_1903 = arith.mulf %broadcast_in_dim3A_1900, %mul3A_1902 : vector<1x128xf32>
    %get3A_1904 = arith.constant 0 : index
    %get3A_1905 = arith.constant 20736 : index
    %get3A_1906 = vector.load %arg1[%get3A_1904, %get3A_1905] : memref<64x25600xf32, #tpu.memory_space<vmem>>, vector<64x128xf32>
    %mul3A_1907 = vector.broadcast %get3A_1 : vector<64x1xf32> to vector<64x128xf32>
    %mul3A_1908 = arith.mulf %get3A_1906, %mul3A_1907 : vector<64x128xf32>
    %reduce_sum3A_1909 = arith.constant dense<0.000000e+00> : vector<128xf32>
    %reduce_sum3A_1910 = vector.multi_reduction <add>, %mul3A_1908, %reduce_sum3A_1909 [0] : vector<64x128xf32> to vector<128xf32>
    %broadcast_in_dim3A_1911 = vector.shape_cast %reduce_sum3A_1910 : vector<128xf32> to vector<1x128xf32>
    %mul3A_1912 = arith.constant 5.000000e-03 : f32
    %mul3A_1913 = vector.broadcast %mul3A_1912 : f32 to vector<1x128xf32>
    %mul3A_1914 = arith.mulf %broadcast_in_dim3A_1911, %mul3A_1913 : vector<1x128xf32>
    %get3A_1915 = arith.constant 0 : index
    %get3A_1916 = arith.constant 20864 : index
    %get3A_1917 = vector.load %arg1[%get3A_1915, %get3A_1916] : memref<64x25600xf32, #tpu.memory_space<vmem>>, vector<64x128xf32>
    %mul3A_1918 = vector.broadcast %get3A_1 : vector<64x1xf32> to vector<64x128xf32>
    %mul3A_1919 = arith.mulf %get3A_1917, %mul3A_1918 : vector<64x128xf32>
    %reduce_sum3A_1920 = arith.constant dense<0.000000e+00> : vector<128xf32>
    %reduce_sum3A_1921 = vector.multi_reduction <add>, %mul3A_1919, %reduce_sum3A_1920 [0] : vector<64x128xf32> to vector<128xf32>
    %broadcast_in_dim3A_1922 = vector.shape_cast %reduce_sum3A_1921 : vector<128xf32> to vector<1x128xf32>
    %mul3A_1923 = arith.constant 5.000000e-03 : f32
    %mul3A_1924 = vector.broadcast %mul3A_1923 : f32 to vector<1x128xf32>
    %mul3A_1925 = arith.mulf %broadcast_in_dim3A_1922, %mul3A_1924 : vector<1x128xf32>
    %get3A_1926 = arith.constant 0 : index
    %get3A_1927 = arith.constant 20992 : index
    %get3A_1928 = vector.load %arg1[%get3A_1926, %get3A_1927] : memref<64x25600xf32, #tpu.memory_space<vmem>>, vector<64x128xf32>
    %mul3A_1929 = vector.broadcast %get3A_1 : vector<64x1xf32> to vector<64x128xf32>
    %mul3A_1930 = arith.mulf %get3A_1928, %mul3A_1929 : vector<64x128xf32>
    %reduce_sum3A_1931 = arith.constant dense<0.000000e+00> : vector<128xf32>
    %reduce_sum3A_1932 = vector.multi_reduction <add>, %mul3A_1930, %reduce_sum3A_1931 [0] : vector<64x128xf32> to vector<128xf32>
    %broadcast_in_dim3A_1933 = vector.shape_cast %reduce_sum3A_1932 : vector<128xf32> to vector<1x128xf32>
    %mul3A_1934 = arith.constant 5.000000e-03 : f32
    %mul3A_1935 = vector.broadcast %mul3A_1934 : f32 to vector<1x128xf32>
    %mul3A_1936 = arith.mulf %broadcast_in_dim3A_1933, %mul3A_1935 : vector<1x128xf32>
    %get3A_1937 = arith.constant 0 : index
    %get3A_1938 = arith.constant 21120 : index
    %get3A_1939 = vector.load %arg1[%get3A_1937, %get3A_1938] : memref<64x25600xf32, #tpu.memory_space<vmem>>, vector<64x128xf32>
    %mul3A_1940 = vector.broadcast %get3A_1 : vector<64x1xf32> to vector<64x128xf32>
    %mul3A_1941 = arith.mulf %get3A_1939, %mul3A_1940 : vector<64x128xf32>
    %reduce_sum3A_1942 = arith.constant dense<0.000000e+00> : vector<128xf32>
    %reduce_sum3A_1943 = vector.multi_reduction <add>, %mul3A_1941, %reduce_sum3A_1942 [0] : vector<64x128xf32> to vector<128xf32>
    %broadcast_in_dim3A_1944 = vector.shape_cast %reduce_sum3A_1943 : vector<128xf32> to vector<1x128xf32>
    %mul3A_1945 = arith.constant 5.000000e-03 : f32
    %mul3A_1946 = vector.broadcast %mul3A_1945 : f32 to vector<1x128xf32>
    %mul3A_1947 = arith.mulf %broadcast_in_dim3A_1944, %mul3A_1946 : vector<1x128xf32>
    %get3A_1948 = arith.constant 0 : index
    %get3A_1949 = arith.constant 21248 : index
    %get3A_1950 = vector.load %arg1[%get3A_1948, %get3A_1949] : memref<64x25600xf32, #tpu.memory_space<vmem>>, vector<64x128xf32>
    %mul3A_1951 = vector.broadcast %get3A_1 : vector<64x1xf32> to vector<64x128xf32>
    %mul3A_1952 = arith.mulf %get3A_1950, %mul3A_1951 : vector<64x128xf32>
    %reduce_sum3A_1953 = arith.constant dense<0.000000e+00> : vector<128xf32>
    %reduce_sum3A_1954 = vector.multi_reduction <add>, %mul3A_1952, %reduce_sum3A_1953 [0] : vector<64x128xf32> to vector<128xf32>
    %broadcast_in_dim3A_1955 = vector.shape_cast %reduce_sum3A_1954 : vector<128xf32> to vector<1x128xf32>
    %mul3A_1956 = arith.constant 5.000000e-03 : f32
    %mul3A_1957 = vector.broadcast %mul3A_1956 : f32 to vector<1x128xf32>
    %mul3A_1958 = arith.mulf %broadcast_in_dim3A_1955, %mul3A_1957 : vector<1x128xf32>
    %get3A_1959 = arith.constant 0 : index
    %get3A_1960 = arith.constant 21376 : index
    %get3A_1961 = vector.load %arg1[%get3A_1959, %get3A_1960] : memref<64x25600xf32, #tpu.memory_space<vmem>>, vector<64x128xf32>
    %mul3A_1962 = vector.broadcast %get3A_1 : vector<64x1xf32> to vector<64x128xf32>
    %mul3A_1963 = arith.mulf %get3A_1961, %mul3A_1962 : vector<64x128xf32>
    %reduce_sum3A_1964 = arith.constant dense<0.000000e+00> : vector<128xf32>
    %reduce_sum3A_1965 = vector.multi_reduction <add>, %mul3A_1963, %reduce_sum3A_1964 [0] : vector<64x128xf32> to vector<128xf32>
    %broadcast_in_dim3A_1966 = vector.shape_cast %reduce_sum3A_1965 : vector<128xf32> to vector<1x128xf32>
    %mul3A_1967 = arith.constant 5.000000e-03 : f32
    %mul3A_1968 = vector.broadcast %mul3A_1967 : f32 to vector<1x128xf32>
    %mul3A_1969 = arith.mulf %broadcast_in_dim3A_1966, %mul3A_1968 : vector<1x128xf32>
    %concatenate3A_1970 = tpu.concatenate %mul3A_1892, %mul3A_1903, %mul3A_1914, %mul3A_1925, %mul3A_1936, %mul3A_1947, %mul3A_1958, %mul3A_1969 in 0 : vector<1x128xf32>, vector<1x128xf32>, vector<1x128xf32>, vector<1x128xf32>, vector<1x128xf32>, vector<1x128xf32>, vector<1x128xf32>, vector<1x128xf32> -> vector<8x128xf32>
    %add3A_1971 = vector.broadcast %mul3A_6 : f32 to vector<8x128xf32>
    %add3A_1972 = arith.addf %concatenate3A_1970, %add3A_1971 : vector<8x128xf32>
    %swap3A_1973 = arith.constant 160 : index
    %swap3A_1974 = arith.constant 0 : index
    %swap3A_1975 = vector.load %arg5[%swap3A_1973, %swap3A_1974] : memref<200x128xf32, #tpu.memory_space<vmem>>, vector<8x128xf32>
    tpu.vector_store %arg5[%swap3A_1973, %swap3A_1974], %add3A_1972 {strides = array<i32>} : memref<200x128xf32, #tpu.memory_space<vmem>>, vector<8x128xf32>,
    %get3A_1976 = arith.constant 0 : index
    %get3A_1977 = arith.constant 21504 : index
    %get3A_1978 = vector.load %arg1[%get3A_1976, %get3A_1977] : memref<64x25600xf32, #tpu.memory_space<vmem>>, vector<64x128xf32>
    %mul3A_1979 = vector.broadcast %get3A_1 : vector<64x1xf32> to vector<64x128xf32>
    %mul3A_1980 = arith.mulf %get3A_1978, %mul3A_1979 : vector<64x128xf32>
    %reduce_sum3A_1981 = arith.constant dense<0.000000e+00> : vector<128xf32>
    %reduce_sum3A_1982 = vector.multi_reduction <add>, %mul3A_1980, %reduce_sum3A_1981 [0] : vector<64x128xf32> to vector<128xf32>
    %broadcast_in_dim3A_1983 = vector.shape_cast %reduce_sum3A_1982 : vector<128xf32> to vector<1x128xf32>
    %mul3A_1984 = arith.constant 5.000000e-03 : f32
    %mul3A_1985 = vector.broadcast %mul3A_1984 : f32 to vector<1x128xf32>
    %mul3A_1986 = arith.mulf %broadcast_in_dim3A_1983, %mul3A_1985 : vector<1x128xf32>
    %get3A_1987 = arith.constant 0 : index
    %get3A_1988 = arith.constant 21632 : index
    %get3A_1989 = vector.load %arg1[%get3A_1987, %get3A_1988] : memref<64x25600xf32, #tpu.memory_space<vmem>>, vector<64x128xf32>
    %mul3A_1990 = vector.broadcast %get3A_1 : vector<64x1xf32> to vector<64x128xf32>
    %mul3A_1991 = arith.mulf %get3A_1989, %mul3A_1990 : vector<64x128xf32>
    %reduce_sum3A_1992 = arith.constant dense<0.000000e+00> : vector<128xf32>
    %reduce_sum3A_1993 = vector.multi_reduction <add>, %mul3A_1991, %reduce_sum3A_1992 [0] : vector<64x128xf32> to vector<128xf32>
    %broadcast_in_dim3A_1994 = vector.shape_cast %reduce_sum3A_1993 : vector<128xf32> to vector<1x128xf32>
    %mul3A_1995 = arith.constant 5.000000e-03 : f32
    %mul3A_1996 = vector.broadcast %mul3A_1995 : f32 to vector<1x128xf32>
    %mul3A_1997 = arith.mulf %broadcast_in_dim3A_1994, %mul3A_1996 : vector<1x128xf32>
    %get3A_1998 = arith.constant 0 : index
    %get3A_1999 = arith.constant 21760 : index
    %get3A_2000 = vector.load %arg1[%get3A_1998, %get3A_1999] : memref<64x25600xf32, #tpu.memory_space<vmem>>, vector<64x128xf32>
    %mul3A_2001 = vector.broadcast %get3A_1 : vector<64x1xf32> to vector<64x128xf32>
    %mul3A_2002 = arith.mulf %get3A_2000, %mul3A_2001 : vector<64x128xf32>
    %reduce_sum3A_2003 = arith.constant dense<0.000000e+00> : vector<128xf32>
    %reduce_sum3A_2004 = vector.multi_reduction <add>, %mul3A_2002, %reduce_sum3A_2003 [0] : vector<64x128xf32> to vector<128xf32>
    %broadcast_in_dim3A_2005 = vector.shape_cast %reduce_sum3A_2004 : vector<128xf32> to vector<1x128xf32>
    %mul3A_2006 = arith.constant 5.000000e-03 : f32
    %mul3A_2007 = vector.broadcast %mul3A_2006 : f32 to vector<1x128xf32>
    %mul3A_2008 = arith.mulf %broadcast_in_dim3A_2005, %mul3A_2007 : vector<1x128xf32>
    %get3A_2009 = arith.constant 0 : index
    %get3A_2010 = arith.constant 21888 : index
    %get3A_2011 = vector.load %arg1[%get3A_2009, %get3A_2010] : memref<64x25600xf32, #tpu.memory_space<vmem>>, vector<64x128xf32>
    %mul3A_2012 = vector.broadcast %get3A_1 : vector<64x1xf32> to vector<64x128xf32>
    %mul3A_2013 = arith.mulf %get3A_2011, %mul3A_2012 : vector<64x128xf32>
    %reduce_sum3A_2014 = arith.constant dense<0.000000e+00> : vector<128xf32>
    %reduce_sum3A_2015 = vector.multi_reduction <add>, %mul3A_2013, %reduce_sum3A_2014 [0] : vector<64x128xf32> to vector<128xf32>
    %broadcast_in_dim3A_2016 = vector.shape_cast %reduce_sum3A_2015 : vector<128xf32> to vector<1x128xf32>
    %mul3A_2017 = arith.constant 5.000000e-03 : f32
    %mul3A_2018 = vector.broadcast %mul3A_2017 : f32 to vector<1x128xf32>
    %mul3A_2019 = arith.mulf %broadcast_in_dim3A_2016, %mul3A_2018 : vector<1x128xf32>
    %get3A_2020 = arith.constant 0 : index
    %get3A_2021 = arith.constant 22016 : index
    %get3A_2022 = vector.load %arg1[%get3A_2020, %get3A_2021] : memref<64x25600xf32, #tpu.memory_space<vmem>>, vector<64x128xf32>
    %mul3A_2023 = vector.broadcast %get3A_1 : vector<64x1xf32> to vector<64x128xf32>
    %mul3A_2024 = arith.mulf %get3A_2022, %mul3A_2023 : vector<64x128xf32>
    %reduce_sum3A_2025 = arith.constant dense<0.000000e+00> : vector<128xf32>
    %reduce_sum3A_2026 = vector.multi_reduction <add>, %mul3A_2024, %reduce_sum3A_2025 [0] : vector<64x128xf32> to vector<128xf32>
    %broadcast_in_dim3A_2027 = vector.shape_cast %reduce_sum3A_2026 : vector<128xf32> to vector<1x128xf32>
    %mul3A_2028 = arith.constant 5.000000e-03 : f32
    %mul3A_2029 = vector.broadcast %mul3A_2028 : f32 to vector<1x128xf32>
    %mul3A_2030 = arith.mulf %broadcast_in_dim3A_2027, %mul3A_2029 : vector<1x128xf32>
    %get3A_2031 = arith.constant 0 : index
    %get3A_2032 = arith.constant 22144 : index
    %get3A_2033 = vector.load %arg1[%get3A_2031, %get3A_2032] : memref<64x25600xf32, #tpu.memory_space<vmem>>, vector<64x128xf32>
    %mul3A_2034 = vector.broadcast %get3A_1 : vector<64x1xf32> to vector<64x128xf32>
    %mul3A_2035 = arith.mulf %get3A_2033, %mul3A_2034 : vector<64x128xf32>
    %reduce_sum3A_2036 = arith.constant dense<0.000000e+00> : vector<128xf32>
    %reduce_sum3A_2037 = vector.multi_reduction <add>, %mul3A_2035, %reduce_sum3A_2036 [0] : vector<64x128xf32> to vector<128xf32>
    %broadcast_in_dim3A_2038 = vector.shape_cast %reduce_sum3A_2037 : vector<128xf32> to vector<1x128xf32>
    %mul3A_2039 = arith.constant 5.000000e-03 : f32
    %mul3A_2040 = vector.broadcast %mul3A_2039 : f32 to vector<1x128xf32>
    %mul3A_2041 = arith.mulf %broadcast_in_dim3A_2038, %mul3A_2040 : vector<1x128xf32>
    %get3A_2042 = arith.constant 0 : index
    %get3A_2043 = arith.constant 22272 : index
    %get3A_2044 = vector.load %arg1[%get3A_2042, %get3A_2043] : memref<64x25600xf32, #tpu.memory_space<vmem>>, vector<64x128xf32>
    %mul3A_2045 = vector.broadcast %get3A_1 : vector<64x1xf32> to vector<64x128xf32>
    %mul3A_2046 = arith.mulf %get3A_2044, %mul3A_2045 : vector<64x128xf32>
    %reduce_sum3A_2047 = arith.constant dense<0.000000e+00> : vector<128xf32>
    %reduce_sum3A_2048 = vector.multi_reduction <add>, %mul3A_2046, %reduce_sum3A_2047 [0] : vector<64x128xf32> to vector<128xf32>
    %broadcast_in_dim3A_2049 = vector.shape_cast %reduce_sum3A_2048 : vector<128xf32> to vector<1x128xf32>
    %mul3A_2050 = arith.constant 5.000000e-03 : f32
    %mul3A_2051 = vector.broadcast %mul3A_2050 : f32 to vector<1x128xf32>
    %mul3A_2052 = arith.mulf %broadcast_in_dim3A_2049, %mul3A_2051 : vector<1x128xf32>
    %get3A_2053 = arith.constant 0 : index
    %get3A_2054 = arith.constant 22400 : index
    %get3A_2055 = vector.load %arg1[%get3A_2053, %get3A_2054] : memref<64x25600xf32, #tpu.memory_space<vmem>>, vector<64x128xf32>
    %mul3A_2056 = vector.broadcast %get3A_1 : vector<64x1xf32> to vector<64x128xf32>
    %mul3A_2057 = arith.mulf %get3A_2055, %mul3A_2056 : vector<64x128xf32>
    %reduce_sum3A_2058 = arith.constant dense<0.000000e+00> : vector<128xf32>
    %reduce_sum3A_2059 = vector.multi_reduction <add>, %mul3A_2057, %reduce_sum3A_2058 [0] : vector<64x128xf32> to vector<128xf32>
    %broadcast_in_dim3A_2060 = vector.shape_cast %reduce_sum3A_2059 : vector<128xf32> to vector<1x128xf32>
    %mul3A_2061 = arith.constant 5.000000e-03 : f32
    %mul3A_2062 = vector.broadcast %mul3A_2061 : f32 to vector<1x128xf32>
    %mul3A_2063 = arith.mulf %broadcast_in_dim3A_2060, %mul3A_2062 : vector<1x128xf32>
    %concatenate3A_2064 = tpu.concatenate %mul3A_1986, %mul3A_1997, %mul3A_2008, %mul3A_2019, %mul3A_2030, %mul3A_2041, %mul3A_2052, %mul3A_2063 in 0 : vector<1x128xf32>, vector<1x128xf32>, vector<1x128xf32>, vector<1x128xf32>, vector<1x128xf32>, vector<1x128xf32>, vector<1x128xf32>, vector<1x128xf32> -> vector<8x128xf32>
    %add3A_2065 = vector.broadcast %mul3A_6 : f32 to vector<8x128xf32>
    %add3A_2066 = arith.addf %concatenate3A_2064, %add3A_2065 : vector<8x128xf32>
    %swap3A_2067 = arith.constant 168 : index
    %swap3A_2068 = arith.constant 0 : index
    %swap3A_2069 = vector.load %arg5[%swap3A_2067, %swap3A_2068] : memref<200x128xf32, #tpu.memory_space<vmem>>, vector<8x128xf32>
    tpu.vector_store %arg5[%swap3A_2067, %swap3A_2068], %add3A_2066 {strides = array<i32>} : memref<200x128xf32, #tpu.memory_space<vmem>>, vector<8x128xf32>,
    %get3A_2070 = arith.constant 0 : index
    %get3A_2071 = arith.constant 22528 : index
    %get3A_2072 = vector.load %arg1[%get3A_2070, %get3A_2071] : memref<64x25600xf32, #tpu.memory_space<vmem>>, vector<64x128xf32>
    %mul3A_2073 = vector.broadcast %get3A_1 : vector<64x1xf32> to vector<64x128xf32>
    %mul3A_2074 = arith.mulf %get3A_2072, %mul3A_2073 : vector<64x128xf32>
    %reduce_sum3A_2075 = arith.constant dense<0.000000e+00> : vector<128xf32>
    %reduce_sum3A_2076 = vector.multi_reduction <add>, %mul3A_2074, %reduce_sum3A_2075 [0] : vector<64x128xf32> to vector<128xf32>
    %broadcast_in_dim3A_2077 = vector.shape_cast %reduce_sum3A_2076 : vector<128xf32> to vector<1x128xf32>
    %mul3A_2078 = arith.constant 5.000000e-03 : f32
    %mul3A_2079 = vector.broadcast %mul3A_2078 : f32 to vector<1x128xf32>
    %mul3A_2080 = arith.mulf %broadcast_in_dim3A_2077, %mul3A_2079 : vector<1x128xf32>
    %get3A_2081 = arith.constant 0 : index
    %get3A_2082 = arith.constant 22656 : index
    %get3A_2083 = vector.load %arg1[%get3A_2081, %get3A_2082] : memref<64x25600xf32, #tpu.memory_space<vmem>>, vector<64x128xf32>
    %mul3A_2084 = vector.broadcast %get3A_1 : vector<64x1xf32> to vector<64x128xf32>
    %mul3A_2085 = arith.mulf %get3A_2083, %mul3A_2084 : vector<64x128xf32>
    %reduce_sum3A_2086 = arith.constant dense<0.000000e+00> : vector<128xf32>
    %reduce_sum3A_2087 = vector.multi_reduction <add>, %mul3A_2085, %reduce_sum3A_2086 [0] : vector<64x128xf32> to vector<128xf32>
    %broadcast_in_dim3A_2088 = vector.shape_cast %reduce_sum3A_2087 : vector<128xf32> to vector<1x128xf32>
    %mul3A_2089 = arith.constant 5.000000e-03 : f32
    %mul3A_2090 = vector.broadcast %mul3A_2089 : f32 to vector<1x128xf32>
    %mul3A_2091 = arith.mulf %broadcast_in_dim3A_2088, %mul3A_2090 : vector<1x128xf32>
    %get3A_2092 = arith.constant 0 : index
    %get3A_2093 = arith.constant 22784 : index
    %get3A_2094 = vector.load %arg1[%get3A_2092, %get3A_2093] : memref<64x25600xf32, #tpu.memory_space<vmem>>, vector<64x128xf32>
    %mul3A_2095 = vector.broadcast %get3A_1 : vector<64x1xf32> to vector<64x128xf32>
    %mul3A_2096 = arith.mulf %get3A_2094, %mul3A_2095 : vector<64x128xf32>
    %reduce_sum3A_2097 = arith.constant dense<0.000000e+00> : vector<128xf32>
    %reduce_sum3A_2098 = vector.multi_reduction <add>, %mul3A_2096, %reduce_sum3A_2097 [0] : vector<64x128xf32> to vector<128xf32>
    %broadcast_in_dim3A_2099 = vector.shape_cast %reduce_sum3A_2098 : vector<128xf32> to vector<1x128xf32>
    %mul3A_2100 = arith.constant 5.000000e-03 : f32
    %mul3A_2101 = vector.broadcast %mul3A_2100 : f32 to vector<1x128xf32>
    %mul3A_2102 = arith.mulf %broadcast_in_dim3A_2099, %mul3A_2101 : vector<1x128xf32>
    %get3A_2103 = arith.constant 0 : index
    %get3A_2104 = arith.constant 22912 : index
    %get3A_2105 = vector.load %arg1[%get3A_2103, %get3A_2104] : memref<64x25600xf32, #tpu.memory_space<vmem>>, vector<64x128xf32>
    %mul3A_2106 = vector.broadcast %get3A_1 : vector<64x1xf32> to vector<64x128xf32>
    %mul3A_2107 = arith.mulf %get3A_2105, %mul3A_2106 : vector<64x128xf32>
    %reduce_sum3A_2108 = arith.constant dense<0.000000e+00> : vector<128xf32>
    %reduce_sum3A_2109 = vector.multi_reduction <add>, %mul3A_2107, %reduce_sum3A_2108 [0] : vector<64x128xf32> to vector<128xf32>
    %broadcast_in_dim3A_2110 = vector.shape_cast %reduce_sum3A_2109 : vector<128xf32> to vector<1x128xf32>
    %mul3A_2111 = arith.constant 5.000000e-03 : f32
    %mul3A_2112 = vector.broadcast %mul3A_2111 : f32 to vector<1x128xf32>
    %mul3A_2113 = arith.mulf %broadcast_in_dim3A_2110, %mul3A_2112 : vector<1x128xf32>
    %get3A_2114 = arith.constant 0 : index
    %get3A_2115 = arith.constant 23040 : index
    %get3A_2116 = vector.load %arg1[%get3A_2114, %get3A_2115] : memref<64x25600xf32, #tpu.memory_space<vmem>>, vector<64x128xf32>
    %mul3A_2117 = vector.broadcast %get3A_1 : vector<64x1xf32> to vector<64x128xf32>
    %mul3A_2118 = arith.mulf %get3A_2116, %mul3A_2117 : vector<64x128xf32>
    %reduce_sum3A_2119 = arith.constant dense<0.000000e+00> : vector<128xf32>
    %reduce_sum3A_2120 = vector.multi_reduction <add>, %mul3A_2118, %reduce_sum3A_2119 [0] : vector<64x128xf32> to vector<128xf32>
    %broadcast_in_dim3A_2121 = vector.shape_cast %reduce_sum3A_2120 : vector<128xf32> to vector<1x128xf32>
    %mul3A_2122 = arith.constant 5.000000e-03 : f32
    %mul3A_2123 = vector.broadcast %mul3A_2122 : f32 to vector<1x128xf32>
    %mul3A_2124 = arith.mulf %broadcast_in_dim3A_2121, %mul3A_2123 : vector<1x128xf32>
    %get3A_2125 = arith.constant 0 : index
    %get3A_2126 = arith.constant 23168 : index
    %get3A_2127 = vector.load %arg1[%get3A_2125, %get3A_2126] : memref<64x25600xf32, #tpu.memory_space<vmem>>, vector<64x128xf32>
    %mul3A_2128 = vector.broadcast %get3A_1 : vector<64x1xf32> to vector<64x128xf32>
    %mul3A_2129 = arith.mulf %get3A_2127, %mul3A_2128 : vector<64x128xf32>
    %reduce_sum3A_2130 = arith.constant dense<0.000000e+00> : vector<128xf32>
    %reduce_sum3A_2131 = vector.multi_reduction <add>, %mul3A_2129, %reduce_sum3A_2130 [0] : vector<64x128xf32> to vector<128xf32>
    %broadcast_in_dim3A_2132 = vector.shape_cast %reduce_sum3A_2131 : vector<128xf32> to vector<1x128xf32>
    %mul3A_2133 = arith.constant 5.000000e-03 : f32
    %mul3A_2134 = vector.broadcast %mul3A_2133 : f32 to vector<1x128xf32>
    %mul3A_2135 = arith.mulf %broadcast_in_dim3A_2132, %mul3A_2134 : vector<1x128xf32>
    %get3A_2136 = arith.constant 0 : index
    %get3A_2137 = arith.constant 23296 : index
    %get3A_2138 = vector.load %arg1[%get3A_2136, %get3A_2137] : memref<64x25600xf32, #tpu.memory_space<vmem>>, vector<64x128xf32>
    %mul3A_2139 = vector.broadcast %get3A_1 : vector<64x1xf32> to vector<64x128xf32>
    %mul3A_2140 = arith.mulf %get3A_2138, %mul3A_2139 : vector<64x128xf32>
    %reduce_sum3A_2141 = arith.constant dense<0.000000e+00> : vector<128xf32>
    %reduce_sum3A_2142 = vector.multi_reduction <add>, %mul3A_2140, %reduce_sum3A_2141 [0] : vector<64x128xf32> to vector<128xf32>
    %broadcast_in_dim3A_2143 = vector.shape_cast %reduce_sum3A_2142 : vector<128xf32> to vector<1x128xf32>
    %mul3A_2144 = arith.constant 5.000000e-03 : f32
    %mul3A_2145 = vector.broadcast %mul3A_2144 : f32 to vector<1x128xf32>
    %mul3A_2146 = arith.mulf %broadcast_in_dim3A_2143, %mul3A_2145 : vector<1x128xf32>
    %get3A_2147 = arith.constant 0 : index
    %get3A_2148 = arith.constant 23424 : index
    %get3A_2149 = vector.load %arg1[%get3A_2147, %get3A_2148] : memref<64x25600xf32, #tpu.memory_space<vmem>>, vector<64x128xf32>
    %mul3A_2150 = vector.broadcast %get3A_1 : vector<64x1xf32> to vector<64x128xf32>
    %mul3A_2151 = arith.mulf %get3A_2149, %mul3A_2150 : vector<64x128xf32>
    %reduce_sum3A_2152 = arith.constant dense<0.000000e+00> : vector<128xf32>
    %reduce_sum3A_2153 = vector.multi_reduction <add>, %mul3A_2151, %reduce_sum3A_2152 [0] : vector<64x128xf32> to vector<128xf32>
    %broadcast_in_dim3A_2154 = vector.shape_cast %reduce_sum3A_2153 : vector<128xf32> to vector<1x128xf32>
    %mul3A_2155 = arith.constant 5.000000e-03 : f32
    %mul3A_2156 = vector.broadcast %mul3A_2155 : f32 to vector<1x128xf32>
    %mul3A_2157 = arith.mulf %broadcast_in_dim3A_2154, %mul3A_2156 : vector<1x128xf32>
    %concatenate3A_2158 = tpu.concatenate %mul3A_2080, %mul3A_2091, %mul3A_2102, %mul3A_2113, %mul3A_2124, %mul3A_2135, %mul3A_2146, %mul3A_2157 in 0 : vector<1x128xf32>, vector<1x128xf32>, vector<1x128xf32>, vector<1x128xf32>, vector<1x128xf32>, vector<1x128xf32>, vector<1x128xf32>, vector<1x128xf32> -> vector<8x128xf32>
    %add3A_2159 = vector.broadcast %mul3A_6 : f32 to vector<8x128xf32>
    %add3A_2160 = arith.addf %concatenate3A_2158, %add3A_2159 : vector<8x128xf32>
    %swap3A_2161 = arith.constant 176 : index
    %swap3A_2162 = arith.constant 0 : index
    %swap3A_2163 = vector.load %arg5[%swap3A_2161, %swap3A_2162] : memref<200x128xf32, #tpu.memory_space<vmem>>, vector<8x128xf32>
    tpu.vector_store %arg5[%swap3A_2161, %swap3A_2162], %add3A_2160 {strides = array<i32>} : memref<200x128xf32, #tpu.memory_space<vmem>>, vector<8x128xf32>,
    %get3A_2164 = arith.constant 0 : index
    %get3A_2165 = arith.constant 23552 : index
    %get3A_2166 = vector.load %arg1[%get3A_2164, %get3A_2165] : memref<64x25600xf32, #tpu.memory_space<vmem>>, vector<64x128xf32>
    %mul3A_2167 = vector.broadcast %get3A_1 : vector<64x1xf32> to vector<64x128xf32>
    %mul3A_2168 = arith.mulf %get3A_2166, %mul3A_2167 : vector<64x128xf32>
    %reduce_sum3A_2169 = arith.constant dense<0.000000e+00> : vector<128xf32>
    %reduce_sum3A_2170 = vector.multi_reduction <add>, %mul3A_2168, %reduce_sum3A_2169 [0] : vector<64x128xf32> to vector<128xf32>
    %broadcast_in_dim3A_2171 = vector.shape_cast %reduce_sum3A_2170 : vector<128xf32> to vector<1x128xf32>
    %mul3A_2172 = arith.constant 5.000000e-03 : f32
    %mul3A_2173 = vector.broadcast %mul3A_2172 : f32 to vector<1x128xf32>
    %mul3A_2174 = arith.mulf %broadcast_in_dim3A_2171, %mul3A_2173 : vector<1x128xf32>
    %get3A_2175 = arith.constant 0 : index
    %get3A_2176 = arith.constant 23680 : index
    %get3A_2177 = vector.load %arg1[%get3A_2175, %get3A_2176] : memref<64x25600xf32, #tpu.memory_space<vmem>>, vector<64x128xf32>
    %mul3A_2178 = vector.broadcast %get3A_1 : vector<64x1xf32> to vector<64x128xf32>
    %mul3A_2179 = arith.mulf %get3A_2177, %mul3A_2178 : vector<64x128xf32>
    %reduce_sum3A_2180 = arith.constant dense<0.000000e+00> : vector<128xf32>
    %reduce_sum3A_2181 = vector.multi_reduction <add>, %mul3A_2179, %reduce_sum3A_2180 [0] : vector<64x128xf32> to vector<128xf32>
    %broadcast_in_dim3A_2182 = vector.shape_cast %reduce_sum3A_2181 : vector<128xf32> to vector<1x128xf32>
    %mul3A_2183 = arith.constant 5.000000e-03 : f32
    %mul3A_2184 = vector.broadcast %mul3A_2183 : f32 to vector<1x128xf32>
    %mul3A_2185 = arith.mulf %broadcast_in_dim3A_2182, %mul3A_2184 : vector<1x128xf32>
    %get3A_2186 = arith.constant 0 : index
    %get3A_2187 = arith.constant 23808 : index
    %get3A_2188 = vector.load %arg1[%get3A_2186, %get3A_2187] : memref<64x25600xf32, #tpu.memory_space<vmem>>, vector<64x128xf32>
    %mul3A_2189 = vector.broadcast %get3A_1 : vector<64x1xf32> to vector<64x128xf32>
    %mul3A_2190 = arith.mulf %get3A_2188, %mul3A_2189 : vector<64x128xf32>
    %reduce_sum3A_2191 = arith.constant dense<0.000000e+00> : vector<128xf32>
    %reduce_sum3A_2192 = vector.multi_reduction <add>, %mul3A_2190, %reduce_sum3A_2191 [0] : vector<64x128xf32> to vector<128xf32>
    %broadcast_in_dim3A_2193 = vector.shape_cast %reduce_sum3A_2192 : vector<128xf32> to vector<1x128xf32>
    %mul3A_2194 = arith.constant 5.000000e-03 : f32
    %mul3A_2195 = vector.broadcast %mul3A_2194 : f32 to vector<1x128xf32>
    %mul3A_2196 = arith.mulf %broadcast_in_dim3A_2193, %mul3A_2195 : vector<1x128xf32>
    %get3A_2197 = arith.constant 0 : index
    %get3A_2198 = arith.constant 23936 : index
    %get3A_2199 = vector.load %arg1[%get3A_2197, %get3A_2198] : memref<64x25600xf32, #tpu.memory_space<vmem>>, vector<64x128xf32>
    %mul3A_2200 = vector.broadcast %get3A_1 : vector<64x1xf32> to vector<64x128xf32>
    %mul3A_2201 = arith.mulf %get3A_2199, %mul3A_2200 : vector<64x128xf32>
    %reduce_sum3A_2202 = arith.constant dense<0.000000e+00> : vector<128xf32>
    %reduce_sum3A_2203 = vector.multi_reduction <add>, %mul3A_2201, %reduce_sum3A_2202 [0] : vector<64x128xf32> to vector<128xf32>
    %broadcast_in_dim3A_2204 = vector.shape_cast %reduce_sum3A_2203 : vector<128xf32> to vector<1x128xf32>
    %mul3A_2205 = arith.constant 5.000000e-03 : f32
    %mul3A_2206 = vector.broadcast %mul3A_2205 : f32 to vector<1x128xf32>
    %mul3A_2207 = arith.mulf %broadcast_in_dim3A_2204, %mul3A_2206 : vector<1x128xf32>
    %get3A_2208 = arith.constant 0 : index
    %get3A_2209 = arith.constant 24064 : index
    %get3A_2210 = vector.load %arg1[%get3A_2208, %get3A_2209] : memref<64x25600xf32, #tpu.memory_space<vmem>>, vector<64x128xf32>
    %mul3A_2211 = vector.broadcast %get3A_1 : vector<64x1xf32> to vector<64x128xf32>
    %mul3A_2212 = arith.mulf %get3A_2210, %mul3A_2211 : vector<64x128xf32>
    %reduce_sum3A_2213 = arith.constant dense<0.000000e+00> : vector<128xf32>
    %reduce_sum3A_2214 = vector.multi_reduction <add>, %mul3A_2212, %reduce_sum3A_2213 [0] : vector<64x128xf32> to vector<128xf32>
    %broadcast_in_dim3A_2215 = vector.shape_cast %reduce_sum3A_2214 : vector<128xf32> to vector<1x128xf32>
    %mul3A_2216 = arith.constant 5.000000e-03 : f32
    %mul3A_2217 = vector.broadcast %mul3A_2216 : f32 to vector<1x128xf32>
    %mul3A_2218 = arith.mulf %broadcast_in_dim3A_2215, %mul3A_2217 : vector<1x128xf32>
    %get3A_2219 = arith.constant 0 : index
    %get3A_2220 = arith.constant 24192 : index
    %get3A_2221 = vector.load %arg1[%get3A_2219, %get3A_2220] : memref<64x25600xf32, #tpu.memory_space<vmem>>, vector<64x128xf32>
    %mul3A_2222 = vector.broadcast %get3A_1 : vector<64x1xf32> to vector<64x128xf32>
    %mul3A_2223 = arith.mulf %get3A_2221, %mul3A_2222 : vector<64x128xf32>
    %reduce_sum3A_2224 = arith.constant dense<0.000000e+00> : vector<128xf32>
    %reduce_sum3A_2225 = vector.multi_reduction <add>, %mul3A_2223, %reduce_sum3A_2224 [0] : vector<64x128xf32> to vector<128xf32>
    %broadcast_in_dim3A_2226 = vector.shape_cast %reduce_sum3A_2225 : vector<128xf32> to vector<1x128xf32>
    %mul3A_2227 = arith.constant 5.000000e-03 : f32
    %mul3A_2228 = vector.broadcast %mul3A_2227 : f32 to vector<1x128xf32>
    %mul3A_2229 = arith.mulf %broadcast_in_dim3A_2226, %mul3A_2228 : vector<1x128xf32>
    %get3A_2230 = arith.constant 0 : index
    %get3A_2231 = arith.constant 24320 : index
    %get3A_2232 = vector.load %arg1[%get3A_2230, %get3A_2231] : memref<64x25600xf32, #tpu.memory_space<vmem>>, vector<64x128xf32>
    %mul3A_2233 = vector.broadcast %get3A_1 : vector<64x1xf32> to vector<64x128xf32>
    %mul3A_2234 = arith.mulf %get3A_2232, %mul3A_2233 : vector<64x128xf32>
    %reduce_sum3A_2235 = arith.constant dense<0.000000e+00> : vector<128xf32>
    %reduce_sum3A_2236 = vector.multi_reduction <add>, %mul3A_2234, %reduce_sum3A_2235 [0] : vector<64x128xf32> to vector<128xf32>
    %broadcast_in_dim3A_2237 = vector.shape_cast %reduce_sum3A_2236 : vector<128xf32> to vector<1x128xf32>
    %mul3A_2238 = arith.constant 5.000000e-03 : f32
    %mul3A_2239 = vector.broadcast %mul3A_2238 : f32 to vector<1x128xf32>
    %mul3A_2240 = arith.mulf %broadcast_in_dim3A_2237, %mul3A_2239 : vector<1x128xf32>
    %get3A_2241 = arith.constant 0 : index
    %get3A_2242 = arith.constant 24448 : index
    %get3A_2243 = vector.load %arg1[%get3A_2241, %get3A_2242] : memref<64x25600xf32, #tpu.memory_space<vmem>>, vector<64x128xf32>
    %mul3A_2244 = vector.broadcast %get3A_1 : vector<64x1xf32> to vector<64x128xf32>
    %mul3A_2245 = arith.mulf %get3A_2243, %mul3A_2244 : vector<64x128xf32>
    %reduce_sum3A_2246 = arith.constant dense<0.000000e+00> : vector<128xf32>
    %reduce_sum3A_2247 = vector.multi_reduction <add>, %mul3A_2245, %reduce_sum3A_2246 [0] : vector<64x128xf32> to vector<128xf32>
    %broadcast_in_dim3A_2248 = vector.shape_cast %reduce_sum3A_2247 : vector<128xf32> to vector<1x128xf32>
    %mul3A_2249 = arith.constant 5.000000e-03 : f32
    %mul3A_2250 = vector.broadcast %mul3A_2249 : f32 to vector<1x128xf32>
    %mul3A_2251 = arith.mulf %broadcast_in_dim3A_2248, %mul3A_2250 : vector<1x128xf32>
    %concatenate3A_2252 = tpu.concatenate %mul3A_2174, %mul3A_2185, %mul3A_2196, %mul3A_2207, %mul3A_2218, %mul3A_2229, %mul3A_2240, %mul3A_2251 in 0 : vector<1x128xf32>, vector<1x128xf32>, vector<1x128xf32>, vector<1x128xf32>, vector<1x128xf32>, vector<1x128xf32>, vector<1x128xf32>, vector<1x128xf32> -> vector<8x128xf32>
    %add3A_2253 = vector.broadcast %mul3A_6 : f32 to vector<8x128xf32>
    %add3A_2254 = arith.addf %concatenate3A_2252, %add3A_2253 : vector<8x128xf32>
    %swap3A_2255 = arith.constant 184 : index
    %swap3A_2256 = arith.constant 0 : index
    %swap3A_2257 = vector.load %arg5[%swap3A_2255, %swap3A_2256] : memref<200x128xf32, #tpu.memory_space<vmem>>, vector<8x128xf32>
    tpu.vector_store %arg5[%swap3A_2255, %swap3A_2256], %add3A_2254 {strides = array<i32>} : memref<200x128xf32, #tpu.memory_space<vmem>>, vector<8x128xf32>,
    %get3A_2258 = arith.constant 0 : index
    %get3A_2259 = arith.constant 24576 : index
    %get3A_2260 = vector.load %arg1[%get3A_2258, %get3A_2259] : memref<64x25600xf32, #tpu.memory_space<vmem>>, vector<64x128xf32>
    %mul3A_2261 = vector.broadcast %get3A_1 : vector<64x1xf32> to vector<64x128xf32>
    %mul3A_2262 = arith.mulf %get3A_2260, %mul3A_2261 : vector<64x128xf32>
    %reduce_sum3A_2263 = arith.constant dense<0.000000e+00> : vector<128xf32>
    %reduce_sum3A_2264 = vector.multi_reduction <add>, %mul3A_2262, %reduce_sum3A_2263 [0] : vector<64x128xf32> to vector<128xf32>
    %broadcast_in_dim3A_2265 = vector.shape_cast %reduce_sum3A_2264 : vector<128xf32> to vector<1x128xf32>
    %mul3A_2266 = arith.constant 5.000000e-03 : f32
    %mul3A_2267 = vector.broadcast %mul3A_2266 : f32 to vector<1x128xf32>
    %mul3A_2268 = arith.mulf %broadcast_in_dim3A_2265, %mul3A_2267 : vector<1x128xf32>
    %get3A_2269 = arith.constant 0 : index
    %get3A_2270 = arith.constant 24704 : index
    %get3A_2271 = vector.load %arg1[%get3A_2269, %get3A_2270] : memref<64x25600xf32, #tpu.memory_space<vmem>>, vector<64x128xf32>
    %mul3A_2272 = vector.broadcast %get3A_1 : vector<64x1xf32> to vector<64x128xf32>
    %mul3A_2273 = arith.mulf %get3A_2271, %mul3A_2272 : vector<64x128xf32>
    %reduce_sum3A_2274 = arith.constant dense<0.000000e+00> : vector<128xf32>
    %reduce_sum3A_2275 = vector.multi_reduction <add>, %mul3A_2273, %reduce_sum3A_2274 [0] : vector<64x128xf32> to vector<128xf32>
    %broadcast_in_dim3A_2276 = vector.shape_cast %reduce_sum3A_2275 : vector<128xf32> to vector<1x128xf32>
    %mul3A_2277 = arith.constant 5.000000e-03 : f32
    %mul3A_2278 = vector.broadcast %mul3A_2277 : f32 to vector<1x128xf32>
    %mul3A_2279 = arith.mulf %broadcast_in_dim3A_2276, %mul3A_2278 : vector<1x128xf32>
    %get3A_2280 = arith.constant 0 : index
    %get3A_2281 = arith.constant 24832 : index
    %get3A_2282 = vector.load %arg1[%get3A_2280, %get3A_2281] : memref<64x25600xf32, #tpu.memory_space<vmem>>, vector<64x128xf32>
    %mul3A_2283 = vector.broadcast %get3A_1 : vector<64x1xf32> to vector<64x128xf32>
    %mul3A_2284 = arith.mulf %get3A_2282, %mul3A_2283 : vector<64x128xf32>
    %reduce_sum3A_2285 = arith.constant dense<0.000000e+00> : vector<128xf32>
    %reduce_sum3A_2286 = vector.multi_reduction <add>, %mul3A_2284, %reduce_sum3A_2285 [0] : vector<64x128xf32> to vector<128xf32>
    %broadcast_in_dim3A_2287 = vector.shape_cast %reduce_sum3A_2286 : vector<128xf32> to vector<1x128xf32>
    %mul3A_2288 = arith.constant 5.000000e-03 : f32
    %mul3A_2289 = vector.broadcast %mul3A_2288 : f32 to vector<1x128xf32>
    %mul3A_2290 = arith.mulf %broadcast_in_dim3A_2287, %mul3A_2289 : vector<1x128xf32>
    %get3A_2291 = arith.constant 0 : index
    %get3A_2292 = arith.constant 24960 : index
    %get3A_2293 = vector.load %arg1[%get3A_2291, %get3A_2292] : memref<64x25600xf32, #tpu.memory_space<vmem>>, vector<64x128xf32>
    %mul3A_2294 = vector.broadcast %get3A_1 : vector<64x1xf32> to vector<64x128xf32>
    %mul3A_2295 = arith.mulf %get3A_2293, %mul3A_2294 : vector<64x128xf32>
    %reduce_sum3A_2296 = arith.constant dense<0.000000e+00> : vector<128xf32>
    %reduce_sum3A_2297 = vector.multi_reduction <add>, %mul3A_2295, %reduce_sum3A_2296 [0] : vector<64x128xf32> to vector<128xf32>
    %broadcast_in_dim3A_2298 = vector.shape_cast %reduce_sum3A_2297 : vector<128xf32> to vector<1x128xf32>
    %mul3A_2299 = arith.constant 5.000000e-03 : f32
    %mul3A_2300 = vector.broadcast %mul3A_2299 : f32 to vector<1x128xf32>
    %mul3A_2301 = arith.mulf %broadcast_in_dim3A_2298, %mul3A_2300 : vector<1x128xf32>
    %get3A_2302 = arith.constant 0 : index
    %get3A_2303 = arith.constant 25088 : index
    %get3A_2304 = vector.load %arg1[%get3A_2302, %get3A_2303] : memref<64x25600xf32, #tpu.memory_space<vmem>>, vector<64x128xf32>
    %mul3A_2305 = vector.broadcast %get3A_1 : vector<64x1xf32> to vector<64x128xf32>
    %mul3A_2306 = arith.mulf %get3A_2304, %mul3A_2305 : vector<64x128xf32>
    %reduce_sum3A_2307 = arith.constant dense<0.000000e+00> : vector<128xf32>
    %reduce_sum3A_2308 = vector.multi_reduction <add>, %mul3A_2306, %reduce_sum3A_2307 [0] : vector<64x128xf32> to vector<128xf32>
    %broadcast_in_dim3A_2309 = vector.shape_cast %reduce_sum3A_2308 : vector<128xf32> to vector<1x128xf32>
    %mul3A_2310 = arith.constant 5.000000e-03 : f32
    %mul3A_2311 = vector.broadcast %mul3A_2310 : f32 to vector<1x128xf32>
    %mul3A_2312 = arith.mulf %broadcast_in_dim3A_2309, %mul3A_2311 : vector<1x128xf32>
    %get3A_2313 = arith.constant 0 : index
    %get3A_2314 = arith.constant 25216 : index
    %get3A_2315 = vector.load %arg1[%get3A_2313, %get3A_2314] : memref<64x25600xf32, #tpu.memory_space<vmem>>, vector<64x128xf32>
    %mul3A_2316 = vector.broadcast %get3A_1 : vector<64x1xf32> to vector<64x128xf32>
    %mul3A_2317 = arith.mulf %get3A_2315, %mul3A_2316 : vector<64x128xf32>
    %reduce_sum3A_2318 = arith.constant dense<0.000000e+00> : vector<128xf32>
    %reduce_sum3A_2319 = vector.multi_reduction <add>, %mul3A_2317, %reduce_sum3A_2318 [0] : vector<64x128xf32> to vector<128xf32>
    %broadcast_in_dim3A_2320 = vector.shape_cast %reduce_sum3A_2319 : vector<128xf32> to vector<1x128xf32>
    %mul3A_2321 = arith.constant 5.000000e-03 : f32
    %mul3A_2322 = vector.broadcast %mul3A_2321 : f32 to vector<1x128xf32>
    %mul3A_2323 = arith.mulf %broadcast_in_dim3A_2320, %mul3A_2322 : vector<1x128xf32>
    %get3A_2324 = arith.constant 0 : index
    %get3A_2325 = arith.constant 25344 : index
    %get3A_2326 = vector.load %arg1[%get3A_2324, %get3A_2325] : memref<64x25600xf32, #tpu.memory_space<vmem>>, vector<64x128xf32>
    %mul3A_2327 = vector.broadcast %get3A_1 : vector<64x1xf32> to vector<64x128xf32>
    %mul3A_2328 = arith.mulf %get3A_2326, %mul3A_2327 : vector<64x128xf32>
    %reduce_sum3A_2329 = arith.constant dense<0.000000e+00> : vector<128xf32>
    %reduce_sum3A_2330 = vector.multi_reduction <add>, %mul3A_2328, %reduce_sum3A_2329 [0] : vector<64x128xf32> to vector<128xf32>
    %broadcast_in_dim3A_2331 = vector.shape_cast %reduce_sum3A_2330 : vector<128xf32> to vector<1x128xf32>
    %mul3A_2332 = arith.constant 5.000000e-03 : f32
    %mul3A_2333 = vector.broadcast %mul3A_2332 : f32 to vector<1x128xf32>
    %mul3A_2334 = arith.mulf %broadcast_in_dim3A_2331, %mul3A_2333 : vector<1x128xf32>
    %get3A_2335 = arith.constant 0 : index
    %get3A_2336 = arith.constant 25472 : index
    %get3A_2337 = vector.load %arg1[%get3A_2335, %get3A_2336] : memref<64x25600xf32, #tpu.memory_space<vmem>>, vector<64x128xf32>
    %mul3A_2338 = vector.broadcast %get3A_1 : vector<64x1xf32> to vector<64x128xf32>
    %mul3A_2339 = arith.mulf %get3A_2337, %mul3A_2338 : vector<64x128xf32>
    %reduce_sum3A_2340 = arith.constant dense<0.000000e+00> : vector<128xf32>
    %reduce_sum3A_2341 = vector.multi_reduction <add>, %mul3A_2339, %reduce_sum3A_2340 [0] : vector<64x128xf32> to vector<128xf32>
    %broadcast_in_dim3A_2342 = vector.shape_cast %reduce_sum3A_2341 : vector<128xf32> to vector<1x128xf32>
    %mul3A_2343 = arith.constant 5.000000e-03 : f32
    %mul3A_2344 = vector.broadcast %mul3A_2343 : f32 to vector<1x128xf32>
    %mul3A_2345 = arith.mulf %broadcast_in_dim3A_2342, %mul3A_2344 : vector<1x128xf32>
    %concatenate3A_2346 = tpu.concatenate %mul3A_2268, %mul3A_2279, %mul3A_2290, %mul3A_2301, %mul3A_2312, %mul3A_2323, %mul3A_2334, %mul3A_2345 in 0 : vector<1x128xf32>, vector<1x128xf32>, vector<1x128xf32>, vector<1x128xf32>, vector<1x128xf32>, vector<1x128xf32>, vector<1x128xf32>, vector<1x128xf32> -> vector<8x128xf32>
    %add3A_2347 = vector.broadcast %mul3A_6 : f32 to vector<8x128xf32>
    %add3A_2348 = arith.addf %concatenate3A_2346, %add3A_2347 : vector<8x128xf32>
    %swap3A_2349 = arith.constant 192 : index
    %swap3A_2350 = arith.constant 0 : index
    %swap3A_2351 = vector.load %arg5[%swap3A_2349, %swap3A_2350] : memref<200x128xf32, #tpu.memory_space<vmem>>, vector<8x128xf32>
    tpu.vector_store %arg5[%swap3A_2349, %swap3A_2350], %add3A_2348 {strides = array<i32>} : memref<200x128xf32, #tpu.memory_space<vmem>>, vector<8x128xf32>,
    %get3A_2352 = arith.constant 0 : index
    %get3A_2353 = arith.constant 0 : index
    %get3A_2354 = vector.load %arg4[%get3A_2352, %get3A_2353] : memref<200x1024xi32, #tpu.memory_space<vmem>>, vector<200x128xi32>
    %swap3A_2355 = arith.constant 0 : index
    %swap3A_2356 = arith.constant 0 : index
    %swap3A_2357 = arith.constant 0 : index
    %swap3A_2358 = vector.load %arg6[%swap3A_2355, %swap3A_2356, %swap3A_2357] : memref<8x200x128xi32, #tpu.memory_space<vmem>>, vector<1x200x128xi32>
    %swap3A_2359 = vector.shape_cast %swap3A_2358 : vector<1x200x128xi32> to vector<200x128xi32>
    %swap3A_2360 = vector.shape_cast %get3A_2354 : vector<200x128xi32> to vector<1x200x128xi32>
    tpu.vector_store %arg6[%swap3A_2355, %swap3A_2356, %swap3A_2357], %swap3A_2360 {strides = array<i32>} : memref<8x200x128xi32, #tpu.memory_space<vmem>>, vector<1x200x128xi32>,
    %get3A_2361 = arith.constant 0 : index
    %get3A_2362 = arith.constant 128 : index
    %get3A_2363 = vector.load %arg4[%get3A_2361, %get3A_2362] : memref<200x1024xi32, #tpu.memory_space<vmem>>, vector<200x128xi32>
    %swap3A_2364 = arith.constant 1 : index
    %swap3A_2365 = arith.constant 0 : index
    %swap3A_2366 = arith.constant 0 : index
    %swap3A_2367 = vector.load %arg6[%swap3A_2364, %swap3A_2365, %swap3A_2366] : memref<8x200x128xi32, #tpu.memory_space<vmem>>, vector<1x200x128xi32>
    %swap3A_2368 = vector.shape_cast %swap3A_2367 : vector<1x200x128xi32> to vector<200x128xi32>
    %swap3A_2369 = vector.shape_cast %get3A_2363 : vector<200x128xi32> to vector<1x200x128xi32>
    tpu.vector_store %arg6[%swap3A_2364, %swap3A_2365, %swap3A_2366], %swap3A_2369 {strides = array<i32>} : memref<8x200x128xi32, #tpu.memory_space<vmem>>, vector<1x200x128xi32>,
    %get3A_2370 = arith.constant 0 : index
    %get3A_2371 = arith.constant 256 : index
    %get3A_2372 = vector.load %arg4[%get3A_2370, %get3A_2371] : memref<200x1024xi32, #tpu.memory_space<vmem>>, vector<200x128xi32>
    %swap3A_2373 = arith.constant 2 : index
    %swap3A_2374 = arith.constant 0 : index
    %swap3A_2375 = arith.constant 0 : index
    %swap3A_2376 = vector.load %arg6[%swap3A_2373, %swap3A_2374, %swap3A_2375] : memref<8x200x128xi32, #tpu.memory_space<vmem>>, vector<1x200x128xi32>
    %swap3A_2377 = vector.shape_cast %swap3A_2376 : vector<1x200x128xi32> to vector<200x128xi32>
    %swap3A_2378 = vector.shape_cast %get3A_2372 : vector<200x128xi32> to vector<1x200x128xi32>
    tpu.vector_store %arg6[%swap3A_2373, %swap3A_2374, %swap3A_2375], %swap3A_2378 {strides = array<i32>} : memref<8x200x128xi32, #tpu.memory_space<vmem>>, vector<1x200x128xi32>,
    %get3A_2379 = arith.constant 0 : index
    %get3A_2380 = arith.constant 384 : index
    %get3A_2381 = vector.load %arg4[%get3A_2379, %get3A_2380] : memref<200x1024xi32, #tpu.memory_space<vmem>>, vector<200x128xi32>
    %swap3A_2382 = arith.constant 3 : index
    %swap3A_2383 = arith.constant 0 : index
    %swap3A_2384 = arith.constant 0 : index
    %swap3A_2385 = vector.load %arg6[%swap3A_2382, %swap3A_2383, %swap3A_2384] : memref<8x200x128xi32, #tpu.memory_space<vmem>>, vector<1x200x128xi32>
    %swap3A_2386 = vector.shape_cast %swap3A_2385 : vector<1x200x128xi32> to vector<200x128xi32>
    %swap3A_2387 = vector.shape_cast %get3A_2381 : vector<200x128xi32> to vector<1x200x128xi32>
    tpu.vector_store %arg6[%swap3A_2382, %swap3A_2383, %swap3A_2384], %swap3A_2387 {strides = array<i32>} : memref<8x200x128xi32, #tpu.memory_space<vmem>>, vector<1x200x128xi32>,
    %get3A_2388 = arith.constant 0 : index
    %get3A_2389 = arith.constant 512 : index
    %get3A_2390 = vector.load %arg4[%get3A_2388, %get3A_2389] : memref<200x1024xi32, #tpu.memory_space<vmem>>, vector<200x128xi32>
    %swap3A_2391 = arith.constant 4 : index
    %swap3A_2392 = arith.constant 0 : index
    %swap3A_2393 = arith.constant 0 : index
    %swap3A_2394 = vector.load %arg6[%swap3A_2391, %swap3A_2392, %swap3A_2393] : memref<8x200x128xi32, #tpu.memory_space<vmem>>, vector<1x200x128xi32>
    %swap3A_2395 = vector.shape_cast %swap3A_2394 : vector<1x200x128xi32> to vector<200x128xi32>
    %swap3A_2396 = vector.shape_cast %get3A_2390 : vector<200x128xi32> to vector<1x200x128xi32>
    tpu.vector_store %arg6[%swap3A_2391, %swap3A_2392, %swap3A_2393], %swap3A_2396 {strides = array<i32>} : memref<8x200x128xi32, #tpu.memory_space<vmem>>, vector<1x200x128xi32>,
    %get3A_2397 = arith.constant 0 : index
    %get3A_2398 = arith.constant 640 : index
    %get3A_2399 = vector.load %arg4[%get3A_2397, %get3A_2398] : memref<200x1024xi32, #tpu.memory_space<vmem>>, vector<200x128xi32>
    %swap3A_2400 = arith.constant 5 : index
    %swap3A_2401 = arith.constant 0 : index
    %swap3A_2402 = arith.constant 0 : index
    %swap3A_2403 = vector.load %arg6[%swap3A_2400, %swap3A_2401, %swap3A_2402] : memref<8x200x128xi32, #tpu.memory_space<vmem>>, vector<1x200x128xi32>
    %swap3A_2404 = vector.shape_cast %swap3A_2403 : vector<1x200x128xi32> to vector<200x128xi32>
    %swap3A_2405 = vector.shape_cast %get3A_2399 : vector<200x128xi32> to vector<1x200x128xi32>
    tpu.vector_store %arg6[%swap3A_2400, %swap3A_2401, %swap3A_2402], %swap3A_2405 {strides = array<i32>} : memref<8x200x128xi32, #tpu.memory_space<vmem>>, vector<1x200x128xi32>,
    %get3A_2406 = arith.constant 0 : index
    %get3A_2407 = arith.constant 768 : index
    %get3A_2408 = vector.load %arg4[%get3A_2406, %get3A_2407] : memref<200x1024xi32, #tpu.memory_space<vmem>>, vector<200x128xi32>
    %swap3A_2409 = arith.constant 6 : index
    %swap3A_2410 = arith.constant 0 : index
    %swap3A_2411 = arith.constant 0 : index
    %swap3A_2412 = vector.load %arg6[%swap3A_2409, %swap3A_2410, %swap3A_2411] : memref<8x200x128xi32, #tpu.memory_space<vmem>>, vector<1x200x128xi32>
    %swap3A_2413 = vector.shape_cast %swap3A_2412 : vector<1x200x128xi32> to vector<200x128xi32>
    %swap3A_2414 = vector.shape_cast %get3A_2408 : vector<200x128xi32> to vector<1x200x128xi32>
    tpu.vector_store %arg6[%swap3A_2409, %swap3A_2410, %swap3A_2411], %swap3A_2414 {strides = array<i32>} : memref<8x200x128xi32, #tpu.memory_space<vmem>>, vector<1x200x128xi32>,
    %get3A_2415 = arith.constant 0 : index
    %get3A_2416 = arith.constant 896 : index
    %get3A_2417 = vector.load %arg4[%get3A_2415, %get3A_2416] : memref<200x1024xi32, #tpu.memory_space<vmem>>, vector<200x128xi32>
    %swap3A_2418 = arith.constant 7 : index
    %swap3A_2419 = arith.constant 0 : index
    %swap3A_2420 = arith.constant 0 : index
    %swap3A_2421 = vector.load %arg6[%swap3A_2418, %swap3A_2419, %swap3A_2420] : memref<8x200x128xi32, #tpu.memory_space<vmem>>, vector<1x200x128xi32>
    %swap3A_2422 = vector.shape_cast %swap3A_2421 : vector<1x200x128xi32> to vector<200x128xi32>
    %swap3A_2423 = vector.shape_cast %get3A_2417 : vector<200x128xi32> to vector<1x200x128xi32>
    tpu.vector_store %arg6[%swap3A_2418, %swap3A_2419, %swap3A_2420], %swap3A_2423 {strides = array<i32>} : memref<8x200x128xi32, #tpu.memory_space<vmem>>, vector<1x200x128xi32>,
    return
  }
  func.func @transform_0(%arg0: i32) -> (i32, i32) {
    %c0_i32 = arith.constant 0 : i32
    %c0_i32_0 = arith.constant 0 : i32
    return %c0_i32, %arg0 : i32, i32
  }
  func.func @transform_1(%arg0: i32) -> (i32, i32) {
    %c0_i32 = arith.constant 0 : i32
    %c0_i32_0 = arith.constant 0 : i32
    %c0_i32_1 = arith.constant 0 : i32
    return %c0_i32, %c0_i32_0 : i32, i32
  }
  func.func @transform_2(%arg0: i32) -> (i32, i32) {
    %c0_i32 = arith.constant 0 : i32
    %c0_i32_0 = arith.constant 0 : i32
    %c0_i32_1 = arith.constant 0 : i32
    return %c0_i32, %c0_i32_0 : i32, i32
  }
  func.func @transform_3(%arg0: i32) -> (i32, i32) {
    %c0_i32 = arith.constant 0 : i32
    %c0_i32_0 = arith.constant 0 : i32
    return %c0_i32, %arg0 : i32, i32
  }
  func.func @transform_4(%arg0: i32) -> (i32, i32) {
    %c0_i32 = arith.constant 0 : i32
    %c0_i32_0 = arith.constant 0 : i32
    return %arg0, %c0_i32 : i32, i32
  }
  func.func @transform_5(%arg0: i32) -> (i32, i32, i32) {
    %c0_i32 = arith.constant 0 : i32
    %c0_i32_0 = arith.constant 0 : i32
    %c0_i32_1 = arith.constant 0 : i32
    return %arg0, %c0_i32, %c0_i32_0 : i32, i32, i32
  }
}

</mosaic_0001>

<sc_bundles>
// kernel: kernel.4.cloned.1.call-start
scs
__scs_entry_jumppad:
0x0: {  	(pc) =	sbr.rel $0x88, $3  }
0x1: {  	(tag) =	ssettag $0x0;
	lr =	simm.s32 $0x1  }
0x2: {  	[smem:$0x3F9D] =	sst lr;
	_ =	strace $0xD0000000  }
0x3: {  	_ = 	snop  }
0x4: {  	_ = 	snop  }
0x5: {  	_ = 	snop  }
0x6: {  	_ = 	snop  }
0x7: {  	_ = 	snop  }
__scs_overlays_trampoline_lowered:
0x8: {  	[smem:$0x3FAC] =	sst s0  }
0x9: {  	[smem:$0x3FAD] =	sst s1  }
0xa: {  	[smem:$0x3FAE] =	sst s2  }
0xb: {  	[smem:$0x3FAF] =	sst s3  }
0xc: {  	[smem:$0x3FB0] =	sst s4  }
0xd: {  	[smem:$0x3FB1] =	sst s5  }
0xe: {  	[smem:$0x3FB2] =	sst s6  }
0xf: {  	[smem:$0x3FB3] =	sst s7  }
0x10: {  	[smem:$0x3FB4] =	sst s8  }
0x11: {  	[smem:$0x3FB5] =	sst s9;
	s0 =	simm.s32 @!p0 $0x0  }
0x12: {  	s1 =	sld [smem:$0x3F9B];
	s0 =	simm.s32 @p0 $0x1  }
0x13: {  	[smem:$0x3FB6] =	sst s0;
	s0 =	simm.s32 @!p1 $0x0  }
0x14: {  	s2 =	sld [smem:$0x3F9A];
	s0 =	simm.s32 @p1 $0x1  }
0x15: {  	[smem:$0x3FB7] =	sst s0;
	s0 =	simm.s32 @!p2 $0x0  }
0x16: {  	s3 =	sld [smem:$0x3FDB];
	s0 =	simm.s32 @p2 $0x1  }
0x17: {  	s4 =	simm.s32 $0x1BF5;
	[smem:$0x3FB9] =	sst s0  }
0x18: {  	s0 =	sld [smem:$0x3F9C];
	_ =	swait.ge [sflag:s4], $0x0  }
0x19: {  	s7 =	sld [smem:$0x3F9D]  }
0x1a: {  	s8 =	sadd.s32 $0xFFFFE003, lr  }
0x1b: {  	s9 =	sadd.s32 $0xFFFFFEF7, lr;
	s5 =	simm.s32 $0xFFFFFFFF;
	p2 =	slt.u32 s8, $0xFFFFF086  }
0x1c: {  	p1 =	slt.u32 s9, $0xF7A;
	s5 =	simm.s32 @!p2 $0x0  }
0x1d: {  	s5 =	simm.s32 @p1 $0x1;
	p0 =	seq.s32 s7, s2  }
0x1e: {  	s7 =	smul.u32 @!p0 $0xF7A, s2;
	p2 =	seq.s32 @!p0 s5, $0x0  }
0x1f: {  	s9 =	smul.u32 $0xF7A, s1;
	s8 =	simm.s32 @!p0 $0x1BF5;
	p2 =	por !p2, p0  }
0x20: {  	[sflag:s8] =	ssyncset.s32 @!p0 $0xFFFFF086;
	s6 =	sadd.s32 @!p0 s3, s7;
	s7 =	simm.s32 @!p0 $0x108  }
0x21: {  	s3 =	sadd.s32 s3, s9;
	s6 =	sadd.s32 @!p0 $0x88, s6;
	s7 =	simm.s32 @p2 $0x1082  }
0x22: {  	[simem:s7], [sflag:s8] =	dma.local @!p0 [hbm:s6], $0xF7A  }
0x23: {  	s9 =	sor.u32 $0xD0000000, s2;
	s6 =	simm.s32 $0x108;
	_ =	swait.ge @!p0 [sflag:s8], $0x0  }
0x24: {  	s3 =	sadd.s32 $0x88, s3;
	s6 =	simm.s32 @!p1 $0x1082;
	[sflag:s4] =	ssyncset.s32 $0xFFFFF086  }
0x25: {  	[simem:s6], [sflag:s4] =	dma.local [hbm:s3], $0xF7A  }
0x26: {  	[smem:$0x3F9D] =	sst s1;
	(tag) =	ssettag s2;
	_ =	strace s9  }
0x27: {  	s1 =	sld [smem:$0x3FAD]  }
0x28: {  	s2 =	sld [smem:$0x3FAE]  }
0x29: {  	s4 =	sld [smem:$0x3FB0]  }
0x2a: {  	p0 =	seq.s32 s5, $0x0;
	s5 =	sld [smem:$0x3FB1]  }
0x2b: {  	s6 =	sld [smem:$0x3FB2]  }
0x2c: {  	s7 =	sld [smem:$0x3FB3]  }
0x2d: {  	s3 =	simm.s32 $0x108;
	s8 =	sld [smem:$0x3FB4]  }
0x2e: {  	s3 =	simm.s32 @!p0 $0x1082;
	s9 =	sld [smem:$0x3FB5]  }
0x2f: {  	lr =	sadd.s32 s0, s3;
	s0 =	sld [smem:$0x3FAC]  }
0x30: {  	s3 =	sld [smem:$0x3FAF]  }
0x31: {  	[smem:$0x3FB8] =	sst s10  }
0x32: {  	s10 =	sld [smem:$0x3FB6];
	_ =	sdelay $0x3  }
0x33: {  	p0 =	seq.s32 s10, $0x1;
	s10 =	sld [smem:$0x3FB8];
	_ =	sdelay $0x3  }
0x34: {  	[smem:$0x3FB8] =	sst s10  }
0x35: {  	s10 =	sld [smem:$0x3FB7];
	_ =	sdelay $0x3  }
0x36: {  	p1 =	seq.s32 s10, $0x1;
	s10 =	sld [smem:$0x3FB8];
	_ =	sdelay $0x3  }
0x37: {  	[smem:$0x3FB8] =	sst s10  }
0x38: {  	s10 =	sld [smem:$0x3FB9]  }
0x39: {  	_ = 	snop;
	(pc) =	sbr.ind lr, $3  }
0x3a: {  	_ = 	snop  }
0x3b: {  	_ = 	snop  }
0x3c: {  	p2 =	seq.s32 s10, $0x1;
	s10 =	sld [smem:$0x3FB8]  }
0x3d: {  	_ =	shalt  }
0x3e: {  	_ =	shalt  }
0x3f: {  	_ =	shalt  }
0x40: {  	_ =	shalt  }
0x41: {  	_ =	shalt  }
0x42: {  	_ =	shalt  }
0x43: {  	_ =	shalt  }
0x44: {  	_ =	shalt  }
0x45: {  	_ =	shalt  }
0x46: {  	_ =	shalt  }
0x47: {  	_ =	shalt  }
0x48: {  	_ =	shalt  }
0x49: {  	_ =	shalt  }
0x4a: {  	_ =	shalt  }
0x4b: {  	_ =	shalt  }
0x4c: {  	_ =	shalt  }
0x4d: {  	_ =	shalt  }
0x4e: {  	_ =	shalt  }
0x4f: {  	_ =	shalt  }
0x50: {  	_ =	shalt  }
0x51: {  	_ =	shalt  }
0x52: {  	_ =	shalt  }
0x53: {  	_ =	shalt  }
0x54: {  	_ =	shalt  }
0x55: {  	_ =	shalt  }
0x56: {  	_ =	shalt  }
0x57: {  	_ =	shalt  }
0x58: {  	_ =	shalt  }
0x59: {  	_ =	shalt  }
0x5a: {  	_ =	shalt  }
0x5b: {  	_ =	shalt  }
0x5c: {  	_ =	shalt  }
0x5d: {  	_ =	shalt  }
0x5e: {  	_ =	shalt  }
0x5f: {  	_ =	shalt  }
0x60: {  	_ =	shalt  }
0x61: {  	_ =	shalt  }
0x62: {  	_ =	shalt  }
0x63: {  	_ =	shalt  }
0x64: {  	_ =	shalt  }
0x65: {  	_ =	shalt  }
0x66: {  	_ =	shalt  }
0x67: {  	_ =	shalt  }
0x68: {  	_ =	shalt  }
0x69: {  	_ =	shalt  }
0x6a: {  	_ =	shalt  }
0x6b: {  	_ =	shalt  }
0x6c: {  	_ =	shalt  }
0x6d: {  	_ =	shalt  }
0x6e: {  	_ =	shalt  }
0x6f: {  	_ =	shalt  }
0x70: {  	_ =	shalt  }
0x71: {  	_ =	shalt  }
0x72: {  	_ =	shalt  }
0x73: {  	_ =	shalt  }
0x74: {  	_ =	shalt  }
0x75: {  	_ =	shalt  }
0x76: {  	_ =	shalt  }
0x77: {  	_ =	shalt  }
0x78: {  	_ =	shalt  }
0x79: {  	_ =	shalt  }
0x7a: {  	_ =	shalt  }
0x7b: {  	_ =	shalt  }
0x7c: {  	_ =	shalt  }
0x7d: {  	_ =	shalt  }
0x7e: {  	_ =	shalt  }
0x7f: {  	_ =	shalt  }
0x80: {  	_ =	shalt  }
0x81: {  	_ =	shalt  }
0x82: {  	_ =	shalt  }
0x83: {  	_ =	shalt  }
0x84: {  	_ =	shalt  }
0x85: {  	_ =	shalt  }
0x86: {  	_ =	shalt  }
0x87: {  	_ =	shalt  }
.Lfunc_end0:
.L_simem_size_0:
called_computation_lowered:
.L_overlay_start_0:
0x88: {  	s2 =	sld [smem:$0x3FD9]  }
0x89: {  	s3 =	sld [smem:$0x3FFE];
	_ =	sdelay $0x1  }
0x8a: {  	s1 =	srdreg.scid  }
0x8b: {  	s0 =	sand.u32 $0x1, s1  }
0x8c: {  	s17 =	sshll.u32 s0, $0xA;
	s2 =	sadd.s32 s3, s2  }
0x8d: {  	s2 =	sadd.s32 s2, s17  }
0x8e: {  	[smem:$0x3FC4] =	sst s2  }
0x8f: {  	_ = 	snop  }
0x90: {  	s2 =	sld [smem:$0x3FD0];
	(tm) =	ssettm $0x1  }
0x91: {  	s18 =	sld [smem:$0x3FFB];
	_ =	sdelay $0x3  }
0x92: {  	_ =	strace s18  }
0x93: {  	s3 =	sld [smem:$0x3FFC];
	_ =	sdelay $0x3  }
0x94: {  	_ =	strace s3  }
0x95: {  	s3 =	sld [smem:$0x3FFD];
	_ =	sdelay $0x3  }
0x96: {  	_ =	strace s3  }
0x97: {  	_ =	strace $0x8FFFFFFF  }
0x98: {  	s19 =	sld [smem:$0x3FDB];
	_ =	sdelay $0x1  }
0x99: {  	s4 =	simm.s32 $_scs_section_size  }
0x9a: {  	s5 =	simm.s32 $_size__tile_overlayer_lowered;
	s6 =	simm.s32 $_tile_overlayer_lowered  }
0x9b: {  	s22 =	simm.s32 $0x1BFF;
	s21 =	sshll.u32 s6, $0x1;
	s3 =	sadd.s32 s4, s19  }
0x9c: {  	s7 =	simm.s32 $0x0;
	s20 =	sshll.u32 s5, $0x1;
	s5 =	sadd.s32 s21, s3  }
0x9d: {  	[timem:s7], [sflag:s22] =	dma.local [hbm:s5], s20  }
0x9e: {  	_ =	swait.ge [sflag:s22], s20  }
0x9f: {  	s4 =	ssub.s32 $0x0, s20;
	[sflag:s22] =	ssyncset.done $0x0  }
0xa0: {  	[sflag:s22] =	ssyncadd.s32 s4;
	_ =	sdelay $0x1  }
0xa1: {  	s23 =	simm.s32 $0x1B8B  }
0xa2: {  	_ =	swait.ge [sflag:s23], $0x1  }
0xa3: {  	[sflag:s23] =	ssyncset.done $0x0  }
0xa4: {  	s25 =	simm.s32 $0x1B8E;
	s24 =	sld [smem:$0x3FFE];
	[sflag:s23] =	ssyncadd.s32 $0xFFFFFFFF  }
0xa5: {  	s26 =	simm.s32 $execute0_lowered;
	[smem:$0x3FD2] =	sst s25  }
0xa6: {  	s5 =	sshll.u32 s26, $0x1;
	_ =	strace $0x80000046;
	[dreg:$0x1] =	wrdreg $0xFFFFFFFF  }
0xa7: {  	s28 =	simm.s32 $_size_execute0_lowered;
	s3 =	sadd.s32 s3, s5;
	[dreg:$0x0] =	wrdreg $0x0  }
0xa8: {  	s5 =	sshll.u32 s28, $0x1;
	[dreg:$0x2] =	wrdreg s3  }
0xa9: {  	[dreg:$0x3] =	wrdreg s5  }
0xaa: {  	[dreg:$0x4] =	wrdreg $0xC0  }
0xab: {  	_ =	task [dreg:s7], $0x5FFFF  }
0xac: {  	[dreg:$0x1] =	wrdreg $0xFFFFFFFF  }
0xad: {  	[dreg:$0x0] =	wrdreg $0x60  }
0xae: {  	[dreg:$0x2] =	wrdreg s24  }
0xaf: {  	[dreg:$0x3] =	wrdreg s2  }
0xb0: {  	[dreg:$0x4] =	wrdreg $0x9  }
0xb1: {  	_ =	task.clear_ibuf [dreg:s7], $0x5FFFF;
	_ =	strace $0x90000046  }
0xb2: {  	s29 =	simm.s32 $0x9;
	_ =	strace $0x80000048  }
0xb3: {  	_ =	swait.ge [sflag:s29], $0x1  }
0xb4: {  	[sflag:s29] =	ssyncadd.s32 $0xFFFFFFFF  }
0xb5: {  	_ =	strace $0x90000048  }
0xb6: {  	_ =	sfence  }
0xb7: {  	s30 =	sld [smem:$0x0];
	_ =	sdelay $0x2  }
0xb8: {  	s31 =	sshll.u32 s1, $0xD;
	s1 =	sshrl.u32 s1, $0x2  }
0xb9: {  	s3 =	sand.u32 $0x4000, s31;
	s1 =	sadd.s32 s1, s30  }
0xba: {  	s0 =	sor.u32 s3, s0;
	s1 =	sshll.u32 s1, $0x11  }
0xbb: {  	s0 =	sor.u32 s1, s0  }
0xbc: {  	s0 =	sadd.s32 $0x8F2B, s0  }
0xbd: {  	[sflag:s0] =	ssyncadd.remote.s32 $0x1  }
0xbe: {  	_ =	sfence.sel $0xFFFF  }
0xbf: {  	[dreg:$0x0] =	wrdreg $0xFFFFFFFF;
	(pc) =	sbr.abs _section_cstart, $3  }
0xc0: {  	[dreg:$0x1] =	wrdreg $0xFFFFFFFF  }
0xc1: {  	_ =	task.clear_ibuf [dreg:s7], $0x2FFFF;
	_ =	strace $0x9FFFFFFF  }
0xc2: {  	(tm) =	ssettm $0x7FFFFFFF  }
0xc3: {  	_ =	shalt  }
tec
execute0_lowered:
.L_overlay_start_1:
0x0: {  	(tag) =	ssettag $0x1  }
0x1: {  	s4 =	rddreg [dreg:$0x0];
	s1 =	srdreg.scid  }
0x2: {  	s0 =	stileid.u32;
	s5 =	rddreg [dreg:$0x1]  }
0x3: {  	s2 =	simm.s32 $0x0;
	s9 =	simm.s32 $0x1F400;
	s10 =	simm.s32 $0x0  }
0x4: {  	s3 =	sand.u32 $0x1, s1;
	s6 =	sshll.u32 s0, $0x1;
	[smem:$0x7FF] =	sst s2  }
0x5: {  	s1 =	rddreg [dreg:$0x2];
	s6 =	sor.u32 s3, s6;
	_ =	strace $0x80000047  }
0x6: {  	v0 =	vlaneseq.u32;
	s8 =	ssub.s32 $0x2, s3;
	s7 =	smul.u32 $0xC80, s6;
	s6 =	sshll.u32 s6, $0x4  }
0x7: {  	v1 =	vor.u32 $0x10, v0;
	s3 =	sadd.s32 $0x19C00, s4;
	s31 =	sshrl.u32 s8, $0x1;
	s5 =	sadd.s32 s5, s6  }
0x8: {  	v2 =	vor.u32 $0x20, v0;
	v3 =	vor.u32 $0x30, v0;
	v4 =	vor.u32 $0x40, v0;
	s4 =	sadd.s32 s7, s4;
	s7 =	ssub.s32 s8, s31;
	s8 =	simm.s32 $0x19000  }
0x9: {  	v5 =	vor.u32 $0x50, v0;
	v6 =	vor.u32 $0x60, v0;
	v7 =	vor.u32 $0x70, v0;
	s4 =	sadd.s32 $0xC00, s4;
	s6 =	smax.u32 s7, $0x1;
	s7 =	simm.s32 $0x1  }
.LBB2_1:
0xa: {  	[tilespmem:s2], [sflag:$0x1] =	stream.linear.gather [hbm4b:s3+s2], $0x19000, $0x38;
	[tilespmem:$0x1F480] =	vst v63  }
0xb: {  	_ =	swait.ge [sflag:s7], $0x19000  }
0xc: {  	s11 =	simm.s32 $0x0;
	[sflag:s7] =	ssyncset.done $0x0  }
0xd: {  	s17 =	simm.s32 $0x80;
	v8 =	vor.u32 s11, v0;
	[sflag:s7] =	ssyncadd.s32 $0xFFFE7000  }
0xe: {  	[tilespmem:s8], [sflag:$0x1] =	stream.linear.gather [hbm4b:s4+s2], $0x6400, $0x38;
	[tilespmem:$0x1F480] =	vst v63  }
0xf: {  	v9 =	vor.u32 s17, v0;
	_ =	swait.ge [sflag:s7], $0x6400  }
0x10: {  	s18 =	simm.s32 $0x100;
	[sflag:s7] =	ssyncset.done $0x0  }
0x11: {  	s19 =	simm.s32 $0x180;
	v10 =	vor.u32 s18, v0;
	[sflag:s7] =	ssyncadd.s32 $0xFFFF9C00  }
0x12: {  	s20 =	simm.s32 $0x200;
	v11 =	vor.u32 s19, v0;
	v8 =	vld.idx.msk [tilespmem:v8+s8+$0x0], $0xffff  }
0x13: {  	s21 =	simm.s32 $0x280;
	v12 =	vor.u32 s20, v0  }
0x14: {  	v13 =	vor.u32 s21, v0;
	v9 =	vld.idx.msk [tilespmem:v9+s8+$0x0], $0xffff  }
0x15: {  	s22 =	simm.s32 $0x300  }
0x16: {  	v14 =	vor.u32 s22, v0;
	v10 =	vld.idx.msk [tilespmem:v10+s8+$0x0], $0xffff  }
0x17: {  	s23 =	simm.s32 $0x380;
	v11 =	vld.idx.msk [tilespmem:v11+s8+$0x0], $0xffff  }
0x18: {  	v15 =	vor.u32 s23, v0;
	v12 =	vld.idx.msk [tilespmem:v12+s8+$0x0], $0xffff  }
0x19: {  	s24 =	simm.s32 $0x400;
	v13 =	vld.idx.msk [tilespmem:v13+s8+$0x0], $0xffff  }
0x1a: {  	v16 =	vor.u32 s24, v0;
	v8 =	vld.idx.msk [tilespmem:v8+s2+$0x0], $0xffff  }
0x1b: {  	v14 =	vld.idx.msk [tilespmem:v14+s8+$0x0], $0xffff  }
0x1c: {  	s25 =	simm.s32 $0x480;
	v9 =	vld.idx.msk [tilespmem:v9+s2+$0x0], $0xffff  }
0x1d: {  	v17 =	vor.u32 s25, v0;
	v19 =	vld.idx.msk [tilespmem:v15+s8+$0x0], $0xffff  }
0x1e: {  	s26 =	simm.s32 $0x500;
	v18 =	vld.idx.msk [tilespmem:v10+s2+$0x0], $0xffff;
	v10 =	vimm.f32 $0.0e+00  }
0x1f: {  	v15 =	vor.u32 s26, v0;
	v16 =	vld.idx.msk [tilespmem:v16+s8+$0x0], $0xffff;
	v8 =	vadd.f32 v8, v10  }
0x20: {  	s28 =	simm.s32 $0x580;
	v20 =	vld.idx.msk [tilespmem:v11+s2+$0x0], $0xffff  }
0x21: {  	s29 =	simm.s32 $0x600;
	v21 =	vor.u32 s28, v0;
	v12 =	vld.idx.msk [tilespmem:v12+s2+$0x0], $0xffff;
	v8 =	vadd.f32 v9, v8  }
0x22: {  	v10 =	vld.idx.msk [tilespmem:v17+s8+$0x0], $0xffff;
	v17 =	vor.u32 s29, v0  }
0x23: {  	v22 =	vld.idx.msk [tilespmem:v13+s2+$0x0], $0xffff;
	v8 =	vadd.f32 v18, v8  }
0x24: {  	s30 =	simm.s32 $0x680;
	v11 =	vld.idx.msk [tilespmem:v15+s8+$0x0], $0xffff  }
0x25: {  	v23 =	vor.u32 s30, v0;
	v15 =	vld.idx.msk [tilespmem:v14+s2+$0x0], $0xffff;
	v8 =	vadd.f32 v20, v8  }
0x26: {  	s31 =	simm.s32 $0x700;
	v9 =	vld.idx.msk [tilespmem:v21+s8+$0x0], $0xffff  }
0x27: {  	v12 =	vadd.f32 v12, v8;
	v8 =	vld.idx.msk [tilespmem:v17+s8+$0x0], $0xffff;
	v17 =	vor.u32 s31, v0  }
0x28: {  	s12 =	simm.s32 $0x780;
	v14 =	vld.idx.msk [tilespmem:v19+s2+$0x0], $0xffff  }
0x29: {  	v13 =	vld.idx.msk [tilespmem:v16+s2+$0x0], $0xffff;
	v16 =	vor.u32 s12, v0;
	v18 =	vadd.f32 v22, v12  }
0x2a: {  	s13 =	simm.s32 $0x800;
	s11 =	simm.s32 $0xB80;
	s12 =	simm.s32 $0x1F;
	v12 =	vld.idx.msk [tilespmem:v23+s8+$0x0], $0xffff  }
.LBB2_2:
0x2b: {  	p0 =	sne.s32 s12, $0xC7;
	v19 =	vor.u32 s13, v0;
	v10 =	vld.idx.msk [tilespmem:v10+s2+$0x0], $0xffff;
	v15 =	vadd.f32 v15, v18  }
0x2c: {  	s13 =	sadd.s32 $0xFFFFFD00, s11;
	v17 =	vld.idx.msk [tilespmem:v17+s8+$0x0], $0xffff  }
0x2d: {  	v18 =	vor.u32 s13, v0;
	v11 =	vld.idx.msk [tilespmem:v11+s2+$0x0], $0xffff;
	v14 =	vadd.f32 v14, v15  }
0x2e: {  	s13 =	sadd.s32 $0xFFFFFD80, s11;
	v16 =	vld.idx.msk [tilespmem:v16+s8+$0x0], $0xffff  }
0x2f: {  	v15 =	vor.u32 s13, v0;
	v13 =	vadd.f32 v13, v14;
	v9 =	vld.idx.msk [tilespmem:v9+s2+$0x0], $0xffff  }
0x30: {  	s13 =	sadd.s32 $0xFFFFFE00, s11;
	v19 =	vld.idx.msk [tilespmem:v19+s8+$0x0], $0xffff  }
0x31: {  	v14 =	vor.u32 s13, v0;
	v13 =	vadd.f32 v10, v13;
	v8 =	vld.idx.msk [tilespmem:v8+s2+$0x0], $0xffff  }
0x32: {  	s13 =	sadd.s32 $0xFFFFFE80, s11;
	v10 =	vld.idx.msk [tilespmem:v18+s8+$0x0], $0xffff  }
0x33: {  	v18 =	vor.u32 s13, v0;
	v13 =	vadd.f32 v11, v13;
	v12 =	vld.idx.msk [tilespmem:v12+s2+$0x0], $0xffff  }
0x34: {  	s13 =	sadd.s32 $0xFFFFFF00, s11;
	v11 =	vld.idx.msk [tilespmem:v15+s8+$0x0], $0xffff  }
0x35: {  	v20 =	vor.u32 s13, v0;
	v13 =	vadd.f32 v9, v13;
	v15 =	vld.idx.msk [tilespmem:v17+s2+$0x0], $0xffff  }
.Ltmp0:
0x36: {  	s13 =	sadd.s32 $0xFFFFFF80, s11;
	v9 =	vld.idx.msk [tilespmem:v14+s8+$0x0], $0xffff;
	(pc) =	sbr.rel @p0 .LBB2_2-.Ltmp0, $4  }
0x37: {  	v17 =	vor.u32 s13, v0;
	v21 =	vadd.f32 v8, v13;
	v14 =	vld.idx.msk [tilespmem:v16+s2+$0x0], $0xffff  }
0x38: {  	v8 =	vld.idx.msk [tilespmem:v18+s8+$0x0], $0xffff  }
0x39: {  	v16 =	vor.u32 s11, v0;
	s11 =	sshll.u32 s12, $0x7;
	v13 =	vld.idx.msk [tilespmem:v19+s2+$0x0], $0xffff;
	v18 =	vadd.f32 v12, v21  }
0x3a: {  	s12 =	sadd.s32 $0x8, s12;
	s13 =	sadd.s32 $0xFFFFFC80, s11;
	v12 =	vld.idx.msk [tilespmem:v20+s8+$0x0], $0xffff  }
0x3b: {  	_ =	sdelay $0x2  }
0x3c: {  	v15 =	vadd.f32 v15, v18  }
0x3d: {  	v10 =	vld.idx.msk [tilespmem:v10+s2+$0x0], $0xffff  }
0x3e: {  	v18 =	vor.u32 s13, v0;
	v17 =	vld.idx.msk [tilespmem:v17+s8+$0x0], $0xffff;
	v14 =	vadd.f32 v14, v15  }
0x3f: {  	s12 =	sadd.s32 $0xFFFFFD00, s11;
	v11 =	vld.idx.msk [tilespmem:v11+s2+$0x0], $0xffff  }
0x40: {  	v16 =	vld.idx.msk [tilespmem:v16+s8+$0x0], $0xffff;
	v15 =	vor.u32 s12, v0;
	v13 =	vadd.f32 v13, v14  }
0x41: {  	s29 =	sadd.s32 $0xFFFFFD80, s11;
	v9 =	vld.idx.msk [tilespmem:v9+s2+$0x0], $0xffff  }
0x42: {  	v8 =	vld.idx.msk [tilespmem:v8+s2+$0x0], $0xffff;
	v14 =	vor.u32 s29, v0;
	v10 =	vadd.f32 v10, v13  }
0x43: {  	s30 =	sadd.s32 $0xFFFFFE00, s11;
	v18 =	vld.idx.msk [tilespmem:v18+s8+$0x0], $0xffff  }
0x44: {  	s31 =	sadd.s32 $0xFFFFFE80, s11;
	v12 =	vld.idx.msk [tilespmem:v12+s2+$0x0], $0xffff;
	v13 =	vor.u32 s30, v0;
	v10 =	vadd.f32 v11, v10  }
0x45: {  	v15 =	vld.idx.msk [tilespmem:v15+s8+$0x0], $0xffff;
	v11 =	vor.u32 s31, v0  }
0x46: {  	s13 =	sadd.s32 $0xFFFFFF00, s11;
	v17 =	vld.idx.msk [tilespmem:v17+s2+$0x0], $0xffff;
	v9 =	vadd.f32 v9, v10  }
0x47: {  	v14 =	vld.idx.msk [tilespmem:v14+s8+$0x0], $0xffff;
	v10 =	vor.u32 s13, v0  }
0x48: {  	s14 =	sadd.s32 $0xFFFFFF80, s11;
	v16 =	vld.idx.msk [tilespmem:v16+s2+$0x0], $0xffff;
	v8 =	vadd.f32 v8, v9  }
0x49: {  	v13 =	vld.idx.msk [tilespmem:v13+s8+$0x0], $0xffff;
	v9 =	vor.u32 s14, v0  }
0x4a: {  	v11 =	vld.idx.msk [tilespmem:v11+s8+$0x0], $0xffff;
	v8 =	vadd.f32 v12, v8  }
0x4b: {  	v12 =	vld.idx.msk [tilespmem:v18+s2+$0x0], $0xffff;
	v18 =	vor.u32 s11, v0  }
0x4c: {  	v10 =	vld.idx.msk [tilespmem:v10+s8+$0x0], $0xffff;
	v8 =	vadd.f32 v17, v8  }
0x4d: {  	v15 =	vld.idx.msk [tilespmem:v15+s2+$0x0], $0xffff  }
0x4e: {  	v9 =	vld.idx.msk [tilespmem:v9+s8+$0x0], $0xffff;
	v8 =	vadd.f32 v16, v8  }
0x4f: {  	v14 =	vld.idx.msk [tilespmem:v14+s2+$0x0], $0xffff  }
0x50: {  	v16 =	vld.idx.msk [tilespmem:v18+s8+$0x0], $0xffff;
	v8 =	vadd.f32 v12, v8  }
0x51: {  	v12 =	vld.idx.msk [tilespmem:v13+s2+$0x0], $0xffff  }
0x52: {  	v8 =	vadd.f32 v15, v8  }
0x53: {  	v11 =	vld.idx.msk [tilespmem:v11+s2+$0x0], $0xffff  }
0x54: {  	v8 =	vadd.f32 v14, v8  }
0x55: {  	v10 =	vld.idx.msk [tilespmem:v10+s2+$0x0], $0xffff  }
0x56: {  	v8 =	vadd.f32 v12, v8  }
0x57: {  	v9 =	vld.idx.msk [tilespmem:v9+s2+$0x0], $0xffff  }
0x58: {  	v8 =	vadd.f32 v11, v8  }
0x59: {  	v11 =	vld.idx.msk [tilespmem:v16+s2+$0x0], $0xffff  }
0x5a: {  	v8 =	vadd.f32 v10, v8  }
0x5b: {  	s15 =	simm.s32 $0x0  }
0x5c: {  	v8 =	vadd.f32 v9, v8;
	v9 =	vor.u32 s15, v1  }
0x5d: {  	s16 =	simm.s32 $0x80  }
0x5e: {  	v10 =	vor.u32 s16, v1;
	v8 =	vadd.f32 v11, v8  }
0x5f: {  	s17 =	simm.s32 $0x100  }
0x60: {  	s19 =	simm.s32 $0x200;
	[tilespmem:$0x1F400] =	vst v8;
	v8 =	vor.u32 s17, v1  }
0x61: {  	s18 =	simm.s32 $0x180;
	v12 =	vor.u32 s19, v1;
	v9 =	vld.idx.msk [tilespmem:v9+s8+$0x0], $0xffff  }
0x62: {  	s20 =	simm.s32 $0x280;
	v11 =	vor.u32 s18, v1  }
0x63: {  	v13 =	vor.u32 s20, v1;
	v10 =	vld.idx.msk [tilespmem:v10+s8+$0x0], $0xffff  }
0x64: {  	s21 =	simm.s32 $0x300  }
0x65: {  	v14 =	vor.u32 s21, v1;
	v8 =	vld.idx.msk [tilespmem:v8+s8+$0x0], $0xffff  }
0x66: {  	s22 =	simm.s32 $0x380;
	v12 =	vld.idx.msk [tilespmem:v12+s8+$0x0], $0xffff  }
0x67: {  	v15 =	vor.u32 s22, v1;
	v11 =	vld.idx.msk [tilespmem:v11+s8+$0x0], $0xffff  }
0x68: {  	s23 =	simm.s32 $0x400;
	v13 =	vld.idx.msk [tilespmem:v13+s8+$0x0], $0xffff  }
0x69: {  	v16 =	vor.u32 s23, v1;
	v9 =	vld.idx.msk [tilespmem:v9+s2+$0x0], $0xffff  }
0x6a: {  	v14 =	vld.idx.msk [tilespmem:v14+s8+$0x0], $0xffff  }
0x6b: {  	s24 =	simm.s32 $0x480;
	v10 =	vld.idx.msk [tilespmem:v10+s2+$0x0], $0xffff  }
0x6c: {  	v17 =	vor.u32 s24, v1;
	v18 =	vld.idx.msk [tilespmem:v15+s8+$0x0], $0xffff  }
0x6d: {  	s25 =	simm.s32 $0x500;
	v15 =	vimm.f32 $0.0e+00;
	v8 =	vld.idx.msk [tilespmem:v8+s2+$0x0], $0xffff  }
0x6e: {  	v19 =	vor.u32 s25, v1;
	v16 =	vld.idx.msk [tilespmem:v16+s8+$0x0], $0xffff;
	v9 =	vadd.f32 v9, v15  }
0x6f: {  	s26 =	simm.s32 $0x580;
	v20 =	vld.idx.msk [tilespmem:v11+s2+$0x0], $0xffff  }
0x70: {  	s28 =	simm.s32 $0x600;
	v21 =	vor.u32 s26, v1;
	v12 =	vld.idx.msk [tilespmem:v12+s2+$0x0], $0xffff;
	v9 =	vadd.f32 v10, v9  }
0x71: {  	v10 =	vld.idx.msk [tilespmem:v17+s8+$0x0], $0xffff;
	v17 =	vor.u32 s28, v1  }
0x72: {  	v22 =	vld.idx.msk [tilespmem:v13+s2+$0x0], $0xffff;
	v8 =	vadd.f32 v8, v9  }
0x73: {  	s29 =	simm.s32 $0x680;
	v11 =	vld.idx.msk [tilespmem:v19+s8+$0x0], $0xffff  }
0x74: {  	v19 =	vor.u32 s29, v1;
	v15 =	vld.idx.msk [tilespmem:v14+s2+$0x0], $0xffff;
	v8 =	vadd.f32 v20, v8  }
0x75: {  	s31 =	simm.s32 $0x700;
	v9 =	vld.idx.msk [tilespmem:v21+s8+$0x0], $0xffff  }
0x76: {  	v12 =	vadd.f32 v12, v8;
	v8 =	vld.idx.msk [tilespmem:v17+s8+$0x0], $0xffff;
	v17 =	vor.u32 s31, v1  }
0x77: {  	s30 =	simm.s32 $0x780;
	v14 =	vld.idx.msk [tilespmem:v18+s2+$0x0], $0xffff  }
0x78: {  	v13 =	vld.idx.msk [tilespmem:v16+s2+$0x0], $0xffff;
	v16 =	vor.u32 s30, v1;
	v18 =	vadd.f32 v22, v12  }
0x79: {  	s12 =	simm.s32 $0x1F;
	s13 =	simm.s32 $0x800;
	s11 =	simm.s32 $0xB80;
	v12 =	vld.idx.msk [tilespmem:v19+s8+$0x0], $0xffff  }
.LBB2_4:
0x7a: {  	p0 =	sne.s32 s12, $0xC7;
	v19 =	vor.u32 s13, v1;
	v10 =	vld.idx.msk [tilespmem:v10+s2+$0x0], $0xffff;
	v15 =	vadd.f32 v15, v18  }
0x7b: {  	s13 =	sadd.s32 $0xFFFFFD00, s11;
	v17 =	vld.idx.msk [tilespmem:v17+s8+$0x0], $0xffff  }
0x7c: {  	v18 =	vor.u32 s13, v1;
	v11 =	vld.idx.msk [tilespmem:v11+s2+$0x0], $0xffff;
	v14 =	vadd.f32 v14, v15  }
0x7d: {  	s13 =	sadd.s32 $0xFFFFFD80, s11;
	v16 =	vld.idx.msk [tilespmem:v16+s8+$0x0], $0xffff  }
0x7e: {  	v15 =	vor.u32 s13, v1;
	v13 =	vadd.f32 v13, v14;
	v9 =	vld.idx.msk [tilespmem:v9+s2+$0x0], $0xffff  }
0x7f: {  	s13 =	sadd.s32 $0xFFFFFE00, s11;
	v19 =	vld.idx.msk [tilespmem:v19+s8+$0x0], $0xffff  }
0x80: {  	v14 =	vor.u32 s13, v1;
	v13 =	vadd.f32 v10, v13;
	v8 =	vld.idx.msk [tilespmem:v8+s2+$0x0], $0xffff  }
0x81: {  	s13 =	sadd.s32 $0xFFFFFE80, s11;
	v10 =	vld.idx.msk [tilespmem:v18+s8+$0x0], $0xffff  }
0x82: {  	v18 =	vor.u32 s13, v1;
	v13 =	vadd.f32 v11, v13;
	v12 =	vld.idx.msk [tilespmem:v12+s2+$0x0], $0xffff  }
0x83: {  	s13 =	sadd.s32 $0xFFFFFF00, s11;
	v11 =	vld.idx.msk [tilespmem:v15+s8+$0x0], $0xffff  }
0x84: {  	v20 =	vor.u32 s13, v1;
	v13 =	vadd.f32 v9, v13;
	v15 =	vld.idx.msk [tilespmem:v17+s2+$0x0], $0xffff  }
.Ltmp1:
0x85: {  	s13 =	sadd.s32 $0xFFFFFF80, s11;
	v9 =	vld.idx.msk [tilespmem:v14+s8+$0x0], $0xffff;
	(pc) =	sbr.rel @p0 .LBB2_4-.Ltmp1, $4  }
0x86: {  	v17 =	vor.u32 s13, v1;
	v21 =	vadd.f32 v8, v13;
	v14 =	vld.idx.msk [tilespmem:v16+s2+$0x0], $0xffff  }
0x87: {  	v8 =	vld.idx.msk [tilespmem:v18+s8+$0x0], $0xffff  }
0x88: {  	v16 =	vor.u32 s11, v1;
	s11 =	sshll.u32 s12, $0x7;
	v13 =	vld.idx.msk [tilespmem:v19+s2+$0x0], $0xffff;
	v18 =	vadd.f32 v12, v21  }
0x89: {  	s12 =	sadd.s32 $0x8, s12;
	s13 =	sadd.s32 $0xFFFFFC80, s11;
	v12 =	vld.idx.msk [tilespmem:v20+s8+$0x0], $0xffff  }
0x8a: {  	_ =	sdelay $0x2  }
0x8b: {  	v15 =	vadd.f32 v15, v18  }
0x8c: {  	v10 =	vld.idx.msk [tilespmem:v10+s2+$0x0], $0xffff  }
0x8d: {  	v18 =	vor.u32 s13, v1;
	v17 =	vld.idx.msk [tilespmem:v17+s8+$0x0], $0xffff;
	v14 =	vadd.f32 v14, v15  }
0x8e: {  	s12 =	sadd.s32 $0xFFFFFD00, s11;
	v11 =	vld.idx.msk [tilespmem:v11+s2+$0x0], $0xffff  }
0x8f: {  	v16 =	vld.idx.msk [tilespmem:v16+s8+$0x0], $0xffff;
	v15 =	vor.u32 s12, v1;
	v13 =	vadd.f32 v13, v14  }
0x90: {  	s29 =	sadd.s32 $0xFFFFFD80, s11;
	v9 =	vld.idx.msk [tilespmem:v9+s2+$0x0], $0xffff  }
0x91: {  	v8 =	vld.idx.msk [tilespmem:v8+s2+$0x0], $0xffff;
	v14 =	vor.u32 s29, v1;
	v10 =	vadd.f32 v10, v13  }
0x92: {  	s30 =	sadd.s32 $0xFFFFFE00, s11;
	v18 =	vld.idx.msk [tilespmem:v18+s8+$0x0], $0xffff  }
0x93: {  	s31 =	sadd.s32 $0xFFFFFE80, s11;
	v12 =	vld.idx.msk [tilespmem:v12+s2+$0x0], $0xffff;
	v13 =	vor.u32 s30, v1;
	v10 =	vadd.f32 v11, v10  }
0x94: {  	v15 =	vld.idx.msk [tilespmem:v15+s8+$0x0], $0xffff;
	v11 =	vor.u32 s31, v1  }
0x95: {  	s13 =	sadd.s32 $0xFFFFFF00, s11;
	v17 =	vld.idx.msk [tilespmem:v17+s2+$0x0], $0xffff;
	v9 =	vadd.f32 v9, v10  }
0x96: {  	v14 =	vld.idx.msk [tilespmem:v14+s8+$0x0], $0xffff;
	v10 =	vor.u32 s13, v1  }
0x97: {  	s14 =	sadd.s32 $0xFFFFFF80, s11;
	v16 =	vld.idx.msk [tilespmem:v16+s2+$0x0], $0xffff;
	v8 =	vadd.f32 v8, v9  }
0x98: {  	v13 =	vld.idx.msk [tilespmem:v13+s8+$0x0], $0xffff;
	v9 =	vor.u32 s14, v1  }
0x99: {  	v11 =	vld.idx.msk [tilespmem:v11+s8+$0x0], $0xffff;
	v8 =	vadd.f32 v12, v8  }
0x9a: {  	v12 =	vld.idx.msk [tilespmem:v18+s2+$0x0], $0xffff;
	v18 =	vor.u32 s11, v1  }
0x9b: {  	v10 =	vld.idx.msk [tilespmem:v10+s8+$0x0], $0xffff;
	v8 =	vadd.f32 v17, v8  }
0x9c: {  	v15 =	vld.idx.msk [tilespmem:v15+s2+$0x0], $0xffff  }
0x9d: {  	v9 =	vld.idx.msk [tilespmem:v9+s8+$0x0], $0xffff;
	v8 =	vadd.f32 v16, v8  }
0x9e: {  	v14 =	vld.idx.msk [tilespmem:v14+s2+$0x0], $0xffff  }
0x9f: {  	v16 =	vld.idx.msk [tilespmem:v18+s8+$0x0], $0xffff;
	v8 =	vadd.f32 v12, v8  }
0xa0: {  	v12 =	vld.idx.msk [tilespmem:v13+s2+$0x0], $0xffff  }
0xa1: {  	v8 =	vadd.f32 v15, v8  }
0xa2: {  	v11 =	vld.idx.msk [tilespmem:v11+s2+$0x0], $0xffff  }
0xa3: {  	v8 =	vadd.f32 v14, v8  }
0xa4: {  	v10 =	vld.idx.msk [tilespmem:v10+s2+$0x0], $0xffff  }
0xa5: {  	v8 =	vadd.f32 v12, v8  }
0xa6: {  	v9 =	vld.idx.msk [tilespmem:v9+s2+$0x0], $0xffff  }
0xa7: {  	v8 =	vadd.f32 v11, v8  }
0xa8: {  	v11 =	vld.idx.msk [tilespmem:v16+s2+$0x0], $0xffff  }
0xa9: {  	v8 =	vadd.f32 v10, v8  }
0xaa: {  	s15 =	simm.s32 $0x0  }
0xab: {  	v8 =	vadd.f32 v9, v8;
	v9 =	vor.u32 s15, v2  }
0xac: {  	s16 =	simm.s32 $0x80  }
0xad: {  	v10 =	vor.u32 s16, v2;
	v8 =	vadd.f32 v11, v8  }
0xae: {  	s17 =	simm.s32 $0x100  }
0xaf: {  	s19 =	simm.s32 $0x200;
	[tilespmem:$0x1F410] =	vst v8;
	v8 =	vor.u32 s17, v2  }
0xb0: {  	s18 =	simm.s32 $0x180;
	v12 =	vor.u32 s19, v2;
	v9 =	vld.idx.msk [tilespmem:v9+s8+$0x0], $0xffff  }
0xb1: {  	s20 =	simm.s32 $0x280;
	v11 =	vor.u32 s18, v2  }
0xb2: {  	v13 =	vor.u32 s20, v2;
	v10 =	vld.idx.msk [tilespmem:v10+s8+$0x0], $0xffff  }
0xb3: {  	s21 =	simm.s32 $0x300  }
0xb4: {  	v14 =	vor.u32 s21, v2;
	v8 =	vld.idx.msk [tilespmem:v8+s8+$0x0], $0xffff  }
0xb5: {  	s22 =	simm.s32 $0x380;
	v12 =	vld.idx.msk [tilespmem:v12+s8+$0x0], $0xffff  }
0xb6: {  	v15 =	vor.u32 s22, v2;
	v11 =	vld.idx.msk [tilespmem:v11+s8+$0x0], $0xffff  }
0xb7: {  	s23 =	simm.s32 $0x400;
	v13 =	vld.idx.msk [tilespmem:v13+s8+$0x0], $0xffff  }
0xb8: {  	v16 =	vor.u32 s23, v2;
	v9 =	vld.idx.msk [tilespmem:v9+s2+$0x0], $0xffff  }
0xb9: {  	v14 =	vld.idx.msk [tilespmem:v14+s8+$0x0], $0xffff  }
0xba: {  	s24 =	simm.s32 $0x480;
	v10 =	vld.idx.msk [tilespmem:v10+s2+$0x0], $0xffff  }
0xbb: {  	v17 =	vor.u32 s24, v2;
	v18 =	vld.idx.msk [tilespmem:v15+s8+$0x0], $0xffff  }
0xbc: {  	s25 =	simm.s32 $0x500;
	v15 =	vimm.f32 $0.0e+00;
	v8 =	vld.idx.msk [tilespmem:v8+s2+$0x0], $0xffff  }
0xbd: {  	v19 =	vor.u32 s25, v2;
	v16 =	vld.idx.msk [tilespmem:v16+s8+$0x0], $0xffff;
	v9 =	vadd.f32 v9, v15  }
0xbe: {  	s26 =	simm.s32 $0x580;
	v20 =	vld.idx.msk [tilespmem:v11+s2+$0x0], $0xffff  }
0xbf: {  	s28 =	simm.s32 $0x600;
	v21 =	vor.u32 s26, v2;
	v12 =	vld.idx.msk [tilespmem:v12+s2+$0x0], $0xffff;
	v9 =	vadd.f32 v10, v9  }
0xc0: {  	v10 =	vld.idx.msk [tilespmem:v17+s8+$0x0], $0xffff;
	v17 =	vor.u32 s28, v2  }
0xc1: {  	v22 =	vld.idx.msk [tilespmem:v13+s2+$0x0], $0xffff;
	v8 =	vadd.f32 v8, v9  }
0xc2: {  	s29 =	simm.s32 $0x680;
	v11 =	vld.idx.msk [tilespmem:v19+s8+$0x0], $0xffff  }
0xc3: {  	v19 =	vor.u32 s29, v2;
	v15 =	vld.idx.msk [tilespmem:v14+s2+$0x0], $0xffff;
	v8 =	vadd.f32 v20, v8  }
0xc4: {  	s31 =	simm.s32 $0x700;
	v9 =	vld.idx.msk [tilespmem:v21+s8+$0x0], $0xffff  }
0xc5: {  	v12 =	vadd.f32 v12, v8;
	v8 =	vld.idx.msk [tilespmem:v17+s8+$0x0], $0xffff;
	v17 =	vor.u32 s31, v2  }
0xc6: {  	s30 =	simm.s32 $0x780;
	v14 =	vld.idx.msk [tilespmem:v18+s2+$0x0], $0xffff  }
0xc7: {  	v13 =	vld.idx.msk [tilespmem:v16+s2+$0x0], $0xffff;
	v16 =	vor.u32 s30, v2;
	v18 =	vadd.f32 v22, v12  }
0xc8: {  	s12 =	simm.s32 $0x1F;
	s13 =	simm.s32 $0x800;
	s11 =	simm.s32 $0xB80;
	v12 =	vld.idx.msk [tilespmem:v19+s8+$0x0], $0xffff  }
.LBB2_6:
0xc9: {  	p0 =	sne.s32 s12, $0xC7;
	v19 =	vor.u32 s13, v2;
	v10 =	vld.idx.msk [tilespmem:v10+s2+$0x0], $0xffff;
	v15 =	vadd.f32 v15, v18  }
0xca: {  	s13 =	sadd.s32 $0xFFFFFD00, s11;
	v17 =	vld.idx.msk [tilespmem:v17+s8+$0x0], $0xffff  }
0xcb: {  	v18 =	vor.u32 s13, v2;
	v11 =	vld.idx.msk [tilespmem:v11+s2+$0x0], $0xffff;
	v14 =	vadd.f32 v14, v15  }
0xcc: {  	s13 =	sadd.s32 $0xFFFFFD80, s11;
	v16 =	vld.idx.msk [tilespmem:v16+s8+$0x0], $0xffff  }
0xcd: {  	v15 =	vor.u32 s13, v2;
	v13 =	vadd.f32 v13, v14;
	v9 =	vld.idx.msk [tilespmem:v9+s2+$0x0], $0xffff  }
0xce: {  	s13 =	sadd.s32 $0xFFFFFE00, s11;
	v19 =	vld.idx.msk [tilespmem:v19+s8+$0x0], $0xffff  }
0xcf: {  	v14 =	vor.u32 s13, v2;
	v13 =	vadd.f32 v10, v13;
	v8 =	vld.idx.msk [tilespmem:v8+s2+$0x0], $0xffff  }
0xd0: {  	s13 =	sadd.s32 $0xFFFFFE80, s11;
	v10 =	vld.idx.msk [tilespmem:v18+s8+$0x0], $0xffff  }
0xd1: {  	v18 =	vor.u32 s13, v2;
	v13 =	vadd.f32 v11, v13;
	v12 =	vld.idx.msk [tilespmem:v12+s2+$0x0], $0xffff  }
0xd2: {  	s13 =	sadd.s32 $0xFFFFFF00, s11;
	v11 =	vld.idx.msk [tilespmem:v15+s8+$0x0], $0xffff  }
0xd3: {  	v20 =	vor.u32 s13, v2;
	v13 =	vadd.f32 v9, v13;
	v15 =	vld.idx.msk [tilespmem:v17+s2+$0x0], $0xffff  }
.Ltmp2:
0xd4: {  	s13 =	sadd.s32 $0xFFFFFF80, s11;
	v9 =	vld.idx.msk [tilespmem:v14+s8+$0x0], $0xffff;
	(pc) =	sbr.rel @p0 .LBB2_6-.Ltmp2, $4  }
0xd5: {  	v17 =	vor.u32 s13, v2;
	v21 =	vadd.f32 v8, v13;
	v14 =	vld.idx.msk [tilespmem:v16+s2+$0x0], $0xffff  }
0xd6: {  	v8 =	vld.idx.msk [tilespmem:v18+s8+$0x0], $0xffff  }
0xd7: {  	v16 =	vor.u32 s11, v2;
	s11 =	sshll.u32 s12, $0x7;
	v13 =	vld.idx.msk [tilespmem:v19+s2+$0x0], $0xffff;
	v18 =	vadd.f32 v12, v21  }
0xd8: {  	s12 =	sadd.s32 $0x8, s12;
	s13 =	sadd.s32 $0xFFFFFC80, s11;
	v12 =	vld.idx.msk [tilespmem:v20+s8+$0x0], $0xffff  }
0xd9: {  	_ =	sdelay $0x2  }
0xda: {  	v15 =	vadd.f32 v15, v18  }
0xdb: {  	v10 =	vld.idx.msk [tilespmem:v10+s2+$0x0], $0xffff  }
0xdc: {  	v18 =	vor.u32 s13, v2;
	v17 =	vld.idx.msk [tilespmem:v17+s8+$0x0], $0xffff;
	v14 =	vadd.f32 v14, v15  }
0xdd: {  	s12 =	sadd.s32 $0xFFFFFD00, s11;
	v11 =	vld.idx.msk [tilespmem:v11+s2+$0x0], $0xffff  }
0xde: {  	v16 =	vld.idx.msk [tilespmem:v16+s8+$0x0], $0xffff;
	v15 =	vor.u32 s12, v2;
	v13 =	vadd.f32 v13, v14  }
0xdf: {  	s29 =	sadd.s32 $0xFFFFFD80, s11;
	v9 =	vld.idx.msk [tilespmem:v9+s2+$0x0], $0xffff  }
0xe0: {  	v8 =	vld.idx.msk [tilespmem:v8+s2+$0x0], $0xffff;
	v14 =	vor.u32 s29, v2;
	v10 =	vadd.f32 v10, v13  }
0xe1: {  	s30 =	sadd.s32 $0xFFFFFE00, s11;
	v18 =	vld.idx.msk [tilespmem:v18+s8+$0x0], $0xffff  }
0xe2: {  	s31 =	sadd.s32 $0xFFFFFE80, s11;
	v12 =	vld.idx.msk [tilespmem:v12+s2+$0x0], $0xffff;
	v13 =	vor.u32 s30, v2;
	v10 =	vadd.f32 v11, v10  }
0xe3: {  	v15 =	vld.idx.msk [tilespmem:v15+s8+$0x0], $0xffff;
	v11 =	vor.u32 s31, v2  }
0xe4: {  	s13 =	sadd.s32 $0xFFFFFF00, s11;
	v17 =	vld.idx.msk [tilespmem:v17+s2+$0x0], $0xffff;
	v9 =	vadd.f32 v9, v10  }
0xe5: {  	v14 =	vld.idx.msk [tilespmem:v14+s8+$0x0], $0xffff;
	v10 =	vor.u32 s13, v2  }
0xe6: {  	s14 =	sadd.s32 $0xFFFFFF80, s11;
	v16 =	vld.idx.msk [tilespmem:v16+s2+$0x0], $0xffff;
	v8 =	vadd.f32 v8, v9  }
0xe7: {  	v13 =	vld.idx.msk [tilespmem:v13+s8+$0x0], $0xffff;
	v9 =	vor.u32 s14, v2  }
0xe8: {  	v11 =	vld.idx.msk [tilespmem:v11+s8+$0x0], $0xffff;
	v8 =	vadd.f32 v12, v8  }
0xe9: {  	v12 =	vld.idx.msk [tilespmem:v18+s2+$0x0], $0xffff;
	v18 =	vor.u32 s11, v2  }
0xea: {  	v10 =	vld.idx.msk [tilespmem:v10+s8+$0x0], $0xffff;
	v8 =	vadd.f32 v17, v8  }
0xeb: {  	v15 =	vld.idx.msk [tilespmem:v15+s2+$0x0], $0xffff  }
0xec: {  	v9 =	vld.idx.msk [tilespmem:v9+s8+$0x0], $0xffff;
	v8 =	vadd.f32 v16, v8  }
0xed: {  	v14 =	vld.idx.msk [tilespmem:v14+s2+$0x0], $0xffff  }
0xee: {  	v16 =	vld.idx.msk [tilespmem:v18+s8+$0x0], $0xffff;
	v8 =	vadd.f32 v12, v8  }
0xef: {  	v12 =	vld.idx.msk [tilespmem:v13+s2+$0x0], $0xffff  }
0xf0: {  	v8 =	vadd.f32 v15, v8  }
0xf1: {  	v11 =	vld.idx.msk [tilespmem:v11+s2+$0x0], $0xffff  }
0xf2: {  	v8 =	vadd.f32 v14, v8  }
0xf3: {  	v10 =	vld.idx.msk [tilespmem:v10+s2+$0x0], $0xffff  }
0xf4: {  	v8 =	vadd.f32 v12, v8  }
0xf5: {  	v9 =	vld.idx.msk [tilespmem:v9+s2+$0x0], $0xffff  }
0xf6: {  	v8 =	vadd.f32 v11, v8  }
0xf7: {  	v11 =	vld.idx.msk [tilespmem:v16+s2+$0x0], $0xffff  }
0xf8: {  	v8 =	vadd.f32 v10, v8  }
0xf9: {  	s15 =	simm.s32 $0x0  }
0xfa: {  	v8 =	vadd.f32 v9, v8;
	v9 =	vor.u32 s15, v3  }
0xfb: {  	s16 =	simm.s32 $0x80  }
0xfc: {  	v10 =	vor.u32 s16, v3;
	v8 =	vadd.f32 v11, v8  }
0xfd: {  	s17 =	simm.s32 $0x100  }
0xfe: {  	s19 =	simm.s32 $0x200;
	[tilespmem:$0x1F420] =	vst v8;
	v8 =	vor.u32 s17, v3  }
0xff: {  	s18 =	simm.s32 $0x180;
	v12 =	vor.u32 s19, v3;
	v9 =	vld.idx.msk [tilespmem:v9+s8+$0x0], $0xffff  }
0x100: {  	s20 =	simm.s32 $0x280;
	v11 =	vor.u32 s18, v3  }
0x101: {  	v13 =	vor.u32 s20, v3;
	v10 =	vld.idx.msk [tilespmem:v10+s8+$0x0], $0xffff  }
0x102: {  	s21 =	simm.s32 $0x300  }
0x103: {  	v14 =	vor.u32 s21, v3;
	v8 =	vld.idx.msk [tilespmem:v8+s8+$0x0], $0xffff  }
0x104: {  	s22 =	simm.s32 $0x380;
	v12 =	vld.idx.msk [tilespmem:v12+s8+$0x0], $0xffff  }
0x105: {  	v15 =	vor.u32 s22, v3;
	v11 =	vld.idx.msk [tilespmem:v11+s8+$0x0], $0xffff  }
0x106: {  	s23 =	simm.s32 $0x400;
	v13 =	vld.idx.msk [tilespmem:v13+s8+$0x0], $0xffff  }
0x107: {  	v16 =	vor.u32 s23, v3;
	v9 =	vld.idx.msk [tilespmem:v9+s2+$0x0], $0xffff  }
0x108: {  	v14 =	vld.idx.msk [tilespmem:v14+s8+$0x0], $0xffff  }
0x109: {  	s24 =	simm.s32 $0x480;
	v10 =	vld.idx.msk [tilespmem:v10+s2+$0x0], $0xffff  }
0x10a: {  	v17 =	vor.u32 s24, v3;
	v18 =	vld.idx.msk [tilespmem:v15+s8+$0x0], $0xffff  }
0x10b: {  	s25 =	simm.s32 $0x500;
	v15 =	vimm.f32 $0.0e+00;
	v8 =	vld.idx.msk [tilespmem:v8+s2+$0x0], $0xffff  }
0x10c: {  	v19 =	vor.u32 s25, v3;
	v16 =	vld.idx.msk [tilespmem:v16+s8+$0x0], $0xffff;
	v9 =	vadd.f32 v9, v15  }
0x10d: {  	s26 =	simm.s32 $0x580;
	v20 =	vld.idx.msk [tilespmem:v11+s2+$0x0], $0xffff  }
0x10e: {  	s28 =	simm.s32 $0x600;
	v21 =	vor.u32 s26, v3;
	v12 =	vld.idx.msk [tilespmem:v12+s2+$0x0], $0xffff;
	v9 =	vadd.f32 v10, v9  }
0x10f: {  	v10 =	vld.idx.msk [tilespmem:v17+s8+$0x0], $0xffff;
	v17 =	vor.u32 s28, v3  }
0x110: {  	v22 =	vld.idx.msk [tilespmem:v13+s2+$0x0], $0xffff;
	v8 =	vadd.f32 v8, v9  }
0x111: {  	s29 =	simm.s32 $0x680;
	v11 =	vld.idx.msk [tilespmem:v19+s8+$0x0], $0xffff  }
0x112: {  	v19 =	vor.u32 s29, v3;
	v15 =	vld.idx.msk [tilespmem:v14+s2+$0x0], $0xffff;
	v8 =	vadd.f32 v20, v8  }
0x113: {  	s31 =	simm.s32 $0x700;
	v9 =	vld.idx.msk [tilespmem:v21+s8+$0x0], $0xffff  }
0x114: {  	v12 =	vadd.f32 v12, v8;
	v8 =	vld.idx.msk [tilespmem:v17+s8+$0x0], $0xffff;
	v17 =	vor.u32 s31, v3  }
0x115: {  	s30 =	simm.s32 $0x780;
	v14 =	vld.idx.msk [tilespmem:v18+s2+$0x0], $0xffff  }
0x116: {  	v13 =	vld.idx.msk [tilespmem:v16+s2+$0x0], $0xffff;
	v16 =	vor.u32 s30, v3;
	v18 =	vadd.f32 v22, v12  }
0x117: {  	s12 =	simm.s32 $0x1F;
	s13 =	simm.s32 $0x800;
	s11 =	simm.s32 $0xB80;
	v12 =	vld.idx.msk [tilespmem:v19+s8+$0x0], $0xffff  }
.LBB2_8:
0x118: {  	p0 =	sne.s32 s12, $0xC7;
	v19 =	vor.u32 s13, v3;
	v10 =	vld.idx.msk [tilespmem:v10+s2+$0x0], $0xffff;
	v15 =	vadd.f32 v15, v18  }
0x119: {  	s13 =	sadd.s32 $0xFFFFFD00, s11;
	v17 =	vld.idx.msk [tilespmem:v17+s8+$0x0], $0xffff  }
0x11a: {  	v18 =	vor.u32 s13, v3;
	v11 =	vld.idx.msk [tilespmem:v11+s2+$0x0], $0xffff;
	v14 =	vadd.f32 v14, v15  }
0x11b: {  	s13 =	sadd.s32 $0xFFFFFD80, s11;
	v16 =	vld.idx.msk [tilespmem:v16+s8+$0x0], $0xffff  }
0x11c: {  	v15 =	vor.u32 s13, v3;
	v13 =	vadd.f32 v13, v14;
	v9 =	vld.idx.msk [tilespmem:v9+s2+$0x0], $0xffff  }
0x11d: {  	s13 =	sadd.s32 $0xFFFFFE00, s11;
	v19 =	vld.idx.msk [tilespmem:v19+s8+$0x0], $0xffff  }
0x11e: {  	v14 =	vor.u32 s13, v3;
	v13 =	vadd.f32 v10, v13;
	v8 =	vld.idx.msk [tilespmem:v8+s2+$0x0], $0xffff  }
0x11f: {  	s13 =	sadd.s32 $0xFFFFFE80, s11;
	v10 =	vld.idx.msk [tilespmem:v18+s8+$0x0], $0xffff  }
0x120: {  	v18 =	vor.u32 s13, v3;
	v13 =	vadd.f32 v11, v13;
	v12 =	vld.idx.msk [tilespmem:v12+s2+$0x0], $0xffff  }
0x121: {  	s13 =	sadd.s32 $0xFFFFFF00, s11;
	v11 =	vld.idx.msk [tilespmem:v15+s8+$0x0], $0xffff  }
0x122: {  	v20 =	vor.u32 s13, v3;
	v13 =	vadd.f32 v9, v13;
	v15 =	vld.idx.msk [tilespmem:v17+s2+$0x0], $0xffff  }
.Ltmp3:
0x123: {  	s13 =	sadd.s32 $0xFFFFFF80, s11;
	v9 =	vld.idx.msk [tilespmem:v14+s8+$0x0], $0xffff;
	(pc) =	sbr.rel @p0 .LBB2_8-.Ltmp3, $4  }
0x124: {  	v17 =	vor.u32 s13, v3;
	v21 =	vadd.f32 v8, v13;
	v14 =	vld.idx.msk [tilespmem:v16+s2+$0x0], $0xffff  }
0x125: {  	v8 =	vld.idx.msk [tilespmem:v18+s8+$0x0], $0xffff  }
0x126: {  	v16 =	vor.u32 s11, v3;
	s11 =	sshll.u32 s12, $0x7;
	v13 =	vld.idx.msk [tilespmem:v19+s2+$0x0], $0xffff;
	v18 =	vadd.f32 v12, v21  }
0x127: {  	s12 =	sadd.s32 $0x8, s12;
	s13 =	sadd.s32 $0xFFFFFC80, s11;
	v12 =	vld.idx.msk [tilespmem:v20+s8+$0x0], $0xffff  }
0x128: {  	_ =	sdelay $0x2  }
0x129: {  	v15 =	vadd.f32 v15, v18  }
0x12a: {  	v10 =	vld.idx.msk [tilespmem:v10+s2+$0x0], $0xffff  }
0x12b: {  	v18 =	vor.u32 s13, v3;
	v17 =	vld.idx.msk [tilespmem:v17+s8+$0x0], $0xffff;
	v14 =	vadd.f32 v14, v15  }
0x12c: {  	s12 =	sadd.s32 $0xFFFFFD00, s11;
	v11 =	vld.idx.msk [tilespmem:v11+s2+$0x0], $0xffff  }
0x12d: {  	v16 =	vld.idx.msk [tilespmem:v16+s8+$0x0], $0xffff;
	v15 =	vor.u32 s12, v3;
	v13 =	vadd.f32 v13, v14  }
0x12e: {  	s29 =	sadd.s32 $0xFFFFFD80, s11;
	v9 =	vld.idx.msk [tilespmem:v9+s2+$0x0], $0xffff  }
0x12f: {  	v8 =	vld.idx.msk [tilespmem:v8+s2+$0x0], $0xffff;
	v14 =	vor.u32 s29, v3;
	v10 =	vadd.f32 v10, v13  }
0x130: {  	s30 =	sadd.s32 $0xFFFFFE00, s11;
	v18 =	vld.idx.msk [tilespmem:v18+s8+$0x0], $0xffff  }
0x131: {  	s31 =	sadd.s32 $0xFFFFFE80, s11;
	v12 =	vld.idx.msk [tilespmem:v12+s2+$0x0], $0xffff;
	v13 =	vor.u32 s30, v3;
	v10 =	vadd.f32 v11, v10  }
0x132: {  	v15 =	vld.idx.msk [tilespmem:v15+s8+$0x0], $0xffff;
	v11 =	vor.u32 s31, v3  }
0x133: {  	s13 =	sadd.s32 $0xFFFFFF00, s11;
	v17 =	vld.idx.msk [tilespmem:v17+s2+$0x0], $0xffff;
	v9 =	vadd.f32 v9, v10  }
0x134: {  	v14 =	vld.idx.msk [tilespmem:v14+s8+$0x0], $0xffff;
	v10 =	vor.u32 s13, v3  }
0x135: {  	s14 =	sadd.s32 $0xFFFFFF80, s11;
	v16 =	vld.idx.msk [tilespmem:v16+s2+$0x0], $0xffff;
	v8 =	vadd.f32 v8, v9  }
0x136: {  	v13 =	vld.idx.msk [tilespmem:v13+s8+$0x0], $0xffff;
	v9 =	vor.u32 s14, v3  }
0x137: {  	v11 =	vld.idx.msk [tilespmem:v11+s8+$0x0], $0xffff;
	v8 =	vadd.f32 v12, v8  }
0x138: {  	v12 =	vld.idx.msk [tilespmem:v18+s2+$0x0], $0xffff;
	v18 =	vor.u32 s11, v3  }
0x139: {  	v10 =	vld.idx.msk [tilespmem:v10+s8+$0x0], $0xffff;
	v8 =	vadd.f32 v17, v8  }
0x13a: {  	v15 =	vld.idx.msk [tilespmem:v15+s2+$0x0], $0xffff  }
0x13b: {  	v9 =	vld.idx.msk [tilespmem:v9+s8+$0x0], $0xffff;
	v8 =	vadd.f32 v16, v8  }
0x13c: {  	v14 =	vld.idx.msk [tilespmem:v14+s2+$0x0], $0xffff  }
0x13d: {  	v16 =	vld.idx.msk [tilespmem:v18+s8+$0x0], $0xffff;
	v8 =	vadd.f32 v12, v8  }
0x13e: {  	v12 =	vld.idx.msk [tilespmem:v13+s2+$0x0], $0xffff  }
0x13f: {  	v8 =	vadd.f32 v15, v8  }
0x140: {  	v11 =	vld.idx.msk [tilespmem:v11+s2+$0x0], $0xffff  }
0x141: {  	v8 =	vadd.f32 v14, v8  }
0x142: {  	v10 =	vld.idx.msk [tilespmem:v10+s2+$0x0], $0xffff  }
0x143: {  	v8 =	vadd.f32 v12, v8  }
0x144: {  	v9 =	vld.idx.msk [tilespmem:v9+s2+$0x0], $0xffff  }
0x145: {  	v8 =	vadd.f32 v11, v8  }
0x146: {  	v11 =	vld.idx.msk [tilespmem:v16+s2+$0x0], $0xffff  }
0x147: {  	v8 =	vadd.f32 v10, v8  }
0x148: {  	s15 =	simm.s32 $0x0  }
0x149: {  	v8 =	vadd.f32 v9, v8;
	v9 =	vor.u32 s15, v4  }
0x14a: {  	s16 =	simm.s32 $0x80  }
0x14b: {  	v10 =	vor.u32 s16, v4;
	v8 =	vadd.f32 v11, v8  }
0x14c: {  	s17 =	simm.s32 $0x100  }
0x14d: {  	s19 =	simm.s32 $0x200;
	[tilespmem:$0x1F430] =	vst v8;
	v8 =	vor.u32 s17, v4  }
0x14e: {  	s18 =	simm.s32 $0x180;
	v12 =	vor.u32 s19, v4;
	v9 =	vld.idx.msk [tilespmem:v9+s8+$0x0], $0xffff  }
0x14f: {  	s20 =	simm.s32 $0x280;
	v11 =	vor.u32 s18, v4  }
0x150: {  	v13 =	vor.u32 s20, v4;
	v10 =	vld.idx.msk [tilespmem:v10+s8+$0x0], $0xffff  }
0x151: {  	s21 =	simm.s32 $0x300  }
0x152: {  	v14 =	vor.u32 s21, v4;
	v8 =	vld.idx.msk [tilespmem:v8+s8+$0x0], $0xffff  }
0x153: {  	s22 =	simm.s32 $0x380;
	v12 =	vld.idx.msk [tilespmem:v12+s8+$0x0], $0xffff  }
0x154: {  	v15 =	vor.u32 s22, v4;
	v11 =	vld.idx.msk [tilespmem:v11+s8+$0x0], $0xffff  }
0x155: {  	s23 =	simm.s32 $0x400;
	v13 =	vld.idx.msk [tilespmem:v13+s8+$0x0], $0xffff  }
0x156: {  	v16 =	vor.u32 s23, v4;
	v9 =	vld.idx.msk [tilespmem:v9+s2+$0x0], $0xffff  }
0x157: {  	v14 =	vld.idx.msk [tilespmem:v14+s8+$0x0], $0xffff  }
0x158: {  	s24 =	simm.s32 $0x480;
	v10 =	vld.idx.msk [tilespmem:v10+s2+$0x0], $0xffff  }
0x159: {  	v17 =	vor.u32 s24, v4;
	v18 =	vld.idx.msk [tilespmem:v15+s8+$0x0], $0xffff  }
0x15a: {  	s25 =	simm.s32 $0x500;
	v15 =	vimm.f32 $0.0e+00;
	v8 =	vld.idx.msk [tilespmem:v8+s2+$0x0], $0xffff  }
0x15b: {  	v19 =	vor.u32 s25, v4;
	v16 =	vld.idx.msk [tilespmem:v16+s8+$0x0], $0xffff;
	v9 =	vadd.f32 v9, v15  }
0x15c: {  	s26 =	simm.s32 $0x580;
	v20 =	vld.idx.msk [tilespmem:v11+s2+$0x0], $0xffff  }
0x15d: {  	s28 =	simm.s32 $0x600;
	v21 =	vor.u32 s26, v4;
	v12 =	vld.idx.msk [tilespmem:v12+s2+$0x0], $0xffff;
	v9 =	vadd.f32 v10, v9  }
0x15e: {  	v10 =	vld.idx.msk [tilespmem:v17+s8+$0x0], $0xffff;
	v17 =	vor.u32 s28, v4  }
0x15f: {  	v22 =	vld.idx.msk [tilespmem:v13+s2+$0x0], $0xffff;
	v8 =	vadd.f32 v8, v9  }
0x160: {  	s29 =	simm.s32 $0x680;
	v11 =	vld.idx.msk [tilespmem:v19+s8+$0x0], $0xffff  }
0x161: {  	v19 =	vor.u32 s29, v4;
	v15 =	vld.idx.msk [tilespmem:v14+s2+$0x0], $0xffff;
	v8 =	vadd.f32 v20, v8  }
0x162: {  	s31 =	simm.s32 $0x700;
	v9 =	vld.idx.msk [tilespmem:v21+s8+$0x0], $0xffff  }
0x163: {  	v12 =	vadd.f32 v12, v8;
	v8 =	vld.idx.msk [tilespmem:v17+s8+$0x0], $0xffff;
	v17 =	vor.u32 s31, v4  }
0x164: {  	s30 =	simm.s32 $0x780;
	v14 =	vld.idx.msk [tilespmem:v18+s2+$0x0], $0xffff  }
0x165: {  	v13 =	vld.idx.msk [tilespmem:v16+s2+$0x0], $0xffff;
	v16 =	vor.u32 s30, v4;
	v18 =	vadd.f32 v22, v12  }
0x166: {  	s12 =	simm.s32 $0x1F;
	s13 =	simm.s32 $0x800;
	s11 =	simm.s32 $0xB80;
	v12 =	vld.idx.msk [tilespmem:v19+s8+$0x0], $0xffff  }
.LBB2_10:
0x167: {  	p0 =	sne.s32 s12, $0xC7;
	v19 =	vor.u32 s13, v4;
	v10 =	vld.idx.msk [tilespmem:v10+s2+$0x0], $0xffff;
	v15 =	vadd.f32 v15, v18  }
0x168: {  	s13 =	sadd.s32 $0xFFFFFD00, s11;
	v17 =	vld.idx.msk [tilespmem:v17+s8+$0x0], $0xffff  }
0x169: {  	v18 =	vor.u32 s13, v4;
	v11 =	vld.idx.msk [tilespmem:v11+s2+$0x0], $0xffff;
	v14 =	vadd.f32 v14, v15  }
0x16a: {  	s13 =	sadd.s32 $0xFFFFFD80, s11;
	v16 =	vld.idx.msk [tilespmem:v16+s8+$0x0], $0xffff  }
0x16b: {  	v15 =	vor.u32 s13, v4;
	v13 =	vadd.f32 v13, v14;
	v9 =	vld.idx.msk [tilespmem:v9+s2+$0x0], $0xffff  }
0x16c: {  	s13 =	sadd.s32 $0xFFFFFE00, s11;
	v19 =	vld.idx.msk [tilespmem:v19+s8+$0x0], $0xffff  }
0x16d: {  	v14 =	vor.u32 s13, v4;
	v13 =	vadd.f32 v10, v13;
	v8 =	vld.idx.msk [tilespmem:v8+s2+$0x0], $0xffff  }
0x16e: {  	s13 =	sadd.s32 $0xFFFFFE80, s11;
	v10 =	vld.idx.msk [tilespmem:v18+s8+$0x0], $0xffff  }
0x16f: {  	v18 =	vor.u32 s13, v4;
	v13 =	vadd.f32 v11, v13;
	v12 =	vld.idx.msk [tilespmem:v12+s2+$0x0], $0xffff  }
0x170: {  	s13 =	sadd.s32 $0xFFFFFF00, s11;
	v11 =	vld.idx.msk [tilespmem:v15+s8+$0x0], $0xffff  }
0x171: {  	v20 =	vor.u32 s13, v4;
	v13 =	vadd.f32 v9, v13;
	v15 =	vld.idx.msk [tilespmem:v17+s2+$0x0], $0xffff  }
.Ltmp4:
0x172: {  	s13 =	sadd.s32 $0xFFFFFF80, s11;
	v9 =	vld.idx.msk [tilespmem:v14+s8+$0x0], $0xffff;
	(pc) =	sbr.rel @p0 .LBB2_10-.Ltmp4, $4  }
0x173: {  	v17 =	vor.u32 s13, v4;
	v21 =	vadd.f32 v8, v13;
	v14 =	vld.idx.msk [tilespmem:v16+s2+$0x0], $0xffff  }
0x174: {  	v8 =	vld.idx.msk [tilespmem:v18+s8+$0x0], $0xffff  }
0x175: {  	v16 =	vor.u32 s11, v4;
	s11 =	sshll.u32 s12, $0x7;
	v13 =	vld.idx.msk [tilespmem:v19+s2+$0x0], $0xffff;
	v18 =	vadd.f32 v12, v21  }
0x176: {  	s12 =	sadd.s32 $0x8, s12;
	s13 =	sadd.s32 $0xFFFFFC80, s11;
	v12 =	vld.idx.msk [tilespmem:v20+s8+$0x0], $0xffff  }
0x177: {  	_ =	sdelay $0x2  }
0x178: {  	v15 =	vadd.f32 v15, v18  }
0x179: {  	v10 =	vld.idx.msk [tilespmem:v10+s2+$0x0], $0xffff  }
0x17a: {  	v18 =	vor.u32 s13, v4;
	v17 =	vld.idx.msk [tilespmem:v17+s8+$0x0], $0xffff;
	v14 =	vadd.f32 v14, v15  }
0x17b: {  	s12 =	sadd.s32 $0xFFFFFD00, s11;
	v11 =	vld.idx.msk [tilespmem:v11+s2+$0x0], $0xffff  }
0x17c: {  	v16 =	vld.idx.msk [tilespmem:v16+s8+$0x0], $0xffff;
	v15 =	vor.u32 s12, v4;
	v13 =	vadd.f32 v13, v14  }
0x17d: {  	s29 =	sadd.s32 $0xFFFFFD80, s11;
	v9 =	vld.idx.msk [tilespmem:v9+s2+$0x0], $0xffff  }
0x17e: {  	v8 =	vld.idx.msk [tilespmem:v8+s2+$0x0], $0xffff;
	v14 =	vor.u32 s29, v4;
	v10 =	vadd.f32 v10, v13  }
0x17f: {  	s30 =	sadd.s32 $0xFFFFFE00, s11;
	v18 =	vld.idx.msk [tilespmem:v18+s8+$0x0], $0xffff  }
0x180: {  	s31 =	sadd.s32 $0xFFFFFE80, s11;
	v12 =	vld.idx.msk [tilespmem:v12+s2+$0x0], $0xffff;
	v13 =	vor.u32 s30, v4;
	v10 =	vadd.f32 v11, v10  }
0x181: {  	v15 =	vld.idx.msk [tilespmem:v15+s8+$0x0], $0xffff;
	v11 =	vor.u32 s31, v4  }
0x182: {  	s13 =	sadd.s32 $0xFFFFFF00, s11;
	v17 =	vld.idx.msk [tilespmem:v17+s2+$0x0], $0xffff;
	v9 =	vadd.f32 v9, v10  }
0x183: {  	v14 =	vld.idx.msk [tilespmem:v14+s8+$0x0], $0xffff;
	v10 =	vor.u32 s13, v4  }
0x184: {  	s14 =	sadd.s32 $0xFFFFFF80, s11;
	v16 =	vld.idx.msk [tilespmem:v16+s2+$0x0], $0xffff;
	v8 =	vadd.f32 v8, v9  }
0x185: {  	v13 =	vld.idx.msk [tilespmem:v13+s8+$0x0], $0xffff;
	v9 =	vor.u32 s14, v4  }
0x186: {  	v11 =	vld.idx.msk [tilespmem:v11+s8+$0x0], $0xffff;
	v8 =	vadd.f32 v12, v8  }
0x187: {  	v12 =	vld.idx.msk [tilespmem:v18+s2+$0x0], $0xffff;
	v18 =	vor.u32 s11, v4  }
0x188: {  	v10 =	vld.idx.msk [tilespmem:v10+s8+$0x0], $0xffff;
	v8 =	vadd.f32 v17, v8  }
0x189: {  	v15 =	vld.idx.msk [tilespmem:v15+s2+$0x0], $0xffff  }
0x18a: {  	v9 =	vld.idx.msk [tilespmem:v9+s8+$0x0], $0xffff;
	v8 =	vadd.f32 v16, v8  }
0x18b: {  	v14 =	vld.idx.msk [tilespmem:v14+s2+$0x0], $0xffff  }
0x18c: {  	v16 =	vld.idx.msk [tilespmem:v18+s8+$0x0], $0xffff;
	v8 =	vadd.f32 v12, v8  }
0x18d: {  	v12 =	vld.idx.msk [tilespmem:v13+s2+$0x0], $0xffff  }
0x18e: {  	v8 =	vadd.f32 v15, v8  }
0x18f: {  	v11 =	vld.idx.msk [tilespmem:v11+s2+$0x0], $0xffff  }
0x190: {  	v8 =	vadd.f32 v14, v8  }
0x191: {  	v10 =	vld.idx.msk [tilespmem:v10+s2+$0x0], $0xffff  }
0x192: {  	v8 =	vadd.f32 v12, v8  }
0x193: {  	v9 =	vld.idx.msk [tilespmem:v9+s2+$0x0], $0xffff  }
0x194: {  	v8 =	vadd.f32 v11, v8  }
0x195: {  	v11 =	vld.idx.msk [tilespmem:v16+s2+$0x0], $0xffff  }
0x196: {  	v8 =	vadd.f32 v10, v8  }
0x197: {  	s15 =	simm.s32 $0x0  }
0x198: {  	v8 =	vadd.f32 v9, v8;
	v9 =	vor.u32 s15, v5  }
0x199: {  	s16 =	simm.s32 $0x80  }
0x19a: {  	v10 =	vor.u32 s16, v5;
	v8 =	vadd.f32 v11, v8  }
0x19b: {  	s17 =	simm.s32 $0x100  }
0x19c: {  	s19 =	simm.s32 $0x200;
	[tilespmem:$0x1F440] =	vst v8;
	v8 =	vor.u32 s17, v5  }
0x19d: {  	s18 =	simm.s32 $0x180;
	v12 =	vor.u32 s19, v5;
	v9 =	vld.idx.msk [tilespmem:v9+s8+$0x0], $0xffff  }
0x19e: {  	s20 =	simm.s32 $0x280;
	v11 =	vor.u32 s18, v5  }
0x19f: {  	v13 =	vor.u32 s20, v5;
	v10 =	vld.idx.msk [tilespmem:v10+s8+$0x0], $0xffff  }
0x1a0: {  	s21 =	simm.s32 $0x300  }
0x1a1: {  	v14 =	vor.u32 s21, v5;
	v8 =	vld.idx.msk [tilespmem:v8+s8+$0x0], $0xffff  }
0x1a2: {  	s22 =	simm.s32 $0x380;
	v12 =	vld.idx.msk [tilespmem:v12+s8+$0x0], $0xffff  }
0x1a3: {  	v15 =	vor.u32 s22, v5;
	v11 =	vld.idx.msk [tilespmem:v11+s8+$0x0], $0xffff  }
0x1a4: {  	s23 =	simm.s32 $0x400;
	v13 =	vld.idx.msk [tilespmem:v13+s8+$0x0], $0xffff  }
0x1a5: {  	v16 =	vor.u32 s23, v5;
	v9 =	vld.idx.msk [tilespmem:v9+s2+$0x0], $0xffff  }
0x1a6: {  	v14 =	vld.idx.msk [tilespmem:v14+s8+$0x0], $0xffff  }
0x1a7: {  	s24 =	simm.s32 $0x480;
	v10 =	vld.idx.msk [tilespmem:v10+s2+$0x0], $0xffff  }
0x1a8: {  	v17 =	vor.u32 s24, v5;
	v18 =	vld.idx.msk [tilespmem:v15+s8+$0x0], $0xffff  }
0x1a9: {  	s25 =	simm.s32 $0x500;
	v15 =	vimm.f32 $0.0e+00;
	v8 =	vld.idx.msk [tilespmem:v8+s2+$0x0], $0xffff  }
0x1aa: {  	v19 =	vor.u32 s25, v5;
	v16 =	vld.idx.msk [tilespmem:v16+s8+$0x0], $0xffff;
	v9 =	vadd.f32 v9, v15  }
0x1ab: {  	s26 =	simm.s32 $0x580;
	v20 =	vld.idx.msk [tilespmem:v11+s2+$0x0], $0xffff  }
0x1ac: {  	s28 =	simm.s32 $0x600;
	v21 =	vor.u32 s26, v5;
	v12 =	vld.idx.msk [tilespmem:v12+s2+$0x0], $0xffff;
	v9 =	vadd.f32 v10, v9  }
0x1ad: {  	v10 =	vld.idx.msk [tilespmem:v17+s8+$0x0], $0xffff;
	v17 =	vor.u32 s28, v5  }
0x1ae: {  	v22 =	vld.idx.msk [tilespmem:v13+s2+$0x0], $0xffff;
	v8 =	vadd.f32 v8, v9  }
0x1af: {  	s29 =	simm.s32 $0x680;
	v11 =	vld.idx.msk [tilespmem:v19+s8+$0x0], $0xffff  }
0x1b0: {  	v19 =	vor.u32 s29, v5;
	v15 =	vld.idx.msk [tilespmem:v14+s2+$0x0], $0xffff;
	v8 =	vadd.f32 v20, v8  }
0x1b1: {  	s31 =	simm.s32 $0x700;
	v9 =	vld.idx.msk [tilespmem:v21+s8+$0x0], $0xffff  }
0x1b2: {  	v12 =	vadd.f32 v12, v8;
	v8 =	vld.idx.msk [tilespmem:v17+s8+$0x0], $0xffff;
	v17 =	vor.u32 s31, v5  }
0x1b3: {  	s30 =	simm.s32 $0x780;
	v14 =	vld.idx.msk [tilespmem:v18+s2+$0x0], $0xffff  }
0x1b4: {  	v13 =	vld.idx.msk [tilespmem:v16+s2+$0x0], $0xffff;
	v16 =	vor.u32 s30, v5;
	v18 =	vadd.f32 v22, v12  }
0x1b5: {  	s12 =	simm.s32 $0x1F;
	s13 =	simm.s32 $0x800;
	s11 =	simm.s32 $0xB80;
	v12 =	vld.idx.msk [tilespmem:v19+s8+$0x0], $0xffff  }
.LBB2_12:
0x1b6: {  	p0 =	sne.s32 s12, $0xC7;
	v19 =	vor.u32 s13, v5;
	v10 =	vld.idx.msk [tilespmem:v10+s2+$0x0], $0xffff;
	v15 =	vadd.f32 v15, v18  }
0x1b7: {  	s13 =	sadd.s32 $0xFFFFFD00, s11;
	v17 =	vld.idx.msk [tilespmem:v17+s8+$0x0], $0xffff  }
0x1b8: {  	v18 =	vor.u32 s13, v5;
	v11 =	vld.idx.msk [tilespmem:v11+s2+$0x0], $0xffff;
	v14 =	vadd.f32 v14, v15  }
0x1b9: {  	s13 =	sadd.s32 $0xFFFFFD80, s11;
	v16 =	vld.idx.msk [tilespmem:v16+s8+$0x0], $0xffff  }
0x1ba: {  	v15 =	vor.u32 s13, v5;
	v13 =	vadd.f32 v13, v14;
	v9 =	vld.idx.msk [tilespmem:v9+s2+$0x0], $0xffff  }
0x1bb: {  	s13 =	sadd.s32 $0xFFFFFE00, s11;
	v19 =	vld.idx.msk [tilespmem:v19+s8+$0x0], $0xffff  }
0x1bc: {  	v14 =	vor.u32 s13, v5;
	v13 =	vadd.f32 v10, v13;
	v8 =	vld.idx.msk [tilespmem:v8+s2+$0x0], $0xffff  }
0x1bd: {  	s13 =	sadd.s32 $0xFFFFFE80, s11;
	v10 =	vld.idx.msk [tilespmem:v18+s8+$0x0], $0xffff  }
0x1be: {  	v18 =	vor.u32 s13, v5;
	v13 =	vadd.f32 v11, v13;
	v12 =	vld.idx.msk [tilespmem:v12+s2+$0x0], $0xffff  }
0x1bf: {  	s13 =	sadd.s32 $0xFFFFFF00, s11;
	v11 =	vld.idx.msk [tilespmem:v15+s8+$0x0], $0xffff  }
0x1c0: {  	v20 =	vor.u32 s13, v5;
	v13 =	vadd.f32 v9, v13;
	v15 =	vld.idx.msk [tilespmem:v17+s2+$0x0], $0xffff  }
.Ltmp5:
0x1c1: {  	s13 =	sadd.s32 $0xFFFFFF80, s11;
	v9 =	vld.idx.msk [tilespmem:v14+s8+$0x0], $0xffff;
	(pc) =	sbr.rel @p0 .LBB2_12-.Ltmp5, $4  }
0x1c2: {  	v17 =	vor.u32 s13, v5;
	v21 =	vadd.f32 v8, v13;
	v14 =	vld.idx.msk [tilespmem:v16+s2+$0x0], $0xffff  }
0x1c3: {  	v8 =	vld.idx.msk [tilespmem:v18+s8+$0x0], $0xffff  }
0x1c4: {  	v16 =	vor.u32 s11, v5;
	s11 =	sshll.u32 s12, $0x7;
	v13 =	vld.idx.msk [tilespmem:v19+s2+$0x0], $0xffff;
	v18 =	vadd.f32 v12, v21  }
0x1c5: {  	s12 =	sadd.s32 $0x8, s12;
	s13 =	sadd.s32 $0xFFFFFC80, s11;
	v12 =	vld.idx.msk [tilespmem:v20+s8+$0x0], $0xffff  }
0x1c6: {  	_ =	sdelay $0x2  }
0x1c7: {  	v15 =	vadd.f32 v15, v18  }
0x1c8: {  	v10 =	vld.idx.msk [tilespmem:v10+s2+$0x0], $0xffff  }
0x1c9: {  	v18 =	vor.u32 s13, v5;
	v17 =	vld.idx.msk [tilespmem:v17+s8+$0x0], $0xffff;
	v14 =	vadd.f32 v14, v15  }
0x1ca: {  	s12 =	sadd.s32 $0xFFFFFD00, s11;
	v11 =	vld.idx.msk [tilespmem:v11+s2+$0x0], $0xffff  }
0x1cb: {  	v16 =	vld.idx.msk [tilespmem:v16+s8+$0x0], $0xffff;
	v15 =	vor.u32 s12, v5;
	v13 =	vadd.f32 v13, v14  }
0x1cc: {  	s29 =	sadd.s32 $0xFFFFFD80, s11;
	v9 =	vld.idx.msk [tilespmem:v9+s2+$0x0], $0xffff  }
0x1cd: {  	v8 =	vld.idx.msk [tilespmem:v8+s2+$0x0], $0xffff;
	v14 =	vor.u32 s29, v5;
	v10 =	vadd.f32 v10, v13  }
0x1ce: {  	s30 =	sadd.s32 $0xFFFFFE00, s11;
	v18 =	vld.idx.msk [tilespmem:v18+s8+$0x0], $0xffff  }
0x1cf: {  	s31 =	sadd.s32 $0xFFFFFE80, s11;
	v12 =	vld.idx.msk [tilespmem:v12+s2+$0x0], $0xffff;
	v13 =	vor.u32 s30, v5;
	v10 =	vadd.f32 v11, v10  }
0x1d0: {  	v15 =	vld.idx.msk [tilespmem:v15+s8+$0x0], $0xffff;
	v11 =	vor.u32 s31, v5  }
0x1d1: {  	s13 =	sadd.s32 $0xFFFFFF00, s11;
	v17 =	vld.idx.msk [tilespmem:v17+s2+$0x0], $0xffff;
	v9 =	vadd.f32 v9, v10  }
0x1d2: {  	v14 =	vld.idx.msk [tilespmem:v14+s8+$0x0], $0xffff;
	v10 =	vor.u32 s13, v5  }
0x1d3: {  	s14 =	sadd.s32 $0xFFFFFF80, s11;
	v16 =	vld.idx.msk [tilespmem:v16+s2+$0x0], $0xffff;
	v8 =	vadd.f32 v8, v9  }
0x1d4: {  	v13 =	vld.idx.msk [tilespmem:v13+s8+$0x0], $0xffff;
	v9 =	vor.u32 s14, v5  }
0x1d5: {  	v11 =	vld.idx.msk [tilespmem:v11+s8+$0x0], $0xffff;
	v8 =	vadd.f32 v12, v8  }
0x1d6: {  	v12 =	vld.idx.msk [tilespmem:v18+s2+$0x0], $0xffff;
	v18 =	vor.u32 s11, v5  }
0x1d7: {  	v10 =	vld.idx.msk [tilespmem:v10+s8+$0x0], $0xffff;
	v8 =	vadd.f32 v17, v8  }
0x1d8: {  	v15 =	vld.idx.msk [tilespmem:v15+s2+$0x0], $0xffff  }
0x1d9: {  	v9 =	vld.idx.msk [tilespmem:v9+s8+$0x0], $0xffff;
	v8 =	vadd.f32 v16, v8  }
0x1da: {  	v14 =	vld.idx.msk [tilespmem:v14+s2+$0x0], $0xffff  }
0x1db: {  	v16 =	vld.idx.msk [tilespmem:v18+s8+$0x0], $0xffff;
	v8 =	vadd.f32 v12, v8  }
0x1dc: {  	v12 =	vld.idx.msk [tilespmem:v13+s2+$0x0], $0xffff  }
0x1dd: {  	v8 =	vadd.f32 v15, v8  }
0x1de: {  	v11 =	vld.idx.msk [tilespmem:v11+s2+$0x0], $0xffff  }
0x1df: {  	v8 =	vadd.f32 v14, v8  }
0x1e0: {  	v10 =	vld.idx.msk [tilespmem:v10+s2+$0x0], $0xffff  }
0x1e1: {  	v8 =	vadd.f32 v12, v8  }
0x1e2: {  	v9 =	vld.idx.msk [tilespmem:v9+s2+$0x0], $0xffff  }
0x1e3: {  	v8 =	vadd.f32 v11, v8  }
0x1e4: {  	v11 =	vld.idx.msk [tilespmem:v16+s2+$0x0], $0xffff  }
0x1e5: {  	v8 =	vadd.f32 v10, v8  }
0x1e6: {  	s15 =	simm.s32 $0x0  }
0x1e7: {  	v8 =	vadd.f32 v9, v8;
	v9 =	vor.u32 s15, v6  }
0x1e8: {  	s16 =	simm.s32 $0x80  }
0x1e9: {  	v10 =	vor.u32 s16, v6;
	v8 =	vadd.f32 v11, v8  }
0x1ea: {  	s17 =	simm.s32 $0x100  }
0x1eb: {  	s19 =	simm.s32 $0x200;
	[tilespmem:$0x1F450] =	vst v8;
	v8 =	vor.u32 s17, v6  }
0x1ec: {  	s18 =	simm.s32 $0x180;
	v12 =	vor.u32 s19, v6;
	v9 =	vld.idx.msk [tilespmem:v9+s8+$0x0], $0xffff  }
0x1ed: {  	s20 =	simm.s32 $0x280;
	v11 =	vor.u32 s18, v6  }
0x1ee: {  	v13 =	vor.u32 s20, v6;
	v10 =	vld.idx.msk [tilespmem:v10+s8+$0x0], $0xffff  }
0x1ef: {  	s21 =	simm.s32 $0x300  }
0x1f0: {  	v14 =	vor.u32 s21, v6;
	v8 =	vld.idx.msk [tilespmem:v8+s8+$0x0], $0xffff  }
0x1f1: {  	s22 =	simm.s32 $0x380;
	v12 =	vld.idx.msk [tilespmem:v12+s8+$0x0], $0xffff  }
0x1f2: {  	v15 =	vor.u32 s22, v6;
	v11 =	vld.idx.msk [tilespmem:v11+s8+$0x0], $0xffff  }
0x1f3: {  	s23 =	simm.s32 $0x400;
	v13 =	vld.idx.msk [tilespmem:v13+s8+$0x0], $0xffff  }
0x1f4: {  	v16 =	vor.u32 s23, v6;
	v9 =	vld.idx.msk [tilespmem:v9+s2+$0x0], $0xffff  }
0x1f5: {  	v14 =	vld.idx.msk [tilespmem:v14+s8+$0x0], $0xffff  }
0x1f6: {  	s24 =	simm.s32 $0x480;
	v10 =	vld.idx.msk [tilespmem:v10+s2+$0x0], $0xffff  }
0x1f7: {  	v17 =	vor.u32 s24, v6;
	v18 =	vld.idx.msk [tilespmem:v15+s8+$0x0], $0xffff  }
0x1f8: {  	s25 =	simm.s32 $0x500;
	v15 =	vimm.f32 $0.0e+00;
	v8 =	vld.idx.msk [tilespmem:v8+s2+$0x0], $0xffff  }
0x1f9: {  	v19 =	vor.u32 s25, v6;
	v16 =	vld.idx.msk [tilespmem:v16+s8+$0x0], $0xffff;
	v9 =	vadd.f32 v9, v15  }
0x1fa: {  	s26 =	simm.s32 $0x580;
	v20 =	vld.idx.msk [tilespmem:v11+s2+$0x0], $0xffff  }
0x1fb: {  	s28 =	simm.s32 $0x600;
	v21 =	vor.u32 s26, v6;
	v12 =	vld.idx.msk [tilespmem:v12+s2+$0x0], $0xffff;
	v9 =	vadd.f32 v10, v9  }
0x1fc: {  	v10 =	vld.idx.msk [tilespmem:v17+s8+$0x0], $0xffff;
	v17 =	vor.u32 s28, v6  }
0x1fd: {  	v22 =	vld.idx.msk [tilespmem:v13+s2+$0x0], $0xffff;
	v8 =	vadd.f32 v8, v9  }
0x1fe: {  	s29 =	simm.s32 $0x680;
	v11 =	vld.idx.msk [tilespmem:v19+s8+$0x0], $0xffff  }
0x1ff: {  	v19 =	vor.u32 s29, v6;
	v15 =	vld.idx.msk [tilespmem:v14+s2+$0x0], $0xffff;
	v8 =	vadd.f32 v20, v8  }
0x200: {  	s31 =	simm.s32 $0x700;
	v9 =	vld.idx.msk [tilespmem:v21+s8+$0x0], $0xffff  }
0x201: {  	v12 =	vadd.f32 v12, v8;
	v8 =	vld.idx.msk [tilespmem:v17+s8+$0x0], $0xffff;
	v17 =	vor.u32 s31, v6  }
0x202: {  	s30 =	simm.s32 $0x780;
	v14 =	vld.idx.msk [tilespmem:v18+s2+$0x0], $0xffff  }
0x203: {  	v13 =	vld.idx.msk [tilespmem:v16+s2+$0x0], $0xffff;
	v16 =	vor.u32 s30, v6;
	v18 =	vadd.f32 v22, v12  }
0x204: {  	s12 =	simm.s32 $0x1F;
	s13 =	simm.s32 $0x800;
	s11 =	simm.s32 $0xB80;
	v12 =	vld.idx.msk [tilespmem:v19+s8+$0x0], $0xffff  }
.LBB2_14:
0x205: {  	p0 =	sne.s32 s12, $0xC7;
	v19 =	vor.u32 s13, v6;
	v10 =	vld.idx.msk [tilespmem:v10+s2+$0x0], $0xffff;
	v15 =	vadd.f32 v15, v18  }
0x206: {  	s13 =	sadd.s32 $0xFFFFFD00, s11;
	v17 =	vld.idx.msk [tilespmem:v17+s8+$0x0], $0xffff  }
0x207: {  	v18 =	vor.u32 s13, v6;
	v11 =	vld.idx.msk [tilespmem:v11+s2+$0x0], $0xffff;
	v14 =	vadd.f32 v14, v15  }
0x208: {  	s13 =	sadd.s32 $0xFFFFFD80, s11;
	v16 =	vld.idx.msk [tilespmem:v16+s8+$0x0], $0xffff  }
0x209: {  	v15 =	vor.u32 s13, v6;
	v13 =	vadd.f32 v13, v14;
	v9 =	vld.idx.msk [tilespmem:v9+s2+$0x0], $0xffff  }
0x20a: {  	s13 =	sadd.s32 $0xFFFFFE00, s11;
	v19 =	vld.idx.msk [tilespmem:v19+s8+$0x0], $0xffff  }
0x20b: {  	v14 =	vor.u32 s13, v6;
	v13 =	vadd.f32 v10, v13;
	v8 =	vld.idx.msk [tilespmem:v8+s2+$0x0], $0xffff  }
0x20c: {  	s13 =	sadd.s32 $0xFFFFFE80, s11;
	v10 =	vld.idx.msk [tilespmem:v18+s8+$0x0], $0xffff  }
0x20d: {  	v18 =	vor.u32 s13, v6;
	v13 =	vadd.f32 v11, v13;
	v12 =	vld.idx.msk [tilespmem:v12+s2+$0x0], $0xffff  }
0x20e: {  	s13 =	sadd.s32 $0xFFFFFF00, s11;
	v11 =	vld.idx.msk [tilespmem:v15+s8+$0x0], $0xffff  }
0x20f: {  	v20 =	vor.u32 s13, v6;
	v13 =	vadd.f32 v9, v13;
	v15 =	vld.idx.msk [tilespmem:v17+s2+$0x0], $0xffff  }
.Ltmp6:
0x210: {  	s13 =	sadd.s32 $0xFFFFFF80, s11;
	v9 =	vld.idx.msk [tilespmem:v14+s8+$0x0], $0xffff;
	(pc) =	sbr.rel @p0 .LBB2_14-.Ltmp6, $4  }
0x211: {  	v17 =	vor.u32 s13, v6;
	v21 =	vadd.f32 v8, v13;
	v14 =	vld.idx.msk [tilespmem:v16+s2+$0x0], $0xffff  }
0x212: {  	v8 =	vld.idx.msk [tilespmem:v18+s8+$0x0], $0xffff  }
0x213: {  	v16 =	vor.u32 s11, v6;
	s11 =	sshll.u32 s12, $0x7;
	v13 =	vld.idx.msk [tilespmem:v19+s2+$0x0], $0xffff;
	v18 =	vadd.f32 v12, v21  }
0x214: {  	s12 =	sadd.s32 $0x8, s12;
	s13 =	sadd.s32 $0xFFFFFC80, s11;
	v12 =	vld.idx.msk [tilespmem:v20+s8+$0x0], $0xffff  }
0x215: {  	_ =	sdelay $0x2  }
0x216: {  	v15 =	vadd.f32 v15, v18  }
0x217: {  	v10 =	vld.idx.msk [tilespmem:v10+s2+$0x0], $0xffff  }
0x218: {  	v18 =	vor.u32 s13, v6;
	v17 =	vld.idx.msk [tilespmem:v17+s8+$0x0], $0xffff;
	v14 =	vadd.f32 v14, v15  }
0x219: {  	s12 =	sadd.s32 $0xFFFFFD00, s11;
	v11 =	vld.idx.msk [tilespmem:v11+s2+$0x0], $0xffff  }
0x21a: {  	v16 =	vld.idx.msk [tilespmem:v16+s8+$0x0], $0xffff;
	v15 =	vor.u32 s12, v6;
	v13 =	vadd.f32 v13, v14  }
0x21b: {  	s29 =	sadd.s32 $0xFFFFFD80, s11;
	v9 =	vld.idx.msk [tilespmem:v9+s2+$0x0], $0xffff  }
0x21c: {  	v8 =	vld.idx.msk [tilespmem:v8+s2+$0x0], $0xffff;
	v14 =	vor.u32 s29, v6;
	v10 =	vadd.f32 v10, v13  }
0x21d: {  	s30 =	sadd.s32 $0xFFFFFE00, s11;
	v18 =	vld.idx.msk [tilespmem:v18+s8+$0x0], $0xffff  }
0x21e: {  	s31 =	sadd.s32 $0xFFFFFE80, s11;
	v12 =	vld.idx.msk [tilespmem:v12+s2+$0x0], $0xffff;
	v13 =	vor.u32 s30, v6;
	v10 =	vadd.f32 v11, v10  }
0x21f: {  	v15 =	vld.idx.msk [tilespmem:v15+s8+$0x0], $0xffff;
	v11 =	vor.u32 s31, v6  }
0x220: {  	s13 =	sadd.s32 $0xFFFFFF00, s11;
	v17 =	vld.idx.msk [tilespmem:v17+s2+$0x0], $0xffff;
	v9 =	vadd.f32 v9, v10  }
0x221: {  	v14 =	vld.idx.msk [tilespmem:v14+s8+$0x0], $0xffff;
	v10 =	vor.u32 s13, v6  }
0x222: {  	s14 =	sadd.s32 $0xFFFFFF80, s11;
	v16 =	vld.idx.msk [tilespmem:v16+s2+$0x0], $0xffff;
	v8 =	vadd.f32 v8, v9  }
0x223: {  	v13 =	vld.idx.msk [tilespmem:v13+s8+$0x0], $0xffff;
	v9 =	vor.u32 s14, v6  }
0x224: {  	v11 =	vld.idx.msk [tilespmem:v11+s8+$0x0], $0xffff;
	v8 =	vadd.f32 v12, v8  }
0x225: {  	v12 =	vld.idx.msk [tilespmem:v18+s2+$0x0], $0xffff;
	v18 =	vor.u32 s11, v6  }
0x226: {  	v10 =	vld.idx.msk [tilespmem:v10+s8+$0x0], $0xffff;
	v8 =	vadd.f32 v17, v8  }
0x227: {  	v15 =	vld.idx.msk [tilespmem:v15+s2+$0x0], $0xffff  }
0x228: {  	v9 =	vld.idx.msk [tilespmem:v9+s8+$0x0], $0xffff;
	v8 =	vadd.f32 v16, v8  }
0x229: {  	v14 =	vld.idx.msk [tilespmem:v14+s2+$0x0], $0xffff  }
0x22a: {  	v16 =	vld.idx.msk [tilespmem:v18+s8+$0x0], $0xffff;
	v8 =	vadd.f32 v12, v8  }
0x22b: {  	v12 =	vld.idx.msk [tilespmem:v13+s2+$0x0], $0xffff  }
0x22c: {  	v8 =	vadd.f32 v15, v8  }
0x22d: {  	v11 =	vld.idx.msk [tilespmem:v11+s2+$0x0], $0xffff  }
0x22e: {  	v8 =	vadd.f32 v14, v8  }
0x22f: {  	v10 =	vld.idx.msk [tilespmem:v10+s2+$0x0], $0xffff  }
0x230: {  	v8 =	vadd.f32 v12, v8  }
0x231: {  	v9 =	vld.idx.msk [tilespmem:v9+s2+$0x0], $0xffff  }
0x232: {  	v8 =	vadd.f32 v11, v8  }
0x233: {  	v11 =	vld.idx.msk [tilespmem:v16+s2+$0x0], $0xffff  }
0x234: {  	v8 =	vadd.f32 v10, v8  }
0x235: {  	s15 =	simm.s32 $0x0  }
0x236: {  	v8 =	vadd.f32 v9, v8;
	v9 =	vor.u32 s15, v7  }
0x237: {  	s16 =	simm.s32 $0x80  }
0x238: {  	v10 =	vor.u32 s16, v7;
	v8 =	vadd.f32 v11, v8  }
0x239: {  	s17 =	simm.s32 $0x100  }
0x23a: {  	s19 =	simm.s32 $0x200;
	[tilespmem:$0x1F460] =	vst v8;
	v8 =	vor.u32 s17, v7  }
0x23b: {  	s18 =	simm.s32 $0x180;
	v12 =	vor.u32 s19, v7;
	v9 =	vld.idx.msk [tilespmem:v9+s8+$0x0], $0xffff  }
0x23c: {  	s20 =	simm.s32 $0x280;
	v11 =	vor.u32 s18, v7  }
0x23d: {  	v13 =	vor.u32 s20, v7;
	v10 =	vld.idx.msk [tilespmem:v10+s8+$0x0], $0xffff  }
0x23e: {  	s21 =	simm.s32 $0x300  }
0x23f: {  	v14 =	vor.u32 s21, v7;
	v8 =	vld.idx.msk [tilespmem:v8+s8+$0x0], $0xffff  }
0x240: {  	s22 =	simm.s32 $0x380;
	v12 =	vld.idx.msk [tilespmem:v12+s8+$0x0], $0xffff  }
0x241: {  	v15 =	vor.u32 s22, v7;
	v11 =	vld.idx.msk [tilespmem:v11+s8+$0x0], $0xffff  }
0x242: {  	s23 =	simm.s32 $0x400;
	v13 =	vld.idx.msk [tilespmem:v13+s8+$0x0], $0xffff  }
0x243: {  	v16 =	vor.u32 s23, v7;
	v9 =	vld.idx.msk [tilespmem:v9+s2+$0x0], $0xffff  }
0x244: {  	v14 =	vld.idx.msk [tilespmem:v14+s8+$0x0], $0xffff  }
0x245: {  	s24 =	simm.s32 $0x480;
	v10 =	vld.idx.msk [tilespmem:v10+s2+$0x0], $0xffff  }
0x246: {  	v17 =	vor.u32 s24, v7;
	v18 =	vld.idx.msk [tilespmem:v15+s8+$0x0], $0xffff  }
0x247: {  	s25 =	simm.s32 $0x500;
	v15 =	vimm.f32 $0.0e+00;
	v8 =	vld.idx.msk [tilespmem:v8+s2+$0x0], $0xffff  }
0x248: {  	v19 =	vor.u32 s25, v7;
	v16 =	vld.idx.msk [tilespmem:v16+s8+$0x0], $0xffff;
	v9 =	vadd.f32 v9, v15  }
0x249: {  	s26 =	simm.s32 $0x580;
	v20 =	vld.idx.msk [tilespmem:v11+s2+$0x0], $0xffff  }
0x24a: {  	s28 =	simm.s32 $0x600;
	v21 =	vor.u32 s26, v7;
	v12 =	vld.idx.msk [tilespmem:v12+s2+$0x0], $0xffff;
	v9 =	vadd.f32 v10, v9  }
0x24b: {  	v10 =	vld.idx.msk [tilespmem:v17+s8+$0x0], $0xffff;
	v17 =	vor.u32 s28, v7  }
0x24c: {  	v22 =	vld.idx.msk [tilespmem:v13+s2+$0x0], $0xffff;
	v8 =	vadd.f32 v8, v9  }
0x24d: {  	s29 =	simm.s32 $0x680;
	v11 =	vld.idx.msk [tilespmem:v19+s8+$0x0], $0xffff  }
0x24e: {  	v19 =	vor.u32 s29, v7;
	v15 =	vld.idx.msk [tilespmem:v14+s2+$0x0], $0xffff;
	v8 =	vadd.f32 v20, v8  }
0x24f: {  	s31 =	simm.s32 $0x700;
	v9 =	vld.idx.msk [tilespmem:v21+s8+$0x0], $0xffff  }
0x250: {  	v12 =	vadd.f32 v12, v8;
	v8 =	vld.idx.msk [tilespmem:v17+s8+$0x0], $0xffff;
	v17 =	vor.u32 s31, v7  }
0x251: {  	s30 =	simm.s32 $0x780;
	v14 =	vld.idx.msk [tilespmem:v18+s2+$0x0], $0xffff  }
0x252: {  	v13 =	vld.idx.msk [tilespmem:v16+s2+$0x0], $0xffff;
	v16 =	vor.u32 s30, v7;
	v18 =	vadd.f32 v22, v12  }
0x253: {  	s12 =	simm.s32 $0x1F;
	s13 =	simm.s32 $0x800;
	s11 =	simm.s32 $0xB80;
	v12 =	vld.idx.msk [tilespmem:v19+s8+$0x0], $0xffff  }
.LBB2_16:
0x254: {  	p0 =	sne.s32 s12, $0xC7;
	v19 =	vor.u32 s13, v7;
	v10 =	vld.idx.msk [tilespmem:v10+s2+$0x0], $0xffff;
	v15 =	vadd.f32 v15, v18  }
0x255: {  	s13 =	sadd.s32 $0xFFFFFD00, s11;
	v17 =	vld.idx.msk [tilespmem:v17+s8+$0x0], $0xffff  }
0x256: {  	v18 =	vor.u32 s13, v7;
	v11 =	vld.idx.msk [tilespmem:v11+s2+$0x0], $0xffff;
	v14 =	vadd.f32 v14, v15  }
0x257: {  	s13 =	sadd.s32 $0xFFFFFD80, s11;
	v16 =	vld.idx.msk [tilespmem:v16+s8+$0x0], $0xffff  }
0x258: {  	v15 =	vor.u32 s13, v7;
	v13 =	vadd.f32 v13, v14;
	v9 =	vld.idx.msk [tilespmem:v9+s2+$0x0], $0xffff  }
0x259: {  	s13 =	sadd.s32 $0xFFFFFE00, s11;
	v19 =	vld.idx.msk [tilespmem:v19+s8+$0x0], $0xffff  }
0x25a: {  	v14 =	vor.u32 s13, v7;
	v13 =	vadd.f32 v10, v13;
	v8 =	vld.idx.msk [tilespmem:v8+s2+$0x0], $0xffff  }
0x25b: {  	s13 =	sadd.s32 $0xFFFFFE80, s11;
	v10 =	vld.idx.msk [tilespmem:v18+s8+$0x0], $0xffff  }
0x25c: {  	v18 =	vor.u32 s13, v7;
	v13 =	vadd.f32 v11, v13;
	v12 =	vld.idx.msk [tilespmem:v12+s2+$0x0], $0xffff  }
0x25d: {  	s13 =	sadd.s32 $0xFFFFFF00, s11;
	v11 =	vld.idx.msk [tilespmem:v15+s8+$0x0], $0xffff  }
0x25e: {  	v20 =	vor.u32 s13, v7;
	v13 =	vadd.f32 v9, v13;
	v15 =	vld.idx.msk [tilespmem:v17+s2+$0x0], $0xffff  }
.Ltmp7:
0x25f: {  	s13 =	sadd.s32 $0xFFFFFF80, s11;
	v9 =	vld.idx.msk [tilespmem:v14+s8+$0x0], $0xffff;
	(pc) =	sbr.rel @p0 .LBB2_16-.Ltmp7, $4  }
0x260: {  	v17 =	vor.u32 s13, v7;
	v21 =	vadd.f32 v8, v13;
	v14 =	vld.idx.msk [tilespmem:v16+s2+$0x0], $0xffff  }
0x261: {  	v8 =	vld.idx.msk [tilespmem:v18+s8+$0x0], $0xffff  }
0x262: {  	v16 =	vor.u32 s11, v7;
	s11 =	sshll.u32 s12, $0x7;
	v13 =	vld.idx.msk [tilespmem:v19+s2+$0x0], $0xffff;
	v18 =	vadd.f32 v12, v21  }
0x263: {  	s12 =	sadd.s32 $0x8, s12;
	s13 =	sadd.s32 $0xFFFFFC80, s11;
	v12 =	vld.idx.msk [tilespmem:v20+s8+$0x0], $0xffff  }
0x264: {  	_ =	sdelay $0x2  }
0x265: {  	v15 =	vadd.f32 v15, v18  }
0x266: {  	v10 =	vld.idx.msk [tilespmem:v10+s2+$0x0], $0xffff  }
0x267: {  	v52 =	vor.u32 s13, v7;
	v17 =	vld.idx.msk [tilespmem:v17+s8+$0x0], $0xffff;
	v14 =	vadd.f32 v14, v15  }
0x268: {  	s12 =	sadd.s32 $0xFFFFFD00, s11;
	v11 =	vld.idx.msk [tilespmem:v11+s2+$0x0], $0xffff  }
0x269: {  	s26 =	sadd.s32 $0xFFFFFD80, s11;
	v16 =	vld.idx.msk [tilespmem:v16+s8+$0x0], $0xffff;
	v53 =	vor.u32 s12, v7;
	v13 =	vadd.f32 v13, v14  }
0x26a: {  	v9 =	vld.idx.msk [tilespmem:v9+s2+$0x0], $0xffff;
	v54 =	vor.u32 s26, v7  }
0x26b: {  	s28 =	sadd.s32 $0xFFFFFE00, s11;
	v8 =	vld.idx.msk [tilespmem:v8+s2+$0x0], $0xffff;
	v10 =	vadd.f32 v10, v13  }
0x26c: {  	v55 =	vor.u32 s28, v7;
	v18 =	vld.idx.msk [tilespmem:v52+s8+$0x0], $0xffff  }
0x26d: {  	s29 =	sadd.s32 $0xFFFFFE80, s11;
	v12 =	vld.idx.msk [tilespmem:v12+s2+$0x0], $0xffff;
	v10 =	vadd.f32 v11, v10  }
0x26e: {  	v56 =	vor.u32 s29, v7;
	v15 =	vld.idx.msk [tilespmem:v53+s8+$0x0], $0xffff  }
0x26f: {  	s30 =	sadd.s32 $0xFFFFFF00, s11;
	v14 =	vld.idx.msk [tilespmem:v54+s8+$0x0], $0xffff;
	v9 =	vadd.f32 v9, v10  }
0x270: {  	v57 =	vor.u32 s30, v7;
	v17 =	vld.idx.msk [tilespmem:v17+s2+$0x0], $0xffff  }
0x271: {  	s31 =	sadd.s32 $0xFFFFFF80, s11;
	v13 =	vld.idx.msk [tilespmem:v55+s8+$0x0], $0xffff;
	v8 =	vadd.f32 v8, v9  }
0x272: {  	v58 =	vor.u32 s31, v7;
	v16 =	vld.idx.msk [tilespmem:v16+s2+$0x0], $0xffff  }
0x273: {  	v11 =	vld.idx.msk [tilespmem:v56+s8+$0x0], $0xffff;
	v8 =	vadd.f32 v12, v8  }
0x274: {  	v60 =	vor.u32 s11, v7;
	v59 =	vld.idx.msk [tilespmem:v18+s2+$0x0], $0xffff  }
0x275: {  	v10 =	vld.idx.msk [tilespmem:v57+s8+$0x0], $0xffff;
	v8 =	vadd.f32 v17, v8  }
0x276: {  	v15 =	vld.idx.msk [tilespmem:v15+s2+$0x0], $0xffff  }
0x277: {  	v9 =	vld.idx.msk [tilespmem:v58+s8+$0x0], $0xffff;
	v8 =	vadd.f32 v16, v8  }
0x278: {  	v14 =	vld.idx.msk [tilespmem:v14+s2+$0x0], $0xffff  }
0x279: {  	v61 =	vld.idx.msk [tilespmem:v60+s8+$0x0], $0xffff;
	v8 =	vadd.f32 v59, v8  }
0x27a: {  	v62 =	vld.idx.msk [tilespmem:v13+s2+$0x0], $0xffff  }
0x27b: {  	v8 =	vadd.f32 v15, v8  }
0x27c: {  	v11 =	vld.idx.msk [tilespmem:v11+s2+$0x0], $0xffff  }
0x27d: {  	v8 =	vadd.f32 v14, v8  }
0x27e: {  	v10 =	vld.idx.msk [tilespmem:v10+s2+$0x0], $0xffff  }
0x27f: {  	v8 =	vadd.f32 v62, v8  }
0x280: {  	v9 =	vld.idx.msk [tilespmem:v9+s2+$0x0], $0xffff  }
0x281: {  	v8 =	vadd.f32 v11, v8  }
0x282: {  	v63 =	vld.idx.msk [tilespmem:v61+s2+$0x0], $0xffff  }
0x283: {  	v8 =	vadd.f32 v10, v8;
	_ =	sdelay $0x1  }
0x284: {  	v8 =	vadd.f32 v9, v8;
	_ =	sdelay $0x1  }
0x285: {  	s10 =	sadd.s32 $0x1, s10;
	v8 =	vadd.f32 v63, v8  }
0x286: {  	p0 =	sne.s32 s10, s6  }
.Ltmp8:
0x287: {  	[tilespmem:$0x1F470] =	vst v8;
	(pc) =	sbr.rel @p0 .LBB2_1-.Ltmp8, $4  }
0x288: {  	[hbm4b:s5+s2] =	stream.linear.scatter [tilespmem:s9], [sflag:$0x1], $0x80, $0x38;
	[tilespmem:$0x1F480] =	vst v63  }
0x289: {  	_ =	swait.ge [sflag:s7], $0x80  }
0x28a: {  	[sflag:s7] =	ssyncset.done $0x0  }
0x28b: {  	[sflag:s7] =	ssyncadd.s32 $0xFFFFFF80  }
0x28c: {  	_ =	sfence.sel $0x180000  }
0x28d: {  	[bflag:$0x0] =	sbarrier.arrive $0xFFFF  }
0x28e: {  	p0 =	sne.s32 s0, $0x0;
	_ =	strace $0x90000047  }
0x28f: {  	s0 =	sadd.s32 @!p0 $0x100000, s1;
	[bflag:$0x2] =	sbarrier.arrive $0xFFFF  }
0x290: {  	[sflag:s0] =	ssyncadd.tile.s32 @!p0 $0x1;
	_ =	shalt  }
.Lfunc_end2:
_tile_overlayer_lowered:
.L_overlay_start_2:
0x291: {  	(tag) =	ssettag $0x2  }
0x292: {  	s0 =	rddreg [dreg:$0x0];
	s2 =	stileid.u32  }
0x293: {  	s1 =	rddreg [dreg:$0x1];
	p0 =	sne.s32 s2, $0x0  }
0x294: {  	s3 =	rddreg [dreg:$0x2];
	[bflag:$0x3] =	sbarrier.arrive $0xFFFF;
	s2 =	simm.s32 @!p0 $0x1C01  }
0x295: {  	[timem:s3], [sflag:s2] =	dma.local @!p0 [hbm:s0], s1  }
0x296: {  	s0 =	simm.s32 @!p0 $0x1  }
0x297: {  	_ =	swait.ge @!p0 [sflag:s0], s1  }
0x298: {  	s1 =	ssub.s32 @!p0 $0x0, s1;
	[sflag:s0] =	ssyncset.done @!p0 $0x0  }
0x299: {  	[sflag:s0] =	ssyncadd.s32 @!p0 s1  }
0x29a: {  	[bflag:$0x3] =	sbarrier.arrive $0xFFFF  }
0x29b: {  	_ =	shalt  }

</sc_bundles>
